<compile_context>
chip_gen: v7x
topology: tpu7x:2x2x1
jax: 0.10.2.dev20260603
libtpu: 0.0.44.dev20260713+nightly
codegen_flags: <defaults>
</compile_context>

<pallas_src>
import functools

import jax
import jax.numpy as jnp
from jax import lax
from jax.experimental import pallas as pl
from jax.experimental.pallas import tpu as pltpu
from jax.experimental.pallas import tpu_sc as plsc

_HID = 128
_NB = 2000
_EB = 6400
_CH = 80
_NC, _NS = 2, 16
_NW = _NC * _NS
_NG = 64
_AVG = 35.0
_RMAX = 5.0


def _silu(x):
    return x * (1.0 / (1.0 + jnp.exp(-x)))


def _dot(a, b):
    return jnp.dot(a, b, preferred_element_type=jnp.float32)


def _dotT(aT, b):
    return lax.dot_general(aT, b, (((0,), (0,)), ((), ())),
                           preferred_element_type=jnp.float32)



def _edge_mlp_body(eaT_ref, r1_ref, r2_ref, r3_ref, r40_ref,
                   w0_ref, h1_ref):
    ea = eaT_ref[...]
    r = jnp.sqrt(jnp.sum(ea * ea, axis=0, keepdims=True))
    nfreq = lax.broadcasted_iota(jnp.int32, (8, 1), 0).astype(jnp.float32) + 1.0
    pref = jnp.sqrt(2.0 / _RMAX)
    bess = pref * jnp.sin(nfreq * (jnp.pi / _RMAX) * r) / jnp.maximum(r, 1e-6)
    u = r * (1.0 / _RMAX)
    u2 = u * u
    u5 = u2 * u2 * u
    env = 1.0 - 21.0 * u5 + 35.0 * u5 * u - 15.0 * u5 * u2
    env = jnp.where(u < 1.0, env, 0.0)
    ef = bess * env
    h = _silu(_dotT(ef, r1_ref[...]))
    h = _silu(_dot(h.astype(jnp.bfloat16), r2_ref[...]))
    h = _silu(_dot(h.astype(jnp.bfloat16), r3_ref[...]))
    hb = h.astype(jnp.bfloat16)
    w0_ref[...] = _dot(hb[:, :64], r40_ref[...])
    h1_ref[...] = hb[:, 64:]


def _edge_mlp2(edge_attrT, r1c, r2c, r3c, r40):
    e = edge_attrT.shape[1]
    grid = (e // _EB,)
    return pl.pallas_call(
        _edge_mlp_body,
        grid=grid,
        in_specs=[
            pl.BlockSpec((3, _EB), lambda i: (0, i)),
            pl.BlockSpec(r1c.shape, lambda i: (0, 0)),
            pl.BlockSpec(r2c.shape, lambda i: (0, 0)),
            pl.BlockSpec(r3c.shape, lambda i: (0, 0)),
            pl.BlockSpec(r40.shape, lambda i: (0, 0)),
        ],
        out_specs=[pl.BlockSpec((_EB, _HID), lambda i: (i, 0)),
                   pl.BlockSpec((_EB, 64), lambda i: (i, 0))],
        out_shape=[jax.ShapeDtypeStruct((e, _HID), jnp.float32),
                   jax.ShapeDtypeStruct((e, 64), jnp.bfloat16)],
    )(edge_attrT, r1c, r2c, r3c, r40)


def _w1_body(h1_ref, r41_ref, w1_ref):
    w1_ref[...] = _dot(h1_ref[...], r41_ref[...])


def _w1_mlp(h1, r41):
    e = h1.shape[0]
    return pl.pallas_call(
        _w1_body,
        grid=(e // _EB,),
        in_specs=[pl.BlockSpec((_EB, 64), lambda i: (i, 0)),
                  pl.BlockSpec(r41.shape, lambda i: (0, 0))],
        out_specs=pl.BlockSpec((_EB, _HID), lambda i: (i, 0)),
        out_shape=jax.ShapeDtypeStruct((e, _HID), jnp.float32),
    )(h1, r41)



def _node_prep_body(an_ref, we_ref, wu_ref, ws0_ref, ws1_ref,
                    f0up_ref, s0_ref, s1_ref):
    an = an_ref[0]
    ids = lax.broadcasted_iota(jnp.int32, (we_ref.shape[0], 1), 0)
    oht = (ids == an).astype(jnp.float32)
    z0 = _dotT(oht, we_ref[...])
    f0up_ref[...] = _dot(z0, wu_ref[...])
    s0_ref[...] = _dotT(oht, ws0_ref[...])
    s1_ref[...] = _dotT(oht, ws1_ref[...])


def _node_prep(an3, w_embed, w_up0, ws0, ws1):
    nblk = an3.shape[0]
    n = nblk * _NB
    out = jax.ShapeDtypeStruct((n, _HID), jnp.float32)
    return pl.pallas_call(
        _node_prep_body,
        grid=(nblk,),
        in_specs=[
            pl.BlockSpec((1, 1, _NB), lambda i: (i, 0, 0)),
            pl.BlockSpec(w_embed.shape, lambda i: (0, 0)),
            pl.BlockSpec(w_up0.shape, lambda i: (0, 0)),
            pl.BlockSpec(ws0.shape, lambda i: (0, 0)),
            pl.BlockSpec(ws1.shape, lambda i: (0, 0)),
        ],
        out_specs=[pl.BlockSpec((_NB, _HID), lambda i: (i, 0))] * 3,
        out_shape=[out] * 3,
    )(an3, w_embed, w_up0, ws0, ws1)



def _sc_msg(f_nodes, w_edges, ei3):
    n, d = f_nodes.shape
    n_chunks = ei3.shape[0]
    per_w = n_chunks // _NW
    extra = n_chunks - per_w * _NW
    nmax = -(-(per_w + 1) // 2) * 2
    rbase = 624
    rlast = n - rbase * (_NS - 1)
    mesh = plsc.VectorSubcoreMesh(core_axis_name="c", subcore_axis_name="s")
    out_t = [jax.ShapeDtypeStruct((n, d), jnp.float32)] * 2

    @functools.partial(
        pl.kernel, out_type=out_t, mesh=mesh,
        scratch_types=[
            pltpu.VMEM((2, _CH), jnp.int32),
            pltpu.VMEM((2, _CH), jnp.int32),
            pltpu.VMEM((_CH, d), jnp.float32),
            pltpu.VMEM((_CH, d), jnp.float32),
            pltpu.VMEM((_CH, d), jnp.float32),
            pltpu.VMEM((_CH, d), jnp.float32),
            pltpu.VMEM_SHARED((n, d), jnp.float32),
            pltpu.SemaphoreType.DMA,
            pltpu.SemaphoreType.DMA,
            pltpu.SemaphoreType.DMA,
            pltpu.SemaphoreType.DMA,
        ])
    def k(f_hbm, w_hbm, ei_hbm, out0, out1,
          i0, i1, se0, se1, w0, w1, acc, sg0, sg1, sw0, sw1):
        cid = lax.axis_index("c")
        sid = lax.axis_index("s")
        wid = cid * _NS + sid
        bufs = ((i0, se0, w0, sg0, sw0), (i1, se1, w1, sg1, sw1))

        base = sid * rbase

        @pl.loop(0, _CH)
        def _z(rr):
            for cc in range(d // 16):
                se0[rr, pl.ds(cc * 16, 16)] = jnp.zeros((16,), jnp.float32)

        @pl.loop(0, rbase // _CH)
        def _zc(j):
            pltpu.sync_copy(se0, acc.at[pl.ds(base + j * _CH, _CH)])

        @pl.when(sid < _NS - 1)
        def _zt():
            pltpu.sync_copy(se0.at[pl.ds(0, rbase % _CH)],
                            acc.at[pl.ds(base + rbase - rbase % _CH,
                                         rbase % _CH)])

        @pl.when(sid == _NS - 1)
        def _zt2():
            pltpu.sync_copy(se0, acc.at[pl.ds(base + (rbase // _CH) * _CH,
                                              rlast - (rbase // _CH) * _CH)])

        plsc.subcore_barrier()

        nb = per_w + jnp.where(wid < extra, 1, 0)

        @pl.when(nb > 0)
        def _prime():
            pltpu.sync_copy(ei_hbm.at[wid], i0)
            pltpu.async_copy(f_hbm.at[i0.at[0]], se0, sg0)
            pltpu.async_copy(w_hbm.at[pl.ds(wid * _CH, _CH)], w0, sw0)

        @pl.loop(0, nmax, step=2)
        def _c(j):
            for b in (0, 1):
                c = j + b
                ib, seb, wb, sgb, swb = bufs[b]
                io, seo, wo, sgo, swo = bufs[1 - b]

                @pl.when(c + 1 < nb)
                def _pref():
                    g1 = wid + (c + 1) * _NW
                    pltpu.sync_copy(ei_hbm.at[g1], io)
                    pltpu.async_copy(f_hbm.at[io.at[0]], seo, sgo)
                    pltpu.async_copy(w_hbm.at[pl.ds(g1 * _CH, _CH)], wo, swo)

                @pl.when(c < nb)
                def _work():
                    pltpu.make_async_copy(f_hbm.at[pl.ds(0, _CH)], seb,
                                          sgb).wait()
                    pltpu.make_async_copy(w_hbm.at[pl.ds(0, _CH)], wb,
                                          swb).wait()

                    @pl.loop(0, _CH, step=4)
                    def _m(rr):
                        for dr in range(4):
                            for cc in range(d // 16):
                                sl = pl.ds(cc * 16, 16)
                                wb[rr + dr, sl] = (wb[rr + dr, sl]
                                                   * seb[rr + dr, sl])

                    pltpu.sync_copy(wb, acc.at[ib.at[1]], add=True)

        plsc.subcore_barrier()

        @pl.when(cid == 0)
        def _o0():
            @pl.when(sid < _NS - 1)
            def _():
                pltpu.sync_copy(acc.at[pl.ds(base, rbase)],
                                out0.at[pl.ds(base, rbase)])

            @pl.when(sid == _NS - 1)
            def _():
                pltpu.sync_copy(acc.at[pl.ds(base, rlast)],
                                out0.at[pl.ds(base, rlast)])

        @pl.when(cid == 1)
        def _o1():
            @pl.when(sid < _NS - 1)
            def _():
                pltpu.sync_copy(acc.at[pl.ds(base, rbase)],
                                out1.at[pl.ds(base, rbase)])

            @pl.when(sid == _NS - 1)
            def _():
                pltpu.sync_copy(acc.at[pl.ds(base, rlast)],
                                out1.at[pl.ds(base, rlast)])

    return k(f_nodes, w_edges, ei3)



def _l0_body(ma_ref, mb_ref, s0_ref, wp1_ref, wp2_ref, wp3_ref, wu1_ref,
             f1_ref, f1up_ref):
    msg = (ma_ref[...] + mb_ref[...]) * (1.0 / _AVG)
    msg2 = msg * msg
    o = _dot(msg, wp1_ref[...])
    o = o + _dot(msg2, wp2_ref[...])
    o = o + _dot(msg2 * msg, wp3_ref[...])
    f1 = o * s0_ref[...]
    f1_ref[...] = f1
    f1up_ref[...] = _dot(f1, wu1_ref[...])


def _layer0_update(ma, mb, s0, wp1, wp2, wp3, wu1):
    n = ma.shape[0]
    out = jax.ShapeDtypeStruct((n, _HID), jnp.float32)
    full = pl.BlockSpec((_HID, _HID), lambda i: (0, 0))
    blk = pl.BlockSpec((_NB, _HID), lambda i: (i, 0))
    return pl.pallas_call(
        _l0_body,
        grid=(n // _NB,),
        in_specs=[blk, blk, blk, full, full, full, full],
        out_specs=[blk, blk],
        out_shape=[out, out],
    )(ma, mb, s0, wp1, wp2, wp3, wu1)


def _final_body(ma_ref, mb_ref, s1_ref, f1_ref, bt_ref, wp1_ref, wp2_ref,
                wp3_ref, wsc_ref, wr_ref, br_ref, sums_ref, cnt_ref):
    i = pl.program_id(0)
    msg = (ma_ref[...] + mb_ref[...]) * (1.0 / _AVG)
    msg2 = msg * msg
    o = _dot(msg, wp1_ref[...])
    o = o + _dot(msg2, wp2_ref[...])
    o = o + _dot(msg2 * msg, wp3_ref[...])
    o = o * s1_ref[...]
    o = o + _dot(f1_ref[...], wsc_ref[...])
    nout = _dot(o, wr_ref[...]) + br_ref[...]
    bt = bt_ref[0]
    gids = lax.broadcasted_iota(jnp.int32, (_NG, 1), 0)
    oht = (gids == bt).astype(jnp.float32)
    s = _dot(oht, nout)
    c = jnp.sum(oht, axis=1, keepdims=True)

    @pl.when(i == 0)
    def _():
        sums_ref[...] = jnp.zeros_like(sums_ref)
        cnt_ref[...] = jnp.zeros_like(cnt_ref)

    sums_ref[...] += s
    cnt_ref[...] += c


def _final(ma, mb, s1, f1, bt3, wp1, wp2, wp3, wsc, wr, br):
    n = ma.shape[0]
    nout = wr.shape[1]
    blk = pl.BlockSpec((_NB, _HID), lambda i: (i, 0))
    full = pl.BlockSpec((_HID, _HID), lambda i: (0, 0))
    return pl.pallas_call(
        _final_body,
        grid=(n // _NB,),
        in_specs=[blk, blk, blk, blk,
                  pl.BlockSpec((1, 1, _NB), lambda i: (i, 0, 0)),
                  full, full, full, full,
                  pl.BlockSpec(wr.shape, lambda i: (0, 0)),
                  pl.BlockSpec(br.shape, lambda i: (0, 0))],
        out_specs=[pl.BlockSpec((_NG, nout), lambda i: (0, 0)),
                   pl.BlockSpec((_NG, 1), lambda i: (0, 0))],
        out_shape=[jax.ShapeDtypeStruct((_NG, nout), jnp.float32),
                   jax.ShapeDtypeStruct((_NG, 1), jnp.float32)],
    )(ma, mb, s1, f1, bt3, wp1, wp2, wp3, wsc, wr, br)



def kernel(atomic_numbers, edge_attr, edge_index, batch, W_embed, R1, R2, R3,
           R4, W_up, W_sc, W_species, Wp1, Wp2, Wp3, W_readout, b_readout):
    n = atomic_numbers.shape[0]
    e = edge_attr.shape[0]
    ei3 = edge_index.astype(jnp.int32).reshape(2, e // _CH, _CH)
    ei3 = jnp.swapaxes(ei3, 0, 1)
    an3 = atomic_numbers.astype(jnp.int32).reshape(n // _NB, 1, _NB)
    bt3 = batch.astype(jnp.int32).reshape(n // _NB, 1, _NB)

    r1c = jnp.concatenate([R1[0], R1[1]], axis=1)
    z64 = jnp.zeros((64, 64), jnp.float32)
    r2c = jnp.block([[R2[0], z64], [z64, R2[1]]]).astype(jnp.bfloat16)
    r3c = jnp.block([[R3[0], z64], [z64, R3[1]]]).astype(jnp.bfloat16)

    f0up, spec0, spec1 = _node_prep(an3, W_embed, W_up[0],
                                    W_species[0], W_species[1])
    w0, h1 = _edge_mlp2(edge_attr.T, r1c, r2c, r3c,
                        R4[0][:, :_HID].astype(jnp.bfloat16))
    m0a, m0b = _sc_msg(f0up, w0, ei3)
    w1 = _w1_mlp(h1, R4[1][:, :_HID].astype(jnp.bfloat16))
    f1, f1up = _layer0_update(m0a, m0b, spec0, Wp1[0], Wp2[0], Wp3[0],
                              W_up[1])
    m1a, m1b = _sc_msg(f1up, w1, ei3)
    sums, counts = _final(m1a, m1b, spec1, f1, bt3, Wp1[1], Wp2[1], Wp3[1],
                          W_sc, W_readout, b_readout.reshape(1, -1))
    return sums / jnp.maximum(counts, 1.0)

# --- scband reference (transcript-rebuilt; emitter-appended) ---
"""Pipeline reference for scband-mace-88502096101411 (READ-ONLY COPY).

The authoritative reference and input builder live on the scoring server;
editing this copy changes nothing except your own understanding.
"""

import jax, jax.numpy as jnp
import numpy as np

N = 10000
E = 160000
NUM_ELEMENTS = 100
HIDDEN = 128
NUM_BESSEL = 8
P_CUT = 5
R_MAX = 5.0
AVG_NEIGH = 35.0
NUM_GRAPHS = 64
L_SLICES = [(0, 1), (1, 4), (4, 9), (9, 16)]

def _sph(vec):
    r = jnp.linalg.norm(vec, axis=-1, keepdims=True)
    u = vec / (r + 1e-9)
    x = u[:, 0]
    y = u[:, 1]
    z = u[:, 2]
    s3 = jnp.sqrt(3.0)
    s5 = jnp.sqrt(5.0)
    s15 = jnp.sqrt(15.0)
    sh = [jnp.ones_like(x), s3 * x, s3 * y, s3 * z, s15 * x * y, s15 * y * z, 0.5 * s5 * (3.0 * z * z - 1.0), s15 * x * z, 0.5 * s15 * (x * x - y * y), jnp.sqrt(35.0 / 8.0) * y * (3.0 * x * x - y * y), jnp.sqrt(105.0) * x * y * z, jnp.sqrt(21.0 / 8.0) * y * (5.0 * z * z - 1.0), 0.5 * jnp.sqrt(7.0) * z * (5.0 * z * z - 3.0), jnp.sqrt(21.0 / 8.0) * x * (5.0 * z * z - 1.0), 0.5 * jnp.sqrt(105.0) * z * (x * x - y * y), jnp.sqrt(35.0 / 8.0) * x * (x * x - 3.0 * y * y)]
    return jnp.stack(sh, axis=-1), r

def _radial(r):
    n = jnp.arange(1, NUM_BESSEL + 1, dtype=jnp.float32)
    pref = jnp.sqrt(2.0 / R_MAX)
    bess = pref * jnp.sin(n * jnp.pi * r / R_MAX) / jnp.maximum(r, 1e-6)
    u = r / R_MAX
    p = float(P_CUT)
    env = 1.0 - ((p + 1.0) * (p + 2.0) / 2.0) * u ** P_CUT + p * (p + 2.0) * u ** (P_CUT + 1) - (p * (p + 1.0) / 2.0) * u ** (P_CUT + 2)
    env = jnp.where(u < 1.0, env, 0.0)
    return bess * env

def _forward(edge_attr, W_embed, R1, R2, R3, R4, W_up, W_sc, W_species, Wp1, Wp2, Wp3, W_readout, b_readout, atomic_numbers, edge_index, batch):
    node_attrs = jax.nn.one_hot(atomic_numbers, NUM_ELEMENTS, dtype=jnp.float32)
    n_nodes = node_attrs.shape[0]
    feats = jnp.zeros((n_nodes, HIDDEN, 16), dtype=jnp.float32)
    feats = feats.at[:, :, 0].set(node_attrs @ W_embed)
    sh, r = _sph(edge_attr)
    ef = _radial(r)
    src = edge_index[0]
    dst = edge_index[1]
    for i in range(2):
        h = jax.nn.silu(ef @ R1[i])
        h = jax.nn.silu(h @ R2[i])
        h = jax.nn.silu(h @ R3[i])
        tpw = h @ R4[i]
        feats_up = jnp.einsum('nck,cd->ndk', feats, W_up[i])
        s_e = feats_up[:, :, 0][src]
        parts = []
        for li in range(4):
            a, b = L_SLICES[li]
            w = tpw[:, li * HIDDEN:(li + 1) * HIDDEN]
            m = (w * s_e)[:, :, None] * sh[:, None, a:b]
            parts.append(jax.ops.segment_sum(m, dst, num_segments=n_nodes))
        msg = jnp.concatenate(parts, axis=-1) / AVG_NEIGH
        bscal = msg[:, :, 0]
        o = jnp.einsum('nck,cd->ndk', msg, Wp1[i]) + jnp.einsum('nck,cd->ndk', bscal[:, :, None] * msg, Wp2[i]) + jnp.einsum('nck,cd->ndk', (bscal * bscal)[:, :, None] * msg, Wp3[i])
        o = o * (node_attrs @ W_species[i])[:, :, None]
        if i == 1:
            o = o + jnp.einsum('nck,cd->ndk', feats, W_sc)
            o = jnp.concatenate([o[:, :, :1], jnp.zeros_like(o[:, :, 1:])], axis=-1)
        else:
            o = jnp.concatenate([o[:, :, :4], jnp.zeros_like(o[:, :, 4:])], axis=-1)
        feats = o
    node_out = feats[:, :, 0] @ W_readout + b_readout
    sums = jax.ops.segment_sum(node_out, batch, num_segments=NUM_GRAPHS)
    counts = jax.ops.segment_sum(jnp.ones((n_nodes,), dtype=jnp.float32), batch, num_segments=NUM_GRAPHS)
    return sums / jnp.maximum(counts, 1.0)[:, None]

def setup_inputs(seed: int = 0):
    key = jax.random.key(seed)
    ks = jax.random.split(key, 18)
    s = 0.1
    atomic_numbers = jax.random.randint(ks[0], (N,), 0, NUM_ELEMENTS)
    edge_attr = jax.random.normal(ks[1], (E, 3), dtype=jnp.float32) * 1.5
    edge_index = jax.random.randint(ks[2], (2, E), 0, N)
    batch = jnp.sort(jax.random.randint(ks[3], (N,), 0, NUM_GRAPHS))
    W_embed = jax.random.normal(ks[4], (NUM_ELEMENTS, HIDDEN), dtype=jnp.float32) * s
    R1 = jax.random.normal(ks[5], (2, NUM_BESSEL, 64), dtype=jnp.float32) * s
    R2 = jax.random.normal(ks[6], (2, 64, 64), dtype=jnp.float32) * s
    R3 = jax.random.normal(ks[7], (2, 64, 64), dtype=jnp.float32) * s
    R4 = jax.random.normal(ks[8], (2, 64, HIDDEN * 4), dtype=jnp.float32) * s
    W_up = jax.random.normal(ks[9], (2, HIDDEN, HIDDEN), dtype=jnp.float32) * s
    W_sc = jax.random.normal(ks[10], (HIDDEN, HIDDEN), dtype=jnp.float32) * s
    W_species = jax.random.normal(ks[11], (2, NUM_ELEMENTS, HIDDEN), dtype=jnp.float32) * s
    Wp1 = jax.random.normal(ks[12], (2, HIDDEN, HIDDEN), dtype=jnp.float32) * s
    Wp2 = jax.random.normal(ks[13], (2, HIDDEN, HIDDEN), dtype=jnp.float32) * s
    Wp3 = jax.random.normal(ks[14], (2, HIDDEN, HIDDEN), dtype=jnp.float32) * s
    W_readout = jax.random.normal(ks[15], (HIDDEN, 9), dtype=jnp.float32) * s
    b_readout = jnp.zeros((9,), dtype=jnp.float32)
    return {"atomic_numbers": atomic_numbers, "edge_attr": edge_attr, "edge_index": edge_index, "batch": batch, "W_embed": W_embed, "R1": R1, "R2": R2, "R3": R3, "R4": R4, "W_up": W_up, "W_sc": W_sc, "W_species": W_species, "Wp1": Wp1, "Wp2": Wp2, "Wp3": Wp3, "W_readout": W_readout, "b_readout": b_readout}

def reference(atomic_numbers, edge_attr, edge_index, batch, W_embed, R1, R2, R3, R4, W_up, W_sc, W_species, Wp1, Wp2, Wp3, W_readout, b_readout):
    return _forward(edge_attr, W_embed, R1, R2, R3, R4, W_up, W_sc, W_species, Wp1, Wp2, Wp3, W_readout, b_readout, atomic_numbers, edge_index, batch)

if __name__ == "__main__":
    import jax
    _d = setup_inputs()
    print(jax.jit(kernel)(*tuple(_d.values())))

</pallas_src>

<mosaic_0001>
#map = affine_map<(d0, d1) -> (0, 0)>
#map1 = affine_map<(d0, d1) -> (0, 0, 0)>
module attributes {stable_mosaic.version = 14 : i64} {
  func.func @k(%arg0: i32, %arg1: i32, %arg2: memref<10000x128xf32, #tpu.memory_space<hbm>>, %arg3: memref<160000x128xf32, #tpu.memory_space<hbm>>, %arg4: memref<2000x2x80xi32, #tpu.memory_space<hbm>>, %arg5: memref<10000x128xf32, #tpu.memory_space<hbm>>, %arg6: memref<10000x128xf32, #tpu.memory_space<hbm>>, %arg7: memref<2x80xi32, #tpu.memory_space<vmem>>, %arg8: memref<2x80xi32, #tpu.memory_space<vmem>>, %arg9: memref<80x128xf32, #tpu.memory_space<vmem>>, %arg10: memref<80x128xf32, #tpu.memory_space<vmem>>, %arg11: memref<80x128xf32, #tpu.memory_space<vmem>>, %arg12: memref<80x128xf32, #tpu.memory_space<vmem>>, %arg13: memref<10000x128xf32, #tpu.memory_space<vmem_shared>>, %arg14: memref<!tpu.dma_semaphore, #tpu.memory_space<semaphore_mem>>, %arg15: memref<!tpu.dma_semaphore, #tpu.memory_space<semaphore_mem>>, %arg16: memref<!tpu.dma_semaphore, #tpu.memory_space<semaphore_mem>>, %arg17: memref<!tpu.dma_semaphore, #tpu.memory_space<semaphore_mem>>) attributes {dimension_semantics = [#tpu.dimension_semantics<core_parallel>, #tpu.dimension_semantics<subcore_parallel>], iteration_bounds = array<i64: 2, 16>, scalar_prefetch = 0 : i64, scratch_operands = 11 : i64, tpu.core_type = #tpu.core_type<sc_vector_subcore>, window_params = [{transform_indices = #map}, {transform_indices = #map}, {transform_indices = #map1}, {transform_indices = #map}, {transform_indices = #map}]} {
    %mul3A = arith.constant 16 : i32
    %mul3A_0 = arith.muli %arg0, %mul3A : i32
    %add3A = arith.addi %mul3A_0, %arg1 : i32
    %mul3A_1 = arith.constant 624 : i32
    %mul3A_2 = arith.muli %arg1, %mul3A_1 : i32
    %scan3A = arith.constant 0 : i32
    %scan3A_3 = arith.constant 80 : i32
    %scan3A_4 = arith.addi %scan3A, %scan3A_3 : i32
    %scan3A_5 = arith.constant 1 : i32
    scf.for %scan3A_43 = %scan3A to %scan3A_4 step %scan3A_5  : i32 {
      %mul3A_44 = arith.constant 1 : i32
      %mul3A_45 = arith.muli %scan3A_43, %mul3A_44 : i32
      %add3A_46 = arith.constant 0 : i32
      %add3A_47 = arith.addi %add3A_46, %mul3A_45 : i32
      %broadcast_in_dim3A = arith.constant 0.000000e+00 : f32
      %broadcast_in_dim3A_48 = vector.broadcast %broadcast_in_dim3A : f32 to vector<16xf32>
      %swap3A = arith.index_cast %add3A_47 : i32 to index
      %swap3A_49 = arith.constant 0 : index
      %swap3A_50 = tpu.vector_load %arg9[%swap3A, %swap3A_49] {strides = array<i32>} : memref<80x128xf32, #tpu.memory_space<vmem>>, vector<1x16xf32>,
      %swap3A_51 = vector.shape_cast %swap3A_50 : vector<1x16xf32> to vector<16xf32>
      %swap3A_52 = vector.shape_cast %broadcast_in_dim3A_48 : vector<16xf32> to vector<1x16xf32>
      tpu.vector_store %arg9[%swap3A, %swap3A_49], %swap3A_52 {strides = array<i32>} : memref<80x128xf32, #tpu.memory_space<vmem>>, vector<1x16xf32>,
      %broadcast_in_dim3A_53 = arith.constant 0.000000e+00 : f32
      %broadcast_in_dim3A_54 = vector.broadcast %broadcast_in_dim3A_53 : f32 to vector<16xf32>
      %swap3A_55 = arith.index_cast %add3A_47 : i32 to index
      %swap3A_56 = arith.constant 16 : index
      %swap3A_57 = tpu.vector_load %arg9[%swap3A_55, %swap3A_56] {strides = array<i32>} : memref<80x128xf32, #tpu.memory_space<vmem>>, vector<1x16xf32>,
      %swap3A_58 = vector.shape_cast %swap3A_57 : vector<1x16xf32> to vector<16xf32>
      %swap3A_59 = vector.shape_cast %broadcast_in_dim3A_54 : vector<16xf32> to vector<1x16xf32>
      tpu.vector_store %arg9[%swap3A_55, %swap3A_56], %swap3A_59 {strides = array<i32>} : memref<80x128xf32, #tpu.memory_space<vmem>>, vector<1x16xf32>,
      %broadcast_in_dim3A_60 = arith.constant 0.000000e+00 : f32
      %broadcast_in_dim3A_61 = vector.broadcast %broadcast_in_dim3A_60 : f32 to vector<16xf32>
      %swap3A_62 = arith.index_cast %add3A_47 : i32 to index
      %swap3A_63 = arith.constant 32 : index
      %swap3A_64 = tpu.vector_load %arg9[%swap3A_62, %swap3A_63] {strides = array<i32>} : memref<80x128xf32, #tpu.memory_space<vmem>>, vector<1x16xf32>,
      %swap3A_65 = vector.shape_cast %swap3A_64 : vector<1x16xf32> to vector<16xf32>
      %swap3A_66 = vector.shape_cast %broadcast_in_dim3A_61 : vector<16xf32> to vector<1x16xf32>
      tpu.vector_store %arg9[%swap3A_62, %swap3A_63], %swap3A_66 {strides = array<i32>} : memref<80x128xf32, #tpu.memory_space<vmem>>, vector<1x16xf32>,
      %broadcast_in_dim3A_67 = arith.constant 0.000000e+00 : f32
      %broadcast_in_dim3A_68 = vector.broadcast %broadcast_in_dim3A_67 : f32 to vector<16xf32>
      %swap3A_69 = arith.index_cast %add3A_47 : i32 to index
      %swap3A_70 = arith.constant 48 : index
      %swap3A_71 = tpu.vector_load %arg9[%swap3A_69, %swap3A_70] {strides = array<i32>} : memref<80x128xf32, #tpu.memory_space<vmem>>, vector<1x16xf32>,
      %swap3A_72 = vector.shape_cast %swap3A_71 : vector<1x16xf32> to vector<16xf32>
      %swap3A_73 = vector.shape_cast %broadcast_in_dim3A_68 : vector<16xf32> to vector<1x16xf32>
      tpu.vector_store %arg9[%swap3A_69, %swap3A_70], %swap3A_73 {strides = array<i32>} : memref<80x128xf32, #tpu.memory_space<vmem>>, vector<1x16xf32>,
      %broadcast_in_dim3A_74 = arith.constant 0.000000e+00 : f32
      %broadcast_in_dim3A_75 = vector.broadcast %broadcast_in_dim3A_74 : f32 to vector<16xf32>
      %swap3A_76 = arith.index_cast %add3A_47 : i32 to index
      %swap3A_77 = arith.constant 64 : index
      %swap3A_78 = tpu.vector_load %arg9[%swap3A_76, %swap3A_77] {strides = array<i32>} : memref<80x128xf32, #tpu.memory_space<vmem>>, vector<1x16xf32>,
      %swap3A_79 = vector.shape_cast %swap3A_78 : vector<1x16xf32> to vector<16xf32>
      %swap3A_80 = vector.shape_cast %broadcast_in_dim3A_75 : vector<16xf32> to vector<1x16xf32>
      tpu.vector_store %arg9[%swap3A_76, %swap3A_77], %swap3A_80 {strides = array<i32>} : memref<80x128xf32, #tpu.memory_space<vmem>>, vector<1x16xf32>,
      %broadcast_in_dim3A_81 = arith.constant 0.000000e+00 : f32
      %broadcast_in_dim3A_82 = vector.broadcast %broadcast_in_dim3A_81 : f32 to vector<16xf32>
      %swap3A_83 = arith.index_cast %add3A_47 : i32 to index
      %swap3A_84 = arith.constant 80 : index
      %swap3A_85 = tpu.vector_load %arg9[%swap3A_83, %swap3A_84] {strides = array<i32>} : memref<80x128xf32, #tpu.memory_space<vmem>>, vector<1x16xf32>,
      %swap3A_86 = vector.shape_cast %swap3A_85 : vector<1x16xf32> to vector<16xf32>
      %swap3A_87 = vector.shape_cast %broadcast_in_dim3A_82 : vector<16xf32> to vector<1x16xf32>
      tpu.vector_store %arg9[%swap3A_83, %swap3A_84], %swap3A_87 {strides = array<i32>} : memref<80x128xf32, #tpu.memory_space<vmem>>, vector<1x16xf32>,
      %broadcast_in_dim3A_88 = arith.constant 0.000000e+00 : f32
      %broadcast_in_dim3A_89 = vector.broadcast %broadcast_in_dim3A_88 : f32 to vector<16xf32>
      %swap3A_90 = arith.index_cast %add3A_47 : i32 to index
      %swap3A_91 = arith.constant 96 : index
      %swap3A_92 = tpu.vector_load %arg9[%swap3A_90, %swap3A_91] {strides = array<i32>} : memref<80x128xf32, #tpu.memory_space<vmem>>, vector<1x16xf32>,
      %swap3A_93 = vector.shape_cast %swap3A_92 : vector<1x16xf32> to vector<16xf32>
      %swap3A_94 = vector.shape_cast %broadcast_in_dim3A_89 : vector<16xf32> to vector<1x16xf32>
      tpu.vector_store %arg9[%swap3A_90, %swap3A_91], %swap3A_94 {strides = array<i32>} : memref<80x128xf32, #tpu.memory_space<vmem>>, vector<1x16xf32>,
      %broadcast_in_dim3A_95 = arith.constant 0.000000e+00 : f32
      %broadcast_in_dim3A_96 = vector.broadcast %broadcast_in_dim3A_95 : f32 to vector<16xf32>
      %swap3A_97 = arith.index_cast %add3A_47 : i32 to index
      %swap3A_98 = arith.constant 112 : index
      %swap3A_99 = tpu.vector_load %arg9[%swap3A_97, %swap3A_98] {strides = array<i32>} : memref<80x128xf32, #tpu.memory_space<vmem>>, vector<1x16xf32>,
      %swap3A_100 = vector.shape_cast %swap3A_99 : vector<1x16xf32> to vector<16xf32>
      %swap3A_101 = vector.shape_cast %broadcast_in_dim3A_96 : vector<16xf32> to vector<1x16xf32>
      tpu.vector_store %arg9[%swap3A_97, %swap3A_98], %swap3A_101 {strides = array<i32>} : memref<80x128xf32, #tpu.memory_space<vmem>>, vector<1x16xf32>,
    }
    %scan3A_6 = arith.constant 80 : i32
    %scan3A_7 = arith.constant 0 : i32
    %scan3A_8 = arith.constant 7 : i32
    %scan3A_9 = arith.addi %scan3A_7, %scan3A_8 : i32
    %scan3A_10 = arith.constant 1 : i32
    scf.for %scan3A_43 = %scan3A_7 to %scan3A_9 step %scan3A_10  : i32 {
      %mul3A_44 = arith.constant 1 : i32
      %mul3A_45 = arith.muli %scan3A_43, %mul3A_44 : i32
      %add3A_46 = arith.constant 0 : i32
      %add3A_47 = arith.addi %add3A_46, %mul3A_45 : i32
      %mul3A_48 = arith.constant 80 : i32
      %mul3A_49 = arith.muli %add3A_47, %mul3A_48 : i32
      %add3A_50 = arith.addi %mul3A_2, %mul3A_49 : i32
      "tpu.region"() ({
        %run_scoped3A = tpu.sem_alloc : memref<!tpu.dma_semaphore, #tpu.memory_space<semaphore_mem>>
        %dma_start3A = arith.constant 0 : i32
        %dma_start3A_51 = tpu.memref_slice %arg13[%add3A_50, %dma_start3A] : memref<10000x128xf32, #tpu.memory_space<vmem_shared>> -> memref<80x128xf32, #tpu.memory_space<vmem_shared>>
        %dma_start3A_52 = arith.constant 0 : i32
        %dma_start3A_53 = tpu.memref_slice %arg13[%add3A_50, %dma_start3A_52] : memref<10000x128xf32, #tpu.memory_space<vmem_shared>> -> memref<80x128xf32, #tpu.memory_space<vmem_shared>>
        tpu.enqueue_dma source(%arg9 : memref<80x128xf32, #tpu.memory_space<vmem>>) target(%dma_start3A_53 : memref<80x128xf32, #tpu.memory_space<vmem_shared>>) target_semaphore(%run_scoped3A : memref<!tpu.dma_semaphore, #tpu.memory_space<semaphore_mem>>)
        %dma_wait3A = arith.constant 0 : i32
        %dma_wait3A_54 = tpu.memref_slice %arg13[%add3A_50, %dma_wait3A] : memref<10000x128xf32, #tpu.memory_space<vmem_shared>> -> memref<80x128xf32, #tpu.memory_space<vmem_shared>>
        %dma_wait3A_55 = arith.constant 0 : i32
        %dma_wait3A_56 = tpu.memref_slice %arg13[%add3A_50, %dma_wait3A_55] : memref<10000x128xf32, #tpu.memory_space<vmem_shared>> -> memref<80x128xf32, #tpu.memory_space<vmem_shared>>
        tpu.wait_dma2 semaphore(%run_scoped3A : memref<!tpu.dma_semaphore, #tpu.memory_space<semaphore_mem>>) src(%arg9 : memref<80x128xf32, #tpu.memory_space<vmem>>) dst(%dma_wait3A_56 : memref<80x128xf32, #tpu.memory_space<vmem_shared>>)
        tpu.yield
      }) : () -> ()
    }
    %scan3A_11 = arith.constant 7 : i32
    %lt3A = arith.constant 15 : i32
    %lt3A_12 = arith.cmpi slt, %arg1, %lt3A : i32
    %convert_element_type3A = arith.extui %lt3A_12 : i1 to i32
    %cond3A = arith.constant 0 : i32
    %cond3A_13 = arith.cmpi ne, %convert_element_type3A, %cond3A : i32
    scf.if %cond3A_13 {
      %add3A_43 = arith.constant 624 : i32
      %add3A_44 = arith.addi %mul3A_2, %add3A_43 : i32
      %sub3A = arith.constant 64 : i32
      %sub3A_45 = arith.subi %add3A_44, %sub3A : i32
      "tpu.region"() ({
        %run_scoped3A = tpu.sem_alloc : memref<!tpu.dma_semaphore, #tpu.memory_space<semaphore_mem>>
        %dma_start3A = arith.constant 0 : i32
        %dma_start3A_46 = arith.constant 0 : i32
        %dma_start3A_47 = tpu.memref_slice %arg9[%dma_start3A, %dma_start3A_46] : memref<80x128xf32, #tpu.memory_space<vmem>> -> memref<64x128xf32, #tpu.memory_space<vmem>>
        %dma_start3A_48 = arith.constant 0 : i32
        %dma_start3A_49 = tpu.memref_slice %arg13[%sub3A_45, %dma_start3A_48] : memref<10000x128xf32, #tpu.memory_space<vmem_shared>> -> memref<64x128xf32, #tpu.memory_space<vmem_shared>>
        %dma_start3A_50 = arith.constant 0 : i32
        %dma_start3A_51 = tpu.memref_slice %arg13[%sub3A_45, %dma_start3A_50] : memref<10000x128xf32, #tpu.memory_space<vmem_shared>> -> memref<64x128xf32, #tpu.memory_space<vmem_shared>>
        %dma_start3A_52 = arith.constant 0 : i32
        %dma_start3A_53 = arith.constant 0 : i32
        %dma_start3A_54 = tpu.memref_slice %arg9[%dma_start3A_52, %dma_start3A_53] : memref<80x128xf32, #tpu.memory_space<vmem>> -> memref<64x128xf32, #tpu.memory_space<vmem>>
        tpu.enqueue_dma source(%dma_start3A_54 : memref<64x128xf32, #tpu.memory_space<vmem>>) target(%dma_start3A_51 : memref<64x128xf32, #tpu.memory_space<vmem_shared>>) target_semaphore(%run_scoped3A : memref<!tpu.dma_semaphore, #tpu.memory_space<semaphore_mem>>)
        %dma_wait3A = arith.constant 0 : i32
        %dma_wait3A_55 = arith.constant 0 : i32
        %dma_wait3A_56 = tpu.memref_slice %arg9[%dma_wait3A, %dma_wait3A_55] : memref<80x128xf32, #tpu.memory_space<vmem>> -> memref<64x128xf32, #tpu.memory_space<vmem>>
        %dma_wait3A_57 = arith.constant 0 : i32
        %dma_wait3A_58 = tpu.memref_slice %arg13[%sub3A_45, %dma_wait3A_57] : memref<10000x128xf32, #tpu.memory_space<vmem_shared>> -> memref<64x128xf32, #tpu.memory_space<vmem_shared>>
        %dma_wait3A_59 = arith.constant 0 : i32
        %dma_wait3A_60 = tpu.memref_slice %arg13[%sub3A_45, %dma_wait3A_59] : memref<10000x128xf32, #tpu.memory_space<vmem_shared>> -> memref<64x128xf32, #tpu.memory_space<vmem_shared>>
        %dma_wait3A_61 = arith.constant 0 : i32
        %dma_wait3A_62 = arith.constant 0 : i32
        %dma_wait3A_63 = tpu.memref_slice %arg9[%dma_wait3A_61, %dma_wait3A_62] : memref<80x128xf32, #tpu.memory_space<vmem>> -> memref<64x128xf32, #tpu.memory_space<vmem>>
        tpu.wait_dma2 semaphore(%run_scoped3A : memref<!tpu.dma_semaphore, #tpu.memory_space<semaphore_mem>>) src(%dma_wait3A_63 : memref<64x128xf32, #tpu.memory_space<vmem>>) dst(%dma_wait3A_60 : memref<64x128xf32, #tpu.memory_space<vmem_shared>>)
        tpu.yield
      }) : () -> ()
    } else {
    }
    %eq3A = arith.constant 15 : i32
    %eq3A_14 = arith.cmpi eq, %arg1, %eq3A : i32
    %convert_element_type3A_15 = arith.extui %eq3A_14 : i1 to i32
    %cond3A_16 = arith.constant 0 : i32
    %cond3A_17 = arith.cmpi ne, %convert_element_type3A_15, %cond3A_16 : i32
    scf.if %cond3A_17 {
      %add3A_43 = arith.constant 560 : i32
      %add3A_44 = arith.addi %mul3A_2, %add3A_43 : i32
      "tpu.region"() ({
        %run_scoped3A = tpu.sem_alloc : memref<!tpu.dma_semaphore, #tpu.memory_space<semaphore_mem>>
        %dma_start3A = arith.constant 0 : i32
        %dma_start3A_45 = tpu.memref_slice %arg13[%add3A_44, %dma_start3A] : memref<10000x128xf32, #tpu.memory_space<vmem_shared>> -> memref<80x128xf32, #tpu.memory_space<vmem_shared>>
        %dma_start3A_46 = arith.constant 0 : i32
        %dma_start3A_47 = tpu.memref_slice %arg13[%add3A_44, %dma_start3A_46] : memref<10000x128xf32, #tpu.memory_space<vmem_shared>> -> memref<80x128xf32, #tpu.memory_space<vmem_shared>>
        tpu.enqueue_dma source(%arg9 : memref<80x128xf32, #tpu.memory_space<vmem>>) target(%dma_start3A_47 : memref<80x128xf32, #tpu.memory_space<vmem_shared>>) target_semaphore(%run_scoped3A : memref<!tpu.dma_semaphore, #tpu.memory_space<semaphore_mem>>)
        %dma_wait3A = arith.constant 0 : i32
        %dma_wait3A_48 = tpu.memref_slice %arg13[%add3A_44, %dma_wait3A] : memref<10000x128xf32, #tpu.memory_space<vmem_shared>> -> memref<80x128xf32, #tpu.memory_space<vmem_shared>>
        %dma_wait3A_49 = arith.constant 0 : i32
        %dma_wait3A_50 = tpu.memref_slice %arg13[%add3A_44, %dma_wait3A_49] : memref<10000x128xf32, #tpu.memory_space<vmem_shared>> -> memref<80x128xf32, #tpu.memory_space<vmem_shared>>
        tpu.wait_dma2 semaphore(%run_scoped3A : memref<!tpu.dma_semaphore, #tpu.memory_space<semaphore_mem>>) src(%arg9 : memref<80x128xf32, #tpu.memory_space<vmem>>) dst(%dma_wait3A_50 : memref<80x128xf32, #tpu.memory_space<vmem_shared>>)
        tpu.yield
      }) : () -> ()
    } else {
    }
    %barrier3A = arith.constant 0 : index
    tpu.barrier barrier_id(%barrier3A)
    %lt3A_18 = arith.constant 16 : i32
    %lt3A_19 = arith.cmpi slt, %add3A, %lt3A_18 : i32
    %jit3A = arith.constant 1 : i32
    %jit3A_20 = arith.constant 0 : i32
    %select_n3A = arith.select %lt3A_19, %jit3A, %jit3A_20 : i32
    %add3A_21 = arith.constant 62 : i32
    %add3A_22 = arith.addi %add3A_21, %select_n3A : i32
    %gt3A = arith.constant 0 : i32
    %gt3A_23 = arith.cmpi sgt, %add3A_22, %gt3A : i32
    %convert_element_type3A_24 = arith.extui %gt3A_23 : i1 to i32
    %cond3A_25 = arith.constant 0 : i32
    %cond3A_26 = arith.cmpi ne, %convert_element_type3A_24, %cond3A_25 : i32
    scf.if %cond3A_26 {
      "tpu.region"() ({
        %run_scoped3A = tpu.sem_alloc : memref<!tpu.dma_semaphore, #tpu.memory_space<semaphore_mem>>
        %dma_start3A_55 = arith.constant 0 : i32
        %dma_start3A_56 = arith.constant 0 : i32
        %dma_start3A_57 = tpu.memref_slice %arg4[%add3A, %dma_start3A_55, %dma_start3A_56] : memref<2000x2x80xi32, #tpu.memory_space<hbm>> -> memref<1x2x80xi32, #tpu.memory_space<hbm>>
        %dma_start3A_58 = tpu.memref_squeeze %dma_start3A_57 : memref<1x2x80xi32, #tpu.memory_space<hbm>> -> memref<2x80xi32, #tpu.memory_space<hbm>>
        %dma_start3A_59 = arith.constant 0 : i32
        %dma_start3A_60 = arith.constant 0 : i32
        %dma_start3A_61 = tpu.memref_slice %arg4[%add3A, %dma_start3A_59, %dma_start3A_60] : memref<2000x2x80xi32, #tpu.memory_space<hbm>> -> memref<1x2x80xi32, #tpu.memory_space<hbm>>
        %dma_start3A_62 = tpu.memref_squeeze %dma_start3A_61 : memref<1x2x80xi32, #tpu.memory_space<hbm>> -> memref<2x80xi32, #tpu.memory_space<hbm>>
        tpu.enqueue_dma source(%dma_start3A_62 : memref<2x80xi32, #tpu.memory_space<hbm>>) target(%arg7 : memref<2x80xi32, #tpu.memory_space<vmem>>) target_semaphore(%run_scoped3A : memref<!tpu.dma_semaphore, #tpu.memory_space<semaphore_mem>>)
        %dma_wait3A = arith.constant 0 : i32
        %dma_wait3A_63 = arith.constant 0 : i32
        %dma_wait3A_64 = tpu.memref_slice %arg4[%add3A, %dma_wait3A, %dma_wait3A_63] : memref<2000x2x80xi32, #tpu.memory_space<hbm>> -> memref<1x2x80xi32, #tpu.memory_space<hbm>>
        %dma_wait3A_65 = tpu.memref_squeeze %dma_wait3A_64 : memref<1x2x80xi32, #tpu.memory_space<hbm>> -> memref<2x80xi32, #tpu.memory_space<hbm>>
        %dma_wait3A_66 = arith.constant 0 : i32
        %dma_wait3A_67 = arith.constant 0 : i32
        %dma_wait3A_68 = tpu.memref_slice %arg4[%add3A, %dma_wait3A_66, %dma_wait3A_67] : memref<2000x2x80xi32, #tpu.memory_space<hbm>> -> memref<1x2x80xi32, #tpu.memory_space<hbm>>
        %dma_wait3A_69 = tpu.memref_squeeze %dma_wait3A_68 : memref<1x2x80xi32, #tpu.memory_space<hbm>> -> memref<2x80xi32, #tpu.memory_space<hbm>>
        tpu.wait_dma2 semaphore(%run_scoped3A : memref<!tpu.dma_semaphore, #tpu.memory_space<semaphore_mem>>) src(%dma_wait3A_69 : memref<2x80xi32, #tpu.memory_space<hbm>>) dst(%arg7 : memref<2x80xi32, #tpu.memory_space<vmem>>)
        tpu.yield
      }) : () -> ()
      %dma_start3A = arith.constant 0 : i32
      %dma_start3A_43 = arith.constant 0 : i32
      %dma_start3A_44 = tpu.memref_slice %arg7[%dma_start3A, %dma_start3A_43] : memref<2x80xi32, #tpu.memory_space<vmem>> -> memref<1x80xi32, #tpu.memory_space<vmem>>
      %dma_start3A_45 = tpu.memref_squeeze %dma_start3A_44 : memref<1x80xi32, #tpu.memory_space<vmem>> -> memref<80xi32, #tpu.memory_space<vmem>>
      %dma_start3A_46 = arith.constant 0 : i32
      %dma_start3A_47 = arith.constant 0 : i32
      %dma_start3A_48 = tpu.memref_slice %arg2[%dma_start3A_46, %dma_start3A_47] : memref<10000x128xf32, #tpu.memory_space<hbm>> -> memref<10000x128xf32, #tpu.memory_space<hbm>>
      tpu.enqueue_indirect_dma source(%dma_start3A_48 : memref<10000x128xf32, #tpu.memory_space<hbm>>) target(%arg9 : memref<80x128xf32, #tpu.memory_space<vmem>>) offsets(%dma_start3A_45 : memref<80xi32, #tpu.memory_space<vmem>>) semaphore(%arg14 : memref<!tpu.dma_semaphore, #tpu.memory_space<semaphore_mem>>)
      %mul3A_49 = arith.constant 80 : i32
      %mul3A_50 = arith.muli %add3A, %mul3A_49 : i32
      %dma_start3A_51 = arith.constant 0 : i32
      %dma_start3A_52 = tpu.memref_slice %arg3[%mul3A_50, %dma_start3A_51] : memref<160000x128xf32, #tpu.memory_space<hbm>> -> memref<80x128xf32, #tpu.memory_space<hbm>>
      %dma_start3A_53 = arith.constant 0 : i32
      %dma_start3A_54 = tpu.memref_slice %arg3[%mul3A_50, %dma_start3A_53] : memref<160000x128xf32, #tpu.memory_space<hbm>> -> memref<80x128xf32, #tpu.memory_space<hbm>>
      tpu.enqueue_dma source(%dma_start3A_54 : memref<80x128xf32, #tpu.memory_space<hbm>>) target(%arg11 : memref<80x128xf32, #tpu.memory_space<vmem>>) target_semaphore(%arg16 : memref<!tpu.dma_semaphore, #tpu.memory_space<semaphore_mem>>)
    } else {
    }
    %scan3A_27 = arith.constant 0 : i32
    %scan3A_28 = arith.constant 32 : i32
    %scan3A_29 = arith.addi %scan3A_27, %scan3A_28 : i32
    %scan3A_30 = arith.constant 1 : i32
    scf.for %scan3A_43 = %scan3A_27 to %scan3A_29 step %scan3A_30  : i32 {
      %mul3A_44 = arith.constant 2 : i32
      %mul3A_45 = arith.muli %scan3A_43, %mul3A_44 : i32
      %add3A_46 = arith.constant 0 : i32
      %add3A_47 = arith.addi %add3A_46, %mul3A_45 : i32
      %add3A_48 = arith.constant 0 : i32
      %add3A_49 = arith.addi %add3A_47, %add3A_48 : i32
      %add3A_50 = arith.constant 1 : i32
      %add3A_51 = arith.addi %add3A_49, %add3A_50 : i32
      %lt3A_52 = arith.cmpi slt, %add3A_51, %add3A_22 : i32
      %convert_element_type3A_53 = arith.extui %lt3A_52 : i1 to i32
      %cond3A_54 = arith.constant 0 : i32
      %cond3A_55 = arith.cmpi ne, %convert_element_type3A_53, %cond3A_54 : i32
      scf.if %cond3A_55 {
        %add3A_72 = arith.constant 1 : i32
        %add3A_73 = arith.addi %add3A_49, %add3A_72 : i32
        %mul3A_74 = arith.constant 32 : i32
        %mul3A_75 = arith.muli %add3A_73, %mul3A_74 : i32
        %add3A_76 = arith.addi %add3A, %mul3A_75 : i32
        "tpu.region"() ({
          %run_scoped3A = tpu.sem_alloc : memref<!tpu.dma_semaphore, #tpu.memory_space<semaphore_mem>>
          %dma_start3A_89 = arith.constant 0 : i32
          %dma_start3A_90 = arith.constant 0 : i32
          %dma_start3A_91 = tpu.memref_slice %arg4[%add3A_76, %dma_start3A_89, %dma_start3A_90] : memref<2000x2x80xi32, #tpu.memory_space<hbm>> -> memref<1x2x80xi32, #tpu.memory_space<hbm>>
          %dma_start3A_92 = tpu.memref_squeeze %dma_start3A_91 : memref<1x2x80xi32, #tpu.memory_space<hbm>> -> memref<2x80xi32, #tpu.memory_space<hbm>>
          %dma_start3A_93 = arith.constant 0 : i32
          %dma_start3A_94 = arith.constant 0 : i32
          %dma_start3A_95 = tpu.memref_slice %arg4[%add3A_76, %dma_start3A_93, %dma_start3A_94] : memref<2000x2x80xi32, #tpu.memory_space<hbm>> -> memref<1x2x80xi32, #tpu.memory_space<hbm>>
          %dma_start3A_96 = tpu.memref_squeeze %dma_start3A_95 : memref<1x2x80xi32, #tpu.memory_space<hbm>> -> memref<2x80xi32, #tpu.memory_space<hbm>>
          tpu.enqueue_dma source(%dma_start3A_96 : memref<2x80xi32, #tpu.memory_space<hbm>>) target(%arg8 : memref<2x80xi32, #tpu.memory_space<vmem>>) target_semaphore(%run_scoped3A : memref<!tpu.dma_semaphore, #tpu.memory_space<semaphore_mem>>)
          %dma_wait3A = arith.constant 0 : i32
          %dma_wait3A_97 = arith.constant 0 : i32
          %dma_wait3A_98 = tpu.memref_slice %arg4[%add3A_76, %dma_wait3A, %dma_wait3A_97] : memref<2000x2x80xi32, #tpu.memory_space<hbm>> -> memref<1x2x80xi32, #tpu.memory_space<hbm>>
          %dma_wait3A_99 = tpu.memref_squeeze %dma_wait3A_98 : memref<1x2x80xi32, #tpu.memory_space<hbm>> -> memref<2x80xi32, #tpu.memory_space<hbm>>
          %dma_wait3A_100 = arith.constant 0 : i32
          %dma_wait3A_101 = arith.constant 0 : i32
          %dma_wait3A_102 = tpu.memref_slice %arg4[%add3A_76, %dma_wait3A_100, %dma_wait3A_101] : memref<2000x2x80xi32, #tpu.memory_space<hbm>> -> memref<1x2x80xi32, #tpu.memory_space<hbm>>
          %dma_wait3A_103 = tpu.memref_squeeze %dma_wait3A_102 : memref<1x2x80xi32, #tpu.memory_space<hbm>> -> memref<2x80xi32, #tpu.memory_space<hbm>>
          tpu.wait_dma2 semaphore(%run_scoped3A : memref<!tpu.dma_semaphore, #tpu.memory_space<semaphore_mem>>) src(%dma_wait3A_103 : memref<2x80xi32, #tpu.memory_space<hbm>>) dst(%arg8 : memref<2x80xi32, #tpu.memory_space<vmem>>)
          tpu.yield
        }) : () -> ()
        %dma_start3A = arith.constant 0 : i32
        %dma_start3A_77 = arith.constant 0 : i32
        %dma_start3A_78 = tpu.memref_slice %arg8[%dma_start3A, %dma_start3A_77] : memref<2x80xi32, #tpu.memory_space<vmem>> -> memref<1x80xi32, #tpu.memory_space<vmem>>
        %dma_start3A_79 = tpu.memref_squeeze %dma_start3A_78 : memref<1x80xi32, #tpu.memory_space<vmem>> -> memref<80xi32, #tpu.memory_space<vmem>>
        %dma_start3A_80 = arith.constant 0 : i32
        %dma_start3A_81 = arith.constant 0 : i32
        %dma_start3A_82 = tpu.memref_slice %arg2[%dma_start3A_80, %dma_start3A_81] : memref<10000x128xf32, #tpu.memory_space<hbm>> -> memref<10000x128xf32, #tpu.memory_space<hbm>>
        tpu.enqueue_indirect_dma source(%dma_start3A_82 : memref<10000x128xf32, #tpu.memory_space<hbm>>) target(%arg10 : memref<80x128xf32, #tpu.memory_space<vmem>>) offsets(%dma_start3A_79 : memref<80xi32, #tpu.memory_space<vmem>>) semaphore(%arg15 : memref<!tpu.dma_semaphore, #tpu.memory_space<semaphore_mem>>)
        %mul3A_83 = arith.constant 80 : i32
        %mul3A_84 = arith.muli %add3A_76, %mul3A_83 : i32
        %dma_start3A_85 = arith.constant 0 : i32
        %dma_start3A_86 = tpu.memref_slice %arg3[%mul3A_84, %dma_start3A_85] : memref<160000x128xf32, #tpu.memory_space<hbm>> -> memref<80x128xf32, #tpu.memory_space<hbm>>
        %dma_start3A_87 = arith.constant 0 : i32
        %dma_start3A_88 = tpu.memref_slice %arg3[%mul3A_84, %dma_start3A_87] : memref<160000x128xf32, #tpu.memory_space<hbm>> -> memref<80x128xf32, #tpu.memory_space<hbm>>
        tpu.enqueue_dma source(%dma_start3A_88 : memref<80x128xf32, #tpu.memory_space<hbm>>) target(%arg12 : memref<80x128xf32, #tpu.memory_space<vmem>>) target_semaphore(%arg17 : memref<!tpu.dma_semaphore, #tpu.memory_space<semaphore_mem>>)
      } else {
      }
      %lt3A_56 = arith.cmpi slt, %add3A_49, %add3A_22 : i32
      %convert_element_type3A_57 = arith.extui %lt3A_56 : i1 to i32
      %cond3A_58 = arith.constant 0 : i32
      %cond3A_59 = arith.cmpi ne, %convert_element_type3A_57, %cond3A_58 : i32
      scf.if %cond3A_59 {
        %dma_wait3A = arith.constant 0 : i32
        %dma_wait3A_72 = arith.constant 0 : i32
        %dma_wait3A_73 = tpu.memref_slice %arg2[%dma_wait3A, %dma_wait3A_72] : memref<10000x128xf32, #tpu.memory_space<hbm>> -> memref<80x128xf32, #tpu.memory_space<hbm>>
        %dma_wait3A_74 = arith.constant 0 : i32
        %dma_wait3A_75 = arith.constant 0 : i32
        %dma_wait3A_76 = tpu.memref_slice %arg2[%dma_wait3A_74, %dma_wait3A_75] : memref<10000x128xf32, #tpu.memory_space<hbm>> -> memref<80x128xf32, #tpu.memory_space<hbm>>
        tpu.wait_dma2 semaphore(%arg14 : memref<!tpu.dma_semaphore, #tpu.memory_space<semaphore_mem>>) src(%dma_wait3A_76 : memref<80x128xf32, #tpu.memory_space<hbm>>) dst(%arg9 : memref<80x128xf32, #tpu.memory_space<vmem>>)
        %dma_wait3A_77 = arith.constant 0 : i32
        %dma_wait3A_78 = arith.constant 0 : i32
        %dma_wait3A_79 = tpu.memref_slice %arg3[%dma_wait3A_77, %dma_wait3A_78] : memref<160000x128xf32, #tpu.memory_space<hbm>> -> memref<80x128xf32, #tpu.memory_space<hbm>>
        %dma_wait3A_80 = arith.constant 0 : i32
        %dma_wait3A_81 = arith.constant 0 : i32
        %dma_wait3A_82 = tpu.memref_slice %arg3[%dma_wait3A_80, %dma_wait3A_81] : memref<160000x128xf32, #tpu.memory_space<hbm>> -> memref<80x128xf32, #tpu.memory_space<hbm>>
        tpu.wait_dma2 semaphore(%arg16 : memref<!tpu.dma_semaphore, #tpu.memory_space<semaphore_mem>>) src(%dma_wait3A_82 : memref<80x128xf32, #tpu.memory_space<hbm>>) dst(%arg11 : memref<80x128xf32, #tpu.memory_space<vmem>>)
        %scan3A_83 = arith.constant 0 : i32
        %scan3A_84 = arith.constant 20 : i32
        %scan3A_85 = arith.addi %scan3A_83, %scan3A_84 : i32
        %scan3A_86 = arith.constant 1 : i32
        scf.for %scan3A_88 = %scan3A_83 to %scan3A_85 step %scan3A_86  : i32 {
          %mul3A_89 = arith.constant 4 : i32
          %mul3A_90 = arith.muli %scan3A_88, %mul3A_89 : i32
          %add3A_91 = arith.constant 0 : i32
          %add3A_92 = arith.addi %add3A_91, %mul3A_90 : i32
          %add3A_93 = arith.constant 0 : i32
          %add3A_94 = arith.addi %add3A_92, %add3A_93 : i32
          %get3A = arith.index_cast %add3A_94 : i32 to index
          %get3A_95 = arith.constant 0 : index
          %get3A_96 = tpu.vector_load %arg11[%get3A, %get3A_95] {strides = array<i32>} : memref<80x128xf32, #tpu.memory_space<vmem>>, vector<1x16xf32>,
          %get3A_97 = vector.shape_cast %get3A_96 : vector<1x16xf32> to vector<16xf32>
          %add3A_98 = arith.constant 0 : i32
          %add3A_99 = arith.addi %add3A_92, %add3A_98 : i32
          %get3A_100 = arith.index_cast %add3A_99 : i32 to index
          %get3A_101 = arith.constant 0 : index
          %get3A_102 = tpu.vector_load %arg9[%get3A_100, %get3A_101] {strides = array<i32>} : memref<80x128xf32, #tpu.memory_space<vmem>>, vector<1x16xf32>,
          %get3A_103 = vector.shape_cast %get3A_102 : vector<1x16xf32> to vector<16xf32>
          %mul3A_104 = arith.mulf %get3A_97, %get3A_103 : vector<16xf32>
          %add3A_105 = arith.constant 0 : i32
          %add3A_106 = arith.addi %add3A_92, %add3A_105 : i32
          %swap3A = arith.index_cast %add3A_106 : i32 to index
          %swap3A_107 = arith.constant 0 : index
          %swap3A_108 = tpu.vector_load %arg11[%swap3A, %swap3A_107] {strides = array<i32>} : memref<80x128xf32, #tpu.memory_space<vmem>>, vector<1x16xf32>,
          %swap3A_109 = vector.shape_cast %swap3A_108 : vector<1x16xf32> to vector<16xf32>
          %swap3A_110 = vector.shape_cast %mul3A_104 : vector<16xf32> to vector<1x16xf32>
          tpu.vector_store %arg11[%swap3A, %swap3A_107], %swap3A_110 {strides = array<i32>} : memref<80x128xf32, #tpu.memory_space<vmem>>, vector<1x16xf32>,
          %add3A_111 = arith.constant 0 : i32
          %add3A_112 = arith.addi %add3A_92, %add3A_111 : i32
          %get3A_113 = arith.index_cast %add3A_112 : i32 to index
          %get3A_114 = arith.constant 16 : index
          %get3A_115 = tpu.vector_load %arg11[%get3A_113, %get3A_114] {strides = array<i32>} : memref<80x128xf32, #tpu.memory_space<vmem>>, vector<1x16xf32>,
          %get3A_116 = vector.shape_cast %get3A_115 : vector<1x16xf32> to vector<16xf32>
          %add3A_117 = arith.constant 0 : i32
          %add3A_118 = arith.addi %add3A_92, %add3A_117 : i32
          %get3A_119 = arith.index_cast %add3A_118 : i32 to index
          %get3A_120 = arith.constant 16 : index
          %get3A_121 = tpu.vector_load %arg9[%get3A_119, %get3A_120] {strides = array<i32>} : memref<80x128xf32, #tpu.memory_space<vmem>>, vector<1x16xf32>,
          %get3A_122 = vector.shape_cast %get3A_121 : vector<1x16xf32> to vector<16xf32>
          %mul3A_123 = arith.mulf %get3A_116, %get3A_122 : vector<16xf32>
          %add3A_124 = arith.constant 0 : i32
          %add3A_125 = arith.addi %add3A_92, %add3A_124 : i32
          %swap3A_126 = arith.index_cast %add3A_125 : i32 to index
          %swap3A_127 = arith.constant 16 : index
          %swap3A_128 = tpu.vector_load %arg11[%swap3A_126, %swap3A_127] {strides = array<i32>} : memref<80x128xf32, #tpu.memory_space<vmem>>, vector<1x16xf32>,
          %swap3A_129 = vector.shape_cast %swap3A_128 : vector<1x16xf32> to vector<16xf32>
          %swap3A_130 = vector.shape_cast %mul3A_123 : vector<16xf32> to vector<1x16xf32>
          tpu.vector_store %arg11[%swap3A_126, %swap3A_127], %swap3A_130 {strides = array<i32>} : memref<80x128xf32, #tpu.memory_space<vmem>>, vector<1x16xf32>,
          %add3A_131 = arith.constant 0 : i32
          %add3A_132 = arith.addi %add3A_92, %add3A_131 : i32
          %get3A_133 = arith.index_cast %add3A_132 : i32 to index
          %get3A_134 = arith.constant 32 : index
          %get3A_135 = tpu.vector_load %arg11[%get3A_133, %get3A_134] {strides = array<i32>} : memref<80x128xf32, #tpu.memory_space<vmem>>, vector<1x16xf32>,
          %get3A_136 = vector.shape_cast %get3A_135 : vector<1x16xf32> to vector<16xf32>
          %add3A_137 = arith.constant 0 : i32
          %add3A_138 = arith.addi %add3A_92, %add3A_137 : i32
          %get3A_139 = arith.index_cast %add3A_138 : i32 to index
          %get3A_140 = arith.constant 32 : index
          %get3A_141 = tpu.vector_load %arg9[%get3A_139, %get3A_140] {strides = array<i32>} : memref<80x128xf32, #tpu.memory_space<vmem>>, vector<1x16xf32>,
          %get3A_142 = vector.shape_cast %get3A_141 : vector<1x16xf32> to vector<16xf32>
          %mul3A_143 = arith.mulf %get3A_136, %get3A_142 : vector<16xf32>
          %add3A_144 = arith.constant 0 : i32
          %add3A_145 = arith.addi %add3A_92, %add3A_144 : i32
          %swap3A_146 = arith.index_cast %add3A_145 : i32 to index
          %swap3A_147 = arith.constant 32 : index
          %swap3A_148 = tpu.vector_load %arg11[%swap3A_146, %swap3A_147] {strides = array<i32>} : memref<80x128xf32, #tpu.memory_space<vmem>>, vector<1x16xf32>,
          %swap3A_149 = vector.shape_cast %swap3A_148 : vector<1x16xf32> to vector<16xf32>
          %swap3A_150 = vector.shape_cast %mul3A_143 : vector<16xf32> to vector<1x16xf32>
          tpu.vector_store %arg11[%swap3A_146, %swap3A_147], %swap3A_150 {strides = array<i32>} : memref<80x128xf32, #tpu.memory_space<vmem>>, vector<1x16xf32>,
          %add3A_151 = arith.constant 0 : i32
          %add3A_152 = arith.addi %add3A_92, %add3A_151 : i32
          %get3A_153 = arith.index_cast %add3A_152 : i32 to index
          %get3A_154 = arith.constant 48 : index
          %get3A_155 = tpu.vector_load %arg11[%get3A_153, %get3A_154] {strides = array<i32>} : memref<80x128xf32, #tpu.memory_space<vmem>>, vector<1x16xf32>,
          %get3A_156 = vector.shape_cast %get3A_155 : vector<1x16xf32> to vector<16xf32>
          %add3A_157 = arith.constant 0 : i32
          %add3A_158 = arith.addi %add3A_92, %add3A_157 : i32
          %get3A_159 = arith.index_cast %add3A_158 : i32 to index
          %get3A_160 = arith.constant 48 : index
          %get3A_161 = tpu.vector_load %arg9[%get3A_159, %get3A_160] {strides = array<i32>} : memref<80x128xf32, #tpu.memory_space<vmem>>, vector<1x16xf32>,
          %get3A_162 = vector.shape_cast %get3A_161 : vector<1x16xf32> to vector<16xf32>
          %mul3A_163 = arith.mulf %get3A_156, %get3A_162 : vector<16xf32>
          %add3A_164 = arith.constant 0 : i32
          %add3A_165 = arith.addi %add3A_92, %add3A_164 : i32
          %swap3A_166 = arith.index_cast %add3A_165 : i32 to index
          %swap3A_167 = arith.constant 48 : index
          %swap3A_168 = tpu.vector_load %arg11[%swap3A_166, %swap3A_167] {strides = array<i32>} : memref<80x128xf32, #tpu.memory_space<vmem>>, vector<1x16xf32>,
          %swap3A_169 = vector.shape_cast %swap3A_168 : vector<1x16xf32> to vector<16xf32>
          %swap3A_170 = vector.shape_cast %mul3A_163 : vector<16xf32> to vector<1x16xf32>
          tpu.vector_store %arg11[%swap3A_166, %swap3A_167], %swap3A_170 {strides = array<i32>} : memref<80x128xf32, #tpu.memory_space<vmem>>, vector<1x16xf32>,
          %add3A_171 = arith.constant 0 : i32
          %add3A_172 = arith.addi %add3A_92, %add3A_171 : i32
          %get3A_173 = arith.index_cast %add3A_172 : i32 to index
          %get3A_174 = arith.constant 64 : index
          %get3A_175 = tpu.vector_load %arg11[%get3A_173, %get3A_174] {strides = array<i32>} : memref<80x128xf32, #tpu.memory_space<vmem>>, vector<1x16xf32>,
          %get3A_176 = vector.shape_cast %get3A_175 : vector<1x16xf32> to vector<16xf32>
          %add3A_177 = arith.constant 0 : i32
          %add3A_178 = arith.addi %add3A_92, %add3A_177 : i32
          %get3A_179 = arith.index_cast %add3A_178 : i32 to index
          %get3A_180 = arith.constant 64 : index
          %get3A_181 = tpu.vector_load %arg9[%get3A_179, %get3A_180] {strides = array<i32>} : memref<80x128xf32, #tpu.memory_space<vmem>>, vector<1x16xf32>,
          %get3A_182 = vector.shape_cast %get3A_181 : vector<1x16xf32> to vector<16xf32>
          %mul3A_183 = arith.mulf %get3A_176, %get3A_182 : vector<16xf32>
          %add3A_184 = arith.constant 0 : i32
          %add3A_185 = arith.addi %add3A_92, %add3A_184 : i32
          %swap3A_186 = arith.index_cast %add3A_185 : i32 to index
          %swap3A_187 = arith.constant 64 : index
          %swap3A_188 = tpu.vector_load %arg11[%swap3A_186, %swap3A_187] {strides = array<i32>} : memref<80x128xf32, #tpu.memory_space<vmem>>, vector<1x16xf32>,
          %swap3A_189 = vector.shape_cast %swap3A_188 : vector<1x16xf32> to vector<16xf32>
          %swap3A_190 = vector.shape_cast %mul3A_183 : vector<16xf32> to vector<1x16xf32>
          tpu.vector_store %arg11[%swap3A_186, %swap3A_187], %swap3A_190 {strides = array<i32>} : memref<80x128xf32, #tpu.memory_space<vmem>>, vector<1x16xf32>,
          %add3A_191 = arith.constant 0 : i32
          %add3A_192 = arith.addi %add3A_92, %add3A_191 : i32
          %get3A_193 = arith.index_cast %add3A_192 : i32 to index
          %get3A_194 = arith.constant 80 : index
          %get3A_195 = tpu.vector_load %arg11[%get3A_193, %get3A_194] {strides = array<i32>} : memref<80x128xf32, #tpu.memory_space<vmem>>, vector<1x16xf32>,
          %get3A_196 = vector.shape_cast %get3A_195 : vector<1x16xf32> to vector<16xf32>
          %add3A_197 = arith.constant 0 : i32
          %add3A_198 = arith.addi %add3A_92, %add3A_197 : i32
          %get3A_199 = arith.index_cast %add3A_198 : i32 to index
          %get3A_200 = arith.constant 80 : index
          %get3A_201 = tpu.vector_load %arg9[%get3A_199, %get3A_200] {strides = array<i32>} : memref<80x128xf32, #tpu.memory_space<vmem>>, vector<1x16xf32>,
          %get3A_202 = vector.shape_cast %get3A_201 : vector<1x16xf32> to vector<16xf32>
          %mul3A_203 = arith.mulf %get3A_196, %get3A_202 : vector<16xf32>
          %add3A_204 = arith.constant 0 : i32
          %add3A_205 = arith.addi %add3A_92, %add3A_204 : i32
          %swap3A_206 = arith.index_cast %add3A_205 : i32 to index
          %swap3A_207 = arith.constant 80 : index
          %swap3A_208 = tpu.vector_load %arg11[%swap3A_206, %swap3A_207] {strides = array<i32>} : memref<80x128xf32, #tpu.memory_space<vmem>>, vector<1x16xf32>,
          %swap3A_209 = vector.shape_cast %swap3A_208 : vector<1x16xf32> to vector<16xf32>
          %swap3A_210 = vector.shape_cast %mul3A_203 : vector<16xf32> to vector<1x16xf32>
          tpu.vector_store %arg11[%swap3A_206, %swap3A_207], %swap3A_210 {strides = array<i32>} : memref<80x128xf32, #tpu.memory_space<vmem>>, vector<1x16xf32>,
          %add3A_211 = arith.constant 0 : i32
          %add3A_212 = arith.addi %add3A_92, %add3A_211 : i32
          %get3A_213 = arith.index_cast %add3A_212 : i32 to index
          %get3A_214 = arith.constant 96 : index
          %get3A_215 = tpu.vector_load %arg11[%get3A_213, %get3A_214] {strides = array<i32>} : memref<80x128xf32, #tpu.memory_space<vmem>>, vector<1x16xf32>,
          %get3A_216 = vector.shape_cast %get3A_215 : vector<1x16xf32> to vector<16xf32>
          %add3A_217 = arith.constant 0 : i32
          %add3A_218 = arith.addi %add3A_92, %add3A_217 : i32
          %get3A_219 = arith.index_cast %add3A_218 : i32 to index
          %get3A_220 = arith.constant 96 : index
          %get3A_221 = tpu.vector_load %arg9[%get3A_219, %get3A_220] {strides = array<i32>} : memref<80x128xf32, #tpu.memory_space<vmem>>, vector<1x16xf32>,
          %get3A_222 = vector.shape_cast %get3A_221 : vector<1x16xf32> to vector<16xf32>
          %mul3A_223 = arith.mulf %get3A_216, %get3A_222 : vector<16xf32>
          %add3A_224 = arith.constant 0 : i32
          %add3A_225 = arith.addi %add3A_92, %add3A_224 : i32
          %swap3A_226 = arith.index_cast %add3A_225 : i32 to index
          %swap3A_227 = arith.constant 96 : index
          %swap3A_228 = tpu.vector_load %arg11[%swap3A_226, %swap3A_227] {strides = array<i32>} : memref<80x128xf32, #tpu.memory_space<vmem>>, vector<1x16xf32>,
          %swap3A_229 = vector.shape_cast %swap3A_228 : vector<1x16xf32> to vector<16xf32>
          %swap3A_230 = vector.shape_cast %mul3A_223 : vector<16xf32> to vector<1x16xf32>
          tpu.vector_store %arg11[%swap3A_226, %swap3A_227], %swap3A_230 {strides = array<i32>} : memref<80x128xf32, #tpu.memory_space<vmem>>, vector<1x16xf32>,
          %add3A_231 = arith.constant 0 : i32
          %add3A_232 = arith.addi %add3A_92, %add3A_231 : i32
          %get3A_233 = arith.index_cast %add3A_232 : i32 to index
          %get3A_234 = arith.constant 112 : index
          %get3A_235 = tpu.vector_load %arg11[%get3A_233, %get3A_234] {strides = array<i32>} : memref<80x128xf32, #tpu.memory_space<vmem>>, vector<1x16xf32>,
          %get3A_236 = vector.shape_cast %get3A_235 : vector<1x16xf32> to vector<16xf32>
          %add3A_237 = arith.constant 0 : i32
          %add3A_238 = arith.addi %add3A_92, %add3A_237 : i32
          %get3A_239 = arith.index_cast %add3A_238 : i32 to index
          %get3A_240 = arith.constant 112 : index
          %get3A_241 = tpu.vector_load %arg9[%get3A_239, %get3A_240] {strides = array<i32>} : memref<80x128xf32, #tpu.memory_space<vmem>>, vector<1x16xf32>,
          %get3A_242 = vector.shape_cast %get3A_241 : vector<1x16xf32> to vector<16xf32>
          %mul3A_243 = arith.mulf %get3A_236, %get3A_242 : vector<16xf32>
          %add3A_244 = arith.constant 0 : i32
          %add3A_245 = arith.addi %add3A_92, %add3A_244 : i32
          %swap3A_246 = arith.index_cast %add3A_245 : i32 to index
          %swap3A_247 = arith.constant 112 : index
          %swap3A_248 = tpu.vector_load %arg11[%swap3A_246, %swap3A_247] {strides = array<i32>} : memref<80x128xf32, #tpu.memory_space<vmem>>, vector<1x16xf32>,
          %swap3A_249 = vector.shape_cast %swap3A_248 : vector<1x16xf32> to vector<16xf32>
          %swap3A_250 = vector.shape_cast %mul3A_243 : vector<16xf32> to vector<1x16xf32>
          tpu.vector_store %arg11[%swap3A_246, %swap3A_247], %swap3A_250 {strides = array<i32>} : memref<80x128xf32, #tpu.memory_space<vmem>>, vector<1x16xf32>,
          %add3A_251 = arith.constant 1 : i32
          %add3A_252 = arith.addi %add3A_92, %add3A_251 : i32
          %get3A_253 = arith.index_cast %add3A_252 : i32 to index
          %get3A_254 = arith.constant 0 : index
          %get3A_255 = tpu.vector_load %arg11[%get3A_253, %get3A_254] {strides = array<i32>} : memref<80x128xf32, #tpu.memory_space<vmem>>, vector<1x16xf32>,
          %get3A_256 = vector.shape_cast %get3A_255 : vector<1x16xf32> to vector<16xf32>
          %add3A_257 = arith.constant 1 : i32
          %add3A_258 = arith.addi %add3A_92, %add3A_257 : i32
          %get3A_259 = arith.index_cast %add3A_258 : i32 to index
          %get3A_260 = arith.constant 0 : index
          %get3A_261 = tpu.vector_load %arg9[%get3A_259, %get3A_260] {strides = array<i32>} : memref<80x128xf32, #tpu.memory_space<vmem>>, vector<1x16xf32>,
          %get3A_262 = vector.shape_cast %get3A_261 : vector<1x16xf32> to vector<16xf32>
          %mul3A_263 = arith.mulf %get3A_256, %get3A_262 : vector<16xf32>
          %add3A_264 = arith.constant 1 : i32
          %add3A_265 = arith.addi %add3A_92, %add3A_264 : i32
          %swap3A_266 = arith.index_cast %add3A_265 : i32 to index
          %swap3A_267 = arith.constant 0 : index
          %swap3A_268 = tpu.vector_load %arg11[%swap3A_266, %swap3A_267] {strides = array<i32>} : memref<80x128xf32, #tpu.memory_space<vmem>>, vector<1x16xf32>,
          %swap3A_269 = vector.shape_cast %swap3A_268 : vector<1x16xf32> to vector<16xf32>
          %swap3A_270 = vector.shape_cast %mul3A_263 : vector<16xf32> to vector<1x16xf32>
          tpu.vector_store %arg11[%swap3A_266, %swap3A_267], %swap3A_270 {strides = array<i32>} : memref<80x128xf32, #tpu.memory_space<vmem>>, vector<1x16xf32>,
          %add3A_271 = arith.constant 1 : i32
          %add3A_272 = arith.addi %add3A_92, %add3A_271 : i32
          %get3A_273 = arith.index_cast %add3A_272 : i32 to index
          %get3A_274 = arith.constant 16 : index
          %get3A_275 = tpu.vector_load %arg11[%get3A_273, %get3A_274] {strides = array<i32>} : memref<80x128xf32, #tpu.memory_space<vmem>>, vector<1x16xf32>,
          %get3A_276 = vector.shape_cast %get3A_275 : vector<1x16xf32> to vector<16xf32>
          %add3A_277 = arith.constant 1 : i32
          %add3A_278 = arith.addi %add3A_92, %add3A_277 : i32
          %get3A_279 = arith.index_cast %add3A_278 : i32 to index
          %get3A_280 = arith.constant 16 : index
          %get3A_281 = tpu.vector_load %arg9[%get3A_279, %get3A_280] {strides = array<i32>} : memref<80x128xf32, #tpu.memory_space<vmem>>, vector<1x16xf32>,
          %get3A_282 = vector.shape_cast %get3A_281 : vector<1x16xf32> to vector<16xf32>
          %mul3A_283 = arith.mulf %get3A_276, %get3A_282 : vector<16xf32>
          %add3A_284 = arith.constant 1 : i32
          %add3A_285 = arith.addi %add3A_92, %add3A_284 : i32
          %swap3A_286 = arith.index_cast %add3A_285 : i32 to index
          %swap3A_287 = arith.constant 16 : index
          %swap3A_288 = tpu.vector_load %arg11[%swap3A_286, %swap3A_287] {strides = array<i32>} : memref<80x128xf32, #tpu.memory_space<vmem>>, vector<1x16xf32>,
          %swap3A_289 = vector.shape_cast %swap3A_288 : vector<1x16xf32> to vector<16xf32>
          %swap3A_290 = vector.shape_cast %mul3A_283 : vector<16xf32> to vector<1x16xf32>
          tpu.vector_store %arg11[%swap3A_286, %swap3A_287], %swap3A_290 {strides = array<i32>} : memref<80x128xf32, #tpu.memory_space<vmem>>, vector<1x16xf32>,
          %add3A_291 = arith.constant 1 : i32
          %add3A_292 = arith.addi %add3A_92, %add3A_291 : i32
          %get3A_293 = arith.index_cast %add3A_292 : i32 to index
          %get3A_294 = arith.constant 32 : index
          %get3A_295 = tpu.vector_load %arg11[%get3A_293, %get3A_294] {strides = array<i32>} : memref<80x128xf32, #tpu.memory_space<vmem>>, vector<1x16xf32>,
          %get3A_296 = vector.shape_cast %get3A_295 : vector<1x16xf32> to vector<16xf32>
          %add3A_297 = arith.constant 1 : i32
          %add3A_298 = arith.addi %add3A_92, %add3A_297 : i32
          %get3A_299 = arith.index_cast %add3A_298 : i32 to index
          %get3A_300 = arith.constant 32 : index
          %get3A_301 = tpu.vector_load %arg9[%get3A_299, %get3A_300] {strides = array<i32>} : memref<80x128xf32, #tpu.memory_space<vmem>>, vector<1x16xf32>,
          %get3A_302 = vector.shape_cast %get3A_301 : vector<1x16xf32> to vector<16xf32>
          %mul3A_303 = arith.mulf %get3A_296, %get3A_302 : vector<16xf32>
          %add3A_304 = arith.constant 1 : i32
          %add3A_305 = arith.addi %add3A_92, %add3A_304 : i32
          %swap3A_306 = arith.index_cast %add3A_305 : i32 to index
          %swap3A_307 = arith.constant 32 : index
          %swap3A_308 = tpu.vector_load %arg11[%swap3A_306, %swap3A_307] {strides = array<i32>} : memref<80x128xf32, #tpu.memory_space<vmem>>, vector<1x16xf32>,
          %swap3A_309 = vector.shape_cast %swap3A_308 : vector<1x16xf32> to vector<16xf32>
          %swap3A_310 = vector.shape_cast %mul3A_303 : vector<16xf32> to vector<1x16xf32>
          tpu.vector_store %arg11[%swap3A_306, %swap3A_307], %swap3A_310 {strides = array<i32>} : memref<80x128xf32, #tpu.memory_space<vmem>>, vector<1x16xf32>,
          %add3A_311 = arith.constant 1 : i32
          %add3A_312 = arith.addi %add3A_92, %add3A_311 : i32
          %get3A_313 = arith.index_cast %add3A_312 : i32 to index
          %get3A_314 = arith.constant 48 : index
          %get3A_315 = tpu.vector_load %arg11[%get3A_313, %get3A_314] {strides = array<i32>} : memref<80x128xf32, #tpu.memory_space<vmem>>, vector<1x16xf32>,
          %get3A_316 = vector.shape_cast %get3A_315 : vector<1x16xf32> to vector<16xf32>
          %add3A_317 = arith.constant 1 : i32
          %add3A_318 = arith.addi %add3A_92, %add3A_317 : i32
          %get3A_319 = arith.index_cast %add3A_318 : i32 to index
          %get3A_320 = arith.constant 48 : index
          %get3A_321 = tpu.vector_load %arg9[%get3A_319, %get3A_320] {strides = array<i32>} : memref<80x128xf32, #tpu.memory_space<vmem>>, vector<1x16xf32>,
          %get3A_322 = vector.shape_cast %get3A_321 : vector<1x16xf32> to vector<16xf32>
          %mul3A_323 = arith.mulf %get3A_316, %get3A_322 : vector<16xf32>
          %add3A_324 = arith.constant 1 : i32
          %add3A_325 = arith.addi %add3A_92, %add3A_324 : i32
          %swap3A_326 = arith.index_cast %add3A_325 : i32 to index
          %swap3A_327 = arith.constant 48 : index
          %swap3A_328 = tpu.vector_load %arg11[%swap3A_326, %swap3A_327] {strides = array<i32>} : memref<80x128xf32, #tpu.memory_space<vmem>>, vector<1x16xf32>,
          %swap3A_329 = vector.shape_cast %swap3A_328 : vector<1x16xf32> to vector<16xf32>
          %swap3A_330 = vector.shape_cast %mul3A_323 : vector<16xf32> to vector<1x16xf32>
          tpu.vector_store %arg11[%swap3A_326, %swap3A_327], %swap3A_330 {strides = array<i32>} : memref<80x128xf32, #tpu.memory_space<vmem>>, vector<1x16xf32>,
          %add3A_331 = arith.constant 1 : i32
          %add3A_332 = arith.addi %add3A_92, %add3A_331 : i32
          %get3A_333 = arith.index_cast %add3A_332 : i32 to index
          %get3A_334 = arith.constant 64 : index
          %get3A_335 = tpu.vector_load %arg11[%get3A_333, %get3A_334] {strides = array<i32>} : memref<80x128xf32, #tpu.memory_space<vmem>>, vector<1x16xf32>,
          %get3A_336 = vector.shape_cast %get3A_335 : vector<1x16xf32> to vector<16xf32>
          %add3A_337 = arith.constant 1 : i32
          %add3A_338 = arith.addi %add3A_92, %add3A_337 : i32
          %get3A_339 = arith.index_cast %add3A_338 : i32 to index
          %get3A_340 = arith.constant 64 : index
          %get3A_341 = tpu.vector_load %arg9[%get3A_339, %get3A_340] {strides = array<i32>} : memref<80x128xf32, #tpu.memory_space<vmem>>, vector<1x16xf32>,
          %get3A_342 = vector.shape_cast %get3A_341 : vector<1x16xf32> to vector<16xf32>
          %mul3A_343 = arith.mulf %get3A_336, %get3A_342 : vector<16xf32>
          %add3A_344 = arith.constant 1 : i32
          %add3A_345 = arith.addi %add3A_92, %add3A_344 : i32
          %swap3A_346 = arith.index_cast %add3A_345 : i32 to index
          %swap3A_347 = arith.constant 64 : index
          %swap3A_348 = tpu.vector_load %arg11[%swap3A_346, %swap3A_347] {strides = array<i32>} : memref<80x128xf32, #tpu.memory_space<vmem>>, vector<1x16xf32>,
          %swap3A_349 = vector.shape_cast %swap3A_348 : vector<1x16xf32> to vector<16xf32>
          %swap3A_350 = vector.shape_cast %mul3A_343 : vector<16xf32> to vector<1x16xf32>
          tpu.vector_store %arg11[%swap3A_346, %swap3A_347], %swap3A_350 {strides = array<i32>} : memref<80x128xf32, #tpu.memory_space<vmem>>, vector<1x16xf32>,
          %add3A_351 = arith.constant 1 : i32
          %add3A_352 = arith.addi %add3A_92, %add3A_351 : i32
          %get3A_353 = arith.index_cast %add3A_352 : i32 to index
          %get3A_354 = arith.constant 80 : index
          %get3A_355 = tpu.vector_load %arg11[%get3A_353, %get3A_354] {strides = array<i32>} : memref<80x128xf32, #tpu.memory_space<vmem>>, vector<1x16xf32>,
          %get3A_356 = vector.shape_cast %get3A_355 : vector<1x16xf32> to vector<16xf32>
          %add3A_357 = arith.constant 1 : i32
          %add3A_358 = arith.addi %add3A_92, %add3A_357 : i32
          %get3A_359 = arith.index_cast %add3A_358 : i32 to index
          %get3A_360 = arith.constant 80 : index
          %get3A_361 = tpu.vector_load %arg9[%get3A_359, %get3A_360] {strides = array<i32>} : memref<80x128xf32, #tpu.memory_space<vmem>>, vector<1x16xf32>,
          %get3A_362 = vector.shape_cast %get3A_361 : vector<1x16xf32> to vector<16xf32>
          %mul3A_363 = arith.mulf %get3A_356, %get3A_362 : vector<16xf32>
          %add3A_364 = arith.constant 1 : i32
          %add3A_365 = arith.addi %add3A_92, %add3A_364 : i32
          %swap3A_366 = arith.index_cast %add3A_365 : i32 to index
          %swap3A_367 = arith.constant 80 : index
          %swap3A_368 = tpu.vector_load %arg11[%swap3A_366, %swap3A_367] {strides = array<i32>} : memref<80x128xf32, #tpu.memory_space<vmem>>, vector<1x16xf32>,
          %swap3A_369 = vector.shape_cast %swap3A_368 : vector<1x16xf32> to vector<16xf32>
          %swap3A_370 = vector.shape_cast %mul3A_363 : vector<16xf32> to vector<1x16xf32>
          tpu.vector_store %arg11[%swap3A_366, %swap3A_367], %swap3A_370 {strides = array<i32>} : memref<80x128xf32, #tpu.memory_space<vmem>>, vector<1x16xf32>,
          %add3A_371 = arith.constant 1 : i32
          %add3A_372 = arith.addi %add3A_92, %add3A_371 : i32
          %get3A_373 = arith.index_cast %add3A_372 : i32 to index
          %get3A_374 = arith.constant 96 : index
          %get3A_375 = tpu.vector_load %arg11[%get3A_373, %get3A_374] {strides = array<i32>} : memref<80x128xf32, #tpu.memory_space<vmem>>, vector<1x16xf32>,
          %get3A_376 = vector.shape_cast %get3A_375 : vector<1x16xf32> to vector<16xf32>
          %add3A_377 = arith.constant 1 : i32
          %add3A_378 = arith.addi %add3A_92, %add3A_377 : i32
          %get3A_379 = arith.index_cast %add3A_378 : i32 to index
          %get3A_380 = arith.constant 96 : index
          %get3A_381 = tpu.vector_load %arg9[%get3A_379, %get3A_380] {strides = array<i32>} : memref<80x128xf32, #tpu.memory_space<vmem>>, vector<1x16xf32>,
          %get3A_382 = vector.shape_cast %get3A_381 : vector<1x16xf32> to vector<16xf32>
          %mul3A_383 = arith.mulf %get3A_376, %get3A_382 : vector<16xf32>
          %add3A_384 = arith.constant 1 : i32
          %add3A_385 = arith.addi %add3A_92, %add3A_384 : i32
          %swap3A_386 = arith.index_cast %add3A_385 : i32 to index
          %swap3A_387 = arith.constant 96 : index
          %swap3A_388 = tpu.vector_load %arg11[%swap3A_386, %swap3A_387] {strides = array<i32>} : memref<80x128xf32, #tpu.memory_space<vmem>>, vector<1x16xf32>,
          %swap3A_389 = vector.shape_cast %swap3A_388 : vector<1x16xf32> to vector<16xf32>
          %swap3A_390 = vector.shape_cast %mul3A_383 : vector<16xf32> to vector<1x16xf32>
          tpu.vector_store %arg11[%swap3A_386, %swap3A_387], %swap3A_390 {strides = array<i32>} : memref<80x128xf32, #tpu.memory_space<vmem>>, vector<1x16xf32>,
          %add3A_391 = arith.constant 1 : i32
          %add3A_392 = arith.addi %add3A_92, %add3A_391 : i32
          %get3A_393 = arith.index_cast %add3A_392 : i32 to index
          %get3A_394 = arith.constant 112 : index
          %get3A_395 = tpu.vector_load %arg11[%get3A_393, %get3A_394] {strides = array<i32>} : memref<80x128xf32, #tpu.memory_space<vmem>>, vector<1x16xf32>,
          %get3A_396 = vector.shape_cast %get3A_395 : vector<1x16xf32> to vector<16xf32>
          %add3A_397 = arith.constant 1 : i32
          %add3A_398 = arith.addi %add3A_92, %add3A_397 : i32
          %get3A_399 = arith.index_cast %add3A_398 : i32 to index
          %get3A_400 = arith.constant 112 : index
          %get3A_401 = tpu.vector_load %arg9[%get3A_399, %get3A_400] {strides = array<i32>} : memref<80x128xf32, #tpu.memory_space<vmem>>, vector<1x16xf32>,
          %get3A_402 = vector.shape_cast %get3A_401 : vector<1x16xf32> to vector<16xf32>
          %mul3A_403 = arith.mulf %get3A_396, %get3A_402 : vector<16xf32>
          %add3A_404 = arith.constant 1 : i32
          %add3A_405 = arith.addi %add3A_92, %add3A_404 : i32
          %swap3A_406 = arith.index_cast %add3A_405 : i32 to index
          %swap3A_407 = arith.constant 112 : index
          %swap3A_408 = tpu.vector_load %arg11[%swap3A_406, %swap3A_407] {strides = array<i32>} : memref<80x128xf32, #tpu.memory_space<vmem>>, vector<1x16xf32>,
          %swap3A_409 = vector.shape_cast %swap3A_408 : vector<1x16xf32> to vector<16xf32>
          %swap3A_410 = vector.shape_cast %mul3A_403 : vector<16xf32> to vector<1x16xf32>
          tpu.vector_store %arg11[%swap3A_406, %swap3A_407], %swap3A_410 {strides = array<i32>} : memref<80x128xf32, #tpu.memory_space<vmem>>, vector<1x16xf32>,
          %add3A_411 = arith.constant 2 : i32
          %add3A_412 = arith.addi %add3A_92, %add3A_411 : i32
          %get3A_413 = arith.index_cast %add3A_412 : i32 to index
          %get3A_414 = arith.constant 0 : index
          %get3A_415 = tpu.vector_load %arg11[%get3A_413, %get3A_414] {strides = array<i32>} : memref<80x128xf32, #tpu.memory_space<vmem>>, vector<1x16xf32>,
          %get3A_416 = vector.shape_cast %get3A_415 : vector<1x16xf32> to vector<16xf32>
          %add3A_417 = arith.constant 2 : i32
          %add3A_418 = arith.addi %add3A_92, %add3A_417 : i32
          %get3A_419 = arith.index_cast %add3A_418 : i32 to index
          %get3A_420 = arith.constant 0 : index
          %get3A_421 = tpu.vector_load %arg9[%get3A_419, %get3A_420] {strides = array<i32>} : memref<80x128xf32, #tpu.memory_space<vmem>>, vector<1x16xf32>,
          %get3A_422 = vector.shape_cast %get3A_421 : vector<1x16xf32> to vector<16xf32>
          %mul3A_423 = arith.mulf %get3A_416, %get3A_422 : vector<16xf32>
          %add3A_424 = arith.constant 2 : i32
          %add3A_425 = arith.addi %add3A_92, %add3A_424 : i32
          %swap3A_426 = arith.index_cast %add3A_425 : i32 to index
          %swap3A_427 = arith.constant 0 : index
          %swap3A_428 = tpu.vector_load %arg11[%swap3A_426, %swap3A_427] {strides = array<i32>} : memref<80x128xf32, #tpu.memory_space<vmem>>, vector<1x16xf32>,
          %swap3A_429 = vector.shape_cast %swap3A_428 : vector<1x16xf32> to vector<16xf32>
          %swap3A_430 = vector.shape_cast %mul3A_423 : vector<16xf32> to vector<1x16xf32>
          tpu.vector_store %arg11[%swap3A_426, %swap3A_427], %swap3A_430 {strides = array<i32>} : memref<80x128xf32, #tpu.memory_space<vmem>>, vector<1x16xf32>,
          %add3A_431 = arith.constant 2 : i32
          %add3A_432 = arith.addi %add3A_92, %add3A_431 : i32
          %get3A_433 = arith.index_cast %add3A_432 : i32 to index
          %get3A_434 = arith.constant 16 : index
          %get3A_435 = tpu.vector_load %arg11[%get3A_433, %get3A_434] {strides = array<i32>} : memref<80x128xf32, #tpu.memory_space<vmem>>, vector<1x16xf32>,
          %get3A_436 = vector.shape_cast %get3A_435 : vector<1x16xf32> to vector<16xf32>
          %add3A_437 = arith.constant 2 : i32
          %add3A_438 = arith.addi %add3A_92, %add3A_437 : i32
          %get3A_439 = arith.index_cast %add3A_438 : i32 to index
          %get3A_440 = arith.constant 16 : index
          %get3A_441 = tpu.vector_load %arg9[%get3A_439, %get3A_440] {strides = array<i32>} : memref<80x128xf32, #tpu.memory_space<vmem>>, vector<1x16xf32>,
          %get3A_442 = vector.shape_cast %get3A_441 : vector<1x16xf32> to vector<16xf32>
          %mul3A_443 = arith.mulf %get3A_436, %get3A_442 : vector<16xf32>
          %add3A_444 = arith.constant 2 : i32
          %add3A_445 = arith.addi %add3A_92, %add3A_444 : i32
          %swap3A_446 = arith.index_cast %add3A_445 : i32 to index
          %swap3A_447 = arith.constant 16 : index
          %swap3A_448 = tpu.vector_load %arg11[%swap3A_446, %swap3A_447] {strides = array<i32>} : memref<80x128xf32, #tpu.memory_space<vmem>>, vector<1x16xf32>,
          %swap3A_449 = vector.shape_cast %swap3A_448 : vector<1x16xf32> to vector<16xf32>
          %swap3A_450 = vector.shape_cast %mul3A_443 : vector<16xf32> to vector<1x16xf32>
          tpu.vector_store %arg11[%swap3A_446, %swap3A_447], %swap3A_450 {strides = array<i32>} : memref<80x128xf32, #tpu.memory_space<vmem>>, vector<1x16xf32>,
          %add3A_451 = arith.constant 2 : i32
          %add3A_452 = arith.addi %add3A_92, %add3A_451 : i32
          %get3A_453 = arith.index_cast %add3A_452 : i32 to index
          %get3A_454 = arith.constant 32 : index
          %get3A_455 = tpu.vector_load %arg11[%get3A_453, %get3A_454] {strides = array<i32>} : memref<80x128xf32, #tpu.memory_space<vmem>>, vector<1x16xf32>,
          %get3A_456 = vector.shape_cast %get3A_455 : vector<1x16xf32> to vector<16xf32>
          %add3A_457 = arith.constant 2 : i32
          %add3A_458 = arith.addi %add3A_92, %add3A_457 : i32
          %get3A_459 = arith.index_cast %add3A_458 : i32 to index
          %get3A_460 = arith.constant 32 : index
          %get3A_461 = tpu.vector_load %arg9[%get3A_459, %get3A_460] {strides = array<i32>} : memref<80x128xf32, #tpu.memory_space<vmem>>, vector<1x16xf32>,
          %get3A_462 = vector.shape_cast %get3A_461 : vector<1x16xf32> to vector<16xf32>
          %mul3A_463 = arith.mulf %get3A_456, %get3A_462 : vector<16xf32>
          %add3A_464 = arith.constant 2 : i32
          %add3A_465 = arith.addi %add3A_92, %add3A_464 : i32
          %swap3A_466 = arith.index_cast %add3A_465 : i32 to index
          %swap3A_467 = arith.constant 32 : index
          %swap3A_468 = tpu.vector_load %arg11[%swap3A_466, %swap3A_467] {strides = array<i32>} : memref<80x128xf32, #tpu.memory_space<vmem>>, vector<1x16xf32>,
          %swap3A_469 = vector.shape_cast %swap3A_468 : vector<1x16xf32> to vector<16xf32>
          %swap3A_470 = vector.shape_cast %mul3A_463 : vector<16xf32> to vector<1x16xf32>
          tpu.vector_store %arg11[%swap3A_466, %swap3A_467], %swap3A_470 {strides = array<i32>} : memref<80x128xf32, #tpu.memory_space<vmem>>, vector<1x16xf32>,
          %add3A_471 = arith.constant 2 : i32
          %add3A_472 = arith.addi %add3A_92, %add3A_471 : i32
          %get3A_473 = arith.index_cast %add3A_472 : i32 to index
          %get3A_474 = arith.constant 48 : index
          %get3A_475 = tpu.vector_load %arg11[%get3A_473, %get3A_474] {strides = array<i32>} : memref<80x128xf32, #tpu.memory_space<vmem>>, vector<1x16xf32>,
          %get3A_476 = vector.shape_cast %get3A_475 : vector<1x16xf32> to vector<16xf32>
          %add3A_477 = arith.constant 2 : i32
          %add3A_478 = arith.addi %add3A_92, %add3A_477 : i32
          %get3A_479 = arith.index_cast %add3A_478 : i32 to index
          %get3A_480 = arith.constant 48 : index
          %get3A_481 = tpu.vector_load %arg9[%get3A_479, %get3A_480] {strides = array<i32>} : memref<80x128xf32, #tpu.memory_space<vmem>>, vector<1x16xf32>,
          %get3A_482 = vector.shape_cast %get3A_481 : vector<1x16xf32> to vector<16xf32>
          %mul3A_483 = arith.mulf %get3A_476, %get3A_482 : vector<16xf32>
          %add3A_484 = arith.constant 2 : i32
          %add3A_485 = arith.addi %add3A_92, %add3A_484 : i32
          %swap3A_486 = arith.index_cast %add3A_485 : i32 to index
          %swap3A_487 = arith.constant 48 : index
          %swap3A_488 = tpu.vector_load %arg11[%swap3A_486, %swap3A_487] {strides = array<i32>} : memref<80x128xf32, #tpu.memory_space<vmem>>, vector<1x16xf32>,
          %swap3A_489 = vector.shape_cast %swap3A_488 : vector<1x16xf32> to vector<16xf32>
          %swap3A_490 = vector.shape_cast %mul3A_483 : vector<16xf32> to vector<1x16xf32>
          tpu.vector_store %arg11[%swap3A_486, %swap3A_487], %swap3A_490 {strides = array<i32>} : memref<80x128xf32, #tpu.memory_space<vmem>>, vector<1x16xf32>,
          %add3A_491 = arith.constant 2 : i32
          %add3A_492 = arith.addi %add3A_92, %add3A_491 : i32
          %get3A_493 = arith.index_cast %add3A_492 : i32 to index
          %get3A_494 = arith.constant 64 : index
          %get3A_495 = tpu.vector_load %arg11[%get3A_493, %get3A_494] {strides = array<i32>} : memref<80x128xf32, #tpu.memory_space<vmem>>, vector<1x16xf32>,
          %get3A_496 = vector.shape_cast %get3A_495 : vector<1x16xf32> to vector<16xf32>
          %add3A_497 = arith.constant 2 : i32
          %add3A_498 = arith.addi %add3A_92, %add3A_497 : i32
          %get3A_499 = arith.index_cast %add3A_498 : i32 to index
          %get3A_500 = arith.constant 64 : index
          %get3A_501 = tpu.vector_load %arg9[%get3A_499, %get3A_500] {strides = array<i32>} : memref<80x128xf32, #tpu.memory_space<vmem>>, vector<1x16xf32>,
          %get3A_502 = vector.shape_cast %get3A_501 : vector<1x16xf32> to vector<16xf32>
          %mul3A_503 = arith.mulf %get3A_496, %get3A_502 : vector<16xf32>
          %add3A_504 = arith.constant 2 : i32
          %add3A_505 = arith.addi %add3A_92, %add3A_504 : i32
          %swap3A_506 = arith.index_cast %add3A_505 : i32 to index
          %swap3A_507 = arith.constant 64 : index
          %swap3A_508 = tpu.vector_load %arg11[%swap3A_506, %swap3A_507] {strides = array<i32>} : memref<80x128xf32, #tpu.memory_space<vmem>>, vector<1x16xf32>,
          %swap3A_509 = vector.shape_cast %swap3A_508 : vector<1x16xf32> to vector<16xf32>
          %swap3A_510 = vector.shape_cast %mul3A_503 : vector<16xf32> to vector<1x16xf32>
          tpu.vector_store %arg11[%swap3A_506, %swap3A_507], %swap3A_510 {strides = array<i32>} : memref<80x128xf32, #tpu.memory_space<vmem>>, vector<1x16xf32>,
          %add3A_511 = arith.constant 2 : i32
          %add3A_512 = arith.addi %add3A_92, %add3A_511 : i32
          %get3A_513 = arith.index_cast %add3A_512 : i32 to index
          %get3A_514 = arith.constant 80 : index
          %get3A_515 = tpu.vector_load %arg11[%get3A_513, %get3A_514] {strides = array<i32>} : memref<80x128xf32, #tpu.memory_space<vmem>>, vector<1x16xf32>,
          %get3A_516 = vector.shape_cast %get3A_515 : vector<1x16xf32> to vector<16xf32>
          %add3A_517 = arith.constant 2 : i32
          %add3A_518 = arith.addi %add3A_92, %add3A_517 : i32
          %get3A_519 = arith.index_cast %add3A_518 : i32 to index
          %get3A_520 = arith.constant 80 : index
          %get3A_521 = tpu.vector_load %arg9[%get3A_519, %get3A_520] {strides = array<i32>} : memref<80x128xf32, #tpu.memory_space<vmem>>, vector<1x16xf32>,
          %get3A_522 = vector.shape_cast %get3A_521 : vector<1x16xf32> to vector<16xf32>
          %mul3A_523 = arith.mulf %get3A_516, %get3A_522 : vector<16xf32>
          %add3A_524 = arith.constant 2 : i32
          %add3A_525 = arith.addi %add3A_92, %add3A_524 : i32
          %swap3A_526 = arith.index_cast %add3A_525 : i32 to index
          %swap3A_527 = arith.constant 80 : index
          %swap3A_528 = tpu.vector_load %arg11[%swap3A_526, %swap3A_527] {strides = array<i32>} : memref<80x128xf32, #tpu.memory_space<vmem>>, vector<1x16xf32>,
          %swap3A_529 = vector.shape_cast %swap3A_528 : vector<1x16xf32> to vector<16xf32>
          %swap3A_530 = vector.shape_cast %mul3A_523 : vector<16xf32> to vector<1x16xf32>
          tpu.vector_store %arg11[%swap3A_526, %swap3A_527], %swap3A_530 {strides = array<i32>} : memref<80x128xf32, #tpu.memory_space<vmem>>, vector<1x16xf32>,
          %add3A_531 = arith.constant 2 : i32
          %add3A_532 = arith.addi %add3A_92, %add3A_531 : i32
          %get3A_533 = arith.index_cast %add3A_532 : i32 to index
          %get3A_534 = arith.constant 96 : index
          %get3A_535 = tpu.vector_load %arg11[%get3A_533, %get3A_534] {strides = array<i32>} : memref<80x128xf32, #tpu.memory_space<vmem>>, vector<1x16xf32>,
          %get3A_536 = vector.shape_cast %get3A_535 : vector<1x16xf32> to vector<16xf32>
          %add3A_537 = arith.constant 2 : i32
          %add3A_538 = arith.addi %add3A_92, %add3A_537 : i32
          %get3A_539 = arith.index_cast %add3A_538 : i32 to index
          %get3A_540 = arith.constant 96 : index
          %get3A_541 = tpu.vector_load %arg9[%get3A_539, %get3A_540] {strides = array<i32>} : memref<80x128xf32, #tpu.memory_space<vmem>>, vector<1x16xf32>,
          %get3A_542 = vector.shape_cast %get3A_541 : vector<1x16xf32> to vector<16xf32>
          %mul3A_543 = arith.mulf %get3A_536, %get3A_542 : vector<16xf32>
          %add3A_544 = arith.constant 2 : i32
          %add3A_545 = arith.addi %add3A_92, %add3A_544 : i32
          %swap3A_546 = arith.index_cast %add3A_545 : i32 to index
          %swap3A_547 = arith.constant 96 : index
          %swap3A_548 = tpu.vector_load %arg11[%swap3A_546, %swap3A_547] {strides = array<i32>} : memref<80x128xf32, #tpu.memory_space<vmem>>, vector<1x16xf32>,
          %swap3A_549 = vector.shape_cast %swap3A_548 : vector<1x16xf32> to vector<16xf32>
          %swap3A_550 = vector.shape_cast %mul3A_543 : vector<16xf32> to vector<1x16xf32>
          tpu.vector_store %arg11[%swap3A_546, %swap3A_547], %swap3A_550 {strides = array<i32>} : memref<80x128xf32, #tpu.memory_space<vmem>>, vector<1x16xf32>,
          %add3A_551 = arith.constant 2 : i32
          %add3A_552 = arith.addi %add3A_92, %add3A_551 : i32
          %get3A_553 = arith.index_cast %add3A_552 : i32 to index
          %get3A_554 = arith.constant 112 : index
          %get3A_555 = tpu.vector_load %arg11[%get3A_553, %get3A_554] {strides = array<i32>} : memref<80x128xf32, #tpu.memory_space<vmem>>, vector<1x16xf32>,
          %get3A_556 = vector.shape_cast %get3A_555 : vector<1x16xf32> to vector<16xf32>
          %add3A_557 = arith.constant 2 : i32
          %add3A_558 = arith.addi %add3A_92, %add3A_557 : i32
          %get3A_559 = arith.index_cast %add3A_558 : i32 to index
          %get3A_560 = arith.constant 112 : index
          %get3A_561 = tpu.vector_load %arg9[%get3A_559, %get3A_560] {strides = array<i32>} : memref<80x128xf32, #tpu.memory_space<vmem>>, vector<1x16xf32>,
          %get3A_562 = vector.shape_cast %get3A_561 : vector<1x16xf32> to vector<16xf32>
          %mul3A_563 = arith.mulf %get3A_556, %get3A_562 : vector<16xf32>
          %add3A_564 = arith.constant 2 : i32
          %add3A_565 = arith.addi %add3A_92, %add3A_564 : i32
          %swap3A_566 = arith.index_cast %add3A_565 : i32 to index
          %swap3A_567 = arith.constant 112 : index
          %swap3A_568 = tpu.vector_load %arg11[%swap3A_566, %swap3A_567] {strides = array<i32>} : memref<80x128xf32, #tpu.memory_space<vmem>>, vector<1x16xf32>,
          %swap3A_569 = vector.shape_cast %swap3A_568 : vector<1x16xf32> to vector<16xf32>
          %swap3A_570 = vector.shape_cast %mul3A_563 : vector<16xf32> to vector<1x16xf32>
          tpu.vector_store %arg11[%swap3A_566, %swap3A_567], %swap3A_570 {strides = array<i32>} : memref<80x128xf32, #tpu.memory_space<vmem>>, vector<1x16xf32>,
          %add3A_571 = arith.constant 3 : i32
          %add3A_572 = arith.addi %add3A_92, %add3A_571 : i32
          %get3A_573 = arith.index_cast %add3A_572 : i32 to index
          %get3A_574 = arith.constant 0 : index
          %get3A_575 = tpu.vector_load %arg11[%get3A_573, %get3A_574] {strides = array<i32>} : memref<80x128xf32, #tpu.memory_space<vmem>>, vector<1x16xf32>,
          %get3A_576 = vector.shape_cast %get3A_575 : vector<1x16xf32> to vector<16xf32>
          %add3A_577 = arith.constant 3 : i32
          %add3A_578 = arith.addi %add3A_92, %add3A_577 : i32
          %get3A_579 = arith.index_cast %add3A_578 : i32 to index
          %get3A_580 = arith.constant 0 : index
          %get3A_581 = tpu.vector_load %arg9[%get3A_579, %get3A_580] {strides = array<i32>} : memref<80x128xf32, #tpu.memory_space<vmem>>, vector<1x16xf32>,
          %get3A_582 = vector.shape_cast %get3A_581 : vector<1x16xf32> to vector<16xf32>
          %mul3A_583 = arith.mulf %get3A_576, %get3A_582 : vector<16xf32>
          %add3A_584 = arith.constant 3 : i32
          %add3A_585 = arith.addi %add3A_92, %add3A_584 : i32
          %swap3A_586 = arith.index_cast %add3A_585 : i32 to index
          %swap3A_587 = arith.constant 0 : index
          %swap3A_588 = tpu.vector_load %arg11[%swap3A_586, %swap3A_587] {strides = array<i32>} : memref<80x128xf32, #tpu.memory_space<vmem>>, vector<1x16xf32>,
          %swap3A_589 = vector.shape_cast %swap3A_588 : vector<1x16xf32> to vector<16xf32>
          %swap3A_590 = vector.shape_cast %mul3A_583 : vector<16xf32> to vector<1x16xf32>
          tpu.vector_store %arg11[%swap3A_586, %swap3A_587], %swap3A_590 {strides = array<i32>} : memref<80x128xf32, #tpu.memory_space<vmem>>, vector<1x16xf32>,
          %add3A_591 = arith.constant 3 : i32
          %add3A_592 = arith.addi %add3A_92, %add3A_591 : i32
          %get3A_593 = arith.index_cast %add3A_592 : i32 to index
          %get3A_594 = arith.constant 16 : index
          %get3A_595 = tpu.vector_load %arg11[%get3A_593, %get3A_594] {strides = array<i32>} : memref<80x128xf32, #tpu.memory_space<vmem>>, vector<1x16xf32>,
          %get3A_596 = vector.shape_cast %get3A_595 : vector<1x16xf32> to vector<16xf32>
          %add3A_597 = arith.constant 3 : i32
          %add3A_598 = arith.addi %add3A_92, %add3A_597 : i32
          %get3A_599 = arith.index_cast %add3A_598 : i32 to index
          %get3A_600 = arith.constant 16 : index
          %get3A_601 = tpu.vector_load %arg9[%get3A_599, %get3A_600] {strides = array<i32>} : memref<80x128xf32, #tpu.memory_space<vmem>>, vector<1x16xf32>,
          %get3A_602 = vector.shape_cast %get3A_601 : vector<1x16xf32> to vector<16xf32>
          %mul3A_603 = arith.mulf %get3A_596, %get3A_602 : vector<16xf32>
          %add3A_604 = arith.constant 3 : i32
          %add3A_605 = arith.addi %add3A_92, %add3A_604 : i32
          %swap3A_606 = arith.index_cast %add3A_605 : i32 to index
          %swap3A_607 = arith.constant 16 : index
          %swap3A_608 = tpu.vector_load %arg11[%swap3A_606, %swap3A_607] {strides = array<i32>} : memref<80x128xf32, #tpu.memory_space<vmem>>, vector<1x16xf32>,
          %swap3A_609 = vector.shape_cast %swap3A_608 : vector<1x16xf32> to vector<16xf32>
          %swap3A_610 = vector.shape_cast %mul3A_603 : vector<16xf32> to vector<1x16xf32>
          tpu.vector_store %arg11[%swap3A_606, %swap3A_607], %swap3A_610 {strides = array<i32>} : memref<80x128xf32, #tpu.memory_space<vmem>>, vector<1x16xf32>,
          %add3A_611 = arith.constant 3 : i32
          %add3A_612 = arith.addi %add3A_92, %add3A_611 : i32
          %get3A_613 = arith.index_cast %add3A_612 : i32 to index
          %get3A_614 = arith.constant 32 : index
          %get3A_615 = tpu.vector_load %arg11[%get3A_613, %get3A_614] {strides = array<i32>} : memref<80x128xf32, #tpu.memory_space<vmem>>, vector<1x16xf32>,
          %get3A_616 = vector.shape_cast %get3A_615 : vector<1x16xf32> to vector<16xf32>
          %add3A_617 = arith.constant 3 : i32
          %add3A_618 = arith.addi %add3A_92, %add3A_617 : i32
          %get3A_619 = arith.index_cast %add3A_618 : i32 to index
          %get3A_620 = arith.constant 32 : index
          %get3A_621 = tpu.vector_load %arg9[%get3A_619, %get3A_620] {strides = array<i32>} : memref<80x128xf32, #tpu.memory_space<vmem>>, vector<1x16xf32>,
          %get3A_622 = vector.shape_cast %get3A_621 : vector<1x16xf32> to vector<16xf32>
          %mul3A_623 = arith.mulf %get3A_616, %get3A_622 : vector<16xf32>
          %add3A_624 = arith.constant 3 : i32
          %add3A_625 = arith.addi %add3A_92, %add3A_624 : i32
          %swap3A_626 = arith.index_cast %add3A_625 : i32 to index
          %swap3A_627 = arith.constant 32 : index
          %swap3A_628 = tpu.vector_load %arg11[%swap3A_626, %swap3A_627] {strides = array<i32>} : memref<80x128xf32, #tpu.memory_space<vmem>>, vector<1x16xf32>,
          %swap3A_629 = vector.shape_cast %swap3A_628 : vector<1x16xf32> to vector<16xf32>
          %swap3A_630 = vector.shape_cast %mul3A_623 : vector<16xf32> to vector<1x16xf32>
          tpu.vector_store %arg11[%swap3A_626, %swap3A_627], %swap3A_630 {strides = array<i32>} : memref<80x128xf32, #tpu.memory_space<vmem>>, vector<1x16xf32>,
          %add3A_631 = arith.constant 3 : i32
          %add3A_632 = arith.addi %add3A_92, %add3A_631 : i32
          %get3A_633 = arith.index_cast %add3A_632 : i32 to index
          %get3A_634 = arith.constant 48 : index
          %get3A_635 = tpu.vector_load %arg11[%get3A_633, %get3A_634] {strides = array<i32>} : memref<80x128xf32, #tpu.memory_space<vmem>>, vector<1x16xf32>,
          %get3A_636 = vector.shape_cast %get3A_635 : vector<1x16xf32> to vector<16xf32>
          %add3A_637 = arith.constant 3 : i32
          %add3A_638 = arith.addi %add3A_92, %add3A_637 : i32
          %get3A_639 = arith.index_cast %add3A_638 : i32 to index
          %get3A_640 = arith.constant 48 : index
          %get3A_641 = tpu.vector_load %arg9[%get3A_639, %get3A_640] {strides = array<i32>} : memref<80x128xf32, #tpu.memory_space<vmem>>, vector<1x16xf32>,
          %get3A_642 = vector.shape_cast %get3A_641 : vector<1x16xf32> to vector<16xf32>
          %mul3A_643 = arith.mulf %get3A_636, %get3A_642 : vector<16xf32>
          %add3A_644 = arith.constant 3 : i32
          %add3A_645 = arith.addi %add3A_92, %add3A_644 : i32
          %swap3A_646 = arith.index_cast %add3A_645 : i32 to index
          %swap3A_647 = arith.constant 48 : index
          %swap3A_648 = tpu.vector_load %arg11[%swap3A_646, %swap3A_647] {strides = array<i32>} : memref<80x128xf32, #tpu.memory_space<vmem>>, vector<1x16xf32>,
          %swap3A_649 = vector.shape_cast %swap3A_648 : vector<1x16xf32> to vector<16xf32>
          %swap3A_650 = vector.shape_cast %mul3A_643 : vector<16xf32> to vector<1x16xf32>
          tpu.vector_store %arg11[%swap3A_646, %swap3A_647], %swap3A_650 {strides = array<i32>} : memref<80x128xf32, #tpu.memory_space<vmem>>, vector<1x16xf32>,
          %add3A_651 = arith.constant 3 : i32
          %add3A_652 = arith.addi %add3A_92, %add3A_651 : i32
          %get3A_653 = arith.index_cast %add3A_652 : i32 to index
          %get3A_654 = arith.constant 64 : index
          %get3A_655 = tpu.vector_load %arg11[%get3A_653, %get3A_654] {strides = array<i32>} : memref<80x128xf32, #tpu.memory_space<vmem>>, vector<1x16xf32>,
          %get3A_656 = vector.shape_cast %get3A_655 : vector<1x16xf32> to vector<16xf32>
          %add3A_657 = arith.constant 3 : i32
          %add3A_658 = arith.addi %add3A_92, %add3A_657 : i32
          %get3A_659 = arith.index_cast %add3A_658 : i32 to index
          %get3A_660 = arith.constant 64 : index
          %get3A_661 = tpu.vector_load %arg9[%get3A_659, %get3A_660] {strides = array<i32>} : memref<80x128xf32, #tpu.memory_space<vmem>>, vector<1x16xf32>,
          %get3A_662 = vector.shape_cast %get3A_661 : vector<1x16xf32> to vector<16xf32>
          %mul3A_663 = arith.mulf %get3A_656, %get3A_662 : vector<16xf32>
          %add3A_664 = arith.constant 3 : i32
          %add3A_665 = arith.addi %add3A_92, %add3A_664 : i32
          %swap3A_666 = arith.index_cast %add3A_665 : i32 to index
          %swap3A_667 = arith.constant 64 : index
          %swap3A_668 = tpu.vector_load %arg11[%swap3A_666, %swap3A_667] {strides = array<i32>} : memref<80x128xf32, #tpu.memory_space<vmem>>, vector<1x16xf32>,
          %swap3A_669 = vector.shape_cast %swap3A_668 : vector<1x16xf32> to vector<16xf32>
          %swap3A_670 = vector.shape_cast %mul3A_663 : vector<16xf32> to vector<1x16xf32>
          tpu.vector_store %arg11[%swap3A_666, %swap3A_667], %swap3A_670 {strides = array<i32>} : memref<80x128xf32, #tpu.memory_space<vmem>>, vector<1x16xf32>,
          %add3A_671 = arith.constant 3 : i32
          %add3A_672 = arith.addi %add3A_92, %add3A_671 : i32
          %get3A_673 = arith.index_cast %add3A_672 : i32 to index
          %get3A_674 = arith.constant 80 : index
          %get3A_675 = tpu.vector_load %arg11[%get3A_673, %get3A_674] {strides = array<i32>} : memref<80x128xf32, #tpu.memory_space<vmem>>, vector<1x16xf32>,
          %get3A_676 = vector.shape_cast %get3A_675 : vector<1x16xf32> to vector<16xf32>
          %add3A_677 = arith.constant 3 : i32
          %add3A_678 = arith.addi %add3A_92, %add3A_677 : i32
          %get3A_679 = arith.index_cast %add3A_678 : i32 to index
          %get3A_680 = arith.constant 80 : index
          %get3A_681 = tpu.vector_load %arg9[%get3A_679, %get3A_680] {strides = array<i32>} : memref<80x128xf32, #tpu.memory_space<vmem>>, vector<1x16xf32>,
          %get3A_682 = vector.shape_cast %get3A_681 : vector<1x16xf32> to vector<16xf32>
          %mul3A_683 = arith.mulf %get3A_676, %get3A_682 : vector<16xf32>
          %add3A_684 = arith.constant 3 : i32
          %add3A_685 = arith.addi %add3A_92, %add3A_684 : i32
          %swap3A_686 = arith.index_cast %add3A_685 : i32 to index
          %swap3A_687 = arith.constant 80 : index
          %swap3A_688 = tpu.vector_load %arg11[%swap3A_686, %swap3A_687] {strides = array<i32>} : memref<80x128xf32, #tpu.memory_space<vmem>>, vector<1x16xf32>,
          %swap3A_689 = vector.shape_cast %swap3A_688 : vector<1x16xf32> to vector<16xf32>
          %swap3A_690 = vector.shape_cast %mul3A_683 : vector<16xf32> to vector<1x16xf32>
          tpu.vector_store %arg11[%swap3A_686, %swap3A_687], %swap3A_690 {strides = array<i32>} : memref<80x128xf32, #tpu.memory_space<vmem>>, vector<1x16xf32>,
          %add3A_691 = arith.constant 3 : i32
          %add3A_692 = arith.addi %add3A_92, %add3A_691 : i32
          %get3A_693 = arith.index_cast %add3A_692 : i32 to index
          %get3A_694 = arith.constant 96 : index
          %get3A_695 = tpu.vector_load %arg11[%get3A_693, %get3A_694] {strides = array<i32>} : memref<80x128xf32, #tpu.memory_space<vmem>>, vector<1x16xf32>,
          %get3A_696 = vector.shape_cast %get3A_695 : vector<1x16xf32> to vector<16xf32>
          %add3A_697 = arith.constant 3 : i32
          %add3A_698 = arith.addi %add3A_92, %add3A_697 : i32
          %get3A_699 = arith.index_cast %add3A_698 : i32 to index
          %get3A_700 = arith.constant 96 : index
          %get3A_701 = tpu.vector_load %arg9[%get3A_699, %get3A_700] {strides = array<i32>} : memref<80x128xf32, #tpu.memory_space<vmem>>, vector<1x16xf32>,
          %get3A_702 = vector.shape_cast %get3A_701 : vector<1x16xf32> to vector<16xf32>
          %mul3A_703 = arith.mulf %get3A_696, %get3A_702 : vector<16xf32>
          %add3A_704 = arith.constant 3 : i32
          %add3A_705 = arith.addi %add3A_92, %add3A_704 : i32
          %swap3A_706 = arith.index_cast %add3A_705 : i32 to index
          %swap3A_707 = arith.constant 96 : index
          %swap3A_708 = tpu.vector_load %arg11[%swap3A_706, %swap3A_707] {strides = array<i32>} : memref<80x128xf32, #tpu.memory_space<vmem>>, vector<1x16xf32>,
          %swap3A_709 = vector.shape_cast %swap3A_708 : vector<1x16xf32> to vector<16xf32>
          %swap3A_710 = vector.shape_cast %mul3A_703 : vector<16xf32> to vector<1x16xf32>
          tpu.vector_store %arg11[%swap3A_706, %swap3A_707], %swap3A_710 {strides = array<i32>} : memref<80x128xf32, #tpu.memory_space<vmem>>, vector<1x16xf32>,
          %add3A_711 = arith.constant 3 : i32
          %add3A_712 = arith.addi %add3A_92, %add3A_711 : i32
          %get3A_713 = arith.index_cast %add3A_712 : i32 to index
          %get3A_714 = arith.constant 112 : index
          %get3A_715 = tpu.vector_load %arg11[%get3A_713, %get3A_714] {strides = array<i32>} : memref<80x128xf32, #tpu.memory_space<vmem>>, vector<1x16xf32>,
          %get3A_716 = vector.shape_cast %get3A_715 : vector<1x16xf32> to vector<16xf32>
          %add3A_717 = arith.constant 3 : i32
          %add3A_718 = arith.addi %add3A_92, %add3A_717 : i32
          %get3A_719 = arith.index_cast %add3A_718 : i32 to index
          %get3A_720 = arith.constant 112 : index
          %get3A_721 = tpu.vector_load %arg9[%get3A_719, %get3A_720] {strides = array<i32>} : memref<80x128xf32, #tpu.memory_space<vmem>>, vector<1x16xf32>,
          %get3A_722 = vector.shape_cast %get3A_721 : vector<1x16xf32> to vector<16xf32>
          %mul3A_723 = arith.mulf %get3A_716, %get3A_722 : vector<16xf32>
          %add3A_724 = arith.constant 3 : i32
          %add3A_725 = arith.addi %add3A_92, %add3A_724 : i32
          %swap3A_726 = arith.index_cast %add3A_725 : i32 to index
          %swap3A_727 = arith.constant 112 : index
          %swap3A_728 = tpu.vector_load %arg11[%swap3A_726, %swap3A_727] {strides = array<i32>} : memref<80x128xf32, #tpu.memory_space<vmem>>, vector<1x16xf32>,
          %swap3A_729 = vector.shape_cast %swap3A_728 : vector<1x16xf32> to vector<16xf32>
          %swap3A_730 = vector.shape_cast %mul3A_723 : vector<16xf32> to vector<1x16xf32>
          tpu.vector_store %arg11[%swap3A_726, %swap3A_727], %swap3A_730 {strides = array<i32>} : memref<80x128xf32, #tpu.memory_space<vmem>>, vector<1x16xf32>,
        }
        %scan3A_87 = arith.constant 20 : i32
        %run_scoped3A = arith.constant 1 : i32
        "tpu.region"() ({
          %run_scoped3A_88 = tpu.sem_alloc : memref<!tpu.dma_semaphore, #tpu.memory_space<semaphore_mem>>
          %dma_start3A = arith.constant 0 : i32
          %dma_start3A_89 = tpu.memref_slice %arg7[%run_scoped3A, %dma_start3A] : memref<2x80xi32, #tpu.memory_space<vmem>> -> memref<1x80xi32, #tpu.memory_space<vmem>>
          %dma_start3A_90 = tpu.memref_squeeze %dma_start3A_89 : memref<1x80xi32, #tpu.memory_space<vmem>> -> memref<80xi32, #tpu.memory_space<vmem>>
          %dma_start3A_91 = arith.constant 0 : i32
          %dma_start3A_92 = arith.constant 0 : i32
          %dma_start3A_93 = tpu.memref_slice %arg13[%dma_start3A_91, %dma_start3A_92] : memref<10000x128xf32, #tpu.memory_space<vmem_shared>> -> memref<10000x128xf32, #tpu.memory_space<vmem_shared>>
          tpu.enqueue_indirect_dma source(%arg11 : memref<80x128xf32, #tpu.memory_space<vmem>>) target(%dma_start3A_93 : memref<10000x128xf32, #tpu.memory_space<vmem_shared>>) offsets(%dma_start3A_90 : memref<80xi32, #tpu.memory_space<vmem>>) semaphore(%run_scoped3A_88 : memref<!tpu.dma_semaphore, #tpu.memory_space<semaphore_mem>>) {add = true}
          %dma_wait3A_94 = arith.constant 0 : i32
          %dma_wait3A_95 = tpu.memref_slice %arg7[%run_scoped3A, %dma_wait3A_94] : memref<2x80xi32, #tpu.memory_space<vmem>> -> memref<1x80xi32, #tpu.memory_space<vmem>>
          %dma_wait3A_96 = tpu.memref_squeeze %dma_wait3A_95 : memref<1x80xi32, #tpu.memory_space<vmem>> -> memref<80xi32, #tpu.memory_space<vmem>>
          %dma_wait3A_97 = arith.constant 0 : i32
          %dma_wait3A_98 = arith.constant 0 : i32
          %dma_wait3A_99 = tpu.memref_slice %arg13[%dma_wait3A_97, %dma_wait3A_98] : memref<10000x128xf32, #tpu.memory_space<vmem_shared>> -> memref<10000x128xf32, #tpu.memory_space<vmem_shared>>
          tpu.wait_indirect_dma semaphore(%run_scoped3A_88 : memref<!tpu.dma_semaphore, #tpu.memory_space<semaphore_mem>>) src(%arg11 : memref<80x128xf32, #tpu.memory_space<vmem>>) dst(%dma_wait3A_99 : memref<10000x128xf32, #tpu.memory_space<vmem_shared>>)
          tpu.yield
        }) : () -> ()
      } else {
      }
      %add3A_60 = arith.constant 1 : i32
      %add3A_61 = arith.addi %add3A_47, %add3A_60 : i32
      %add3A_62 = arith.constant 1 : i32
      %add3A_63 = arith.addi %add3A_61, %add3A_62 : i32
      %lt3A_64 = arith.cmpi slt, %add3A_63, %add3A_22 : i32
      %convert_element_type3A_65 = arith.extui %lt3A_64 : i1 to i32
      %cond3A_66 = arith.constant 0 : i32
      %cond3A_67 = arith.cmpi ne, %convert_element_type3A_65, %cond3A_66 : i32
      scf.if %cond3A_67 {
        %add3A_72 = arith.constant 1 : i32
        %add3A_73 = arith.addi %add3A_61, %add3A_72 : i32
        %mul3A_74 = arith.constant 32 : i32
        %mul3A_75 = arith.muli %add3A_73, %mul3A_74 : i32
        %add3A_76 = arith.addi %add3A, %mul3A_75 : i32
        "tpu.region"() ({
          %run_scoped3A = tpu.sem_alloc : memref<!tpu.dma_semaphore, #tpu.memory_space<semaphore_mem>>
          %dma_start3A_89 = arith.constant 0 : i32
          %dma_start3A_90 = arith.constant 0 : i32
          %dma_start3A_91 = tpu.memref_slice %arg4[%add3A_76, %dma_start3A_89, %dma_start3A_90] : memref<2000x2x80xi32, #tpu.memory_space<hbm>> -> memref<1x2x80xi32, #tpu.memory_space<hbm>>
          %dma_start3A_92 = tpu.memref_squeeze %dma_start3A_91 : memref<1x2x80xi32, #tpu.memory_space<hbm>> -> memref<2x80xi32, #tpu.memory_space<hbm>>
          %dma_start3A_93 = arith.constant 0 : i32
          %dma_start3A_94 = arith.constant 0 : i32
          %dma_start3A_95 = tpu.memref_slice %arg4[%add3A_76, %dma_start3A_93, %dma_start3A_94] : memref<2000x2x80xi32, #tpu.memory_space<hbm>> -> memref<1x2x80xi32, #tpu.memory_space<hbm>>
          %dma_start3A_96 = tpu.memref_squeeze %dma_start3A_95 : memref<1x2x80xi32, #tpu.memory_space<hbm>> -> memref<2x80xi32, #tpu.memory_space<hbm>>
          tpu.enqueue_dma source(%dma_start3A_96 : memref<2x80xi32, #tpu.memory_space<hbm>>) target(%arg7 : memref<2x80xi32, #tpu.memory_space<vmem>>) target_semaphore(%run_scoped3A : memref<!tpu.dma_semaphore, #tpu.memory_space<semaphore_mem>>)
          %dma_wait3A = arith.constant 0 : i32
          %dma_wait3A_97 = arith.constant 0 : i32
          %dma_wait3A_98 = tpu.memref_slice %arg4[%add3A_76, %dma_wait3A, %dma_wait3A_97] : memref<2000x2x80xi32, #tpu.memory_space<hbm>> -> memref<1x2x80xi32, #tpu.memory_space<hbm>>
          %dma_wait3A_99 = tpu.memref_squeeze %dma_wait3A_98 : memref<1x2x80xi32, #tpu.memory_space<hbm>> -> memref<2x80xi32, #tpu.memory_space<hbm>>
          %dma_wait3A_100 = arith.constant 0 : i32
          %dma_wait3A_101 = arith.constant 0 : i32
          %dma_wait3A_102 = tpu.memref_slice %arg4[%add3A_76, %dma_wait3A_100, %dma_wait3A_101] : memref<2000x2x80xi32, #tpu.memory_space<hbm>> -> memref<1x2x80xi32, #tpu.memory_space<hbm>>
          %dma_wait3A_103 = tpu.memref_squeeze %dma_wait3A_102 : memref<1x2x80xi32, #tpu.memory_space<hbm>> -> memref<2x80xi32, #tpu.memory_space<hbm>>
          tpu.wait_dma2 semaphore(%run_scoped3A : memref<!tpu.dma_semaphore, #tpu.memory_space<semaphore_mem>>) src(%dma_wait3A_103 : memref<2x80xi32, #tpu.memory_space<hbm>>) dst(%arg7 : memref<2x80xi32, #tpu.memory_space<vmem>>)
          tpu.yield
        }) : () -> ()
        %dma_start3A = arith.constant 0 : i32
        %dma_start3A_77 = arith.constant 0 : i32
        %dma_start3A_78 = tpu.memref_slice %arg7[%dma_start3A, %dma_start3A_77] : memref<2x80xi32, #tpu.memory_space<vmem>> -> memref<1x80xi32, #tpu.memory_space<vmem>>
        %dma_start3A_79 = tpu.memref_squeeze %dma_start3A_78 : memref<1x80xi32, #tpu.memory_space<vmem>> -> memref<80xi32, #tpu.memory_space<vmem>>
        %dma_start3A_80 = arith.constant 0 : i32
        %dma_start3A_81 = arith.constant 0 : i32
        %dma_start3A_82 = tpu.memref_slice %arg2[%dma_start3A_80, %dma_start3A_81] : memref<10000x128xf32, #tpu.memory_space<hbm>> -> memref<10000x128xf32, #tpu.memory_space<hbm>>
        tpu.enqueue_indirect_dma source(%dma_start3A_82 : memref<10000x128xf32, #tpu.memory_space<hbm>>) target(%arg9 : memref<80x128xf32, #tpu.memory_space<vmem>>) offsets(%dma_start3A_79 : memref<80xi32, #tpu.memory_space<vmem>>) semaphore(%arg14 : memref<!tpu.dma_semaphore, #tpu.memory_space<semaphore_mem>>)
        %mul3A_83 = arith.constant 80 : i32
        %mul3A_84 = arith.muli %add3A_76, %mul3A_83 : i32
        %dma_start3A_85 = arith.constant 0 : i32
        %dma_start3A_86 = tpu.memref_slice %arg3[%mul3A_84, %dma_start3A_85] : memref<160000x128xf32, #tpu.memory_space<hbm>> -> memref<80x128xf32, #tpu.memory_space<hbm>>
        %dma_start3A_87 = arith.constant 0 : i32
        %dma_start3A_88 = tpu.memref_slice %arg3[%mul3A_84, %dma_start3A_87] : memref<160000x128xf32, #tpu.memory_space<hbm>> -> memref<80x128xf32, #tpu.memory_space<hbm>>
        tpu.enqueue_dma source(%dma_start3A_88 : memref<80x128xf32, #tpu.memory_space<hbm>>) target(%arg11 : memref<80x128xf32, #tpu.memory_space<vmem>>) target_semaphore(%arg16 : memref<!tpu.dma_semaphore, #tpu.memory_space<semaphore_mem>>)
      } else {
      }
      %lt3A_68 = arith.cmpi slt, %add3A_61, %add3A_22 : i32
      %convert_element_type3A_69 = arith.extui %lt3A_68 : i1 to i32
      %cond3A_70 = arith.constant 0 : i32
      %cond3A_71 = arith.cmpi ne, %convert_element_type3A_69, %cond3A_70 : i32
      scf.if %cond3A_71 {
        %dma_wait3A = arith.constant 0 : i32
        %dma_wait3A_72 = arith.constant 0 : i32
        %dma_wait3A_73 = tpu.memref_slice %arg2[%dma_wait3A, %dma_wait3A_72] : memref<10000x128xf32, #tpu.memory_space<hbm>> -> memref<80x128xf32, #tpu.memory_space<hbm>>
        %dma_wait3A_74 = arith.constant 0 : i32
        %dma_wait3A_75 = arith.constant 0 : i32
        %dma_wait3A_76 = tpu.memref_slice %arg2[%dma_wait3A_74, %dma_wait3A_75] : memref<10000x128xf32, #tpu.memory_space<hbm>> -> memref<80x128xf32, #tpu.memory_space<hbm>>
        tpu.wait_dma2 semaphore(%arg15 : memref<!tpu.dma_semaphore, #tpu.memory_space<semaphore_mem>>) src(%dma_wait3A_76 : memref<80x128xf32, #tpu.memory_space<hbm>>) dst(%arg10 : memref<80x128xf32, #tpu.memory_space<vmem>>)
        %dma_wait3A_77 = arith.constant 0 : i32
        %dma_wait3A_78 = arith.constant 0 : i32
        %dma_wait3A_79 = tpu.memref_slice %arg3[%dma_wait3A_77, %dma_wait3A_78] : memref<160000x128xf32, #tpu.memory_space<hbm>> -> memref<80x128xf32, #tpu.memory_space<hbm>>
        %dma_wait3A_80 = arith.constant 0 : i32
        %dma_wait3A_81 = arith.constant 0 : i32
        %dma_wait3A_82 = tpu.memref_slice %arg3[%dma_wait3A_80, %dma_wait3A_81] : memref<160000x128xf32, #tpu.memory_space<hbm>> -> memref<80x128xf32, #tpu.memory_space<hbm>>
        tpu.wait_dma2 semaphore(%arg17 : memref<!tpu.dma_semaphore, #tpu.memory_space<semaphore_mem>>) src(%dma_wait3A_82 : memref<80x128xf32, #tpu.memory_space<hbm>>) dst(%arg12 : memref<80x128xf32, #tpu.memory_space<vmem>>)
        %scan3A_83 = arith.constant 0 : i32
        %scan3A_84 = arith.constant 20 : i32
        %scan3A_85 = arith.addi %scan3A_83, %scan3A_84 : i32
        %scan3A_86 = arith.constant 1 : i32
        scf.for %scan3A_88 = %scan3A_83 to %scan3A_85 step %scan3A_86  : i32 {
          %mul3A_89 = arith.constant 4 : i32
          %mul3A_90 = arith.muli %scan3A_88, %mul3A_89 : i32
          %add3A_91 = arith.constant 0 : i32
          %add3A_92 = arith.addi %add3A_91, %mul3A_90 : i32
          %add3A_93 = arith.constant 0 : i32
          %add3A_94 = arith.addi %add3A_92, %add3A_93 : i32
          %get3A = arith.index_cast %add3A_94 : i32 to index
          %get3A_95 = arith.constant 0 : index
          %get3A_96 = tpu.vector_load %arg12[%get3A, %get3A_95] {strides = array<i32>} : memref<80x128xf32, #tpu.memory_space<vmem>>, vector<1x16xf32>,
          %get3A_97 = vector.shape_cast %get3A_96 : vector<1x16xf32> to vector<16xf32>
          %add3A_98 = arith.constant 0 : i32
          %add3A_99 = arith.addi %add3A_92, %add3A_98 : i32
          %get3A_100 = arith.index_cast %add3A_99 : i32 to index
          %get3A_101 = arith.constant 0 : index
          %get3A_102 = tpu.vector_load %arg10[%get3A_100, %get3A_101] {strides = array<i32>} : memref<80x128xf32, #tpu.memory_space<vmem>>, vector<1x16xf32>,
          %get3A_103 = vector.shape_cast %get3A_102 : vector<1x16xf32> to vector<16xf32>
          %mul3A_104 = arith.mulf %get3A_97, %get3A_103 : vector<16xf32>
          %add3A_105 = arith.constant 0 : i32
          %add3A_106 = arith.addi %add3A_92, %add3A_105 : i32
          %swap3A = arith.index_cast %add3A_106 : i32 to index
          %swap3A_107 = arith.constant 0 : index
          %swap3A_108 = tpu.vector_load %arg12[%swap3A, %swap3A_107] {strides = array<i32>} : memref<80x128xf32, #tpu.memory_space<vmem>>, vector<1x16xf32>,
          %swap3A_109 = vector.shape_cast %swap3A_108 : vector<1x16xf32> to vector<16xf32>
          %swap3A_110 = vector.shape_cast %mul3A_104 : vector<16xf32> to vector<1x16xf32>
          tpu.vector_store %arg12[%swap3A, %swap3A_107], %swap3A_110 {strides = array<i32>} : memref<80x128xf32, #tpu.memory_space<vmem>>, vector<1x16xf32>,
          %add3A_111 = arith.constant 0 : i32
          %add3A_112 = arith.addi %add3A_92, %add3A_111 : i32
          %get3A_113 = arith.index_cast %add3A_112 : i32 to index
          %get3A_114 = arith.constant 16 : index
          %get3A_115 = tpu.vector_load %arg12[%get3A_113, %get3A_114] {strides = array<i32>} : memref<80x128xf32, #tpu.memory_space<vmem>>, vector<1x16xf32>,
          %get3A_116 = vector.shape_cast %get3A_115 : vector<1x16xf32> to vector<16xf32>
          %add3A_117 = arith.constant 0 : i32
          %add3A_118 = arith.addi %add3A_92, %add3A_117 : i32
          %get3A_119 = arith.index_cast %add3A_118 : i32 to index
          %get3A_120 = arith.constant 16 : index
          %get3A_121 = tpu.vector_load %arg10[%get3A_119, %get3A_120] {strides = array<i32>} : memref<80x128xf32, #tpu.memory_space<vmem>>, vector<1x16xf32>,
          %get3A_122 = vector.shape_cast %get3A_121 : vector<1x16xf32> to vector<16xf32>
          %mul3A_123 = arith.mulf %get3A_116, %get3A_122 : vector<16xf32>
          %add3A_124 = arith.constant 0 : i32
          %add3A_125 = arith.addi %add3A_92, %add3A_124 : i32
          %swap3A_126 = arith.index_cast %add3A_125 : i32 to index
          %swap3A_127 = arith.constant 16 : index
          %swap3A_128 = tpu.vector_load %arg12[%swap3A_126, %swap3A_127] {strides = array<i32>} : memref<80x128xf32, #tpu.memory_space<vmem>>, vector<1x16xf32>,
          %swap3A_129 = vector.shape_cast %swap3A_128 : vector<1x16xf32> to vector<16xf32>
          %swap3A_130 = vector.shape_cast %mul3A_123 : vector<16xf32> to vector<1x16xf32>
          tpu.vector_store %arg12[%swap3A_126, %swap3A_127], %swap3A_130 {strides = array<i32>} : memref<80x128xf32, #tpu.memory_space<vmem>>, vector<1x16xf32>,
          %add3A_131 = arith.constant 0 : i32
          %add3A_132 = arith.addi %add3A_92, %add3A_131 : i32
          %get3A_133 = arith.index_cast %add3A_132 : i32 to index
          %get3A_134 = arith.constant 32 : index
          %get3A_135 = tpu.vector_load %arg12[%get3A_133, %get3A_134] {strides = array<i32>} : memref<80x128xf32, #tpu.memory_space<vmem>>, vector<1x16xf32>,
          %get3A_136 = vector.shape_cast %get3A_135 : vector<1x16xf32> to vector<16xf32>
          %add3A_137 = arith.constant 0 : i32
          %add3A_138 = arith.addi %add3A_92, %add3A_137 : i32
          %get3A_139 = arith.index_cast %add3A_138 : i32 to index
          %get3A_140 = arith.constant 32 : index
          %get3A_141 = tpu.vector_load %arg10[%get3A_139, %get3A_140] {strides = array<i32>} : memref<80x128xf32, #tpu.memory_space<vmem>>, vector<1x16xf32>,
          %get3A_142 = vector.shape_cast %get3A_141 : vector<1x16xf32> to vector<16xf32>
          %mul3A_143 = arith.mulf %get3A_136, %get3A_142 : vector<16xf32>
          %add3A_144 = arith.constant 0 : i32
          %add3A_145 = arith.addi %add3A_92, %add3A_144 : i32
          %swap3A_146 = arith.index_cast %add3A_145 : i32 to index
          %swap3A_147 = arith.constant 32 : index
          %swap3A_148 = tpu.vector_load %arg12[%swap3A_146, %swap3A_147] {strides = array<i32>} : memref<80x128xf32, #tpu.memory_space<vmem>>, vector<1x16xf32>,
          %swap3A_149 = vector.shape_cast %swap3A_148 : vector<1x16xf32> to vector<16xf32>
          %swap3A_150 = vector.shape_cast %mul3A_143 : vector<16xf32> to vector<1x16xf32>
          tpu.vector_store %arg12[%swap3A_146, %swap3A_147], %swap3A_150 {strides = array<i32>} : memref<80x128xf32, #tpu.memory_space<vmem>>, vector<1x16xf32>,
          %add3A_151 = arith.constant 0 : i32
          %add3A_152 = arith.addi %add3A_92, %add3A_151 : i32
          %get3A_153 = arith.index_cast %add3A_152 : i32 to index
          %get3A_154 = arith.constant 48 : index
          %get3A_155 = tpu.vector_load %arg12[%get3A_153, %get3A_154] {strides = array<i32>} : memref<80x128xf32, #tpu.memory_space<vmem>>, vector<1x16xf32>,
          %get3A_156 = vector.shape_cast %get3A_155 : vector<1x16xf32> to vector<16xf32>
          %add3A_157 = arith.constant 0 : i32
          %add3A_158 = arith.addi %add3A_92, %add3A_157 : i32
          %get3A_159 = arith.index_cast %add3A_158 : i32 to index
          %get3A_160 = arith.constant 48 : index
          %get3A_161 = tpu.vector_load %arg10[%get3A_159, %get3A_160] {strides = array<i32>} : memref<80x128xf32, #tpu.memory_space<vmem>>, vector<1x16xf32>,
          %get3A_162 = vector.shape_cast %get3A_161 : vector<1x16xf32> to vector<16xf32>
          %mul3A_163 = arith.mulf %get3A_156, %get3A_162 : vector<16xf32>
          %add3A_164 = arith.constant 0 : i32
          %add3A_165 = arith.addi %add3A_92, %add3A_164 : i32
          %swap3A_166 = arith.index_cast %add3A_165 : i32 to index
          %swap3A_167 = arith.constant 48 : index
          %swap3A_168 = tpu.vector_load %arg12[%swap3A_166, %swap3A_167] {strides = array<i32>} : memref<80x128xf32, #tpu.memory_space<vmem>>, vector<1x16xf32>,
          %swap3A_169 = vector.shape_cast %swap3A_168 : vector<1x16xf32> to vector<16xf32>
          %swap3A_170 = vector.shape_cast %mul3A_163 : vector<16xf32> to vector<1x16xf32>
          tpu.vector_store %arg12[%swap3A_166, %swap3A_167], %swap3A_170 {strides = array<i32>} : memref<80x128xf32, #tpu.memory_space<vmem>>, vector<1x16xf32>,
          %add3A_171 = arith.constant 0 : i32
          %add3A_172 = arith.addi %add3A_92, %add3A_171 : i32
          %get3A_173 = arith.index_cast %add3A_172 : i32 to index
          %get3A_174 = arith.constant 64 : index
          %get3A_175 = tpu.vector_load %arg12[%get3A_173, %get3A_174] {strides = array<i32>} : memref<80x128xf32, #tpu.memory_space<vmem>>, vector<1x16xf32>,
          %get3A_176 = vector.shape_cast %get3A_175 : vector<1x16xf32> to vector<16xf32>
          %add3A_177 = arith.constant 0 : i32
          %add3A_178 = arith.addi %add3A_92, %add3A_177 : i32
          %get3A_179 = arith.index_cast %add3A_178 : i32 to index
          %get3A_180 = arith.constant 64 : index
          %get3A_181 = tpu.vector_load %arg10[%get3A_179, %get3A_180] {strides = array<i32>} : memref<80x128xf32, #tpu.memory_space<vmem>>, vector<1x16xf32>,
          %get3A_182 = vector.shape_cast %get3A_181 : vector<1x16xf32> to vector<16xf32>
          %mul3A_183 = arith.mulf %get3A_176, %get3A_182 : vector<16xf32>
          %add3A_184 = arith.constant 0 : i32
          %add3A_185 = arith.addi %add3A_92, %add3A_184 : i32
          %swap3A_186 = arith.index_cast %add3A_185 : i32 to index
          %swap3A_187 = arith.constant 64 : index
          %swap3A_188 = tpu.vector_load %arg12[%swap3A_186, %swap3A_187] {strides = array<i32>} : memref<80x128xf32, #tpu.memory_space<vmem>>, vector<1x16xf32>,
          %swap3A_189 = vector.shape_cast %swap3A_188 : vector<1x16xf32> to vector<16xf32>
          %swap3A_190 = vector.shape_cast %mul3A_183 : vector<16xf32> to vector<1x16xf32>
          tpu.vector_store %arg12[%swap3A_186, %swap3A_187], %swap3A_190 {strides = array<i32>} : memref<80x128xf32, #tpu.memory_space<vmem>>, vector<1x16xf32>,
          %add3A_191 = arith.constant 0 : i32
          %add3A_192 = arith.addi %add3A_92, %add3A_191 : i32
          %get3A_193 = arith.index_cast %add3A_192 : i32 to index
          %get3A_194 = arith.constant 80 : index
          %get3A_195 = tpu.vector_load %arg12[%get3A_193, %get3A_194] {strides = array<i32>} : memref<80x128xf32, #tpu.memory_space<vmem>>, vector<1x16xf32>,
          %get3A_196 = vector.shape_cast %get3A_195 : vector<1x16xf32> to vector<16xf32>
          %add3A_197 = arith.constant 0 : i32
          %add3A_198 = arith.addi %add3A_92, %add3A_197 : i32
          %get3A_199 = arith.index_cast %add3A_198 : i32 to index
          %get3A_200 = arith.constant 80 : index
          %get3A_201 = tpu.vector_load %arg10[%get3A_199, %get3A_200] {strides = array<i32>} : memref<80x128xf32, #tpu.memory_space<vmem>>, vector<1x16xf32>,
          %get3A_202 = vector.shape_cast %get3A_201 : vector<1x16xf32> to vector<16xf32>
          %mul3A_203 = arith.mulf %get3A_196, %get3A_202 : vector<16xf32>
          %add3A_204 = arith.constant 0 : i32
          %add3A_205 = arith.addi %add3A_92, %add3A_204 : i32
          %swap3A_206 = arith.index_cast %add3A_205 : i32 to index
          %swap3A_207 = arith.constant 80 : index
          %swap3A_208 = tpu.vector_load %arg12[%swap3A_206, %swap3A_207] {strides = array<i32>} : memref<80x128xf32, #tpu.memory_space<vmem>>, vector<1x16xf32>,
          %swap3A_209 = vector.shape_cast %swap3A_208 : vector<1x16xf32> to vector<16xf32>
          %swap3A_210 = vector.shape_cast %mul3A_203 : vector<16xf32> to vector<1x16xf32>
          tpu.vector_store %arg12[%swap3A_206, %swap3A_207], %swap3A_210 {strides = array<i32>} : memref<80x128xf32, #tpu.memory_space<vmem>>, vector<1x16xf32>,
          %add3A_211 = arith.constant 0 : i32
          %add3A_212 = arith.addi %add3A_92, %add3A_211 : i32
          %get3A_213 = arith.index_cast %add3A_212 : i32 to index
          %get3A_214 = arith.constant 96 : index
          %get3A_215 = tpu.vector_load %arg12[%get3A_213, %get3A_214] {strides = array<i32>} : memref<80x128xf32, #tpu.memory_space<vmem>>, vector<1x16xf32>,
          %get3A_216 = vector.shape_cast %get3A_215 : vector<1x16xf32> to vector<16xf32>
          %add3A_217 = arith.constant 0 : i32
          %add3A_218 = arith.addi %add3A_92, %add3A_217 : i32
          %get3A_219 = arith.index_cast %add3A_218 : i32 to index
          %get3A_220 = arith.constant 96 : index
          %get3A_221 = tpu.vector_load %arg10[%get3A_219, %get3A_220] {strides = array<i32>} : memref<80x128xf32, #tpu.memory_space<vmem>>, vector<1x16xf32>,
          %get3A_222 = vector.shape_cast %get3A_221 : vector<1x16xf32> to vector<16xf32>
          %mul3A_223 = arith.mulf %get3A_216, %get3A_222 : vector<16xf32>
          %add3A_224 = arith.constant 0 : i32
          %add3A_225 = arith.addi %add3A_92, %add3A_224 : i32
          %swap3A_226 = arith.index_cast %add3A_225 : i32 to index
          %swap3A_227 = arith.constant 96 : index
          %swap3A_228 = tpu.vector_load %arg12[%swap3A_226, %swap3A_227] {strides = array<i32>} : memref<80x128xf32, #tpu.memory_space<vmem>>, vector<1x16xf32>,
          %swap3A_229 = vector.shape_cast %swap3A_228 : vector<1x16xf32> to vector<16xf32>
          %swap3A_230 = vector.shape_cast %mul3A_223 : vector<16xf32> to vector<1x16xf32>
          tpu.vector_store %arg12[%swap3A_226, %swap3A_227], %swap3A_230 {strides = array<i32>} : memref<80x128xf32, #tpu.memory_space<vmem>>, vector<1x16xf32>,
          %add3A_231 = arith.constant 0 : i32
          %add3A_232 = arith.addi %add3A_92, %add3A_231 : i32
          %get3A_233 = arith.index_cast %add3A_232 : i32 to index
          %get3A_234 = arith.constant 112 : index
          %get3A_235 = tpu.vector_load %arg12[%get3A_233, %get3A_234] {strides = array<i32>} : memref<80x128xf32, #tpu.memory_space<vmem>>, vector<1x16xf32>,
          %get3A_236 = vector.shape_cast %get3A_235 : vector<1x16xf32> to vector<16xf32>
          %add3A_237 = arith.constant 0 : i32
          %add3A_238 = arith.addi %add3A_92, %add3A_237 : i32
          %get3A_239 = arith.index_cast %add3A_238 : i32 to index
          %get3A_240 = arith.constant 112 : index
          %get3A_241 = tpu.vector_load %arg10[%get3A_239, %get3A_240] {strides = array<i32>} : memref<80x128xf32, #tpu.memory_space<vmem>>, vector<1x16xf32>,
          %get3A_242 = vector.shape_cast %get3A_241 : vector<1x16xf32> to vector<16xf32>
          %mul3A_243 = arith.mulf %get3A_236, %get3A_242 : vector<16xf32>
          %add3A_244 = arith.constant 0 : i32
          %add3A_245 = arith.addi %add3A_92, %add3A_244 : i32
          %swap3A_246 = arith.index_cast %add3A_245 : i32 to index
          %swap3A_247 = arith.constant 112 : index
          %swap3A_248 = tpu.vector_load %arg12[%swap3A_246, %swap3A_247] {strides = array<i32>} : memref<80x128xf32, #tpu.memory_space<vmem>>, vector<1x16xf32>,
          %swap3A_249 = vector.shape_cast %swap3A_248 : vector<1x16xf32> to vector<16xf32>
          %swap3A_250 = vector.shape_cast %mul3A_243 : vector<16xf32> to vector<1x16xf32>
          tpu.vector_store %arg12[%swap3A_246, %swap3A_247], %swap3A_250 {strides = array<i32>} : memref<80x128xf32, #tpu.memory_space<vmem>>, vector<1x16xf32>,
          %add3A_251 = arith.constant 1 : i32
          %add3A_252 = arith.addi %add3A_92, %add3A_251 : i32
          %get3A_253 = arith.index_cast %add3A_252 : i32 to index
          %get3A_254 = arith.constant 0 : index
          %get3A_255 = tpu.vector_load %arg12[%get3A_253, %get3A_254] {strides = array<i32>} : memref<80x128xf32, #tpu.memory_space<vmem>>, vector<1x16xf32>,
          %get3A_256 = vector.shape_cast %get3A_255 : vector<1x16xf32> to vector<16xf32>
          %add3A_257 = arith.constant 1 : i32
          %add3A_258 = arith.addi %add3A_92, %add3A_257 : i32
          %get3A_259 = arith.index_cast %add3A_258 : i32 to index
          %get3A_260 = arith.constant 0 : index
          %get3A_261 = tpu.vector_load %arg10[%get3A_259, %get3A_260] {strides = array<i32>} : memref<80x128xf32, #tpu.memory_space<vmem>>, vector<1x16xf32>,
          %get3A_262 = vector.shape_cast %get3A_261 : vector<1x16xf32> to vector<16xf32>
          %mul3A_263 = arith.mulf %get3A_256, %get3A_262 : vector<16xf32>
          %add3A_264 = arith.constant 1 : i32
          %add3A_265 = arith.addi %add3A_92, %add3A_264 : i32
          %swap3A_266 = arith.index_cast %add3A_265 : i32 to index
          %swap3A_267 = arith.constant 0 : index
          %swap3A_268 = tpu.vector_load %arg12[%swap3A_266, %swap3A_267] {strides = array<i32>} : memref<80x128xf32, #tpu.memory_space<vmem>>, vector<1x16xf32>,
          %swap3A_269 = vector.shape_cast %swap3A_268 : vector<1x16xf32> to vector<16xf32>
          %swap3A_270 = vector.shape_cast %mul3A_263 : vector<16xf32> to vector<1x16xf32>
          tpu.vector_store %arg12[%swap3A_266, %swap3A_267], %swap3A_270 {strides = array<i32>} : memref<80x128xf32, #tpu.memory_space<vmem>>, vector<1x16xf32>,
          %add3A_271 = arith.constant 1 : i32
          %add3A_272 = arith.addi %add3A_92, %add3A_271 : i32
          %get3A_273 = arith.index_cast %add3A_272 : i32 to index
          %get3A_274 = arith.constant 16 : index
          %get3A_275 = tpu.vector_load %arg12[%get3A_273, %get3A_274] {strides = array<i32>} : memref<80x128xf32, #tpu.memory_space<vmem>>, vector<1x16xf32>,
          %get3A_276 = vector.shape_cast %get3A_275 : vector<1x16xf32> to vector<16xf32>
          %add3A_277 = arith.constant 1 : i32
          %add3A_278 = arith.addi %add3A_92, %add3A_277 : i32
          %get3A_279 = arith.index_cast %add3A_278 : i32 to index
          %get3A_280 = arith.constant 16 : index
          %get3A_281 = tpu.vector_load %arg10[%get3A_279, %get3A_280] {strides = array<i32>} : memref<80x128xf32, #tpu.memory_space<vmem>>, vector<1x16xf32>,
          %get3A_282 = vector.shape_cast %get3A_281 : vector<1x16xf32> to vector<16xf32>
          %mul3A_283 = arith.mulf %get3A_276, %get3A_282 : vector<16xf32>
          %add3A_284 = arith.constant 1 : i32
          %add3A_285 = arith.addi %add3A_92, %add3A_284 : i32
          %swap3A_286 = arith.index_cast %add3A_285 : i32 to index
          %swap3A_287 = arith.constant 16 : index
          %swap3A_288 = tpu.vector_load %arg12[%swap3A_286, %swap3A_287] {strides = array<i32>} : memref<80x128xf32, #tpu.memory_space<vmem>>, vector<1x16xf32>,
          %swap3A_289 = vector.shape_cast %swap3A_288 : vector<1x16xf32> to vector<16xf32>
          %swap3A_290 = vector.shape_cast %mul3A_283 : vector<16xf32> to vector<1x16xf32>
          tpu.vector_store %arg12[%swap3A_286, %swap3A_287], %swap3A_290 {strides = array<i32>} : memref<80x128xf32, #tpu.memory_space<vmem>>, vector<1x16xf32>,
          %add3A_291 = arith.constant 1 : i32
          %add3A_292 = arith.addi %add3A_92, %add3A_291 : i32
          %get3A_293 = arith.index_cast %add3A_292 : i32 to index
          %get3A_294 = arith.constant 32 : index
          %get3A_295 = tpu.vector_load %arg12[%get3A_293, %get3A_294] {strides = array<i32>} : memref<80x128xf32, #tpu.memory_space<vmem>>, vector<1x16xf32>,
          %get3A_296 = vector.shape_cast %get3A_295 : vector<1x16xf32> to vector<16xf32>
          %add3A_297 = arith.constant 1 : i32
          %add3A_298 = arith.addi %add3A_92, %add3A_297 : i32
          %get3A_299 = arith.index_cast %add3A_298 : i32 to index
          %get3A_300 = arith.constant 32 : index
          %get3A_301 = tpu.vector_load %arg10[%get3A_299, %get3A_300] {strides = array<i32>} : memref<80x128xf32, #tpu.memory_space<vmem>>, vector<1x16xf32>,
          %get3A_302 = vector.shape_cast %get3A_301 : vector<1x16xf32> to vector<16xf32>
          %mul3A_303 = arith.mulf %get3A_296, %get3A_302 : vector<16xf32>
          %add3A_304 = arith.constant 1 : i32
          %add3A_305 = arith.addi %add3A_92, %add3A_304 : i32
          %swap3A_306 = arith.index_cast %add3A_305 : i32 to index
          %swap3A_307 = arith.constant 32 : index
          %swap3A_308 = tpu.vector_load %arg12[%swap3A_306, %swap3A_307] {strides = array<i32>} : memref<80x128xf32, #tpu.memory_space<vmem>>, vector<1x16xf32>,
          %swap3A_309 = vector.shape_cast %swap3A_308 : vector<1x16xf32> to vector<16xf32>
          %swap3A_310 = vector.shape_cast %mul3A_303 : vector<16xf32> to vector<1x16xf32>
          tpu.vector_store %arg12[%swap3A_306, %swap3A_307], %swap3A_310 {strides = array<i32>} : memref<80x128xf32, #tpu.memory_space<vmem>>, vector<1x16xf32>,
          %add3A_311 = arith.constant 1 : i32
          %add3A_312 = arith.addi %add3A_92, %add3A_311 : i32
          %get3A_313 = arith.index_cast %add3A_312 : i32 to index
          %get3A_314 = arith.constant 48 : index
          %get3A_315 = tpu.vector_load %arg12[%get3A_313, %get3A_314] {strides = array<i32>} : memref<80x128xf32, #tpu.memory_space<vmem>>, vector<1x16xf32>,
          %get3A_316 = vector.shape_cast %get3A_315 : vector<1x16xf32> to vector<16xf32>
          %add3A_317 = arith.constant 1 : i32
          %add3A_318 = arith.addi %add3A_92, %add3A_317 : i32
          %get3A_319 = arith.index_cast %add3A_318 : i32 to index
          %get3A_320 = arith.constant 48 : index
          %get3A_321 = tpu.vector_load %arg10[%get3A_319, %get3A_320] {strides = array<i32>} : memref<80x128xf32, #tpu.memory_space<vmem>>, vector<1x16xf32>,
          %get3A_322 = vector.shape_cast %get3A_321 : vector<1x16xf32> to vector<16xf32>
          %mul3A_323 = arith.mulf %get3A_316, %get3A_322 : vector<16xf32>
          %add3A_324 = arith.constant 1 : i32
          %add3A_325 = arith.addi %add3A_92, %add3A_324 : i32
          %swap3A_326 = arith.index_cast %add3A_325 : i32 to index
          %swap3A_327 = arith.constant 48 : index
          %swap3A_328 = tpu.vector_load %arg12[%swap3A_326, %swap3A_327] {strides = array<i32>} : memref<80x128xf32, #tpu.memory_space<vmem>>, vector<1x16xf32>,
          %swap3A_329 = vector.shape_cast %swap3A_328 : vector<1x16xf32> to vector<16xf32>
          %swap3A_330 = vector.shape_cast %mul3A_323 : vector<16xf32> to vector<1x16xf32>
          tpu.vector_store %arg12[%swap3A_326, %swap3A_327], %swap3A_330 {strides = array<i32>} : memref<80x128xf32, #tpu.memory_space<vmem>>, vector<1x16xf32>,
          %add3A_331 = arith.constant 1 : i32
          %add3A_332 = arith.addi %add3A_92, %add3A_331 : i32
          %get3A_333 = arith.index_cast %add3A_332 : i32 to index
          %get3A_334 = arith.constant 64 : index
          %get3A_335 = tpu.vector_load %arg12[%get3A_333, %get3A_334] {strides = array<i32>} : memref<80x128xf32, #tpu.memory_space<vmem>>, vector<1x16xf32>,
          %get3A_336 = vector.shape_cast %get3A_335 : vector<1x16xf32> to vector<16xf32>
          %add3A_337 = arith.constant 1 : i32
          %add3A_338 = arith.addi %add3A_92, %add3A_337 : i32
          %get3A_339 = arith.index_cast %add3A_338 : i32 to index
          %get3A_340 = arith.constant 64 : index
          %get3A_341 = tpu.vector_load %arg10[%get3A_339, %get3A_340] {strides = array<i32>} : memref<80x128xf32, #tpu.memory_space<vmem>>, vector<1x16xf32>,
          %get3A_342 = vector.shape_cast %get3A_341 : vector<1x16xf32> to vector<16xf32>
          %mul3A_343 = arith.mulf %get3A_336, %get3A_342 : vector<16xf32>
          %add3A_344 = arith.constant 1 : i32
          %add3A_345 = arith.addi %add3A_92, %add3A_344 : i32
          %swap3A_346 = arith.index_cast %add3A_345 : i32 to index
          %swap3A_347 = arith.constant 64 : index
          %swap3A_348 = tpu.vector_load %arg12[%swap3A_346, %swap3A_347] {strides = array<i32>} : memref<80x128xf32, #tpu.memory_space<vmem>>, vector<1x16xf32>,
          %swap3A_349 = vector.shape_cast %swap3A_348 : vector<1x16xf32> to vector<16xf32>
          %swap3A_350 = vector.shape_cast %mul3A_343 : vector<16xf32> to vector<1x16xf32>
          tpu.vector_store %arg12[%swap3A_346, %swap3A_347], %swap3A_350 {strides = array<i32>} : memref<80x128xf32, #tpu.memory_space<vmem>>, vector<1x16xf32>,
          %add3A_351 = arith.constant 1 : i32
          %add3A_352 = arith.addi %add3A_92, %add3A_351 : i32
          %get3A_353 = arith.index_cast %add3A_352 : i32 to index
          %get3A_354 = arith.constant 80 : index
          %get3A_355 = tpu.vector_load %arg12[%get3A_353, %get3A_354] {strides = array<i32>} : memref<80x128xf32, #tpu.memory_space<vmem>>, vector<1x16xf32>,
          %get3A_356 = vector.shape_cast %get3A_355 : vector<1x16xf32> to vector<16xf32>
          %add3A_357 = arith.constant 1 : i32
          %add3A_358 = arith.addi %add3A_92, %add3A_357 : i32
          %get3A_359 = arith.index_cast %add3A_358 : i32 to index
          %get3A_360 = arith.constant 80 : index
          %get3A_361 = tpu.vector_load %arg10[%get3A_359, %get3A_360] {strides = array<i32>} : memref<80x128xf32, #tpu.memory_space<vmem>>, vector<1x16xf32>,
          %get3A_362 = vector.shape_cast %get3A_361 : vector<1x16xf32> to vector<16xf32>
          %mul3A_363 = arith.mulf %get3A_356, %get3A_362 : vector<16xf32>
          %add3A_364 = arith.constant 1 : i32
          %add3A_365 = arith.addi %add3A_92, %add3A_364 : i32
          %swap3A_366 = arith.index_cast %add3A_365 : i32 to index
          %swap3A_367 = arith.constant 80 : index
          %swap3A_368 = tpu.vector_load %arg12[%swap3A_366, %swap3A_367] {strides = array<i32>} : memref<80x128xf32, #tpu.memory_space<vmem>>, vector<1x16xf32>,
          %swap3A_369 = vector.shape_cast %swap3A_368 : vector<1x16xf32> to vector<16xf32>
          %swap3A_370 = vector.shape_cast %mul3A_363 : vector<16xf32> to vector<1x16xf32>
          tpu.vector_store %arg12[%swap3A_366, %swap3A_367], %swap3A_370 {strides = array<i32>} : memref<80x128xf32, #tpu.memory_space<vmem>>, vector<1x16xf32>,
          %add3A_371 = arith.constant 1 : i32
          %add3A_372 = arith.addi %add3A_92, %add3A_371 : i32
          %get3A_373 = arith.index_cast %add3A_372 : i32 to index
          %get3A_374 = arith.constant 96 : index
          %get3A_375 = tpu.vector_load %arg12[%get3A_373, %get3A_374] {strides = array<i32>} : memref<80x128xf32, #tpu.memory_space<vmem>>, vector<1x16xf32>,
          %get3A_376 = vector.shape_cast %get3A_375 : vector<1x16xf32> to vector<16xf32>
          %add3A_377 = arith.constant 1 : i32
          %add3A_378 = arith.addi %add3A_92, %add3A_377 : i32
          %get3A_379 = arith.index_cast %add3A_378 : i32 to index
          %get3A_380 = arith.constant 96 : index
          %get3A_381 = tpu.vector_load %arg10[%get3A_379, %get3A_380] {strides = array<i32>} : memref<80x128xf32, #tpu.memory_space<vmem>>, vector<1x16xf32>,
          %get3A_382 = vector.shape_cast %get3A_381 : vector<1x16xf32> to vector<16xf32>
          %mul3A_383 = arith.mulf %get3A_376, %get3A_382 : vector<16xf32>
          %add3A_384 = arith.constant 1 : i32
          %add3A_385 = arith.addi %add3A_92, %add3A_384 : i32
          %swap3A_386 = arith.index_cast %add3A_385 : i32 to index
          %swap3A_387 = arith.constant 96 : index
          %swap3A_388 = tpu.vector_load %arg12[%swap3A_386, %swap3A_387] {strides = array<i32>} : memref<80x128xf32, #tpu.memory_space<vmem>>, vector<1x16xf32>,
          %swap3A_389 = vector.shape_cast %swap3A_388 : vector<1x16xf32> to vector<16xf32>
          %swap3A_390 = vector.shape_cast %mul3A_383 : vector<16xf32> to vector<1x16xf32>
          tpu.vector_store %arg12[%swap3A_386, %swap3A_387], %swap3A_390 {strides = array<i32>} : memref<80x128xf32, #tpu.memory_space<vmem>>, vector<1x16xf32>,
          %add3A_391 = arith.constant 1 : i32
          %add3A_392 = arith.addi %add3A_92, %add3A_391 : i32
          %get3A_393 = arith.index_cast %add3A_392 : i32 to index
          %get3A_394 = arith.constant 112 : index
          %get3A_395 = tpu.vector_load %arg12[%get3A_393, %get3A_394] {strides = array<i32>} : memref<80x128xf32, #tpu.memory_space<vmem>>, vector<1x16xf32>,
          %get3A_396 = vector.shape_cast %get3A_395 : vector<1x16xf32> to vector<16xf32>
          %add3A_397 = arith.constant 1 : i32
          %add3A_398 = arith.addi %add3A_92, %add3A_397 : i32
          %get3A_399 = arith.index_cast %add3A_398 : i32 to index
          %get3A_400 = arith.constant 112 : index
          %get3A_401 = tpu.vector_load %arg10[%get3A_399, %get3A_400] {strides = array<i32>} : memref<80x128xf32, #tpu.memory_space<vmem>>, vector<1x16xf32>,
          %get3A_402 = vector.shape_cast %get3A_401 : vector<1x16xf32> to vector<16xf32>
          %mul3A_403 = arith.mulf %get3A_396, %get3A_402 : vector<16xf32>
          %add3A_404 = arith.constant 1 : i32
          %add3A_405 = arith.addi %add3A_92, %add3A_404 : i32
          %swap3A_406 = arith.index_cast %add3A_405 : i32 to index
          %swap3A_407 = arith.constant 112 : index
          %swap3A_408 = tpu.vector_load %arg12[%swap3A_406, %swap3A_407] {strides = array<i32>} : memref<80x128xf32, #tpu.memory_space<vmem>>, vector<1x16xf32>,
          %swap3A_409 = vector.shape_cast %swap3A_408 : vector<1x16xf32> to vector<16xf32>
          %swap3A_410 = vector.shape_cast %mul3A_403 : vector<16xf32> to vector<1x16xf32>
          tpu.vector_store %arg12[%swap3A_406, %swap3A_407], %swap3A_410 {strides = array<i32>} : memref<80x128xf32, #tpu.memory_space<vmem>>, vector<1x16xf32>,
          %add3A_411 = arith.constant 2 : i32
          %add3A_412 = arith.addi %add3A_92, %add3A_411 : i32
          %get3A_413 = arith.index_cast %add3A_412 : i32 to index
          %get3A_414 = arith.constant 0 : index
          %get3A_415 = tpu.vector_load %arg12[%get3A_413, %get3A_414] {strides = array<i32>} : memref<80x128xf32, #tpu.memory_space<vmem>>, vector<1x16xf32>,
          %get3A_416 = vector.shape_cast %get3A_415 : vector<1x16xf32> to vector<16xf32>
          %add3A_417 = arith.constant 2 : i32
          %add3A_418 = arith.addi %add3A_92, %add3A_417 : i32
          %get3A_419 = arith.index_cast %add3A_418 : i32 to index
          %get3A_420 = arith.constant 0 : index
          %get3A_421 = tpu.vector_load %arg10[%get3A_419, %get3A_420] {strides = array<i32>} : memref<80x128xf32, #tpu.memory_space<vmem>>, vector<1x16xf32>,
          %get3A_422 = vector.shape_cast %get3A_421 : vector<1x16xf32> to vector<16xf32>
          %mul3A_423 = arith.mulf %get3A_416, %get3A_422 : vector<16xf32>
          %add3A_424 = arith.constant 2 : i32
          %add3A_425 = arith.addi %add3A_92, %add3A_424 : i32
          %swap3A_426 = arith.index_cast %add3A_425 : i32 to index
          %swap3A_427 = arith.constant 0 : index
          %swap3A_428 = tpu.vector_load %arg12[%swap3A_426, %swap3A_427] {strides = array<i32>} : memref<80x128xf32, #tpu.memory_space<vmem>>, vector<1x16xf32>,
          %swap3A_429 = vector.shape_cast %swap3A_428 : vector<1x16xf32> to vector<16xf32>
          %swap3A_430 = vector.shape_cast %mul3A_423 : vector<16xf32> to vector<1x16xf32>
          tpu.vector_store %arg12[%swap3A_426, %swap3A_427], %swap3A_430 {strides = array<i32>} : memref<80x128xf32, #tpu.memory_space<vmem>>, vector<1x16xf32>,
          %add3A_431 = arith.constant 2 : i32
          %add3A_432 = arith.addi %add3A_92, %add3A_431 : i32
          %get3A_433 = arith.index_cast %add3A_432 : i32 to index
          %get3A_434 = arith.constant 16 : index
          %get3A_435 = tpu.vector_load %arg12[%get3A_433, %get3A_434] {strides = array<i32>} : memref<80x128xf32, #tpu.memory_space<vmem>>, vector<1x16xf32>,
          %get3A_436 = vector.shape_cast %get3A_435 : vector<1x16xf32> to vector<16xf32>
          %add3A_437 = arith.constant 2 : i32
          %add3A_438 = arith.addi %add3A_92, %add3A_437 : i32
          %get3A_439 = arith.index_cast %add3A_438 : i32 to index
          %get3A_440 = arith.constant 16 : index
          %get3A_441 = tpu.vector_load %arg10[%get3A_439, %get3A_440] {strides = array<i32>} : memref<80x128xf32, #tpu.memory_space<vmem>>, vector<1x16xf32>,
          %get3A_442 = vector.shape_cast %get3A_441 : vector<1x16xf32> to vector<16xf32>
          %mul3A_443 = arith.mulf %get3A_436, %get3A_442 : vector<16xf32>
          %add3A_444 = arith.constant 2 : i32
          %add3A_445 = arith.addi %add3A_92, %add3A_444 : i32
          %swap3A_446 = arith.index_cast %add3A_445 : i32 to index
          %swap3A_447 = arith.constant 16 : index
          %swap3A_448 = tpu.vector_load %arg12[%swap3A_446, %swap3A_447] {strides = array<i32>} : memref<80x128xf32, #tpu.memory_space<vmem>>, vector<1x16xf32>,
          %swap3A_449 = vector.shape_cast %swap3A_448 : vector<1x16xf32> to vector<16xf32>
          %swap3A_450 = vector.shape_cast %mul3A_443 : vector<16xf32> to vector<1x16xf32>
          tpu.vector_store %arg12[%swap3A_446, %swap3A_447], %swap3A_450 {strides = array<i32>} : memref<80x128xf32, #tpu.memory_space<vmem>>, vector<1x16xf32>,
          %add3A_451 = arith.constant 2 : i32
          %add3A_452 = arith.addi %add3A_92, %add3A_451 : i32
          %get3A_453 = arith.index_cast %add3A_452 : i32 to index
          %get3A_454 = arith.constant 32 : index
          %get3A_455 = tpu.vector_load %arg12[%get3A_453, %get3A_454] {strides = array<i32>} : memref<80x128xf32, #tpu.memory_space<vmem>>, vector<1x16xf32>,
          %get3A_456 = vector.shape_cast %get3A_455 : vector<1x16xf32> to vector<16xf32>
          %add3A_457 = arith.constant 2 : i32
          %add3A_458 = arith.addi %add3A_92, %add3A_457 : i32
          %get3A_459 = arith.index_cast %add3A_458 : i32 to index
          %get3A_460 = arith.constant 32 : index
          %get3A_461 = tpu.vector_load %arg10[%get3A_459, %get3A_460] {strides = array<i32>} : memref<80x128xf32, #tpu.memory_space<vmem>>, vector<1x16xf32>,
          %get3A_462 = vector.shape_cast %get3A_461 : vector<1x16xf32> to vector<16xf32>
          %mul3A_463 = arith.mulf %get3A_456, %get3A_462 : vector<16xf32>
          %add3A_464 = arith.constant 2 : i32
          %add3A_465 = arith.addi %add3A_92, %add3A_464 : i32
          %swap3A_466 = arith.index_cast %add3A_465 : i32 to index
          %swap3A_467 = arith.constant 32 : index
          %swap3A_468 = tpu.vector_load %arg12[%swap3A_466, %swap3A_467] {strides = array<i32>} : memref<80x128xf32, #tpu.memory_space<vmem>>, vector<1x16xf32>,
          %swap3A_469 = vector.shape_cast %swap3A_468 : vector<1x16xf32> to vector<16xf32>
          %swap3A_470 = vector.shape_cast %mul3A_463 : vector<16xf32> to vector<1x16xf32>
          tpu.vector_store %arg12[%swap3A_466, %swap3A_467], %swap3A_470 {strides = array<i32>} : memref<80x128xf32, #tpu.memory_space<vmem>>, vector<1x16xf32>,
          %add3A_471 = arith.constant 2 : i32
          %add3A_472 = arith.addi %add3A_92, %add3A_471 : i32
          %get3A_473 = arith.index_cast %add3A_472 : i32 to index
          %get3A_474 = arith.constant 48 : index
          %get3A_475 = tpu.vector_load %arg12[%get3A_473, %get3A_474] {strides = array<i32>} : memref<80x128xf32, #tpu.memory_space<vmem>>, vector<1x16xf32>,
          %get3A_476 = vector.shape_cast %get3A_475 : vector<1x16xf32> to vector<16xf32>
          %add3A_477 = arith.constant 2 : i32
          %add3A_478 = arith.addi %add3A_92, %add3A_477 : i32
          %get3A_479 = arith.index_cast %add3A_478 : i32 to index
          %get3A_480 = arith.constant 48 : index
          %get3A_481 = tpu.vector_load %arg10[%get3A_479, %get3A_480] {strides = array<i32>} : memref<80x128xf32, #tpu.memory_space<vmem>>, vector<1x16xf32>,
          %get3A_482 = vector.shape_cast %get3A_481 : vector<1x16xf32> to vector<16xf32>
          %mul3A_483 = arith.mulf %get3A_476, %get3A_482 : vector<16xf32>
          %add3A_484 = arith.constant 2 : i32
          %add3A_485 = arith.addi %add3A_92, %add3A_484 : i32
          %swap3A_486 = arith.index_cast %add3A_485 : i32 to index
          %swap3A_487 = arith.constant 48 : index
          %swap3A_488 = tpu.vector_load %arg12[%swap3A_486, %swap3A_487] {strides = array<i32>} : memref<80x128xf32, #tpu.memory_space<vmem>>, vector<1x16xf32>,
          %swap3A_489 = vector.shape_cast %swap3A_488 : vector<1x16xf32> to vector<16xf32>
          %swap3A_490 = vector.shape_cast %mul3A_483 : vector<16xf32> to vector<1x16xf32>
          tpu.vector_store %arg12[%swap3A_486, %swap3A_487], %swap3A_490 {strides = array<i32>} : memref<80x128xf32, #tpu.memory_space<vmem>>, vector<1x16xf32>,
          %add3A_491 = arith.constant 2 : i32
          %add3A_492 = arith.addi %add3A_92, %add3A_491 : i32
          %get3A_493 = arith.index_cast %add3A_492 : i32 to index
          %get3A_494 = arith.constant 64 : index
          %get3A_495 = tpu.vector_load %arg12[%get3A_493, %get3A_494] {strides = array<i32>} : memref<80x128xf32, #tpu.memory_space<vmem>>, vector<1x16xf32>,
          %get3A_496 = vector.shape_cast %get3A_495 : vector<1x16xf32> to vector<16xf32>
          %add3A_497 = arith.constant 2 : i32
          %add3A_498 = arith.addi %add3A_92, %add3A_497 : i32
          %get3A_499 = arith.index_cast %add3A_498 : i32 to index
          %get3A_500 = arith.constant 64 : index
          %get3A_501 = tpu.vector_load %arg10[%get3A_499, %get3A_500] {strides = array<i32>} : memref<80x128xf32, #tpu.memory_space<vmem>>, vector<1x16xf32>,
          %get3A_502 = vector.shape_cast %get3A_501 : vector<1x16xf32> to vector<16xf32>
          %mul3A_503 = arith.mulf %get3A_496, %get3A_502 : vector<16xf32>
          %add3A_504 = arith.constant 2 : i32
          %add3A_505 = arith.addi %add3A_92, %add3A_504 : i32
          %swap3A_506 = arith.index_cast %add3A_505 : i32 to index
          %swap3A_507 = arith.constant 64 : index
          %swap3A_508 = tpu.vector_load %arg12[%swap3A_506, %swap3A_507] {strides = array<i32>} : memref<80x128xf32, #tpu.memory_space<vmem>>, vector<1x16xf32>,
          %swap3A_509 = vector.shape_cast %swap3A_508 : vector<1x16xf32> to vector<16xf32>
          %swap3A_510 = vector.shape_cast %mul3A_503 : vector<16xf32> to vector<1x16xf32>
          tpu.vector_store %arg12[%swap3A_506, %swap3A_507], %swap3A_510 {strides = array<i32>} : memref<80x128xf32, #tpu.memory_space<vmem>>, vector<1x16xf32>,
          %add3A_511 = arith.constant 2 : i32
          %add3A_512 = arith.addi %add3A_92, %add3A_511 : i32
          %get3A_513 = arith.index_cast %add3A_512 : i32 to index
          %get3A_514 = arith.constant 80 : index
          %get3A_515 = tpu.vector_load %arg12[%get3A_513, %get3A_514] {strides = array<i32>} : memref<80x128xf32, #tpu.memory_space<vmem>>, vector<1x16xf32>,
          %get3A_516 = vector.shape_cast %get3A_515 : vector<1x16xf32> to vector<16xf32>
          %add3A_517 = arith.constant 2 : i32
          %add3A_518 = arith.addi %add3A_92, %add3A_517 : i32
          %get3A_519 = arith.index_cast %add3A_518 : i32 to index
          %get3A_520 = arith.constant 80 : index
          %get3A_521 = tpu.vector_load %arg10[%get3A_519, %get3A_520] {strides = array<i32>} : memref<80x128xf32, #tpu.memory_space<vmem>>, vector<1x16xf32>,
          %get3A_522 = vector.shape_cast %get3A_521 : vector<1x16xf32> to vector<16xf32>
          %mul3A_523 = arith.mulf %get3A_516, %get3A_522 : vector<16xf32>
          %add3A_524 = arith.constant 2 : i32
          %add3A_525 = arith.addi %add3A_92, %add3A_524 : i32
          %swap3A_526 = arith.index_cast %add3A_525 : i32 to index
          %swap3A_527 = arith.constant 80 : index
          %swap3A_528 = tpu.vector_load %arg12[%swap3A_526, %swap3A_527] {strides = array<i32>} : memref<80x128xf32, #tpu.memory_space<vmem>>, vector<1x16xf32>,
          %swap3A_529 = vector.shape_cast %swap3A_528 : vector<1x16xf32> to vector<16xf32>
          %swap3A_530 = vector.shape_cast %mul3A_523 : vector<16xf32> to vector<1x16xf32>
          tpu.vector_store %arg12[%swap3A_526, %swap3A_527], %swap3A_530 {strides = array<i32>} : memref<80x128xf32, #tpu.memory_space<vmem>>, vector<1x16xf32>,
          %add3A_531 = arith.constant 2 : i32
          %add3A_532 = arith.addi %add3A_92, %add3A_531 : i32
          %get3A_533 = arith.index_cast %add3A_532 : i32 to index
          %get3A_534 = arith.constant 96 : index
          %get3A_535 = tpu.vector_load %arg12[%get3A_533, %get3A_534] {strides = array<i32>} : memref<80x128xf32, #tpu.memory_space<vmem>>, vector<1x16xf32>,
          %get3A_536 = vector.shape_cast %get3A_535 : vector<1x16xf32> to vector<16xf32>
          %add3A_537 = arith.constant 2 : i32
          %add3A_538 = arith.addi %add3A_92, %add3A_537 : i32
          %get3A_539 = arith.index_cast %add3A_538 : i32 to index
          %get3A_540 = arith.constant 96 : index
          %get3A_541 = tpu.vector_load %arg10[%get3A_539, %get3A_540] {strides = array<i32>} : memref<80x128xf32, #tpu.memory_space<vmem>>, vector<1x16xf32>,
          %get3A_542 = vector.shape_cast %get3A_541 : vector<1x16xf32> to vector<16xf32>
          %mul3A_543 = arith.mulf %get3A_536, %get3A_542 : vector<16xf32>
          %add3A_544 = arith.constant 2 : i32
          %add3A_545 = arith.addi %add3A_92, %add3A_544 : i32
          %swap3A_546 = arith.index_cast %add3A_545 : i32 to index
          %swap3A_547 = arith.constant 96 : index
          %swap3A_548 = tpu.vector_load %arg12[%swap3A_546, %swap3A_547] {strides = array<i32>} : memref<80x128xf32, #tpu.memory_space<vmem>>, vector<1x16xf32>,
          %swap3A_549 = vector.shape_cast %swap3A_548 : vector<1x16xf32> to vector<16xf32>
          %swap3A_550 = vector.shape_cast %mul3A_543 : vector<16xf32> to vector<1x16xf32>
          tpu.vector_store %arg12[%swap3A_546, %swap3A_547], %swap3A_550 {strides = array<i32>} : memref<80x128xf32, #tpu.memory_space<vmem>>, vector<1x16xf32>,
          %add3A_551 = arith.constant 2 : i32
          %add3A_552 = arith.addi %add3A_92, %add3A_551 : i32
          %get3A_553 = arith.index_cast %add3A_552 : i32 to index
          %get3A_554 = arith.constant 112 : index
          %get3A_555 = tpu.vector_load %arg12[%get3A_553, %get3A_554] {strides = array<i32>} : memref<80x128xf32, #tpu.memory_space<vmem>>, vector<1x16xf32>,
          %get3A_556 = vector.shape_cast %get3A_555 : vector<1x16xf32> to vector<16xf32>
          %add3A_557 = arith.constant 2 : i32
          %add3A_558 = arith.addi %add3A_92, %add3A_557 : i32
          %get3A_559 = arith.index_cast %add3A_558 : i32 to index
          %get3A_560 = arith.constant 112 : index
          %get3A_561 = tpu.vector_load %arg10[%get3A_559, %get3A_560] {strides = array<i32>} : memref<80x128xf32, #tpu.memory_space<vmem>>, vector<1x16xf32>,
          %get3A_562 = vector.shape_cast %get3A_561 : vector<1x16xf32> to vector<16xf32>
          %mul3A_563 = arith.mulf %get3A_556, %get3A_562 : vector<16xf32>
          %add3A_564 = arith.constant 2 : i32
          %add3A_565 = arith.addi %add3A_92, %add3A_564 : i32
          %swap3A_566 = arith.index_cast %add3A_565 : i32 to index
          %swap3A_567 = arith.constant 112 : index
          %swap3A_568 = tpu.vector_load %arg12[%swap3A_566, %swap3A_567] {strides = array<i32>} : memref<80x128xf32, #tpu.memory_space<vmem>>, vector<1x16xf32>,
          %swap3A_569 = vector.shape_cast %swap3A_568 : vector<1x16xf32> to vector<16xf32>
          %swap3A_570 = vector.shape_cast %mul3A_563 : vector<16xf32> to vector<1x16xf32>
          tpu.vector_store %arg12[%swap3A_566, %swap3A_567], %swap3A_570 {strides = array<i32>} : memref<80x128xf32, #tpu.memory_space<vmem>>, vector<1x16xf32>,
          %add3A_571 = arith.constant 3 : i32
          %add3A_572 = arith.addi %add3A_92, %add3A_571 : i32
          %get3A_573 = arith.index_cast %add3A_572 : i32 to index
          %get3A_574 = arith.constant 0 : index
          %get3A_575 = tpu.vector_load %arg12[%get3A_573, %get3A_574] {strides = array<i32>} : memref<80x128xf32, #tpu.memory_space<vmem>>, vector<1x16xf32>,
          %get3A_576 = vector.shape_cast %get3A_575 : vector<1x16xf32> to vector<16xf32>
          %add3A_577 = arith.constant 3 : i32
          %add3A_578 = arith.addi %add3A_92, %add3A_577 : i32
          %get3A_579 = arith.index_cast %add3A_578 : i32 to index
          %get3A_580 = arith.constant 0 : index
          %get3A_581 = tpu.vector_load %arg10[%get3A_579, %get3A_580] {strides = array<i32>} : memref<80x128xf32, #tpu.memory_space<vmem>>, vector<1x16xf32>,
          %get3A_582 = vector.shape_cast %get3A_581 : vector<1x16xf32> to vector<16xf32>
          %mul3A_583 = arith.mulf %get3A_576, %get3A_582 : vector<16xf32>
          %add3A_584 = arith.constant 3 : i32
          %add3A_585 = arith.addi %add3A_92, %add3A_584 : i32
          %swap3A_586 = arith.index_cast %add3A_585 : i32 to index
          %swap3A_587 = arith.constant 0 : index
          %swap3A_588 = tpu.vector_load %arg12[%swap3A_586, %swap3A_587] {strides = array<i32>} : memref<80x128xf32, #tpu.memory_space<vmem>>, vector<1x16xf32>,
          %swap3A_589 = vector.shape_cast %swap3A_588 : vector<1x16xf32> to vector<16xf32>
          %swap3A_590 = vector.shape_cast %mul3A_583 : vector<16xf32> to vector<1x16xf32>
          tpu.vector_store %arg12[%swap3A_586, %swap3A_587], %swap3A_590 {strides = array<i32>} : memref<80x128xf32, #tpu.memory_space<vmem>>, vector<1x16xf32>,
          %add3A_591 = arith.constant 3 : i32
          %add3A_592 = arith.addi %add3A_92, %add3A_591 : i32
          %get3A_593 = arith.index_cast %add3A_592 : i32 to index
          %get3A_594 = arith.constant 16 : index
          %get3A_595 = tpu.vector_load %arg12[%get3A_593, %get3A_594] {strides = array<i32>} : memref<80x128xf32, #tpu.memory_space<vmem>>, vector<1x16xf32>,
          %get3A_596 = vector.shape_cast %get3A_595 : vector<1x16xf32> to vector<16xf32>
          %add3A_597 = arith.constant 3 : i32
          %add3A_598 = arith.addi %add3A_92, %add3A_597 : i32
          %get3A_599 = arith.index_cast %add3A_598 : i32 to index
          %get3A_600 = arith.constant 16 : index
          %get3A_601 = tpu.vector_load %arg10[%get3A_599, %get3A_600] {strides = array<i32>} : memref<80x128xf32, #tpu.memory_space<vmem>>, vector<1x16xf32>,
          %get3A_602 = vector.shape_cast %get3A_601 : vector<1x16xf32> to vector<16xf32>
          %mul3A_603 = arith.mulf %get3A_596, %get3A_602 : vector<16xf32>
          %add3A_604 = arith.constant 3 : i32
          %add3A_605 = arith.addi %add3A_92, %add3A_604 : i32
          %swap3A_606 = arith.index_cast %add3A_605 : i32 to index
          %swap3A_607 = arith.constant 16 : index
          %swap3A_608 = tpu.vector_load %arg12[%swap3A_606, %swap3A_607] {strides = array<i32>} : memref<80x128xf32, #tpu.memory_space<vmem>>, vector<1x16xf32>,
          %swap3A_609 = vector.shape_cast %swap3A_608 : vector<1x16xf32> to vector<16xf32>
          %swap3A_610 = vector.shape_cast %mul3A_603 : vector<16xf32> to vector<1x16xf32>
          tpu.vector_store %arg12[%swap3A_606, %swap3A_607], %swap3A_610 {strides = array<i32>} : memref<80x128xf32, #tpu.memory_space<vmem>>, vector<1x16xf32>,
          %add3A_611 = arith.constant 3 : i32
          %add3A_612 = arith.addi %add3A_92, %add3A_611 : i32
          %get3A_613 = arith.index_cast %add3A_612 : i32 to index
          %get3A_614 = arith.constant 32 : index
          %get3A_615 = tpu.vector_load %arg12[%get3A_613, %get3A_614] {strides = array<i32>} : memref<80x128xf32, #tpu.memory_space<vmem>>, vector<1x16xf32>,
          %get3A_616 = vector.shape_cast %get3A_615 : vector<1x16xf32> to vector<16xf32>
          %add3A_617 = arith.constant 3 : i32
          %add3A_618 = arith.addi %add3A_92, %add3A_617 : i32
          %get3A_619 = arith.index_cast %add3A_618 : i32 to index
          %get3A_620 = arith.constant 32 : index
          %get3A_621 = tpu.vector_load %arg10[%get3A_619, %get3A_620] {strides = array<i32>} : memref<80x128xf32, #tpu.memory_space<vmem>>, vector<1x16xf32>,
          %get3A_622 = vector.shape_cast %get3A_621 : vector<1x16xf32> to vector<16xf32>
          %mul3A_623 = arith.mulf %get3A_616, %get3A_622 : vector<16xf32>
          %add3A_624 = arith.constant 3 : i32
          %add3A_625 = arith.addi %add3A_92, %add3A_624 : i32
          %swap3A_626 = arith.index_cast %add3A_625 : i32 to index
          %swap3A_627 = arith.constant 32 : index
          %swap3A_628 = tpu.vector_load %arg12[%swap3A_626, %swap3A_627] {strides = array<i32>} : memref<80x128xf32, #tpu.memory_space<vmem>>, vector<1x16xf32>,
          %swap3A_629 = vector.shape_cast %swap3A_628 : vector<1x16xf32> to vector<16xf32>
          %swap3A_630 = vector.shape_cast %mul3A_623 : vector<16xf32> to vector<1x16xf32>
          tpu.vector_store %arg12[%swap3A_626, %swap3A_627], %swap3A_630 {strides = array<i32>} : memref<80x128xf32, #tpu.memory_space<vmem>>, vector<1x16xf32>,
          %add3A_631 = arith.constant 3 : i32
          %add3A_632 = arith.addi %add3A_92, %add3A_631 : i32
          %get3A_633 = arith.index_cast %add3A_632 : i32 to index
          %get3A_634 = arith.constant 48 : index
          %get3A_635 = tpu.vector_load %arg12[%get3A_633, %get3A_634] {strides = array<i32>} : memref<80x128xf32, #tpu.memory_space<vmem>>, vector<1x16xf32>,
          %get3A_636 = vector.shape_cast %get3A_635 : vector<1x16xf32> to vector<16xf32>
          %add3A_637 = arith.constant 3 : i32
          %add3A_638 = arith.addi %add3A_92, %add3A_637 : i32
          %get3A_639 = arith.index_cast %add3A_638 : i32 to index
          %get3A_640 = arith.constant 48 : index
          %get3A_641 = tpu.vector_load %arg10[%get3A_639, %get3A_640] {strides = array<i32>} : memref<80x128xf32, #tpu.memory_space<vmem>>, vector<1x16xf32>,
          %get3A_642 = vector.shape_cast %get3A_641 : vector<1x16xf32> to vector<16xf32>
          %mul3A_643 = arith.mulf %get3A_636, %get3A_642 : vector<16xf32>
          %add3A_644 = arith.constant 3 : i32
          %add3A_645 = arith.addi %add3A_92, %add3A_644 : i32
          %swap3A_646 = arith.index_cast %add3A_645 : i32 to index
          %swap3A_647 = arith.constant 48 : index
          %swap3A_648 = tpu.vector_load %arg12[%swap3A_646, %swap3A_647] {strides = array<i32>} : memref<80x128xf32, #tpu.memory_space<vmem>>, vector<1x16xf32>,
          %swap3A_649 = vector.shape_cast %swap3A_648 : vector<1x16xf32> to vector<16xf32>
          %swap3A_650 = vector.shape_cast %mul3A_643 : vector<16xf32> to vector<1x16xf32>
          tpu.vector_store %arg12[%swap3A_646, %swap3A_647], %swap3A_650 {strides = array<i32>} : memref<80x128xf32, #tpu.memory_space<vmem>>, vector<1x16xf32>,
          %add3A_651 = arith.constant 3 : i32
          %add3A_652 = arith.addi %add3A_92, %add3A_651 : i32
          %get3A_653 = arith.index_cast %add3A_652 : i32 to index
          %get3A_654 = arith.constant 64 : index
          %get3A_655 = tpu.vector_load %arg12[%get3A_653, %get3A_654] {strides = array<i32>} : memref<80x128xf32, #tpu.memory_space<vmem>>, vector<1x16xf32>,
          %get3A_656 = vector.shape_cast %get3A_655 : vector<1x16xf32> to vector<16xf32>
          %add3A_657 = arith.constant 3 : i32
          %add3A_658 = arith.addi %add3A_92, %add3A_657 : i32
          %get3A_659 = arith.index_cast %add3A_658 : i32 to index
          %get3A_660 = arith.constant 64 : index
          %get3A_661 = tpu.vector_load %arg10[%get3A_659, %get3A_660] {strides = array<i32>} : memref<80x128xf32, #tpu.memory_space<vmem>>, vector<1x16xf32>,
          %get3A_662 = vector.shape_cast %get3A_661 : vector<1x16xf32> to vector<16xf32>
          %mul3A_663 = arith.mulf %get3A_656, %get3A_662 : vector<16xf32>
          %add3A_664 = arith.constant 3 : i32
          %add3A_665 = arith.addi %add3A_92, %add3A_664 : i32
          %swap3A_666 = arith.index_cast %add3A_665 : i32 to index
          %swap3A_667 = arith.constant 64 : index
          %swap3A_668 = tpu.vector_load %arg12[%swap3A_666, %swap3A_667] {strides = array<i32>} : memref<80x128xf32, #tpu.memory_space<vmem>>, vector<1x16xf32>,
          %swap3A_669 = vector.shape_cast %swap3A_668 : vector<1x16xf32> to vector<16xf32>
          %swap3A_670 = vector.shape_cast %mul3A_663 : vector<16xf32> to vector<1x16xf32>
          tpu.vector_store %arg12[%swap3A_666, %swap3A_667], %swap3A_670 {strides = array<i32>} : memref<80x128xf32, #tpu.memory_space<vmem>>, vector<1x16xf32>,
          %add3A_671 = arith.constant 3 : i32
          %add3A_672 = arith.addi %add3A_92, %add3A_671 : i32
          %get3A_673 = arith.index_cast %add3A_672 : i32 to index
          %get3A_674 = arith.constant 80 : index
          %get3A_675 = tpu.vector_load %arg12[%get3A_673, %get3A_674] {strides = array<i32>} : memref<80x128xf32, #tpu.memory_space<vmem>>, vector<1x16xf32>,
          %get3A_676 = vector.shape_cast %get3A_675 : vector<1x16xf32> to vector<16xf32>
          %add3A_677 = arith.constant 3 : i32
          %add3A_678 = arith.addi %add3A_92, %add3A_677 : i32
          %get3A_679 = arith.index_cast %add3A_678 : i32 to index
          %get3A_680 = arith.constant 80 : index
          %get3A_681 = tpu.vector_load %arg10[%get3A_679, %get3A_680] {strides = array<i32>} : memref<80x128xf32, #tpu.memory_space<vmem>>, vector<1x16xf32>,
          %get3A_682 = vector.shape_cast %get3A_681 : vector<1x16xf32> to vector<16xf32>
          %mul3A_683 = arith.mulf %get3A_676, %get3A_682 : vector<16xf32>
          %add3A_684 = arith.constant 3 : i32
          %add3A_685 = arith.addi %add3A_92, %add3A_684 : i32
          %swap3A_686 = arith.index_cast %add3A_685 : i32 to index
          %swap3A_687 = arith.constant 80 : index
          %swap3A_688 = tpu.vector_load %arg12[%swap3A_686, %swap3A_687] {strides = array<i32>} : memref<80x128xf32, #tpu.memory_space<vmem>>, vector<1x16xf32>,
          %swap3A_689 = vector.shape_cast %swap3A_688 : vector<1x16xf32> to vector<16xf32>
          %swap3A_690 = vector.shape_cast %mul3A_683 : vector<16xf32> to vector<1x16xf32>
          tpu.vector_store %arg12[%swap3A_686, %swap3A_687], %swap3A_690 {strides = array<i32>} : memref<80x128xf32, #tpu.memory_space<vmem>>, vector<1x16xf32>,
          %add3A_691 = arith.constant 3 : i32
          %add3A_692 = arith.addi %add3A_92, %add3A_691 : i32
          %get3A_693 = arith.index_cast %add3A_692 : i32 to index
          %get3A_694 = arith.constant 96 : index
          %get3A_695 = tpu.vector_load %arg12[%get3A_693, %get3A_694] {strides = array<i32>} : memref<80x128xf32, #tpu.memory_space<vmem>>, vector<1x16xf32>,
          %get3A_696 = vector.shape_cast %get3A_695 : vector<1x16xf32> to vector<16xf32>
          %add3A_697 = arith.constant 3 : i32
          %add3A_698 = arith.addi %add3A_92, %add3A_697 : i32
          %get3A_699 = arith.index_cast %add3A_698 : i32 to index
          %get3A_700 = arith.constant 96 : index
          %get3A_701 = tpu.vector_load %arg10[%get3A_699, %get3A_700] {strides = array<i32>} : memref<80x128xf32, #tpu.memory_space<vmem>>, vector<1x16xf32>,
          %get3A_702 = vector.shape_cast %get3A_701 : vector<1x16xf32> to vector<16xf32>
          %mul3A_703 = arith.mulf %get3A_696, %get3A_702 : vector<16xf32>
          %add3A_704 = arith.constant 3 : i32
          %add3A_705 = arith.addi %add3A_92, %add3A_704 : i32
          %swap3A_706 = arith.index_cast %add3A_705 : i32 to index
          %swap3A_707 = arith.constant 96 : index
          %swap3A_708 = tpu.vector_load %arg12[%swap3A_706, %swap3A_707] {strides = array<i32>} : memref<80x128xf32, #tpu.memory_space<vmem>>, vector<1x16xf32>,
          %swap3A_709 = vector.shape_cast %swap3A_708 : vector<1x16xf32> to vector<16xf32>
          %swap3A_710 = vector.shape_cast %mul3A_703 : vector<16xf32> to vector<1x16xf32>
          tpu.vector_store %arg12[%swap3A_706, %swap3A_707], %swap3A_710 {strides = array<i32>} : memref<80x128xf32, #tpu.memory_space<vmem>>, vector<1x16xf32>,
          %add3A_711 = arith.constant 3 : i32
          %add3A_712 = arith.addi %add3A_92, %add3A_711 : i32
          %get3A_713 = arith.index_cast %add3A_712 : i32 to index
          %get3A_714 = arith.constant 112 : index
          %get3A_715 = tpu.vector_load %arg12[%get3A_713, %get3A_714] {strides = array<i32>} : memref<80x128xf32, #tpu.memory_space<vmem>>, vector<1x16xf32>,
          %get3A_716 = vector.shape_cast %get3A_715 : vector<1x16xf32> to vector<16xf32>
          %add3A_717 = arith.constant 3 : i32
          %add3A_718 = arith.addi %add3A_92, %add3A_717 : i32
          %get3A_719 = arith.index_cast %add3A_718 : i32 to index
          %get3A_720 = arith.constant 112 : index
          %get3A_721 = tpu.vector_load %arg10[%get3A_719, %get3A_720] {strides = array<i32>} : memref<80x128xf32, #tpu.memory_space<vmem>>, vector<1x16xf32>,
          %get3A_722 = vector.shape_cast %get3A_721 : vector<1x16xf32> to vector<16xf32>
          %mul3A_723 = arith.mulf %get3A_716, %get3A_722 : vector<16xf32>
          %add3A_724 = arith.constant 3 : i32
          %add3A_725 = arith.addi %add3A_92, %add3A_724 : i32
          %swap3A_726 = arith.index_cast %add3A_725 : i32 to index
          %swap3A_727 = arith.constant 112 : index
          %swap3A_728 = tpu.vector_load %arg12[%swap3A_726, %swap3A_727] {strides = array<i32>} : memref<80x128xf32, #tpu.memory_space<vmem>>, vector<1x16xf32>,
          %swap3A_729 = vector.shape_cast %swap3A_728 : vector<1x16xf32> to vector<16xf32>
          %swap3A_730 = vector.shape_cast %mul3A_723 : vector<16xf32> to vector<1x16xf32>
          tpu.vector_store %arg12[%swap3A_726, %swap3A_727], %swap3A_730 {strides = array<i32>} : memref<80x128xf32, #tpu.memory_space<vmem>>, vector<1x16xf32>,
        }
        %scan3A_87 = arith.constant 20 : i32
        %run_scoped3A = arith.constant 1 : i32
        "tpu.region"() ({
          %run_scoped3A_88 = tpu.sem_alloc : memref<!tpu.dma_semaphore, #tpu.memory_space<semaphore_mem>>
          %dma_start3A = arith.constant 0 : i32
          %dma_start3A_89 = tpu.memref_slice %arg8[%run_scoped3A, %dma_start3A] : memref<2x80xi32, #tpu.memory_space<vmem>> -> memref<1x80xi32, #tpu.memory_space<vmem>>
          %dma_start3A_90 = tpu.memref_squeeze %dma_start3A_89 : memref<1x80xi32, #tpu.memory_space<vmem>> -> memref<80xi32, #tpu.memory_space<vmem>>
          %dma_start3A_91 = arith.constant 0 : i32
          %dma_start3A_92 = arith.constant 0 : i32
          %dma_start3A_93 = tpu.memref_slice %arg13[%dma_start3A_91, %dma_start3A_92] : memref<10000x128xf32, #tpu.memory_space<vmem_shared>> -> memref<10000x128xf32, #tpu.memory_space<vmem_shared>>
          tpu.enqueue_indirect_dma source(%arg12 : memref<80x128xf32, #tpu.memory_space<vmem>>) target(%dma_start3A_93 : memref<10000x128xf32, #tpu.memory_space<vmem_shared>>) offsets(%dma_start3A_90 : memref<80xi32, #tpu.memory_space<vmem>>) semaphore(%run_scoped3A_88 : memref<!tpu.dma_semaphore, #tpu.memory_space<semaphore_mem>>) {add = true}
          %dma_wait3A_94 = arith.constant 0 : i32
          %dma_wait3A_95 = tpu.memref_slice %arg8[%run_scoped3A, %dma_wait3A_94] : memref<2x80xi32, #tpu.memory_space<vmem>> -> memref<1x80xi32, #tpu.memory_space<vmem>>
          %dma_wait3A_96 = tpu.memref_squeeze %dma_wait3A_95 : memref<1x80xi32, #tpu.memory_space<vmem>> -> memref<80xi32, #tpu.memory_space<vmem>>
          %dma_wait3A_97 = arith.constant 0 : i32
          %dma_wait3A_98 = arith.constant 0 : i32
          %dma_wait3A_99 = tpu.memref_slice %arg13[%dma_wait3A_97, %dma_wait3A_98] : memref<10000x128xf32, #tpu.memory_space<vmem_shared>> -> memref<10000x128xf32, #tpu.memory_space<vmem_shared>>
          tpu.wait_indirect_dma semaphore(%run_scoped3A_88 : memref<!tpu.dma_semaphore, #tpu.memory_space<semaphore_mem>>) src(%arg12 : memref<80x128xf32, #tpu.memory_space<vmem>>) dst(%dma_wait3A_99 : memref<10000x128xf32, #tpu.memory_space<vmem_shared>>)
          tpu.yield
        }) : () -> ()
      } else {
      }
    }
    %scan3A_31 = arith.constant 32 : i32
    %barrier3A_32 = arith.constant 0 : index
    tpu.barrier barrier_id(%barrier3A_32)
    %eq3A_33 = arith.constant 0 : i32
    %eq3A_34 = arith.cmpi eq, %arg0, %eq3A_33 : i32
    %convert_element_type3A_35 = arith.extui %eq3A_34 : i1 to i32
    %cond3A_36 = arith.constant 0 : i32
    %cond3A_37 = arith.cmpi ne, %convert_element_type3A_35, %cond3A_36 : i32
    scf.if %cond3A_37 {
      %lt3A_43 = arith.constant 15 : i32
      %lt3A_44 = arith.cmpi slt, %arg1, %lt3A_43 : i32
      %convert_element_type3A_45 = arith.extui %lt3A_44 : i1 to i32
      %cond3A_46 = arith.constant 0 : i32
      %cond3A_47 = arith.cmpi ne, %convert_element_type3A_45, %cond3A_46 : i32
      scf.if %cond3A_47 {
        "tpu.region"() ({
          %run_scoped3A = tpu.sem_alloc : memref<!tpu.dma_semaphore, #tpu.memory_space<semaphore_mem>>
          %dma_start3A = arith.constant 0 : i32
          %dma_start3A_53 = tpu.memref_slice %arg5[%mul3A_2, %dma_start3A] : memref<10000x128xf32, #tpu.memory_space<hbm>> -> memref<624x128xf32, #tpu.memory_space<hbm>>
          %dma_start3A_54 = arith.constant 0 : i32
          %dma_start3A_55 = tpu.memref_slice %arg13[%mul3A_2, %dma_start3A_54] : memref<10000x128xf32, #tpu.memory_space<vmem_shared>> -> memref<624x128xf32, #tpu.memory_space<vmem_shared>>
          tpu.enqueue_dma source(%dma_start3A_55 : memref<624x128xf32, #tpu.memory_space<vmem_shared>>) target(%dma_start3A_53 : memref<624x128xf32, #tpu.memory_space<hbm>>) target_semaphore(%run_scoped3A : memref<!tpu.dma_semaphore, #tpu.memory_space<semaphore_mem>>)
          %dma_wait3A = arith.constant 0 : i32
          %dma_wait3A_56 = tpu.memref_slice %arg5[%mul3A_2, %dma_wait3A] : memref<10000x128xf32, #tpu.memory_space<hbm>> -> memref<624x128xf32, #tpu.memory_space<hbm>>
          %dma_wait3A_57 = arith.constant 0 : i32
          %dma_wait3A_58 = tpu.memref_slice %arg13[%mul3A_2, %dma_wait3A_57] : memref<10000x128xf32, #tpu.memory_space<vmem_shared>> -> memref<624x128xf32, #tpu.memory_space<vmem_shared>>
          tpu.wait_dma2 semaphore(%run_scoped3A : memref<!tpu.dma_semaphore, #tpu.memory_space<semaphore_mem>>) src(%dma_wait3A_58 : memref<624x128xf32, #tpu.memory_space<vmem_shared>>) dst(%dma_wait3A_56 : memref<624x128xf32, #tpu.memory_space<hbm>>)
          tpu.yield
        }) : () -> ()
      } else {
      }
      %eq3A_48 = arith.constant 15 : i32
      %eq3A_49 = arith.cmpi eq, %arg1, %eq3A_48 : i32
      %convert_element_type3A_50 = arith.extui %eq3A_49 : i1 to i32
      %cond3A_51 = arith.constant 0 : i32
      %cond3A_52 = arith.cmpi ne, %convert_element_type3A_50, %cond3A_51 : i32
      scf.if %cond3A_52 {
        "tpu.region"() ({
          %run_scoped3A = tpu.sem_alloc : memref<!tpu.dma_semaphore, #tpu.memory_space<semaphore_mem>>
          %dma_start3A = arith.constant 0 : i32
          %dma_start3A_53 = tpu.memref_slice %arg5[%mul3A_2, %dma_start3A] : memref<10000x128xf32, #tpu.memory_space<hbm>> -> memref<640x128xf32, #tpu.memory_space<hbm>>
          %dma_start3A_54 = arith.constant 0 : i32
          %dma_start3A_55 = tpu.memref_slice %arg13[%mul3A_2, %dma_start3A_54] : memref<10000x128xf32, #tpu.memory_space<vmem_shared>> -> memref<640x128xf32, #tpu.memory_space<vmem_shared>>
          tpu.enqueue_dma source(%dma_start3A_55 : memref<640x128xf32, #tpu.memory_space<vmem_shared>>) target(%dma_start3A_53 : memref<640x128xf32, #tpu.memory_space<hbm>>) target_semaphore(%run_scoped3A : memref<!tpu.dma_semaphore, #tpu.memory_space<semaphore_mem>>)
          %dma_wait3A = arith.constant 0 : i32
          %dma_wait3A_56 = tpu.memref_slice %arg5[%mul3A_2, %dma_wait3A] : memref<10000x128xf32, #tpu.memory_space<hbm>> -> memref<640x128xf32, #tpu.memory_space<hbm>>
          %dma_wait3A_57 = arith.constant 0 : i32
          %dma_wait3A_58 = tpu.memref_slice %arg13[%mul3A_2, %dma_wait3A_57] : memref<10000x128xf32, #tpu.memory_space<vmem_shared>> -> memref<640x128xf32, #tpu.memory_space<vmem_shared>>
          tpu.wait_dma2 semaphore(%run_scoped3A : memref<!tpu.dma_semaphore, #tpu.memory_space<semaphore_mem>>) src(%dma_wait3A_58 : memref<640x128xf32, #tpu.memory_space<vmem_shared>>) dst(%dma_wait3A_56 : memref<640x128xf32, #tpu.memory_space<hbm>>)
          tpu.yield
        }) : () -> ()
      } else {
      }
    } else {
    }
    %eq3A_38 = arith.constant 1 : i32
    %eq3A_39 = arith.cmpi eq, %arg0, %eq3A_38 : i32
    %convert_element_type3A_40 = arith.extui %eq3A_39 : i1 to i32
    %cond3A_41 = arith.constant 0 : i32
    %cond3A_42 = arith.cmpi ne, %convert_element_type3A_40, %cond3A_41 : i32
    scf.if %cond3A_42 {
      %lt3A_43 = arith.constant 15 : i32
      %lt3A_44 = arith.cmpi slt, %arg1, %lt3A_43 : i32
      %convert_element_type3A_45 = arith.extui %lt3A_44 : i1 to i32
      %cond3A_46 = arith.constant 0 : i32
      %cond3A_47 = arith.cmpi ne, %convert_element_type3A_45, %cond3A_46 : i32
      scf.if %cond3A_47 {
        "tpu.region"() ({
          %run_scoped3A = tpu.sem_alloc : memref<!tpu.dma_semaphore, #tpu.memory_space<semaphore_mem>>
          %dma_start3A = arith.constant 0 : i32
          %dma_start3A_53 = tpu.memref_slice %arg6[%mul3A_2, %dma_start3A] : memref<10000x128xf32, #tpu.memory_space<hbm>> -> memref<624x128xf32, #tpu.memory_space<hbm>>
          %dma_start3A_54 = arith.constant 0 : i32
          %dma_start3A_55 = tpu.memref_slice %arg13[%mul3A_2, %dma_start3A_54] : memref<10000x128xf32, #tpu.memory_space<vmem_shared>> -> memref<624x128xf32, #tpu.memory_space<vmem_shared>>
          tpu.enqueue_dma source(%dma_start3A_55 : memref<624x128xf32, #tpu.memory_space<vmem_shared>>) target(%dma_start3A_53 : memref<624x128xf32, #tpu.memory_space<hbm>>) target_semaphore(%run_scoped3A : memref<!tpu.dma_semaphore, #tpu.memory_space<semaphore_mem>>)
          %dma_wait3A = arith.constant 0 : i32
          %dma_wait3A_56 = tpu.memref_slice %arg6[%mul3A_2, %dma_wait3A] : memref<10000x128xf32, #tpu.memory_space<hbm>> -> memref<624x128xf32, #tpu.memory_space<hbm>>
          %dma_wait3A_57 = arith.constant 0 : i32
          %dma_wait3A_58 = tpu.memref_slice %arg13[%mul3A_2, %dma_wait3A_57] : memref<10000x128xf32, #tpu.memory_space<vmem_shared>> -> memref<624x128xf32, #tpu.memory_space<vmem_shared>>
          tpu.wait_dma2 semaphore(%run_scoped3A : memref<!tpu.dma_semaphore, #tpu.memory_space<semaphore_mem>>) src(%dma_wait3A_58 : memref<624x128xf32, #tpu.memory_space<vmem_shared>>) dst(%dma_wait3A_56 : memref<624x128xf32, #tpu.memory_space<hbm>>)
          tpu.yield
        }) : () -> ()
      } else {
      }
      %eq3A_48 = arith.constant 15 : i32
      %eq3A_49 = arith.cmpi eq, %arg1, %eq3A_48 : i32
      %convert_element_type3A_50 = arith.extui %eq3A_49 : i1 to i32
      %cond3A_51 = arith.constant 0 : i32
      %cond3A_52 = arith.cmpi ne, %convert_element_type3A_50, %cond3A_51 : i32
      scf.if %cond3A_52 {
        "tpu.region"() ({
          %run_scoped3A = tpu.sem_alloc : memref<!tpu.dma_semaphore, #tpu.memory_space<semaphore_mem>>
          %dma_start3A = arith.constant 0 : i32
          %dma_start3A_53 = tpu.memref_slice %arg6[%mul3A_2, %dma_start3A] : memref<10000x128xf32, #tpu.memory_space<hbm>> -> memref<640x128xf32, #tpu.memory_space<hbm>>
          %dma_start3A_54 = arith.constant 0 : i32
          %dma_start3A_55 = tpu.memref_slice %arg13[%mul3A_2, %dma_start3A_54] : memref<10000x128xf32, #tpu.memory_space<vmem_shared>> -> memref<640x128xf32, #tpu.memory_space<vmem_shared>>
          tpu.enqueue_dma source(%dma_start3A_55 : memref<640x128xf32, #tpu.memory_space<vmem_shared>>) target(%dma_start3A_53 : memref<640x128xf32, #tpu.memory_space<hbm>>) target_semaphore(%run_scoped3A : memref<!tpu.dma_semaphore, #tpu.memory_space<semaphore_mem>>)
          %dma_wait3A = arith.constant 0 : i32
          %dma_wait3A_56 = tpu.memref_slice %arg6[%mul3A_2, %dma_wait3A] : memref<10000x128xf32, #tpu.memory_space<hbm>> -> memref<640x128xf32, #tpu.memory_space<hbm>>
          %dma_wait3A_57 = arith.constant 0 : i32
          %dma_wait3A_58 = tpu.memref_slice %arg13[%mul3A_2, %dma_wait3A_57] : memref<10000x128xf32, #tpu.memory_space<vmem_shared>> -> memref<640x128xf32, #tpu.memory_space<vmem_shared>>
          tpu.wait_dma2 semaphore(%run_scoped3A : memref<!tpu.dma_semaphore, #tpu.memory_space<semaphore_mem>>) src(%dma_wait3A_58 : memref<640x128xf32, #tpu.memory_space<vmem_shared>>) dst(%dma_wait3A_56 : memref<640x128xf32, #tpu.memory_space<hbm>>)
          tpu.yield
        }) : () -> ()
      } else {
      }
    } else {
    }
    return
  }
}

#map = affine_map<(d0, d1) -> (0, 0)>
#map1 = affine_map<(d0, d1) -> (0, 0, 0)>
module attributes {stable_mosaic.version = 14 : i64} {
  func.func @k(%arg0: i32, %arg1: i32, %arg2: memref<10000x128xf32, #tpu.memory_space<hbm>>, %arg3: memref<160000x128xf32, #tpu.memory_space<hbm>>, %arg4: memref<2000x2x80xi32, #tpu.memory_space<hbm>>, %arg5: memref<10000x128xf32, #tpu.memory_space<hbm>>, %arg6: memref<10000x128xf32, #tpu.memory_space<hbm>>, %arg7: memref<2x80xi32, #tpu.memory_space<vmem>>, %arg8: memref<2x80xi32, #tpu.memory_space<vmem>>, %arg9: memref<80x128xf32, #tpu.memory_space<vmem>>, %arg10: memref<80x128xf32, #tpu.memory_space<vmem>>, %arg11: memref<80x128xf32, #tpu.memory_space<vmem>>, %arg12: memref<80x128xf32, #tpu.memory_space<vmem>>, %arg13: memref<10000x128xf32, #tpu.memory_space<vmem_shared>>, %arg14: memref<!tpu.dma_semaphore, #tpu.memory_space<semaphore_mem>>, %arg15: memref<!tpu.dma_semaphore, #tpu.memory_space<semaphore_mem>>, %arg16: memref<!tpu.dma_semaphore, #tpu.memory_space<semaphore_mem>>, %arg17: memref<!tpu.dma_semaphore, #tpu.memory_space<semaphore_mem>>) attributes {dimension_semantics = [#tpu.dimension_semantics<core_parallel>, #tpu.dimension_semantics<subcore_parallel>], iteration_bounds = array<i64: 2, 16>, scalar_prefetch = 0 : i64, scratch_operands = 11 : i64, tpu.core_type = #tpu.core_type<sc_vector_subcore>, window_params = [{transform_indices = #map}, {transform_indices = #map}, {transform_indices = #map1}, {transform_indices = #map}, {transform_indices = #map}]} {
    %mul3A = arith.constant 16 : i32
    %mul3A_0 = arith.muli %arg0, %mul3A : i32
    %add3A = arith.addi %mul3A_0, %arg1 : i32
    %mul3A_1 = arith.constant 624 : i32
    %mul3A_2 = arith.muli %arg1, %mul3A_1 : i32
    %scan3A = arith.constant 0 : i32
    %scan3A_3 = arith.constant 80 : i32
    %scan3A_4 = arith.addi %scan3A, %scan3A_3 : i32
    %scan3A_5 = arith.constant 1 : i32
    scf.for %scan3A_43 = %scan3A to %scan3A_4 step %scan3A_5  : i32 {
      %mul3A_44 = arith.constant 1 : i32
      %mul3A_45 = arith.muli %scan3A_43, %mul3A_44 : i32
      %add3A_46 = arith.constant 0 : i32
      %add3A_47 = arith.addi %add3A_46, %mul3A_45 : i32
      %broadcast_in_dim3A = arith.constant 0.000000e+00 : f32
      %broadcast_in_dim3A_48 = vector.broadcast %broadcast_in_dim3A : f32 to vector<16xf32>
      %swap3A = arith.index_cast %add3A_47 : i32 to index
      %swap3A_49 = arith.constant 0 : index
      %swap3A_50 = tpu.vector_load %arg9[%swap3A, %swap3A_49] {strides = array<i32>} : memref<80x128xf32, #tpu.memory_space<vmem>>, vector<1x16xf32>,
      %swap3A_51 = vector.shape_cast %swap3A_50 : vector<1x16xf32> to vector<16xf32>
      %swap3A_52 = vector.shape_cast %broadcast_in_dim3A_48 : vector<16xf32> to vector<1x16xf32>
      tpu.vector_store %arg9[%swap3A, %swap3A_49], %swap3A_52 {strides = array<i32>} : memref<80x128xf32, #tpu.memory_space<vmem>>, vector<1x16xf32>,
      %broadcast_in_dim3A_53 = arith.constant 0.000000e+00 : f32
      %broadcast_in_dim3A_54 = vector.broadcast %broadcast_in_dim3A_53 : f32 to vector<16xf32>
      %swap3A_55 = arith.index_cast %add3A_47 : i32 to index
      %swap3A_56 = arith.constant 16 : index
      %swap3A_57 = tpu.vector_load %arg9[%swap3A_55, %swap3A_56] {strides = array<i32>} : memref<80x128xf32, #tpu.memory_space<vmem>>, vector<1x16xf32>,
      %swap3A_58 = vector.shape_cast %swap3A_57 : vector<1x16xf32> to vector<16xf32>
      %swap3A_59 = vector.shape_cast %broadcast_in_dim3A_54 : vector<16xf32> to vector<1x16xf32>
      tpu.vector_store %arg9[%swap3A_55, %swap3A_56], %swap3A_59 {strides = array<i32>} : memref<80x128xf32, #tpu.memory_space<vmem>>, vector<1x16xf32>,
      %broadcast_in_dim3A_60 = arith.constant 0.000000e+00 : f32
      %broadcast_in_dim3A_61 = vector.broadcast %broadcast_in_dim3A_60 : f32 to vector<16xf32>
      %swap3A_62 = arith.index_cast %add3A_47 : i32 to index
      %swap3A_63 = arith.constant 32 : index
      %swap3A_64 = tpu.vector_load %arg9[%swap3A_62, %swap3A_63] {strides = array<i32>} : memref<80x128xf32, #tpu.memory_space<vmem>>, vector<1x16xf32>,
      %swap3A_65 = vector.shape_cast %swap3A_64 : vector<1x16xf32> to vector<16xf32>
      %swap3A_66 = vector.shape_cast %broadcast_in_dim3A_61 : vector<16xf32> to vector<1x16xf32>
      tpu.vector_store %arg9[%swap3A_62, %swap3A_63], %swap3A_66 {strides = array<i32>} : memref<80x128xf32, #tpu.memory_space<vmem>>, vector<1x16xf32>,
      %broadcast_in_dim3A_67 = arith.constant 0.000000e+00 : f32
      %broadcast_in_dim3A_68 = vector.broadcast %broadcast_in_dim3A_67 : f32 to vector<16xf32>
      %swap3A_69 = arith.index_cast %add3A_47 : i32 to index
      %swap3A_70 = arith.constant 48 : index
      %swap3A_71 = tpu.vector_load %arg9[%swap3A_69, %swap3A_70] {strides = array<i32>} : memref<80x128xf32, #tpu.memory_space<vmem>>, vector<1x16xf32>,
      %swap3A_72 = vector.shape_cast %swap3A_71 : vector<1x16xf32> to vector<16xf32>
      %swap3A_73 = vector.shape_cast %broadcast_in_dim3A_68 : vector<16xf32> to vector<1x16xf32>
      tpu.vector_store %arg9[%swap3A_69, %swap3A_70], %swap3A_73 {strides = array<i32>} : memref<80x128xf32, #tpu.memory_space<vmem>>, vector<1x16xf32>,
      %broadcast_in_dim3A_74 = arith.constant 0.000000e+00 : f32
      %broadcast_in_dim3A_75 = vector.broadcast %broadcast_in_dim3A_74 : f32 to vector<16xf32>
      %swap3A_76 = arith.index_cast %add3A_47 : i32 to index
      %swap3A_77 = arith.constant 64 : index
      %swap3A_78 = tpu.vector_load %arg9[%swap3A_76, %swap3A_77] {strides = array<i32>} : memref<80x128xf32, #tpu.memory_space<vmem>>, vector<1x16xf32>,
      %swap3A_79 = vector.shape_cast %swap3A_78 : vector<1x16xf32> to vector<16xf32>
      %swap3A_80 = vector.shape_cast %broadcast_in_dim3A_75 : vector<16xf32> to vector<1x16xf32>
      tpu.vector_store %arg9[%swap3A_76, %swap3A_77], %swap3A_80 {strides = array<i32>} : memref<80x128xf32, #tpu.memory_space<vmem>>, vector<1x16xf32>,
      %broadcast_in_dim3A_81 = arith.constant 0.000000e+00 : f32
      %broadcast_in_dim3A_82 = vector.broadcast %broadcast_in_dim3A_81 : f32 to vector<16xf32>
      %swap3A_83 = arith.index_cast %add3A_47 : i32 to index
      %swap3A_84 = arith.constant 80 : index
      %swap3A_85 = tpu.vector_load %arg9[%swap3A_83, %swap3A_84] {strides = array<i32>} : memref<80x128xf32, #tpu.memory_space<vmem>>, vector<1x16xf32>,
      %swap3A_86 = vector.shape_cast %swap3A_85 : vector<1x16xf32> to vector<16xf32>
      %swap3A_87 = vector.shape_cast %broadcast_in_dim3A_82 : vector<16xf32> to vector<1x16xf32>
      tpu.vector_store %arg9[%swap3A_83, %swap3A_84], %swap3A_87 {strides = array<i32>} : memref<80x128xf32, #tpu.memory_space<vmem>>, vector<1x16xf32>,
      %broadcast_in_dim3A_88 = arith.constant 0.000000e+00 : f32
      %broadcast_in_dim3A_89 = vector.broadcast %broadcast_in_dim3A_88 : f32 to vector<16xf32>
      %swap3A_90 = arith.index_cast %add3A_47 : i32 to index
      %swap3A_91 = arith.constant 96 : index
      %swap3A_92 = tpu.vector_load %arg9[%swap3A_90, %swap3A_91] {strides = array<i32>} : memref<80x128xf32, #tpu.memory_space<vmem>>, vector<1x16xf32>,
      %swap3A_93 = vector.shape_cast %swap3A_92 : vector<1x16xf32> to vector<16xf32>
      %swap3A_94 = vector.shape_cast %broadcast_in_dim3A_89 : vector<16xf32> to vector<1x16xf32>
      tpu.vector_store %arg9[%swap3A_90, %swap3A_91], %swap3A_94 {strides = array<i32>} : memref<80x128xf32, #tpu.memory_space<vmem>>, vector<1x16xf32>,
      %broadcast_in_dim3A_95 = arith.constant 0.000000e+00 : f32
      %broadcast_in_dim3A_96 = vector.broadcast %broadcast_in_dim3A_95 : f32 to vector<16xf32>
      %swap3A_97 = arith.index_cast %add3A_47 : i32 to index
      %swap3A_98 = arith.constant 112 : index
      %swap3A_99 = tpu.vector_load %arg9[%swap3A_97, %swap3A_98] {strides = array<i32>} : memref<80x128xf32, #tpu.memory_space<vmem>>, vector<1x16xf32>,
      %swap3A_100 = vector.shape_cast %swap3A_99 : vector<1x16xf32> to vector<16xf32>
      %swap3A_101 = vector.shape_cast %broadcast_in_dim3A_96 : vector<16xf32> to vector<1x16xf32>
      tpu.vector_store %arg9[%swap3A_97, %swap3A_98], %swap3A_101 {strides = array<i32>} : memref<80x128xf32, #tpu.memory_space<vmem>>, vector<1x16xf32>,
    }
    %scan3A_6 = arith.constant 80 : i32
    %scan3A_7 = arith.constant 0 : i32
    %scan3A_8 = arith.constant 7 : i32
    %scan3A_9 = arith.addi %scan3A_7, %scan3A_8 : i32
    %scan3A_10 = arith.constant 1 : i32
    scf.for %scan3A_43 = %scan3A_7 to %scan3A_9 step %scan3A_10  : i32 {
      %mul3A_44 = arith.constant 1 : i32
      %mul3A_45 = arith.muli %scan3A_43, %mul3A_44 : i32
      %add3A_46 = arith.constant 0 : i32
      %add3A_47 = arith.addi %add3A_46, %mul3A_45 : i32
      %mul3A_48 = arith.constant 80 : i32
      %mul3A_49 = arith.muli %add3A_47, %mul3A_48 : i32
      %add3A_50 = arith.addi %mul3A_2, %mul3A_49 : i32
      "tpu.region"() ({
        %run_scoped3A = tpu.sem_alloc : memref<!tpu.dma_semaphore, #tpu.memory_space<semaphore_mem>>
        %dma_start3A = arith.constant 0 : i32
        %dma_start3A_51 = tpu.memref_slice %arg13[%add3A_50, %dma_start3A] : memref<10000x128xf32, #tpu.memory_space<vmem_shared>> -> memref<80x128xf32, #tpu.memory_space<vmem_shared>>
        %dma_start3A_52 = arith.constant 0 : i32
        %dma_start3A_53 = tpu.memref_slice %arg13[%add3A_50, %dma_start3A_52] : memref<10000x128xf32, #tpu.memory_space<vmem_shared>> -> memref<80x128xf32, #tpu.memory_space<vmem_shared>>
        tpu.enqueue_dma source(%arg9 : memref<80x128xf32, #tpu.memory_space<vmem>>) target(%dma_start3A_53 : memref<80x128xf32, #tpu.memory_space<vmem_shared>>) target_semaphore(%run_scoped3A : memref<!tpu.dma_semaphore, #tpu.memory_space<semaphore_mem>>)
        %dma_wait3A = arith.constant 0 : i32
        %dma_wait3A_54 = tpu.memref_slice %arg13[%add3A_50, %dma_wait3A] : memref<10000x128xf32, #tpu.memory_space<vmem_shared>> -> memref<80x128xf32, #tpu.memory_space<vmem_shared>>
        %dma_wait3A_55 = arith.constant 0 : i32
        %dma_wait3A_56 = tpu.memref_slice %arg13[%add3A_50, %dma_wait3A_55] : memref<10000x128xf32, #tpu.memory_space<vmem_shared>> -> memref<80x128xf32, #tpu.memory_space<vmem_shared>>
        tpu.wait_dma2 semaphore(%run_scoped3A : memref<!tpu.dma_semaphore, #tpu.memory_space<semaphore_mem>>) src(%arg9 : memref<80x128xf32, #tpu.memory_space<vmem>>) dst(%dma_wait3A_56 : memref<80x128xf32, #tpu.memory_space<vmem_shared>>)
        tpu.yield
      }) : () -> ()
    }
    %scan3A_11 = arith.constant 7 : i32
    %lt3A = arith.constant 15 : i32
    %lt3A_12 = arith.cmpi slt, %arg1, %lt3A : i32
    %convert_element_type3A = arith.extui %lt3A_12 : i1 to i32
    %cond3A = arith.constant 0 : i32
    %cond3A_13 = arith.cmpi ne, %convert_element_type3A, %cond3A : i32
    scf.if %cond3A_13 {
      %add3A_43 = arith.constant 624 : i32
      %add3A_44 = arith.addi %mul3A_2, %add3A_43 : i32
      %sub3A = arith.constant 64 : i32
      %sub3A_45 = arith.subi %add3A_44, %sub3A : i32
      "tpu.region"() ({
        %run_scoped3A = tpu.sem_alloc : memref<!tpu.dma_semaphore, #tpu.memory_space<semaphore_mem>>
        %dma_start3A = arith.constant 0 : i32
        %dma_start3A_46 = arith.constant 0 : i32
        %dma_start3A_47 = tpu.memref_slice %arg9[%dma_start3A, %dma_start3A_46] : memref<80x128xf32, #tpu.memory_space<vmem>> -> memref<64x128xf32, #tpu.memory_space<vmem>>
        %dma_start3A_48 = arith.constant 0 : i32
        %dma_start3A_49 = tpu.memref_slice %arg13[%sub3A_45, %dma_start3A_48] : memref<10000x128xf32, #tpu.memory_space<vmem_shared>> -> memref<64x128xf32, #tpu.memory_space<vmem_shared>>
        %dma_start3A_50 = arith.constant 0 : i32
        %dma_start3A_51 = tpu.memref_slice %arg13[%sub3A_45, %dma_start3A_50] : memref<10000x128xf32, #tpu.memory_space<vmem_shared>> -> memref<64x128xf32, #tpu.memory_space<vmem_shared>>
        %dma_start3A_52 = arith.constant 0 : i32
        %dma_start3A_53 = arith.constant 0 : i32
        %dma_start3A_54 = tpu.memref_slice %arg9[%dma_start3A_52, %dma_start3A_53] : memref<80x128xf32, #tpu.memory_space<vmem>> -> memref<64x128xf32, #tpu.memory_space<vmem>>
        tpu.enqueue_dma source(%dma_start3A_54 : memref<64x128xf32, #tpu.memory_space<vmem>>) target(%dma_start3A_51 : memref<64x128xf32, #tpu.memory_space<vmem_shared>>) target_semaphore(%run_scoped3A : memref<!tpu.dma_semaphore, #tpu.memory_space<semaphore_mem>>)
        %dma_wait3A = arith.constant 0 : i32
        %dma_wait3A_55 = arith.constant 0 : i32
        %dma_wait3A_56 = tpu.memref_slice %arg9[%dma_wait3A, %dma_wait3A_55] : memref<80x128xf32, #tpu.memory_space<vmem>> -> memref<64x128xf32, #tpu.memory_space<vmem>>
        %dma_wait3A_57 = arith.constant 0 : i32
        %dma_wait3A_58 = tpu.memref_slice %arg13[%sub3A_45, %dma_wait3A_57] : memref<10000x128xf32, #tpu.memory_space<vmem_shared>> -> memref<64x128xf32, #tpu.memory_space<vmem_shared>>
        %dma_wait3A_59 = arith.constant 0 : i32
        %dma_wait3A_60 = tpu.memref_slice %arg13[%sub3A_45, %dma_wait3A_59] : memref<10000x128xf32, #tpu.memory_space<vmem_shared>> -> memref<64x128xf32, #tpu.memory_space<vmem_shared>>
        %dma_wait3A_61 = arith.constant 0 : i32
        %dma_wait3A_62 = arith.constant 0 : i32
        %dma_wait3A_63 = tpu.memref_slice %arg9[%dma_wait3A_61, %dma_wait3A_62] : memref<80x128xf32, #tpu.memory_space<vmem>> -> memref<64x128xf32, #tpu.memory_space<vmem>>
        tpu.wait_dma2 semaphore(%run_scoped3A : memref<!tpu.dma_semaphore, #tpu.memory_space<semaphore_mem>>) src(%dma_wait3A_63 : memref<64x128xf32, #tpu.memory_space<vmem>>) dst(%dma_wait3A_60 : memref<64x128xf32, #tpu.memory_space<vmem_shared>>)
        tpu.yield
      }) : () -> ()
    } else {
    }
    %eq3A = arith.constant 15 : i32
    %eq3A_14 = arith.cmpi eq, %arg1, %eq3A : i32
    %convert_element_type3A_15 = arith.extui %eq3A_14 : i1 to i32
    %cond3A_16 = arith.constant 0 : i32
    %cond3A_17 = arith.cmpi ne, %convert_element_type3A_15, %cond3A_16 : i32
    scf.if %cond3A_17 {
      %add3A_43 = arith.constant 560 : i32
      %add3A_44 = arith.addi %mul3A_2, %add3A_43 : i32
      "tpu.region"() ({
        %run_scoped3A = tpu.sem_alloc : memref<!tpu.dma_semaphore, #tpu.memory_space<semaphore_mem>>
        %dma_start3A = arith.constant 0 : i32
        %dma_start3A_45 = tpu.memref_slice %arg13[%add3A_44, %dma_start3A] : memref<10000x128xf32, #tpu.memory_space<vmem_shared>> -> memref<80x128xf32, #tpu.memory_space<vmem_shared>>
        %dma_start3A_46 = arith.constant 0 : i32
        %dma_start3A_47 = tpu.memref_slice %arg13[%add3A_44, %dma_start3A_46] : memref<10000x128xf32, #tpu.memory_space<vmem_shared>> -> memref<80x128xf32, #tpu.memory_space<vmem_shared>>
        tpu.enqueue_dma source(%arg9 : memref<80x128xf32, #tpu.memory_space<vmem>>) target(%dma_start3A_47 : memref<80x128xf32, #tpu.memory_space<vmem_shared>>) target_semaphore(%run_scoped3A : memref<!tpu.dma_semaphore, #tpu.memory_space<semaphore_mem>>)
        %dma_wait3A = arith.constant 0 : i32
        %dma_wait3A_48 = tpu.memref_slice %arg13[%add3A_44, %dma_wait3A] : memref<10000x128xf32, #tpu.memory_space<vmem_shared>> -> memref<80x128xf32, #tpu.memory_space<vmem_shared>>
        %dma_wait3A_49 = arith.constant 0 : i32
        %dma_wait3A_50 = tpu.memref_slice %arg13[%add3A_44, %dma_wait3A_49] : memref<10000x128xf32, #tpu.memory_space<vmem_shared>> -> memref<80x128xf32, #tpu.memory_space<vmem_shared>>
        tpu.wait_dma2 semaphore(%run_scoped3A : memref<!tpu.dma_semaphore, #tpu.memory_space<semaphore_mem>>) src(%arg9 : memref<80x128xf32, #tpu.memory_space<vmem>>) dst(%dma_wait3A_50 : memref<80x128xf32, #tpu.memory_space<vmem_shared>>)
        tpu.yield
      }) : () -> ()
    } else {
    }
    %barrier3A = arith.constant 0 : index
    tpu.barrier barrier_id(%barrier3A)
    %lt3A_18 = arith.constant 16 : i32
    %lt3A_19 = arith.cmpi slt, %add3A, %lt3A_18 : i32
    %jit3A = arith.constant 1 : i32
    %jit3A_20 = arith.constant 0 : i32
    %select_n3A = arith.select %lt3A_19, %jit3A, %jit3A_20 : i32
    %add3A_21 = arith.constant 62 : i32
    %add3A_22 = arith.addi %add3A_21, %select_n3A : i32
    %gt3A = arith.constant 0 : i32
    %gt3A_23 = arith.cmpi sgt, %add3A_22, %gt3A : i32
    %convert_element_type3A_24 = arith.extui %gt3A_23 : i1 to i32
    %cond3A_25 = arith.constant 0 : i32
    %cond3A_26 = arith.cmpi ne, %convert_element_type3A_24, %cond3A_25 : i32
    scf.if %cond3A_26 {
      "tpu.region"() ({
        %run_scoped3A = tpu.sem_alloc : memref<!tpu.dma_semaphore, #tpu.memory_space<semaphore_mem>>
        %dma_start3A_55 = arith.constant 0 : i32
        %dma_start3A_56 = arith.constant 0 : i32
        %dma_start3A_57 = tpu.memref_slice %arg4[%add3A, %dma_start3A_55, %dma_start3A_56] : memref<2000x2x80xi32, #tpu.memory_space<hbm>> -> memref<1x2x80xi32, #tpu.memory_space<hbm>>
        %dma_start3A_58 = tpu.memref_squeeze %dma_start3A_57 : memref<1x2x80xi32, #tpu.memory_space<hbm>> -> memref<2x80xi32, #tpu.memory_space<hbm>>
        %dma_start3A_59 = arith.constant 0 : i32
        %dma_start3A_60 = arith.constant 0 : i32
        %dma_start3A_61 = tpu.memref_slice %arg4[%add3A, %dma_start3A_59, %dma_start3A_60] : memref<2000x2x80xi32, #tpu.memory_space<hbm>> -> memref<1x2x80xi32, #tpu.memory_space<hbm>>
        %dma_start3A_62 = tpu.memref_squeeze %dma_start3A_61 : memref<1x2x80xi32, #tpu.memory_space<hbm>> -> memref<2x80xi32, #tpu.memory_space<hbm>>
        tpu.enqueue_dma source(%dma_start3A_62 : memref<2x80xi32, #tpu.memory_space<hbm>>) target(%arg7 : memref<2x80xi32, #tpu.memory_space<vmem>>) target_semaphore(%run_scoped3A : memref<!tpu.dma_semaphore, #tpu.memory_space<semaphore_mem>>)
        %dma_wait3A = arith.constant 0 : i32
        %dma_wait3A_63 = arith.constant 0 : i32
        %dma_wait3A_64 = tpu.memref_slice %arg4[%add3A, %dma_wait3A, %dma_wait3A_63] : memref<2000x2x80xi32, #tpu.memory_space<hbm>> -> memref<1x2x80xi32, #tpu.memory_space<hbm>>
        %dma_wait3A_65 = tpu.memref_squeeze %dma_wait3A_64 : memref<1x2x80xi32, #tpu.memory_space<hbm>> -> memref<2x80xi32, #tpu.memory_space<hbm>>
        %dma_wait3A_66 = arith.constant 0 : i32
        %dma_wait3A_67 = arith.constant 0 : i32
        %dma_wait3A_68 = tpu.memref_slice %arg4[%add3A, %dma_wait3A_66, %dma_wait3A_67] : memref<2000x2x80xi32, #tpu.memory_space<hbm>> -> memref<1x2x80xi32, #tpu.memory_space<hbm>>
        %dma_wait3A_69 = tpu.memref_squeeze %dma_wait3A_68 : memref<1x2x80xi32, #tpu.memory_space<hbm>> -> memref<2x80xi32, #tpu.memory_space<hbm>>
        tpu.wait_dma2 semaphore(%run_scoped3A : memref<!tpu.dma_semaphore, #tpu.memory_space<semaphore_mem>>) src(%dma_wait3A_69 : memref<2x80xi32, #tpu.memory_space<hbm>>) dst(%arg7 : memref<2x80xi32, #tpu.memory_space<vmem>>)
        tpu.yield
      }) : () -> ()
      %dma_start3A = arith.constant 0 : i32
      %dma_start3A_43 = arith.constant 0 : i32
      %dma_start3A_44 = tpu.memref_slice %arg7[%dma_start3A, %dma_start3A_43] : memref<2x80xi32, #tpu.memory_space<vmem>> -> memref<1x80xi32, #tpu.memory_space<vmem>>
      %dma_start3A_45 = tpu.memref_squeeze %dma_start3A_44 : memref<1x80xi32, #tpu.memory_space<vmem>> -> memref<80xi32, #tpu.memory_space<vmem>>
      %dma_start3A_46 = arith.constant 0 : i32
      %dma_start3A_47 = arith.constant 0 : i32
      %dma_start3A_48 = tpu.memref_slice %arg2[%dma_start3A_46, %dma_start3A_47] : memref<10000x128xf32, #tpu.memory_space<hbm>> -> memref<10000x128xf32, #tpu.memory_space<hbm>>
      tpu.enqueue_indirect_dma source(%dma_start3A_48 : memref<10000x128xf32, #tpu.memory_space<hbm>>) target(%arg9 : memref<80x128xf32, #tpu.memory_space<vmem>>) offsets(%dma_start3A_45 : memref<80xi32, #tpu.memory_space<vmem>>) semaphore(%arg14 : memref<!tpu.dma_semaphore, #tpu.memory_space<semaphore_mem>>)
      %mul3A_49 = arith.constant 80 : i32
      %mul3A_50 = arith.muli %add3A, %mul3A_49 : i32
      %dma_start3A_51 = arith.constant 0 : i32
      %dma_start3A_52 = tpu.memref_slice %arg3[%mul3A_50, %dma_start3A_51] : memref<160000x128xf32, #tpu.memory_space<hbm>> -> memref<80x128xf32, #tpu.memory_space<hbm>>
      %dma_start3A_53 = arith.constant 0 : i32
      %dma_start3A_54 = tpu.memref_slice %arg3[%mul3A_50, %dma_start3A_53] : memref<160000x128xf32, #tpu.memory_space<hbm>> -> memref<80x128xf32, #tpu.memory_space<hbm>>
      tpu.enqueue_dma source(%dma_start3A_54 : memref<80x128xf32, #tpu.memory_space<hbm>>) target(%arg11 : memref<80x128xf32, #tpu.memory_space<vmem>>) target_semaphore(%arg16 : memref<!tpu.dma_semaphore, #tpu.memory_space<semaphore_mem>>)
    } else {
    }
    %scan3A_27 = arith.constant 0 : i32
    %scan3A_28 = arith.constant 32 : i32
    %scan3A_29 = arith.addi %scan3A_27, %scan3A_28 : i32
    %scan3A_30 = arith.constant 1 : i32
    scf.for %scan3A_43 = %scan3A_27 to %scan3A_29 step %scan3A_30  : i32 {
      %mul3A_44 = arith.constant 2 : i32
      %mul3A_45 = arith.muli %scan3A_43, %mul3A_44 : i32
      %add3A_46 = arith.constant 0 : i32
      %add3A_47 = arith.addi %add3A_46, %mul3A_45 : i32
      %add3A_48 = arith.constant 0 : i32
      %add3A_49 = arith.addi %add3A_47, %add3A_48 : i32
      %add3A_50 = arith.constant 1 : i32
      %add3A_51 = arith.addi %add3A_49, %add3A_50 : i32
      %lt3A_52 = arith.cmpi slt, %add3A_51, %add3A_22 : i32
      %convert_element_type3A_53 = arith.extui %lt3A_52 : i1 to i32
      %cond3A_54 = arith.constant 0 : i32
      %cond3A_55 = arith.cmpi ne, %convert_element_type3A_53, %cond3A_54 : i32
      scf.if %cond3A_55 {
        %add3A_72 = arith.constant 1 : i32
        %add3A_73 = arith.addi %add3A_49, %add3A_72 : i32
        %mul3A_74 = arith.constant 32 : i32
        %mul3A_75 = arith.muli %add3A_73, %mul3A_74 : i32
        %add3A_76 = arith.addi %add3A, %mul3A_75 : i32
        "tpu.region"() ({
          %run_scoped3A = tpu.sem_alloc : memref<!tpu.dma_semaphore, #tpu.memory_space<semaphore_mem>>
          %dma_start3A_89 = arith.constant 0 : i32
          %dma_start3A_90 = arith.constant 0 : i32
          %dma_start3A_91 = tpu.memref_slice %arg4[%add3A_76, %dma_start3A_89, %dma_start3A_90] : memref<2000x2x80xi32, #tpu.memory_space<hbm>> -> memref<1x2x80xi32, #tpu.memory_space<hbm>>
          %dma_start3A_92 = tpu.memref_squeeze %dma_start3A_91 : memref<1x2x80xi32, #tpu.memory_space<hbm>> -> memref<2x80xi32, #tpu.memory_space<hbm>>
          %dma_start3A_93 = arith.constant 0 : i32
          %dma_start3A_94 = arith.constant 0 : i32
          %dma_start3A_95 = tpu.memref_slice %arg4[%add3A_76, %dma_start3A_93, %dma_start3A_94] : memref<2000x2x80xi32, #tpu.memory_space<hbm>> -> memref<1x2x80xi32, #tpu.memory_space<hbm>>
          %dma_start3A_96 = tpu.memref_squeeze %dma_start3A_95 : memref<1x2x80xi32, #tpu.memory_space<hbm>> -> memref<2x80xi32, #tpu.memory_space<hbm>>
          tpu.enqueue_dma source(%dma_start3A_96 : memref<2x80xi32, #tpu.memory_space<hbm>>) target(%arg8 : memref<2x80xi32, #tpu.memory_space<vmem>>) target_semaphore(%run_scoped3A : memref<!tpu.dma_semaphore, #tpu.memory_space<semaphore_mem>>)
          %dma_wait3A = arith.constant 0 : i32
          %dma_wait3A_97 = arith.constant 0 : i32
          %dma_wait3A_98 = tpu.memref_slice %arg4[%add3A_76, %dma_wait3A, %dma_wait3A_97] : memref<2000x2x80xi32, #tpu.memory_space<hbm>> -> memref<1x2x80xi32, #tpu.memory_space<hbm>>
          %dma_wait3A_99 = tpu.memref_squeeze %dma_wait3A_98 : memref<1x2x80xi32, #tpu.memory_space<hbm>> -> memref<2x80xi32, #tpu.memory_space<hbm>>
          %dma_wait3A_100 = arith.constant 0 : i32
          %dma_wait3A_101 = arith.constant 0 : i32
          %dma_wait3A_102 = tpu.memref_slice %arg4[%add3A_76, %dma_wait3A_100, %dma_wait3A_101] : memref<2000x2x80xi32, #tpu.memory_space<hbm>> -> memref<1x2x80xi32, #tpu.memory_space<hbm>>
          %dma_wait3A_103 = tpu.memref_squeeze %dma_wait3A_102 : memref<1x2x80xi32, #tpu.memory_space<hbm>> -> memref<2x80xi32, #tpu.memory_space<hbm>>
          tpu.wait_dma2 semaphore(%run_scoped3A : memref<!tpu.dma_semaphore, #tpu.memory_space<semaphore_mem>>) src(%dma_wait3A_103 : memref<2x80xi32, #tpu.memory_space<hbm>>) dst(%arg8 : memref<2x80xi32, #tpu.memory_space<vmem>>)
          tpu.yield
        }) : () -> ()
        %dma_start3A = arith.constant 0 : i32
        %dma_start3A_77 = arith.constant 0 : i32
        %dma_start3A_78 = tpu.memref_slice %arg8[%dma_start3A, %dma_start3A_77] : memref<2x80xi32, #tpu.memory_space<vmem>> -> memref<1x80xi32, #tpu.memory_space<vmem>>
        %dma_start3A_79 = tpu.memref_squeeze %dma_start3A_78 : memref<1x80xi32, #tpu.memory_space<vmem>> -> memref<80xi32, #tpu.memory_space<vmem>>
        %dma_start3A_80 = arith.constant 0 : i32
        %dma_start3A_81 = arith.constant 0 : i32
        %dma_start3A_82 = tpu.memref_slice %arg2[%dma_start3A_80, %dma_start3A_81] : memref<10000x128xf32, #tpu.memory_space<hbm>> -> memref<10000x128xf32, #tpu.memory_space<hbm>>
        tpu.enqueue_indirect_dma source(%dma_start3A_82 : memref<10000x128xf32, #tpu.memory_space<hbm>>) target(%arg10 : memref<80x128xf32, #tpu.memory_space<vmem>>) offsets(%dma_start3A_79 : memref<80xi32, #tpu.memory_space<vmem>>) semaphore(%arg15 : memref<!tpu.dma_semaphore, #tpu.memory_space<semaphore_mem>>)
        %mul3A_83 = arith.constant 80 : i32
        %mul3A_84 = arith.muli %add3A_76, %mul3A_83 : i32
        %dma_start3A_85 = arith.constant 0 : i32
        %dma_start3A_86 = tpu.memref_slice %arg3[%mul3A_84, %dma_start3A_85] : memref<160000x128xf32, #tpu.memory_space<hbm>> -> memref<80x128xf32, #tpu.memory_space<hbm>>
        %dma_start3A_87 = arith.constant 0 : i32
        %dma_start3A_88 = tpu.memref_slice %arg3[%mul3A_84, %dma_start3A_87] : memref<160000x128xf32, #tpu.memory_space<hbm>> -> memref<80x128xf32, #tpu.memory_space<hbm>>
        tpu.enqueue_dma source(%dma_start3A_88 : memref<80x128xf32, #tpu.memory_space<hbm>>) target(%arg12 : memref<80x128xf32, #tpu.memory_space<vmem>>) target_semaphore(%arg17 : memref<!tpu.dma_semaphore, #tpu.memory_space<semaphore_mem>>)
      } else {
      }
      %lt3A_56 = arith.cmpi slt, %add3A_49, %add3A_22 : i32
      %convert_element_type3A_57 = arith.extui %lt3A_56 : i1 to i32
      %cond3A_58 = arith.constant 0 : i32
      %cond3A_59 = arith.cmpi ne, %convert_element_type3A_57, %cond3A_58 : i32
      scf.if %cond3A_59 {
        %dma_wait3A = arith.constant 0 : i32
        %dma_wait3A_72 = arith.constant 0 : i32
        %dma_wait3A_73 = tpu.memref_slice %arg2[%dma_wait3A, %dma_wait3A_72] : memref<10000x128xf32, #tpu.memory_space<hbm>> -> memref<80x128xf32, #tpu.memory_space<hbm>>
        %dma_wait3A_74 = arith.constant 0 : i32
        %dma_wait3A_75 = arith.constant 0 : i32
        %dma_wait3A_76 = tpu.memref_slice %arg2[%dma_wait3A_74, %dma_wait3A_75] : memref<10000x128xf32, #tpu.memory_space<hbm>> -> memref<80x128xf32, #tpu.memory_space<hbm>>
        tpu.wait_dma2 semaphore(%arg14 : memref<!tpu.dma_semaphore, #tpu.memory_space<semaphore_mem>>) src(%dma_wait3A_76 : memref<80x128xf32, #tpu.memory_space<hbm>>) dst(%arg9 : memref<80x128xf32, #tpu.memory_space<vmem>>)
        %dma_wait3A_77 = arith.constant 0 : i32
        %dma_wait3A_78 = arith.constant 0 : i32
        %dma_wait3A_79 = tpu.memref_slice %arg3[%dma_wait3A_77, %dma_wait3A_78] : memref<160000x128xf32, #tpu.memory_space<hbm>> -> memref<80x128xf32, #tpu.memory_space<hbm>>
        %dma_wait3A_80 = arith.constant 0 : i32
        %dma_wait3A_81 = arith.constant 0 : i32
        %dma_wait3A_82 = tpu.memref_slice %arg3[%dma_wait3A_80, %dma_wait3A_81] : memref<160000x128xf32, #tpu.memory_space<hbm>> -> memref<80x128xf32, #tpu.memory_space<hbm>>
        tpu.wait_dma2 semaphore(%arg16 : memref<!tpu.dma_semaphore, #tpu.memory_space<semaphore_mem>>) src(%dma_wait3A_82 : memref<80x128xf32, #tpu.memory_space<hbm>>) dst(%arg11 : memref<80x128xf32, #tpu.memory_space<vmem>>)
        %scan3A_83 = arith.constant 0 : i32
        %scan3A_84 = arith.constant 20 : i32
        %scan3A_85 = arith.addi %scan3A_83, %scan3A_84 : i32
        %scan3A_86 = arith.constant 1 : i32
        scf.for %scan3A_88 = %scan3A_83 to %scan3A_85 step %scan3A_86  : i32 {
          %mul3A_89 = arith.constant 4 : i32
          %mul3A_90 = arith.muli %scan3A_88, %mul3A_89 : i32
          %add3A_91 = arith.constant 0 : i32
          %add3A_92 = arith.addi %add3A_91, %mul3A_90 : i32
          %add3A_93 = arith.constant 0 : i32
          %add3A_94 = arith.addi %add3A_92, %add3A_93 : i32
          %get3A = arith.index_cast %add3A_94 : i32 to index
          %get3A_95 = arith.constant 0 : index
          %get3A_96 = tpu.vector_load %arg11[%get3A, %get3A_95] {strides = array<i32>} : memref<80x128xf32, #tpu.memory_space<vmem>>, vector<1x16xf32>,
          %get3A_97 = vector.shape_cast %get3A_96 : vector<1x16xf32> to vector<16xf32>
          %add3A_98 = arith.constant 0 : i32
          %add3A_99 = arith.addi %add3A_92, %add3A_98 : i32
          %get3A_100 = arith.index_cast %add3A_99 : i32 to index
          %get3A_101 = arith.constant 0 : index
          %get3A_102 = tpu.vector_load %arg9[%get3A_100, %get3A_101] {strides = array<i32>} : memref<80x128xf32, #tpu.memory_space<vmem>>, vector<1x16xf32>,
          %get3A_103 = vector.shape_cast %get3A_102 : vector<1x16xf32> to vector<16xf32>
          %mul3A_104 = arith.mulf %get3A_97, %get3A_103 : vector<16xf32>
          %add3A_105 = arith.constant 0 : i32
          %add3A_106 = arith.addi %add3A_92, %add3A_105 : i32
          %swap3A = arith.index_cast %add3A_106 : i32 to index
          %swap3A_107 = arith.constant 0 : index
          %swap3A_108 = tpu.vector_load %arg11[%swap3A, %swap3A_107] {strides = array<i32>} : memref<80x128xf32, #tpu.memory_space<vmem>>, vector<1x16xf32>,
          %swap3A_109 = vector.shape_cast %swap3A_108 : vector<1x16xf32> to vector<16xf32>
          %swap3A_110 = vector.shape_cast %mul3A_104 : vector<16xf32> to vector<1x16xf32>
          tpu.vector_store %arg11[%swap3A, %swap3A_107], %swap3A_110 {strides = array<i32>} : memref<80x128xf32, #tpu.memory_space<vmem>>, vector<1x16xf32>,
          %add3A_111 = arith.constant 0 : i32
          %add3A_112 = arith.addi %add3A_92, %add3A_111 : i32
          %get3A_113 = arith.index_cast %add3A_112 : i32 to index
          %get3A_114 = arith.constant 16 : index
          %get3A_115 = tpu.vector_load %arg11[%get3A_113, %get3A_114] {strides = array<i32>} : memref<80x128xf32, #tpu.memory_space<vmem>>, vector<1x16xf32>,
          %get3A_116 = vector.shape_cast %get3A_115 : vector<1x16xf32> to vector<16xf32>
          %add3A_117 = arith.constant 0 : i32
          %add3A_118 = arith.addi %add3A_92, %add3A_117 : i32
          %get3A_119 = arith.index_cast %add3A_118 : i32 to index
          %get3A_120 = arith.constant 16 : index
          %get3A_121 = tpu.vector_load %arg9[%get3A_119, %get3A_120] {strides = array<i32>} : memref<80x128xf32, #tpu.memory_space<vmem>>, vector<1x16xf32>,
          %get3A_122 = vector.shape_cast %get3A_121 : vector<1x16xf32> to vector<16xf32>
          %mul3A_123 = arith.mulf %get3A_116, %get3A_122 : vector<16xf32>
          %add3A_124 = arith.constant 0 : i32
          %add3A_125 = arith.addi %add3A_92, %add3A_124 : i32
          %swap3A_126 = arith.index_cast %add3A_125 : i32 to index
          %swap3A_127 = arith.constant 16 : index
          %swap3A_128 = tpu.vector_load %arg11[%swap3A_126, %swap3A_127] {strides = array<i32>} : memref<80x128xf32, #tpu.memory_space<vmem>>, vector<1x16xf32>,
          %swap3A_129 = vector.shape_cast %swap3A_128 : vector<1x16xf32> to vector<16xf32>
          %swap3A_130 = vector.shape_cast %mul3A_123 : vector<16xf32> to vector<1x16xf32>
          tpu.vector_store %arg11[%swap3A_126, %swap3A_127], %swap3A_130 {strides = array<i32>} : memref<80x128xf32, #tpu.memory_space<vmem>>, vector<1x16xf32>,
          %add3A_131 = arith.constant 0 : i32
          %add3A_132 = arith.addi %add3A_92, %add3A_131 : i32
          %get3A_133 = arith.index_cast %add3A_132 : i32 to index
          %get3A_134 = arith.constant 32 : index
          %get3A_135 = tpu.vector_load %arg11[%get3A_133, %get3A_134] {strides = array<i32>} : memref<80x128xf32, #tpu.memory_space<vmem>>, vector<1x16xf32>,
          %get3A_136 = vector.shape_cast %get3A_135 : vector<1x16xf32> to vector<16xf32>
          %add3A_137 = arith.constant 0 : i32
          %add3A_138 = arith.addi %add3A_92, %add3A_137 : i32
          %get3A_139 = arith.index_cast %add3A_138 : i32 to index
          %get3A_140 = arith.constant 32 : index
          %get3A_141 = tpu.vector_load %arg9[%get3A_139, %get3A_140] {strides = array<i32>} : memref<80x128xf32, #tpu.memory_space<vmem>>, vector<1x16xf32>,
          %get3A_142 = vector.shape_cast %get3A_141 : vector<1x16xf32> to vector<16xf32>
          %mul3A_143 = arith.mulf %get3A_136, %get3A_142 : vector<16xf32>
          %add3A_144 = arith.constant 0 : i32
          %add3A_145 = arith.addi %add3A_92, %add3A_144 : i32
          %swap3A_146 = arith.index_cast %add3A_145 : i32 to index
          %swap3A_147 = arith.constant 32 : index
          %swap3A_148 = tpu.vector_load %arg11[%swap3A_146, %swap3A_147] {strides = array<i32>} : memref<80x128xf32, #tpu.memory_space<vmem>>, vector<1x16xf32>,
          %swap3A_149 = vector.shape_cast %swap3A_148 : vector<1x16xf32> to vector<16xf32>
          %swap3A_150 = vector.shape_cast %mul3A_143 : vector<16xf32> to vector<1x16xf32>
          tpu.vector_store %arg11[%swap3A_146, %swap3A_147], %swap3A_150 {strides = array<i32>} : memref<80x128xf32, #tpu.memory_space<vmem>>, vector<1x16xf32>,
          %add3A_151 = arith.constant 0 : i32
          %add3A_152 = arith.addi %add3A_92, %add3A_151 : i32
          %get3A_153 = arith.index_cast %add3A_152 : i32 to index
          %get3A_154 = arith.constant 48 : index
          %get3A_155 = tpu.vector_load %arg11[%get3A_153, %get3A_154] {strides = array<i32>} : memref<80x128xf32, #tpu.memory_space<vmem>>, vector<1x16xf32>,
          %get3A_156 = vector.shape_cast %get3A_155 : vector<1x16xf32> to vector<16xf32>
          %add3A_157 = arith.constant 0 : i32
          %add3A_158 = arith.addi %add3A_92, %add3A_157 : i32
          %get3A_159 = arith.index_cast %add3A_158 : i32 to index
          %get3A_160 = arith.constant 48 : index
          %get3A_161 = tpu.vector_load %arg9[%get3A_159, %get3A_160] {strides = array<i32>} : memref<80x128xf32, #tpu.memory_space<vmem>>, vector<1x16xf32>,
          %get3A_162 = vector.shape_cast %get3A_161 : vector<1x16xf32> to vector<16xf32>
          %mul3A_163 = arith.mulf %get3A_156, %get3A_162 : vector<16xf32>
          %add3A_164 = arith.constant 0 : i32
          %add3A_165 = arith.addi %add3A_92, %add3A_164 : i32
          %swap3A_166 = arith.index_cast %add3A_165 : i32 to index
          %swap3A_167 = arith.constant 48 : index
          %swap3A_168 = tpu.vector_load %arg11[%swap3A_166, %swap3A_167] {strides = array<i32>} : memref<80x128xf32, #tpu.memory_space<vmem>>, vector<1x16xf32>,
          %swap3A_169 = vector.shape_cast %swap3A_168 : vector<1x16xf32> to vector<16xf32>
          %swap3A_170 = vector.shape_cast %mul3A_163 : vector<16xf32> to vector<1x16xf32>
          tpu.vector_store %arg11[%swap3A_166, %swap3A_167], %swap3A_170 {strides = array<i32>} : memref<80x128xf32, #tpu.memory_space<vmem>>, vector<1x16xf32>,
          %add3A_171 = arith.constant 0 : i32
          %add3A_172 = arith.addi %add3A_92, %add3A_171 : i32
          %get3A_173 = arith.index_cast %add3A_172 : i32 to index
          %get3A_174 = arith.constant 64 : index
          %get3A_175 = tpu.vector_load %arg11[%get3A_173, %get3A_174] {strides = array<i32>} : memref<80x128xf32, #tpu.memory_space<vmem>>, vector<1x16xf32>,
          %get3A_176 = vector.shape_cast %get3A_175 : vector<1x16xf32> to vector<16xf32>
          %add3A_177 = arith.constant 0 : i32
          %add3A_178 = arith.addi %add3A_92, %add3A_177 : i32
          %get3A_179 = arith.index_cast %add3A_178 : i32 to index
          %get3A_180 = arith.constant 64 : index
          %get3A_181 = tpu.vector_load %arg9[%get3A_179, %get3A_180] {strides = array<i32>} : memref<80x128xf32, #tpu.memory_space<vmem>>, vector<1x16xf32>,
          %get3A_182 = vector.shape_cast %get3A_181 : vector<1x16xf32> to vector<16xf32>
          %mul3A_183 = arith.mulf %get3A_176, %get3A_182 : vector<16xf32>
          %add3A_184 = arith.constant 0 : i32
          %add3A_185 = arith.addi %add3A_92, %add3A_184 : i32
          %swap3A_186 = arith.index_cast %add3A_185 : i32 to index
          %swap3A_187 = arith.constant 64 : index
          %swap3A_188 = tpu.vector_load %arg11[%swap3A_186, %swap3A_187] {strides = array<i32>} : memref<80x128xf32, #tpu.memory_space<vmem>>, vector<1x16xf32>,
          %swap3A_189 = vector.shape_cast %swap3A_188 : vector<1x16xf32> to vector<16xf32>
          %swap3A_190 = vector.shape_cast %mul3A_183 : vector<16xf32> to vector<1x16xf32>
          tpu.vector_store %arg11[%swap3A_186, %swap3A_187], %swap3A_190 {strides = array<i32>} : memref<80x128xf32, #tpu.memory_space<vmem>>, vector<1x16xf32>,
          %add3A_191 = arith.constant 0 : i32
          %add3A_192 = arith.addi %add3A_92, %add3A_191 : i32
          %get3A_193 = arith.index_cast %add3A_192 : i32 to index
          %get3A_194 = arith.constant 80 : index
          %get3A_195 = tpu.vector_load %arg11[%get3A_193, %get3A_194] {strides = array<i32>} : memref<80x128xf32, #tpu.memory_space<vmem>>, vector<1x16xf32>,
          %get3A_196 = vector.shape_cast %get3A_195 : vector<1x16xf32> to vector<16xf32>
          %add3A_197 = arith.constant 0 : i32
          %add3A_198 = arith.addi %add3A_92, %add3A_197 : i32
          %get3A_199 = arith.index_cast %add3A_198 : i32 to index
          %get3A_200 = arith.constant 80 : index
          %get3A_201 = tpu.vector_load %arg9[%get3A_199, %get3A_200] {strides = array<i32>} : memref<80x128xf32, #tpu.memory_space<vmem>>, vector<1x16xf32>,
          %get3A_202 = vector.shape_cast %get3A_201 : vector<1x16xf32> to vector<16xf32>
          %mul3A_203 = arith.mulf %get3A_196, %get3A_202 : vector<16xf32>
          %add3A_204 = arith.constant 0 : i32
          %add3A_205 = arith.addi %add3A_92, %add3A_204 : i32
          %swap3A_206 = arith.index_cast %add3A_205 : i32 to index
          %swap3A_207 = arith.constant 80 : index
          %swap3A_208 = tpu.vector_load %arg11[%swap3A_206, %swap3A_207] {strides = array<i32>} : memref<80x128xf32, #tpu.memory_space<vmem>>, vector<1x16xf32>,
          %swap3A_209 = vector.shape_cast %swap3A_208 : vector<1x16xf32> to vector<16xf32>
          %swap3A_210 = vector.shape_cast %mul3A_203 : vector<16xf32> to vector<1x16xf32>
          tpu.vector_store %arg11[%swap3A_206, %swap3A_207], %swap3A_210 {strides = array<i32>} : memref<80x128xf32, #tpu.memory_space<vmem>>, vector<1x16xf32>,
          %add3A_211 = arith.constant 0 : i32
          %add3A_212 = arith.addi %add3A_92, %add3A_211 : i32
          %get3A_213 = arith.index_cast %add3A_212 : i32 to index
          %get3A_214 = arith.constant 96 : index
          %get3A_215 = tpu.vector_load %arg11[%get3A_213, %get3A_214] {strides = array<i32>} : memref<80x128xf32, #tpu.memory_space<vmem>>, vector<1x16xf32>,
          %get3A_216 = vector.shape_cast %get3A_215 : vector<1x16xf32> to vector<16xf32>
          %add3A_217 = arith.constant 0 : i32
          %add3A_218 = arith.addi %add3A_92, %add3A_217 : i32
          %get3A_219 = arith.index_cast %add3A_218 : i32 to index
          %get3A_220 = arith.constant 96 : index
          %get3A_221 = tpu.vector_load %arg9[%get3A_219, %get3A_220] {strides = array<i32>} : memref<80x128xf32, #tpu.memory_space<vmem>>, vector<1x16xf32>,
          %get3A_222 = vector.shape_cast %get3A_221 : vector<1x16xf32> to vector<16xf32>
          %mul3A_223 = arith.mulf %get3A_216, %get3A_222 : vector<16xf32>
          %add3A_224 = arith.constant 0 : i32
          %add3A_225 = arith.addi %add3A_92, %add3A_224 : i32
          %swap3A_226 = arith.index_cast %add3A_225 : i32 to index
          %swap3A_227 = arith.constant 96 : index
          %swap3A_228 = tpu.vector_load %arg11[%swap3A_226, %swap3A_227] {strides = array<i32>} : memref<80x128xf32, #tpu.memory_space<vmem>>, vector<1x16xf32>,
          %swap3A_229 = vector.shape_cast %swap3A_228 : vector<1x16xf32> to vector<16xf32>
          %swap3A_230 = vector.shape_cast %mul3A_223 : vector<16xf32> to vector<1x16xf32>
          tpu.vector_store %arg11[%swap3A_226, %swap3A_227], %swap3A_230 {strides = array<i32>} : memref<80x128xf32, #tpu.memory_space<vmem>>, vector<1x16xf32>,
          %add3A_231 = arith.constant 0 : i32
          %add3A_232 = arith.addi %add3A_92, %add3A_231 : i32
          %get3A_233 = arith.index_cast %add3A_232 : i32 to index
          %get3A_234 = arith.constant 112 : index
          %get3A_235 = tpu.vector_load %arg11[%get3A_233, %get3A_234] {strides = array<i32>} : memref<80x128xf32, #tpu.memory_space<vmem>>, vector<1x16xf32>,
          %get3A_236 = vector.shape_cast %get3A_235 : vector<1x16xf32> to vector<16xf32>
          %add3A_237 = arith.constant 0 : i32
          %add3A_238 = arith.addi %add3A_92, %add3A_237 : i32
          %get3A_239 = arith.index_cast %add3A_238 : i32 to index
          %get3A_240 = arith.constant 112 : index
          %get3A_241 = tpu.vector_load %arg9[%get3A_239, %get3A_240] {strides = array<i32>} : memref<80x128xf32, #tpu.memory_space<vmem>>, vector<1x16xf32>,
          %get3A_242 = vector.shape_cast %get3A_241 : vector<1x16xf32> to vector<16xf32>
          %mul3A_243 = arith.mulf %get3A_236, %get3A_242 : vector<16xf32>
          %add3A_244 = arith.constant 0 : i32
          %add3A_245 = arith.addi %add3A_92, %add3A_244 : i32
          %swap3A_246 = arith.index_cast %add3A_245 : i32 to index
          %swap3A_247 = arith.constant 112 : index
          %swap3A_248 = tpu.vector_load %arg11[%swap3A_246, %swap3A_247] {strides = array<i32>} : memref<80x128xf32, #tpu.memory_space<vmem>>, vector<1x16xf32>,
          %swap3A_249 = vector.shape_cast %swap3A_248 : vector<1x16xf32> to vector<16xf32>
          %swap3A_250 = vector.shape_cast %mul3A_243 : vector<16xf32> to vector<1x16xf32>
          tpu.vector_store %arg11[%swap3A_246, %swap3A_247], %swap3A_250 {strides = array<i32>} : memref<80x128xf32, #tpu.memory_space<vmem>>, vector<1x16xf32>,
          %add3A_251 = arith.constant 1 : i32
          %add3A_252 = arith.addi %add3A_92, %add3A_251 : i32
          %get3A_253 = arith.index_cast %add3A_252 : i32 to index
          %get3A_254 = arith.constant 0 : index
          %get3A_255 = tpu.vector_load %arg11[%get3A_253, %get3A_254] {strides = array<i32>} : memref<80x128xf32, #tpu.memory_space<vmem>>, vector<1x16xf32>,
          %get3A_256 = vector.shape_cast %get3A_255 : vector<1x16xf32> to vector<16xf32>
          %add3A_257 = arith.constant 1 : i32
          %add3A_258 = arith.addi %add3A_92, %add3A_257 : i32
          %get3A_259 = arith.index_cast %add3A_258 : i32 to index
          %get3A_260 = arith.constant 0 : index
          %get3A_261 = tpu.vector_load %arg9[%get3A_259, %get3A_260] {strides = array<i32>} : memref<80x128xf32, #tpu.memory_space<vmem>>, vector<1x16xf32>,
          %get3A_262 = vector.shape_cast %get3A_261 : vector<1x16xf32> to vector<16xf32>
          %mul3A_263 = arith.mulf %get3A_256, %get3A_262 : vector<16xf32>
          %add3A_264 = arith.constant 1 : i32
          %add3A_265 = arith.addi %add3A_92, %add3A_264 : i32
          %swap3A_266 = arith.index_cast %add3A_265 : i32 to index
          %swap3A_267 = arith.constant 0 : index
          %swap3A_268 = tpu.vector_load %arg11[%swap3A_266, %swap3A_267] {strides = array<i32>} : memref<80x128xf32, #tpu.memory_space<vmem>>, vector<1x16xf32>,
          %swap3A_269 = vector.shape_cast %swap3A_268 : vector<1x16xf32> to vector<16xf32>
          %swap3A_270 = vector.shape_cast %mul3A_263 : vector<16xf32> to vector<1x16xf32>
          tpu.vector_store %arg11[%swap3A_266, %swap3A_267], %swap3A_270 {strides = array<i32>} : memref<80x128xf32, #tpu.memory_space<vmem>>, vector<1x16xf32>,
          %add3A_271 = arith.constant 1 : i32
          %add3A_272 = arith.addi %add3A_92, %add3A_271 : i32
          %get3A_273 = arith.index_cast %add3A_272 : i32 to index
          %get3A_274 = arith.constant 16 : index
          %get3A_275 = tpu.vector_load %arg11[%get3A_273, %get3A_274] {strides = array<i32>} : memref<80x128xf32, #tpu.memory_space<vmem>>, vector<1x16xf32>,
          %get3A_276 = vector.shape_cast %get3A_275 : vector<1x16xf32> to vector<16xf32>
          %add3A_277 = arith.constant 1 : i32
          %add3A_278 = arith.addi %add3A_92, %add3A_277 : i32
          %get3A_279 = arith.index_cast %add3A_278 : i32 to index
          %get3A_280 = arith.constant 16 : index
          %get3A_281 = tpu.vector_load %arg9[%get3A_279, %get3A_280] {strides = array<i32>} : memref<80x128xf32, #tpu.memory_space<vmem>>, vector<1x16xf32>,
          %get3A_282 = vector.shape_cast %get3A_281 : vector<1x16xf32> to vector<16xf32>
          %mul3A_283 = arith.mulf %get3A_276, %get3A_282 : vector<16xf32>
          %add3A_284 = arith.constant 1 : i32
          %add3A_285 = arith.addi %add3A_92, %add3A_284 : i32
          %swap3A_286 = arith.index_cast %add3A_285 : i32 to index
          %swap3A_287 = arith.constant 16 : index
          %swap3A_288 = tpu.vector_load %arg11[%swap3A_286, %swap3A_287] {strides = array<i32>} : memref<80x128xf32, #tpu.memory_space<vmem>>, vector<1x16xf32>,
          %swap3A_289 = vector.shape_cast %swap3A_288 : vector<1x16xf32> to vector<16xf32>
          %swap3A_290 = vector.shape_cast %mul3A_283 : vector<16xf32> to vector<1x16xf32>
          tpu.vector_store %arg11[%swap3A_286, %swap3A_287], %swap3A_290 {strides = array<i32>} : memref<80x128xf32, #tpu.memory_space<vmem>>, vector<1x16xf32>,
          %add3A_291 = arith.constant 1 : i32
          %add3A_292 = arith.addi %add3A_92, %add3A_291 : i32
          %get3A_293 = arith.index_cast %add3A_292 : i32 to index
          %get3A_294 = arith.constant 32 : index
          %get3A_295 = tpu.vector_load %arg11[%get3A_293, %get3A_294] {strides = array<i32>} : memref<80x128xf32, #tpu.memory_space<vmem>>, vector<1x16xf32>,
          %get3A_296 = vector.shape_cast %get3A_295 : vector<1x16xf32> to vector<16xf32>
          %add3A_297 = arith.constant 1 : i32
          %add3A_298 = arith.addi %add3A_92, %add3A_297 : i32
          %get3A_299 = arith.index_cast %add3A_298 : i32 to index
          %get3A_300 = arith.constant 32 : index
          %get3A_301 = tpu.vector_load %arg9[%get3A_299, %get3A_300] {strides = array<i32>} : memref<80x128xf32, #tpu.memory_space<vmem>>, vector<1x16xf32>,
          %get3A_302 = vector.shape_cast %get3A_301 : vector<1x16xf32> to vector<16xf32>
          %mul3A_303 = arith.mulf %get3A_296, %get3A_302 : vector<16xf32>
          %add3A_304 = arith.constant 1 : i32
          %add3A_305 = arith.addi %add3A_92, %add3A_304 : i32
          %swap3A_306 = arith.index_cast %add3A_305 : i32 to index
          %swap3A_307 = arith.constant 32 : index
          %swap3A_308 = tpu.vector_load %arg11[%swap3A_306, %swap3A_307] {strides = array<i32>} : memref<80x128xf32, #tpu.memory_space<vmem>>, vector<1x16xf32>,
          %swap3A_309 = vector.shape_cast %swap3A_308 : vector<1x16xf32> to vector<16xf32>
          %swap3A_310 = vector.shape_cast %mul3A_303 : vector<16xf32> to vector<1x16xf32>
          tpu.vector_store %arg11[%swap3A_306, %swap3A_307], %swap3A_310 {strides = array<i32>} : memref<80x128xf32, #tpu.memory_space<vmem>>, vector<1x16xf32>,
          %add3A_311 = arith.constant 1 : i32
          %add3A_312 = arith.addi %add3A_92, %add3A_311 : i32
          %get3A_313 = arith.index_cast %add3A_312 : i32 to index
          %get3A_314 = arith.constant 48 : index
          %get3A_315 = tpu.vector_load %arg11[%get3A_313, %get3A_314] {strides = array<i32>} : memref<80x128xf32, #tpu.memory_space<vmem>>, vector<1x16xf32>,
          %get3A_316 = vector.shape_cast %get3A_315 : vector<1x16xf32> to vector<16xf32>
          %add3A_317 = arith.constant 1 : i32
          %add3A_318 = arith.addi %add3A_92, %add3A_317 : i32
          %get3A_319 = arith.index_cast %add3A_318 : i32 to index
          %get3A_320 = arith.constant 48 : index
          %get3A_321 = tpu.vector_load %arg9[%get3A_319, %get3A_320] {strides = array<i32>} : memref<80x128xf32, #tpu.memory_space<vmem>>, vector<1x16xf32>,
          %get3A_322 = vector.shape_cast %get3A_321 : vector<1x16xf32> to vector<16xf32>
          %mul3A_323 = arith.mulf %get3A_316, %get3A_322 : vector<16xf32>
          %add3A_324 = arith.constant 1 : i32
          %add3A_325 = arith.addi %add3A_92, %add3A_324 : i32
          %swap3A_326 = arith.index_cast %add3A_325 : i32 to index
          %swap3A_327 = arith.constant 48 : index
          %swap3A_328 = tpu.vector_load %arg11[%swap3A_326, %swap3A_327] {strides = array<i32>} : memref<80x128xf32, #tpu.memory_space<vmem>>, vector<1x16xf32>,
          %swap3A_329 = vector.shape_cast %swap3A_328 : vector<1x16xf32> to vector<16xf32>
          %swap3A_330 = vector.shape_cast %mul3A_323 : vector<16xf32> to vector<1x16xf32>
          tpu.vector_store %arg11[%swap3A_326, %swap3A_327], %swap3A_330 {strides = array<i32>} : memref<80x128xf32, #tpu.memory_space<vmem>>, vector<1x16xf32>,
          %add3A_331 = arith.constant 1 : i32
          %add3A_332 = arith.addi %add3A_92, %add3A_331 : i32
          %get3A_333 = arith.index_cast %add3A_332 : i32 to index
          %get3A_334 = arith.constant 64 : index
          %get3A_335 = tpu.vector_load %arg11[%get3A_333, %get3A_334] {strides = array<i32>} : memref<80x128xf32, #tpu.memory_space<vmem>>, vector<1x16xf32>,
          %get3A_336 = vector.shape_cast %get3A_335 : vector<1x16xf32> to vector<16xf32>
          %add3A_337 = arith.constant 1 : i32
          %add3A_338 = arith.addi %add3A_92, %add3A_337 : i32
          %get3A_339 = arith.index_cast %add3A_338 : i32 to index
          %get3A_340 = arith.constant 64 : index
          %get3A_341 = tpu.vector_load %arg9[%get3A_339, %get3A_340] {strides = array<i32>} : memref<80x128xf32, #tpu.memory_space<vmem>>, vector<1x16xf32>,
          %get3A_342 = vector.shape_cast %get3A_341 : vector<1x16xf32> to vector<16xf32>
          %mul3A_343 = arith.mulf %get3A_336, %get3A_342 : vector<16xf32>
          %add3A_344 = arith.constant 1 : i32
          %add3A_345 = arith.addi %add3A_92, %add3A_344 : i32
          %swap3A_346 = arith.index_cast %add3A_345 : i32 to index
          %swap3A_347 = arith.constant 64 : index
          %swap3A_348 = tpu.vector_load %arg11[%swap3A_346, %swap3A_347] {strides = array<i32>} : memref<80x128xf32, #tpu.memory_space<vmem>>, vector<1x16xf32>,
          %swap3A_349 = vector.shape_cast %swap3A_348 : vector<1x16xf32> to vector<16xf32>
          %swap3A_350 = vector.shape_cast %mul3A_343 : vector<16xf32> to vector<1x16xf32>
          tpu.vector_store %arg11[%swap3A_346, %swap3A_347], %swap3A_350 {strides = array<i32>} : memref<80x128xf32, #tpu.memory_space<vmem>>, vector<1x16xf32>,
          %add3A_351 = arith.constant 1 : i32
          %add3A_352 = arith.addi %add3A_92, %add3A_351 : i32
          %get3A_353 = arith.index_cast %add3A_352 : i32 to index
          %get3A_354 = arith.constant 80 : index
          %get3A_355 = tpu.vector_load %arg11[%get3A_353, %get3A_354] {strides = array<i32>} : memref<80x128xf32, #tpu.memory_space<vmem>>, vector<1x16xf32>,
          %get3A_356 = vector.shape_cast %get3A_355 : vector<1x16xf32> to vector<16xf32>
          %add3A_357 = arith.constant 1 : i32
          %add3A_358 = arith.addi %add3A_92, %add3A_357 : i32
          %get3A_359 = arith.index_cast %add3A_358 : i32 to index
          %get3A_360 = arith.constant 80 : index
          %get3A_361 = tpu.vector_load %arg9[%get3A_359, %get3A_360] {strides = array<i32>} : memref<80x128xf32, #tpu.memory_space<vmem>>, vector<1x16xf32>,
          %get3A_362 = vector.shape_cast %get3A_361 : vector<1x16xf32> to vector<16xf32>
          %mul3A_363 = arith.mulf %get3A_356, %get3A_362 : vector<16xf32>
          %add3A_364 = arith.constant 1 : i32
          %add3A_365 = arith.addi %add3A_92, %add3A_364 : i32
          %swap3A_366 = arith.index_cast %add3A_365 : i32 to index
          %swap3A_367 = arith.constant 80 : index
          %swap3A_368 = tpu.vector_load %arg11[%swap3A_366, %swap3A_367] {strides = array<i32>} : memref<80x128xf32, #tpu.memory_space<vmem>>, vector<1x16xf32>,
          %swap3A_369 = vector.shape_cast %swap3A_368 : vector<1x16xf32> to vector<16xf32>
          %swap3A_370 = vector.shape_cast %mul3A_363 : vector<16xf32> to vector<1x16xf32>
          tpu.vector_store %arg11[%swap3A_366, %swap3A_367], %swap3A_370 {strides = array<i32>} : memref<80x128xf32, #tpu.memory_space<vmem>>, vector<1x16xf32>,
          %add3A_371 = arith.constant 1 : i32
          %add3A_372 = arith.addi %add3A_92, %add3A_371 : i32
          %get3A_373 = arith.index_cast %add3A_372 : i32 to index
          %get3A_374 = arith.constant 96 : index
          %get3A_375 = tpu.vector_load %arg11[%get3A_373, %get3A_374] {strides = array<i32>} : memref<80x128xf32, #tpu.memory_space<vmem>>, vector<1x16xf32>,
          %get3A_376 = vector.shape_cast %get3A_375 : vector<1x16xf32> to vector<16xf32>
          %add3A_377 = arith.constant 1 : i32
          %add3A_378 = arith.addi %add3A_92, %add3A_377 : i32
          %get3A_379 = arith.index_cast %add3A_378 : i32 to index
          %get3A_380 = arith.constant 96 : index
          %get3A_381 = tpu.vector_load %arg9[%get3A_379, %get3A_380] {strides = array<i32>} : memref<80x128xf32, #tpu.memory_space<vmem>>, vector<1x16xf32>,
          %get3A_382 = vector.shape_cast %get3A_381 : vector<1x16xf32> to vector<16xf32>
          %mul3A_383 = arith.mulf %get3A_376, %get3A_382 : vector<16xf32>
          %add3A_384 = arith.constant 1 : i32
          %add3A_385 = arith.addi %add3A_92, %add3A_384 : i32
          %swap3A_386 = arith.index_cast %add3A_385 : i32 to index
          %swap3A_387 = arith.constant 96 : index
          %swap3A_388 = tpu.vector_load %arg11[%swap3A_386, %swap3A_387] {strides = array<i32>} : memref<80x128xf32, #tpu.memory_space<vmem>>, vector<1x16xf32>,
          %swap3A_389 = vector.shape_cast %swap3A_388 : vector<1x16xf32> to vector<16xf32>
          %swap3A_390 = vector.shape_cast %mul3A_383 : vector<16xf32> to vector<1x16xf32>
          tpu.vector_store %arg11[%swap3A_386, %swap3A_387], %swap3A_390 {strides = array<i32>} : memref<80x128xf32, #tpu.memory_space<vmem>>, vector<1x16xf32>,
          %add3A_391 = arith.constant 1 : i32
          %add3A_392 = arith.addi %add3A_92, %add3A_391 : i32
          %get3A_393 = arith.index_cast %add3A_392 : i32 to index
          %get3A_394 = arith.constant 112 : index
          %get3A_395 = tpu.vector_load %arg11[%get3A_393, %get3A_394] {strides = array<i32>} : memref<80x128xf32, #tpu.memory_space<vmem>>, vector<1x16xf32>,
          %get3A_396 = vector.shape_cast %get3A_395 : vector<1x16xf32> to vector<16xf32>
          %add3A_397 = arith.constant 1 : i32
          %add3A_398 = arith.addi %add3A_92, %add3A_397 : i32
          %get3A_399 = arith.index_cast %add3A_398 : i32 to index
          %get3A_400 = arith.constant 112 : index
          %get3A_401 = tpu.vector_load %arg9[%get3A_399, %get3A_400] {strides = array<i32>} : memref<80x128xf32, #tpu.memory_space<vmem>>, vector<1x16xf32>,
          %get3A_402 = vector.shape_cast %get3A_401 : vector<1x16xf32> to vector<16xf32>
          %mul3A_403 = arith.mulf %get3A_396, %get3A_402 : vector<16xf32>
          %add3A_404 = arith.constant 1 : i32
          %add3A_405 = arith.addi %add3A_92, %add3A_404 : i32
          %swap3A_406 = arith.index_cast %add3A_405 : i32 to index
          %swap3A_407 = arith.constant 112 : index
          %swap3A_408 = tpu.vector_load %arg11[%swap3A_406, %swap3A_407] {strides = array<i32>} : memref<80x128xf32, #tpu.memory_space<vmem>>, vector<1x16xf32>,
          %swap3A_409 = vector.shape_cast %swap3A_408 : vector<1x16xf32> to vector<16xf32>
          %swap3A_410 = vector.shape_cast %mul3A_403 : vector<16xf32> to vector<1x16xf32>
          tpu.vector_store %arg11[%swap3A_406, %swap3A_407], %swap3A_410 {strides = array<i32>} : memref<80x128xf32, #tpu.memory_space<vmem>>, vector<1x16xf32>,
          %add3A_411 = arith.constant 2 : i32
          %add3A_412 = arith.addi %add3A_92, %add3A_411 : i32
          %get3A_413 = arith.index_cast %add3A_412 : i32 to index
          %get3A_414 = arith.constant 0 : index
          %get3A_415 = tpu.vector_load %arg11[%get3A_413, %get3A_414] {strides = array<i32>} : memref<80x128xf32, #tpu.memory_space<vmem>>, vector<1x16xf32>,
          %get3A_416 = vector.shape_cast %get3A_415 : vector<1x16xf32> to vector<16xf32>
          %add3A_417 = arith.constant 2 : i32
          %add3A_418 = arith.addi %add3A_92, %add3A_417 : i32
          %get3A_419 = arith.index_cast %add3A_418 : i32 to index
          %get3A_420 = arith.constant 0 : index
          %get3A_421 = tpu.vector_load %arg9[%get3A_419, %get3A_420] {strides = array<i32>} : memref<80x128xf32, #tpu.memory_space<vmem>>, vector<1x16xf32>,
          %get3A_422 = vector.shape_cast %get3A_421 : vector<1x16xf32> to vector<16xf32>
          %mul3A_423 = arith.mulf %get3A_416, %get3A_422 : vector<16xf32>
          %add3A_424 = arith.constant 2 : i32
          %add3A_425 = arith.addi %add3A_92, %add3A_424 : i32
          %swap3A_426 = arith.index_cast %add3A_425 : i32 to index
          %swap3A_427 = arith.constant 0 : index
          %swap3A_428 = tpu.vector_load %arg11[%swap3A_426, %swap3A_427] {strides = array<i32>} : memref<80x128xf32, #tpu.memory_space<vmem>>, vector<1x16xf32>,
          %swap3A_429 = vector.shape_cast %swap3A_428 : vector<1x16xf32> to vector<16xf32>
          %swap3A_430 = vector.shape_cast %mul3A_423 : vector<16xf32> to vector<1x16xf32>
          tpu.vector_store %arg11[%swap3A_426, %swap3A_427], %swap3A_430 {strides = array<i32>} : memref<80x128xf32, #tpu.memory_space<vmem>>, vector<1x16xf32>,
          %add3A_431 = arith.constant 2 : i32
          %add3A_432 = arith.addi %add3A_92, %add3A_431 : i32
          %get3A_433 = arith.index_cast %add3A_432 : i32 to index
          %get3A_434 = arith.constant 16 : index
          %get3A_435 = tpu.vector_load %arg11[%get3A_433, %get3A_434] {strides = array<i32>} : memref<80x128xf32, #tpu.memory_space<vmem>>, vector<1x16xf32>,
          %get3A_436 = vector.shape_cast %get3A_435 : vector<1x16xf32> to vector<16xf32>
          %add3A_437 = arith.constant 2 : i32
          %add3A_438 = arith.addi %add3A_92, %add3A_437 : i32
          %get3A_439 = arith.index_cast %add3A_438 : i32 to index
          %get3A_440 = arith.constant 16 : index
          %get3A_441 = tpu.vector_load %arg9[%get3A_439, %get3A_440] {strides = array<i32>} : memref<80x128xf32, #tpu.memory_space<vmem>>, vector<1x16xf32>,
          %get3A_442 = vector.shape_cast %get3A_441 : vector<1x16xf32> to vector<16xf32>
          %mul3A_443 = arith.mulf %get3A_436, %get3A_442 : vector<16xf32>
          %add3A_444 = arith.constant 2 : i32
          %add3A_445 = arith.addi %add3A_92, %add3A_444 : i32
          %swap3A_446 = arith.index_cast %add3A_445 : i32 to index
          %swap3A_447 = arith.constant 16 : index
          %swap3A_448 = tpu.vector_load %arg11[%swap3A_446, %swap3A_447] {strides = array<i32>} : memref<80x128xf32, #tpu.memory_space<vmem>>, vector<1x16xf32>,
          %swap3A_449 = vector.shape_cast %swap3A_448 : vector<1x16xf32> to vector<16xf32>
          %swap3A_450 = vector.shape_cast %mul3A_443 : vector<16xf32> to vector<1x16xf32>
          tpu.vector_store %arg11[%swap3A_446, %swap3A_447], %swap3A_450 {strides = array<i32>} : memref<80x128xf32, #tpu.memory_space<vmem>>, vector<1x16xf32>,
          %add3A_451 = arith.constant 2 : i32
          %add3A_452 = arith.addi %add3A_92, %add3A_451 : i32
          %get3A_453 = arith.index_cast %add3A_452 : i32 to index
          %get3A_454 = arith.constant 32 : index
          %get3A_455 = tpu.vector_load %arg11[%get3A_453, %get3A_454] {strides = array<i32>} : memref<80x128xf32, #tpu.memory_space<vmem>>, vector<1x16xf32>,
          %get3A_456 = vector.shape_cast %get3A_455 : vector<1x16xf32> to vector<16xf32>
          %add3A_457 = arith.constant 2 : i32
          %add3A_458 = arith.addi %add3A_92, %add3A_457 : i32
          %get3A_459 = arith.index_cast %add3A_458 : i32 to index
          %get3A_460 = arith.constant 32 : index
          %get3A_461 = tpu.vector_load %arg9[%get3A_459, %get3A_460] {strides = array<i32>} : memref<80x128xf32, #tpu.memory_space<vmem>>, vector<1x16xf32>,
          %get3A_462 = vector.shape_cast %get3A_461 : vector<1x16xf32> to vector<16xf32>
          %mul3A_463 = arith.mulf %get3A_456, %get3A_462 : vector<16xf32>
          %add3A_464 = arith.constant 2 : i32
          %add3A_465 = arith.addi %add3A_92, %add3A_464 : i32
          %swap3A_466 = arith.index_cast %add3A_465 : i32 to index
          %swap3A_467 = arith.constant 32 : index
          %swap3A_468 = tpu.vector_load %arg11[%swap3A_466, %swap3A_467] {strides = array<i32>} : memref<80x128xf32, #tpu.memory_space<vmem>>, vector<1x16xf32>,
          %swap3A_469 = vector.shape_cast %swap3A_468 : vector<1x16xf32> to vector<16xf32>
          %swap3A_470 = vector.shape_cast %mul3A_463 : vector<16xf32> to vector<1x16xf32>
          tpu.vector_store %arg11[%swap3A_466, %swap3A_467], %swap3A_470 {strides = array<i32>} : memref<80x128xf32, #tpu.memory_space<vmem>>, vector<1x16xf32>,
          %add3A_471 = arith.constant 2 : i32
          %add3A_472 = arith.addi %add3A_92, %add3A_471 : i32
          %get3A_473 = arith.index_cast %add3A_472 : i32 to index
          %get3A_474 = arith.constant 48 : index
          %get3A_475 = tpu.vector_load %arg11[%get3A_473, %get3A_474] {strides = array<i32>} : memref<80x128xf32, #tpu.memory_space<vmem>>, vector<1x16xf32>,
          %get3A_476 = vector.shape_cast %get3A_475 : vector<1x16xf32> to vector<16xf32>
          %add3A_477 = arith.constant 2 : i32
          %add3A_478 = arith.addi %add3A_92, %add3A_477 : i32
          %get3A_479 = arith.index_cast %add3A_478 : i32 to index
          %get3A_480 = arith.constant 48 : index
          %get3A_481 = tpu.vector_load %arg9[%get3A_479, %get3A_480] {strides = array<i32>} : memref<80x128xf32, #tpu.memory_space<vmem>>, vector<1x16xf32>,
          %get3A_482 = vector.shape_cast %get3A_481 : vector<1x16xf32> to vector<16xf32>
          %mul3A_483 = arith.mulf %get3A_476, %get3A_482 : vector<16xf32>
          %add3A_484 = arith.constant 2 : i32
          %add3A_485 = arith.addi %add3A_92, %add3A_484 : i32
          %swap3A_486 = arith.index_cast %add3A_485 : i32 to index
          %swap3A_487 = arith.constant 48 : index
          %swap3A_488 = tpu.vector_load %arg11[%swap3A_486, %swap3A_487] {strides = array<i32>} : memref<80x128xf32, #tpu.memory_space<vmem>>, vector<1x16xf32>,
          %swap3A_489 = vector.shape_cast %swap3A_488 : vector<1x16xf32> to vector<16xf32>
          %swap3A_490 = vector.shape_cast %mul3A_483 : vector<16xf32> to vector<1x16xf32>
          tpu.vector_store %arg11[%swap3A_486, %swap3A_487], %swap3A_490 {strides = array<i32>} : memref<80x128xf32, #tpu.memory_space<vmem>>, vector<1x16xf32>,
          %add3A_491 = arith.constant 2 : i32
          %add3A_492 = arith.addi %add3A_92, %add3A_491 : i32
          %get3A_493 = arith.index_cast %add3A_492 : i32 to index
          %get3A_494 = arith.constant 64 : index
          %get3A_495 = tpu.vector_load %arg11[%get3A_493, %get3A_494] {strides = array<i32>} : memref<80x128xf32, #tpu.memory_space<vmem>>, vector<1x16xf32>,
          %get3A_496 = vector.shape_cast %get3A_495 : vector<1x16xf32> to vector<16xf32>
          %add3A_497 = arith.constant 2 : i32
          %add3A_498 = arith.addi %add3A_92, %add3A_497 : i32
          %get3A_499 = arith.index_cast %add3A_498 : i32 to index
          %get3A_500 = arith.constant 64 : index
          %get3A_501 = tpu.vector_load %arg9[%get3A_499, %get3A_500] {strides = array<i32>} : memref<80x128xf32, #tpu.memory_space<vmem>>, vector<1x16xf32>,
          %get3A_502 = vector.shape_cast %get3A_501 : vector<1x16xf32> to vector<16xf32>
          %mul3A_503 = arith.mulf %get3A_496, %get3A_502 : vector<16xf32>
          %add3A_504 = arith.constant 2 : i32
          %add3A_505 = arith.addi %add3A_92, %add3A_504 : i32
          %swap3A_506 = arith.index_cast %add3A_505 : i32 to index
          %swap3A_507 = arith.constant 64 : index
          %swap3A_508 = tpu.vector_load %arg11[%swap3A_506, %swap3A_507] {strides = array<i32>} : memref<80x128xf32, #tpu.memory_space<vmem>>, vector<1x16xf32>,
          %swap3A_509 = vector.shape_cast %swap3A_508 : vector<1x16xf32> to vector<16xf32>
          %swap3A_510 = vector.shape_cast %mul3A_503 : vector<16xf32> to vector<1x16xf32>
          tpu.vector_store %arg11[%swap3A_506, %swap3A_507], %swap3A_510 {strides = array<i32>} : memref<80x128xf32, #tpu.memory_space<vmem>>, vector<1x16xf32>,
          %add3A_511 = arith.constant 2 : i32
          %add3A_512 = arith.addi %add3A_92, %add3A_511 : i32
          %get3A_513 = arith.index_cast %add3A_512 : i32 to index
          %get3A_514 = arith.constant 80 : index
          %get3A_515 = tpu.vector_load %arg11[%get3A_513, %get3A_514] {strides = array<i32>} : memref<80x128xf32, #tpu.memory_space<vmem>>, vector<1x16xf32>,
          %get3A_516 = vector.shape_cast %get3A_515 : vector<1x16xf32> to vector<16xf32>
          %add3A_517 = arith.constant 2 : i32
          %add3A_518 = arith.addi %add3A_92, %add3A_517 : i32
          %get3A_519 = arith.index_cast %add3A_518 : i32 to index
          %get3A_520 = arith.constant 80 : index
          %get3A_521 = tpu.vector_load %arg9[%get3A_519, %get3A_520] {strides = array<i32>} : memref<80x128xf32, #tpu.memory_space<vmem>>, vector<1x16xf32>,
          %get3A_522 = vector.shape_cast %get3A_521 : vector<1x16xf32> to vector<16xf32>
          %mul3A_523 = arith.mulf %get3A_516, %get3A_522 : vector<16xf32>
          %add3A_524 = arith.constant 2 : i32
          %add3A_525 = arith.addi %add3A_92, %add3A_524 : i32
          %swap3A_526 = arith.index_cast %add3A_525 : i32 to index
          %swap3A_527 = arith.constant 80 : index
          %swap3A_528 = tpu.vector_load %arg11[%swap3A_526, %swap3A_527] {strides = array<i32>} : memref<80x128xf32, #tpu.memory_space<vmem>>, vector<1x16xf32>,
          %swap3A_529 = vector.shape_cast %swap3A_528 : vector<1x16xf32> to vector<16xf32>
          %swap3A_530 = vector.shape_cast %mul3A_523 : vector<16xf32> to vector<1x16xf32>
          tpu.vector_store %arg11[%swap3A_526, %swap3A_527], %swap3A_530 {strides = array<i32>} : memref<80x128xf32, #tpu.memory_space<vmem>>, vector<1x16xf32>,
          %add3A_531 = arith.constant 2 : i32
          %add3A_532 = arith.addi %add3A_92, %add3A_531 : i32
          %get3A_533 = arith.index_cast %add3A_532 : i32 to index
          %get3A_534 = arith.constant 96 : index
          %get3A_535 = tpu.vector_load %arg11[%get3A_533, %get3A_534] {strides = array<i32>} : memref<80x128xf32, #tpu.memory_space<vmem>>, vector<1x16xf32>,
          %get3A_536 = vector.shape_cast %get3A_535 : vector<1x16xf32> to vector<16xf32>
          %add3A_537 = arith.constant 2 : i32
          %add3A_538 = arith.addi %add3A_92, %add3A_537 : i32
          %get3A_539 = arith.index_cast %add3A_538 : i32 to index
          %get3A_540 = arith.constant 96 : index
          %get3A_541 = tpu.vector_load %arg9[%get3A_539, %get3A_540] {strides = array<i32>} : memref<80x128xf32, #tpu.memory_space<vmem>>, vector<1x16xf32>,
          %get3A_542 = vector.shape_cast %get3A_541 : vector<1x16xf32> to vector<16xf32>
          %mul3A_543 = arith.mulf %get3A_536, %get3A_542 : vector<16xf32>
          %add3A_544 = arith.constant 2 : i32
          %add3A_545 = arith.addi %add3A_92, %add3A_544 : i32
          %swap3A_546 = arith.index_cast %add3A_545 : i32 to index
          %swap3A_547 = arith.constant 96 : index
          %swap3A_548 = tpu.vector_load %arg11[%swap3A_546, %swap3A_547] {strides = array<i32>} : memref<80x128xf32, #tpu.memory_space<vmem>>, vector<1x16xf32>,
          %swap3A_549 = vector.shape_cast %swap3A_548 : vector<1x16xf32> to vector<16xf32>
          %swap3A_550 = vector.shape_cast %mul3A_543 : vector<16xf32> to vector<1x16xf32>
          tpu.vector_store %arg11[%swap3A_546, %swap3A_547], %swap3A_550 {strides = array<i32>} : memref<80x128xf32, #tpu.memory_space<vmem>>, vector<1x16xf32>,
          %add3A_551 = arith.constant 2 : i32
          %add3A_552 = arith.addi %add3A_92, %add3A_551 : i32
          %get3A_553 = arith.index_cast %add3A_552 : i32 to index
          %get3A_554 = arith.constant 112 : index
          %get3A_555 = tpu.vector_load %arg11[%get3A_553, %get3A_554] {strides = array<i32>} : memref<80x128xf32, #tpu.memory_space<vmem>>, vector<1x16xf32>,
          %get3A_556 = vector.shape_cast %get3A_555 : vector<1x16xf32> to vector<16xf32>
          %add3A_557 = arith.constant 2 : i32
          %add3A_558 = arith.addi %add3A_92, %add3A_557 : i32
          %get3A_559 = arith.index_cast %add3A_558 : i32 to index
          %get3A_560 = arith.constant 112 : index
          %get3A_561 = tpu.vector_load %arg9[%get3A_559, %get3A_560] {strides = array<i32>} : memref<80x128xf32, #tpu.memory_space<vmem>>, vector<1x16xf32>,
          %get3A_562 = vector.shape_cast %get3A_561 : vector<1x16xf32> to vector<16xf32>
          %mul3A_563 = arith.mulf %get3A_556, %get3A_562 : vector<16xf32>
          %add3A_564 = arith.constant 2 : i32
          %add3A_565 = arith.addi %add3A_92, %add3A_564 : i32
          %swap3A_566 = arith.index_cast %add3A_565 : i32 to index
          %swap3A_567 = arith.constant 112 : index
          %swap3A_568 = tpu.vector_load %arg11[%swap3A_566, %swap3A_567] {strides = array<i32>} : memref<80x128xf32, #tpu.memory_space<vmem>>, vector<1x16xf32>,
          %swap3A_569 = vector.shape_cast %swap3A_568 : vector<1x16xf32> to vector<16xf32>
          %swap3A_570 = vector.shape_cast %mul3A_563 : vector<16xf32> to vector<1x16xf32>
          tpu.vector_store %arg11[%swap3A_566, %swap3A_567], %swap3A_570 {strides = array<i32>} : memref<80x128xf32, #tpu.memory_space<vmem>>, vector<1x16xf32>,
          %add3A_571 = arith.constant 3 : i32
          %add3A_572 = arith.addi %add3A_92, %add3A_571 : i32
          %get3A_573 = arith.index_cast %add3A_572 : i32 to index
          %get3A_574 = arith.constant 0 : index
          %get3A_575 = tpu.vector_load %arg11[%get3A_573, %get3A_574] {strides = array<i32>} : memref<80x128xf32, #tpu.memory_space<vmem>>, vector<1x16xf32>,
          %get3A_576 = vector.shape_cast %get3A_575 : vector<1x16xf32> to vector<16xf32>
          %add3A_577 = arith.constant 3 : i32
          %add3A_578 = arith.addi %add3A_92, %add3A_577 : i32
          %get3A_579 = arith.index_cast %add3A_578 : i32 to index
          %get3A_580 = arith.constant 0 : index
          %get3A_581 = tpu.vector_load %arg9[%get3A_579, %get3A_580] {strides = array<i32>} : memref<80x128xf32, #tpu.memory_space<vmem>>, vector<1x16xf32>,
          %get3A_582 = vector.shape_cast %get3A_581 : vector<1x16xf32> to vector<16xf32>
          %mul3A_583 = arith.mulf %get3A_576, %get3A_582 : vector<16xf32>
          %add3A_584 = arith.constant 3 : i32
          %add3A_585 = arith.addi %add3A_92, %add3A_584 : i32
          %swap3A_586 = arith.index_cast %add3A_585 : i32 to index
          %swap3A_587 = arith.constant 0 : index
          %swap3A_588 = tpu.vector_load %arg11[%swap3A_586, %swap3A_587] {strides = array<i32>} : memref<80x128xf32, #tpu.memory_space<vmem>>, vector<1x16xf32>,
          %swap3A_589 = vector.shape_cast %swap3A_588 : vector<1x16xf32> to vector<16xf32>
          %swap3A_590 = vector.shape_cast %mul3A_583 : vector<16xf32> to vector<1x16xf32>
          tpu.vector_store %arg11[%swap3A_586, %swap3A_587], %swap3A_590 {strides = array<i32>} : memref<80x128xf32, #tpu.memory_space<vmem>>, vector<1x16xf32>,
          %add3A_591 = arith.constant 3 : i32
          %add3A_592 = arith.addi %add3A_92, %add3A_591 : i32
          %get3A_593 = arith.index_cast %add3A_592 : i32 to index
          %get3A_594 = arith.constant 16 : index
          %get3A_595 = tpu.vector_load %arg11[%get3A_593, %get3A_594] {strides = array<i32>} : memref<80x128xf32, #tpu.memory_space<vmem>>, vector<1x16xf32>,
          %get3A_596 = vector.shape_cast %get3A_595 : vector<1x16xf32> to vector<16xf32>
          %add3A_597 = arith.constant 3 : i32
          %add3A_598 = arith.addi %add3A_92, %add3A_597 : i32
          %get3A_599 = arith.index_cast %add3A_598 : i32 to index
          %get3A_600 = arith.constant 16 : index
          %get3A_601 = tpu.vector_load %arg9[%get3A_599, %get3A_600] {strides = array<i32>} : memref<80x128xf32, #tpu.memory_space<vmem>>, vector<1x16xf32>,
          %get3A_602 = vector.shape_cast %get3A_601 : vector<1x16xf32> to vector<16xf32>
          %mul3A_603 = arith.mulf %get3A_596, %get3A_602 : vector<16xf32>
          %add3A_604 = arith.constant 3 : i32
          %add3A_605 = arith.addi %add3A_92, %add3A_604 : i32
          %swap3A_606 = arith.index_cast %add3A_605 : i32 to index
          %swap3A_607 = arith.constant 16 : index
          %swap3A_608 = tpu.vector_load %arg11[%swap3A_606, %swap3A_607] {strides = array<i32>} : memref<80x128xf32, #tpu.memory_space<vmem>>, vector<1x16xf32>,
          %swap3A_609 = vector.shape_cast %swap3A_608 : vector<1x16xf32> to vector<16xf32>
          %swap3A_610 = vector.shape_cast %mul3A_603 : vector<16xf32> to vector<1x16xf32>
          tpu.vector_store %arg11[%swap3A_606, %swap3A_607], %swap3A_610 {strides = array<i32>} : memref<80x128xf32, #tpu.memory_space<vmem>>, vector<1x16xf32>,
          %add3A_611 = arith.constant 3 : i32
          %add3A_612 = arith.addi %add3A_92, %add3A_611 : i32
          %get3A_613 = arith.index_cast %add3A_612 : i32 to index
          %get3A_614 = arith.constant 32 : index
          %get3A_615 = tpu.vector_load %arg11[%get3A_613, %get3A_614] {strides = array<i32>} : memref<80x128xf32, #tpu.memory_space<vmem>>, vector<1x16xf32>,
          %get3A_616 = vector.shape_cast %get3A_615 : vector<1x16xf32> to vector<16xf32>
          %add3A_617 = arith.constant 3 : i32
          %add3A_618 = arith.addi %add3A_92, %add3A_617 : i32
          %get3A_619 = arith.index_cast %add3A_618 : i32 to index
          %get3A_620 = arith.constant 32 : index
          %get3A_621 = tpu.vector_load %arg9[%get3A_619, %get3A_620] {strides = array<i32>} : memref<80x128xf32, #tpu.memory_space<vmem>>, vector<1x16xf32>,
          %get3A_622 = vector.shape_cast %get3A_621 : vector<1x16xf32> to vector<16xf32>
          %mul3A_623 = arith.mulf %get3A_616, %get3A_622 : vector<16xf32>
          %add3A_624 = arith.constant 3 : i32
          %add3A_625 = arith.addi %add3A_92, %add3A_624 : i32
          %swap3A_626 = arith.index_cast %add3A_625 : i32 to index
          %swap3A_627 = arith.constant 32 : index
          %swap3A_628 = tpu.vector_load %arg11[%swap3A_626, %swap3A_627] {strides = array<i32>} : memref<80x128xf32, #tpu.memory_space<vmem>>, vector<1x16xf32>,
          %swap3A_629 = vector.shape_cast %swap3A_628 : vector<1x16xf32> to vector<16xf32>
          %swap3A_630 = vector.shape_cast %mul3A_623 : vector<16xf32> to vector<1x16xf32>
          tpu.vector_store %arg11[%swap3A_626, %swap3A_627], %swap3A_630 {strides = array<i32>} : memref<80x128xf32, #tpu.memory_space<vmem>>, vector<1x16xf32>,
          %add3A_631 = arith.constant 3 : i32
          %add3A_632 = arith.addi %add3A_92, %add3A_631 : i32
          %get3A_633 = arith.index_cast %add3A_632 : i32 to index
          %get3A_634 = arith.constant 48 : index
          %get3A_635 = tpu.vector_load %arg11[%get3A_633, %get3A_634] {strides = array<i32>} : memref<80x128xf32, #tpu.memory_space<vmem>>, vector<1x16xf32>,
          %get3A_636 = vector.shape_cast %get3A_635 : vector<1x16xf32> to vector<16xf32>
          %add3A_637 = arith.constant 3 : i32
          %add3A_638 = arith.addi %add3A_92, %add3A_637 : i32
          %get3A_639 = arith.index_cast %add3A_638 : i32 to index
          %get3A_640 = arith.constant 48 : index
          %get3A_641 = tpu.vector_load %arg9[%get3A_639, %get3A_640] {strides = array<i32>} : memref<80x128xf32, #tpu.memory_space<vmem>>, vector<1x16xf32>,
          %get3A_642 = vector.shape_cast %get3A_641 : vector<1x16xf32> to vector<16xf32>
          %mul3A_643 = arith.mulf %get3A_636, %get3A_642 : vector<16xf32>
          %add3A_644 = arith.constant 3 : i32
          %add3A_645 = arith.addi %add3A_92, %add3A_644 : i32
          %swap3A_646 = arith.index_cast %add3A_645 : i32 to index
          %swap3A_647 = arith.constant 48 : index
          %swap3A_648 = tpu.vector_load %arg11[%swap3A_646, %swap3A_647] {strides = array<i32>} : memref<80x128xf32, #tpu.memory_space<vmem>>, vector<1x16xf32>,
          %swap3A_649 = vector.shape_cast %swap3A_648 : vector<1x16xf32> to vector<16xf32>
          %swap3A_650 = vector.shape_cast %mul3A_643 : vector<16xf32> to vector<1x16xf32>
          tpu.vector_store %arg11[%swap3A_646, %swap3A_647], %swap3A_650 {strides = array<i32>} : memref<80x128xf32, #tpu.memory_space<vmem>>, vector<1x16xf32>,
          %add3A_651 = arith.constant 3 : i32
          %add3A_652 = arith.addi %add3A_92, %add3A_651 : i32
          %get3A_653 = arith.index_cast %add3A_652 : i32 to index
          %get3A_654 = arith.constant 64 : index
          %get3A_655 = tpu.vector_load %arg11[%get3A_653, %get3A_654] {strides = array<i32>} : memref<80x128xf32, #tpu.memory_space<vmem>>, vector<1x16xf32>,
          %get3A_656 = vector.shape_cast %get3A_655 : vector<1x16xf32> to vector<16xf32>
          %add3A_657 = arith.constant 3 : i32
          %add3A_658 = arith.addi %add3A_92, %add3A_657 : i32
          %get3A_659 = arith.index_cast %add3A_658 : i32 to index
          %get3A_660 = arith.constant 64 : index
          %get3A_661 = tpu.vector_load %arg9[%get3A_659, %get3A_660] {strides = array<i32>} : memref<80x128xf32, #tpu.memory_space<vmem>>, vector<1x16xf32>,
          %get3A_662 = vector.shape_cast %get3A_661 : vector<1x16xf32> to vector<16xf32>
          %mul3A_663 = arith.mulf %get3A_656, %get3A_662 : vector<16xf32>
          %add3A_664 = arith.constant 3 : i32
          %add3A_665 = arith.addi %add3A_92, %add3A_664 : i32
          %swap3A_666 = arith.index_cast %add3A_665 : i32 to index
          %swap3A_667 = arith.constant 64 : index
          %swap3A_668 = tpu.vector_load %arg11[%swap3A_666, %swap3A_667] {strides = array<i32>} : memref<80x128xf32, #tpu.memory_space<vmem>>, vector<1x16xf32>,
          %swap3A_669 = vector.shape_cast %swap3A_668 : vector<1x16xf32> to vector<16xf32>
          %swap3A_670 = vector.shape_cast %mul3A_663 : vector<16xf32> to vector<1x16xf32>
          tpu.vector_store %arg11[%swap3A_666, %swap3A_667], %swap3A_670 {strides = array<i32>} : memref<80x128xf32, #tpu.memory_space<vmem>>, vector<1x16xf32>,
          %add3A_671 = arith.constant 3 : i32
          %add3A_672 = arith.addi %add3A_92, %add3A_671 : i32
          %get3A_673 = arith.index_cast %add3A_672 : i32 to index
          %get3A_674 = arith.constant 80 : index
          %get3A_675 = tpu.vector_load %arg11[%get3A_673, %get3A_674] {strides = array<i32>} : memref<80x128xf32, #tpu.memory_space<vmem>>, vector<1x16xf32>,
          %get3A_676 = vector.shape_cast %get3A_675 : vector<1x16xf32> to vector<16xf32>
          %add3A_677 = arith.constant 3 : i32
          %add3A_678 = arith.addi %add3A_92, %add3A_677 : i32
          %get3A_679 = arith.index_cast %add3A_678 : i32 to index
          %get3A_680 = arith.constant 80 : index
          %get3A_681 = tpu.vector_load %arg9[%get3A_679, %get3A_680] {strides = array<i32>} : memref<80x128xf32, #tpu.memory_space<vmem>>, vector<1x16xf32>,
          %get3A_682 = vector.shape_cast %get3A_681 : vector<1x16xf32> to vector<16xf32>
          %mul3A_683 = arith.mulf %get3A_676, %get3A_682 : vector<16xf32>
          %add3A_684 = arith.constant 3 : i32
          %add3A_685 = arith.addi %add3A_92, %add3A_684 : i32
          %swap3A_686 = arith.index_cast %add3A_685 : i32 to index
          %swap3A_687 = arith.constant 80 : index
          %swap3A_688 = tpu.vector_load %arg11[%swap3A_686, %swap3A_687] {strides = array<i32>} : memref<80x128xf32, #tpu.memory_space<vmem>>, vector<1x16xf32>,
          %swap3A_689 = vector.shape_cast %swap3A_688 : vector<1x16xf32> to vector<16xf32>
          %swap3A_690 = vector.shape_cast %mul3A_683 : vector<16xf32> to vector<1x16xf32>
          tpu.vector_store %arg11[%swap3A_686, %swap3A_687], %swap3A_690 {strides = array<i32>} : memref<80x128xf32, #tpu.memory_space<vmem>>, vector<1x16xf32>,
          %add3A_691 = arith.constant 3 : i32
          %add3A_692 = arith.addi %add3A_92, %add3A_691 : i32
          %get3A_693 = arith.index_cast %add3A_692 : i32 to index
          %get3A_694 = arith.constant 96 : index
          %get3A_695 = tpu.vector_load %arg11[%get3A_693, %get3A_694] {strides = array<i32>} : memref<80x128xf32, #tpu.memory_space<vmem>>, vector<1x16xf32>,
          %get3A_696 = vector.shape_cast %get3A_695 : vector<1x16xf32> to vector<16xf32>
          %add3A_697 = arith.constant 3 : i32
          %add3A_698 = arith.addi %add3A_92, %add3A_697 : i32
          %get3A_699 = arith.index_cast %add3A_698 : i32 to index
          %get3A_700 = arith.constant 96 : index
          %get3A_701 = tpu.vector_load %arg9[%get3A_699, %get3A_700] {strides = array<i32>} : memref<80x128xf32, #tpu.memory_space<vmem>>, vector<1x16xf32>,
          %get3A_702 = vector.shape_cast %get3A_701 : vector<1x16xf32> to vector<16xf32>
          %mul3A_703 = arith.mulf %get3A_696, %get3A_702 : vector<16xf32>
          %add3A_704 = arith.constant 3 : i32
          %add3A_705 = arith.addi %add3A_92, %add3A_704 : i32
          %swap3A_706 = arith.index_cast %add3A_705 : i32 to index
          %swap3A_707 = arith.constant 96 : index
          %swap3A_708 = tpu.vector_load %arg11[%swap3A_706, %swap3A_707] {strides = array<i32>} : memref<80x128xf32, #tpu.memory_space<vmem>>, vector<1x16xf32>,
          %swap3A_709 = vector.shape_cast %swap3A_708 : vector<1x16xf32> to vector<16xf32>
          %swap3A_710 = vector.shape_cast %mul3A_703 : vector<16xf32> to vector<1x16xf32>
          tpu.vector_store %arg11[%swap3A_706, %swap3A_707], %swap3A_710 {strides = array<i32>} : memref<80x128xf32, #tpu.memory_space<vmem>>, vector<1x16xf32>,
          %add3A_711 = arith.constant 3 : i32
          %add3A_712 = arith.addi %add3A_92, %add3A_711 : i32
          %get3A_713 = arith.index_cast %add3A_712 : i32 to index
          %get3A_714 = arith.constant 112 : index
          %get3A_715 = tpu.vector_load %arg11[%get3A_713, %get3A_714] {strides = array<i32>} : memref<80x128xf32, #tpu.memory_space<vmem>>, vector<1x16xf32>,
          %get3A_716 = vector.shape_cast %get3A_715 : vector<1x16xf32> to vector<16xf32>
          %add3A_717 = arith.constant 3 : i32
          %add3A_718 = arith.addi %add3A_92, %add3A_717 : i32
          %get3A_719 = arith.index_cast %add3A_718 : i32 to index
          %get3A_720 = arith.constant 112 : index
          %get3A_721 = tpu.vector_load %arg9[%get3A_719, %get3A_720] {strides = array<i32>} : memref<80x128xf32, #tpu.memory_space<vmem>>, vector<1x16xf32>,
          %get3A_722 = vector.shape_cast %get3A_721 : vector<1x16xf32> to vector<16xf32>
          %mul3A_723 = arith.mulf %get3A_716, %get3A_722 : vector<16xf32>
          %add3A_724 = arith.constant 3 : i32
          %add3A_725 = arith.addi %add3A_92, %add3A_724 : i32
          %swap3A_726 = arith.index_cast %add3A_725 : i32 to index
          %swap3A_727 = arith.constant 112 : index
          %swap3A_728 = tpu.vector_load %arg11[%swap3A_726, %swap3A_727] {strides = array<i32>} : memref<80x128xf32, #tpu.memory_space<vmem>>, vector<1x16xf32>,
          %swap3A_729 = vector.shape_cast %swap3A_728 : vector<1x16xf32> to vector<16xf32>
          %swap3A_730 = vector.shape_cast %mul3A_723 : vector<16xf32> to vector<1x16xf32>
          tpu.vector_store %arg11[%swap3A_726, %swap3A_727], %swap3A_730 {strides = array<i32>} : memref<80x128xf32, #tpu.memory_space<vmem>>, vector<1x16xf32>,
        }
        %scan3A_87 = arith.constant 20 : i32
        %run_scoped3A = arith.constant 1 : i32
        "tpu.region"() ({
          %run_scoped3A_88 = tpu.sem_alloc : memref<!tpu.dma_semaphore, #tpu.memory_space<semaphore_mem>>
          %dma_start3A = arith.constant 0 : i32
          %dma_start3A_89 = tpu.memref_slice %arg7[%run_scoped3A, %dma_start3A] : memref<2x80xi32, #tpu.memory_space<vmem>> -> memref<1x80xi32, #tpu.memory_space<vmem>>
          %dma_start3A_90 = tpu.memref_squeeze %dma_start3A_89 : memref<1x80xi32, #tpu.memory_space<vmem>> -> memref<80xi32, #tpu.memory_space<vmem>>
          %dma_start3A_91 = arith.constant 0 : i32
          %dma_start3A_92 = arith.constant 0 : i32
          %dma_start3A_93 = tpu.memref_slice %arg13[%dma_start3A_91, %dma_start3A_92] : memref<10000x128xf32, #tpu.memory_space<vmem_shared>> -> memref<10000x128xf32, #tpu.memory_space<vmem_shared>>
          tpu.enqueue_indirect_dma source(%arg11 : memref<80x128xf32, #tpu.memory_space<vmem>>) target(%dma_start3A_93 : memref<10000x128xf32, #tpu.memory_space<vmem_shared>>) offsets(%dma_start3A_90 : memref<80xi32, #tpu.memory_space<vmem>>) semaphore(%run_scoped3A_88 : memref<!tpu.dma_semaphore, #tpu.memory_space<semaphore_mem>>) {add = true}
          %dma_wait3A_94 = arith.constant 0 : i32
          %dma_wait3A_95 = tpu.memref_slice %arg7[%run_scoped3A, %dma_wait3A_94] : memref<2x80xi32, #tpu.memory_space<vmem>> -> memref<1x80xi32, #tpu.memory_space<vmem>>
          %dma_wait3A_96 = tpu.memref_squeeze %dma_wait3A_95 : memref<1x80xi32, #tpu.memory_space<vmem>> -> memref<80xi32, #tpu.memory_space<vmem>>
          %dma_wait3A_97 = arith.constant 0 : i32
          %dma_wait3A_98 = arith.constant 0 : i32
          %dma_wait3A_99 = tpu.memref_slice %arg13[%dma_wait3A_97, %dma_wait3A_98] : memref<10000x128xf32, #tpu.memory_space<vmem_shared>> -> memref<10000x128xf32, #tpu.memory_space<vmem_shared>>
          tpu.wait_indirect_dma semaphore(%run_scoped3A_88 : memref<!tpu.dma_semaphore, #tpu.memory_space<semaphore_mem>>) src(%arg11 : memref<80x128xf32, #tpu.memory_space<vmem>>) dst(%dma_wait3A_99 : memref<10000x128xf32, #tpu.memory_space<vmem_shared>>)
          tpu.yield
        }) : () -> ()
      } else {
      }
      %add3A_60 = arith.constant 1 : i32
      %add3A_61 = arith.addi %add3A_47, %add3A_60 : i32
      %add3A_62 = arith.constant 1 : i32
      %add3A_63 = arith.addi %add3A_61, %add3A_62 : i32
      %lt3A_64 = arith.cmpi slt, %add3A_63, %add3A_22 : i32
      %convert_element_type3A_65 = arith.extui %lt3A_64 : i1 to i32
      %cond3A_66 = arith.constant 0 : i32
      %cond3A_67 = arith.cmpi ne, %convert_element_type3A_65, %cond3A_66 : i32
      scf.if %cond3A_67 {
        %add3A_72 = arith.constant 1 : i32
        %add3A_73 = arith.addi %add3A_61, %add3A_72 : i32
        %mul3A_74 = arith.constant 32 : i32
        %mul3A_75 = arith.muli %add3A_73, %mul3A_74 : i32
        %add3A_76 = arith.addi %add3A, %mul3A_75 : i32
        "tpu.region"() ({
          %run_scoped3A = tpu.sem_alloc : memref<!tpu.dma_semaphore, #tpu.memory_space<semaphore_mem>>
          %dma_start3A_89 = arith.constant 0 : i32
          %dma_start3A_90 = arith.constant 0 : i32
          %dma_start3A_91 = tpu.memref_slice %arg4[%add3A_76, %dma_start3A_89, %dma_start3A_90] : memref<2000x2x80xi32, #tpu.memory_space<hbm>> -> memref<1x2x80xi32, #tpu.memory_space<hbm>>
          %dma_start3A_92 = tpu.memref_squeeze %dma_start3A_91 : memref<1x2x80xi32, #tpu.memory_space<hbm>> -> memref<2x80xi32, #tpu.memory_space<hbm>>
          %dma_start3A_93 = arith.constant 0 : i32
          %dma_start3A_94 = arith.constant 0 : i32
          %dma_start3A_95 = tpu.memref_slice %arg4[%add3A_76, %dma_start3A_93, %dma_start3A_94] : memref<2000x2x80xi32, #tpu.memory_space<hbm>> -> memref<1x2x80xi32, #tpu.memory_space<hbm>>
          %dma_start3A_96 = tpu.memref_squeeze %dma_start3A_95 : memref<1x2x80xi32, #tpu.memory_space<hbm>> -> memref<2x80xi32, #tpu.memory_space<hbm>>
          tpu.enqueue_dma source(%dma_start3A_96 : memref<2x80xi32, #tpu.memory_space<hbm>>) target(%arg7 : memref<2x80xi32, #tpu.memory_space<vmem>>) target_semaphore(%run_scoped3A : memref<!tpu.dma_semaphore, #tpu.memory_space<semaphore_mem>>)
          %dma_wait3A = arith.constant 0 : i32
          %dma_wait3A_97 = arith.constant 0 : i32
          %dma_wait3A_98 = tpu.memref_slice %arg4[%add3A_76, %dma_wait3A, %dma_wait3A_97] : memref<2000x2x80xi32, #tpu.memory_space<hbm>> -> memref<1x2x80xi32, #tpu.memory_space<hbm>>
          %dma_wait3A_99 = tpu.memref_squeeze %dma_wait3A_98 : memref<1x2x80xi32, #tpu.memory_space<hbm>> -> memref<2x80xi32, #tpu.memory_space<hbm>>
          %dma_wait3A_100 = arith.constant 0 : i32
          %dma_wait3A_101 = arith.constant 0 : i32
          %dma_wait3A_102 = tpu.memref_slice %arg4[%add3A_76, %dma_wait3A_100, %dma_wait3A_101] : memref<2000x2x80xi32, #tpu.memory_space<hbm>> -> memref<1x2x80xi32, #tpu.memory_space<hbm>>
          %dma_wait3A_103 = tpu.memref_squeeze %dma_wait3A_102 : memref<1x2x80xi32, #tpu.memory_space<hbm>> -> memref<2x80xi32, #tpu.memory_space<hbm>>
          tpu.wait_dma2 semaphore(%run_scoped3A : memref<!tpu.dma_semaphore, #tpu.memory_space<semaphore_mem>>) src(%dma_wait3A_103 : memref<2x80xi32, #tpu.memory_space<hbm>>) dst(%arg7 : memref<2x80xi32, #tpu.memory_space<vmem>>)
          tpu.yield
        }) : () -> ()
        %dma_start3A = arith.constant 0 : i32
        %dma_start3A_77 = arith.constant 0 : i32
        %dma_start3A_78 = tpu.memref_slice %arg7[%dma_start3A, %dma_start3A_77] : memref<2x80xi32, #tpu.memory_space<vmem>> -> memref<1x80xi32, #tpu.memory_space<vmem>>
        %dma_start3A_79 = tpu.memref_squeeze %dma_start3A_78 : memref<1x80xi32, #tpu.memory_space<vmem>> -> memref<80xi32, #tpu.memory_space<vmem>>
        %dma_start3A_80 = arith.constant 0 : i32
        %dma_start3A_81 = arith.constant 0 : i32
        %dma_start3A_82 = tpu.memref_slice %arg2[%dma_start3A_80, %dma_start3A_81] : memref<10000x128xf32, #tpu.memory_space<hbm>> -> memref<10000x128xf32, #tpu.memory_space<hbm>>
        tpu.enqueue_indirect_dma source(%dma_start3A_82 : memref<10000x128xf32, #tpu.memory_space<hbm>>) target(%arg9 : memref<80x128xf32, #tpu.memory_space<vmem>>) offsets(%dma_start3A_79 : memref<80xi32, #tpu.memory_space<vmem>>) semaphore(%arg14 : memref<!tpu.dma_semaphore, #tpu.memory_space<semaphore_mem>>)
        %mul3A_83 = arith.constant 80 : i32
        %mul3A_84 = arith.muli %add3A_76, %mul3A_83 : i32
        %dma_start3A_85 = arith.constant 0 : i32
        %dma_start3A_86 = tpu.memref_slice %arg3[%mul3A_84, %dma_start3A_85] : memref<160000x128xf32, #tpu.memory_space<hbm>> -> memref<80x128xf32, #tpu.memory_space<hbm>>
        %dma_start3A_87 = arith.constant 0 : i32
        %dma_start3A_88 = tpu.memref_slice %arg3[%mul3A_84, %dma_start3A_87] : memref<160000x128xf32, #tpu.memory_space<hbm>> -> memref<80x128xf32, #tpu.memory_space<hbm>>
        tpu.enqueue_dma source(%dma_start3A_88 : memref<80x128xf32, #tpu.memory_space<hbm>>) target(%arg11 : memref<80x128xf32, #tpu.memory_space<vmem>>) target_semaphore(%arg16 : memref<!tpu.dma_semaphore, #tpu.memory_space<semaphore_mem>>)
      } else {
      }
      %lt3A_68 = arith.cmpi slt, %add3A_61, %add3A_22 : i32
      %convert_element_type3A_69 = arith.extui %lt3A_68 : i1 to i32
      %cond3A_70 = arith.constant 0 : i32
      %cond3A_71 = arith.cmpi ne, %convert_element_type3A_69, %cond3A_70 : i32
      scf.if %cond3A_71 {
        %dma_wait3A = arith.constant 0 : i32
        %dma_wait3A_72 = arith.constant 0 : i32
        %dma_wait3A_73 = tpu.memref_slice %arg2[%dma_wait3A, %dma_wait3A_72] : memref<10000x128xf32, #tpu.memory_space<hbm>> -> memref<80x128xf32, #tpu.memory_space<hbm>>
        %dma_wait3A_74 = arith.constant 0 : i32
        %dma_wait3A_75 = arith.constant 0 : i32
        %dma_wait3A_76 = tpu.memref_slice %arg2[%dma_wait3A_74, %dma_wait3A_75] : memref<10000x128xf32, #tpu.memory_space<hbm>> -> memref<80x128xf32, #tpu.memory_space<hbm>>
        tpu.wait_dma2 semaphore(%arg15 : memref<!tpu.dma_semaphore, #tpu.memory_space<semaphore_mem>>) src(%dma_wait3A_76 : memref<80x128xf32, #tpu.memory_space<hbm>>) dst(%arg10 : memref<80x128xf32, #tpu.memory_space<vmem>>)
        %dma_wait3A_77 = arith.constant 0 : i32
        %dma_wait3A_78 = arith.constant 0 : i32
        %dma_wait3A_79 = tpu.memref_slice %arg3[%dma_wait3A_77, %dma_wait3A_78] : memref<160000x128xf32, #tpu.memory_space<hbm>> -> memref<80x128xf32, #tpu.memory_space<hbm>>
        %dma_wait3A_80 = arith.constant 0 : i32
        %dma_wait3A_81 = arith.constant 0 : i32
        %dma_wait3A_82 = tpu.memref_slice %arg3[%dma_wait3A_80, %dma_wait3A_81] : memref<160000x128xf32, #tpu.memory_space<hbm>> -> memref<80x128xf32, #tpu.memory_space<hbm>>
        tpu.wait_dma2 semaphore(%arg17 : memref<!tpu.dma_semaphore, #tpu.memory_space<semaphore_mem>>) src(%dma_wait3A_82 : memref<80x128xf32, #tpu.memory_space<hbm>>) dst(%arg12 : memref<80x128xf32, #tpu.memory_space<vmem>>)
        %scan3A_83 = arith.constant 0 : i32
        %scan3A_84 = arith.constant 20 : i32
        %scan3A_85 = arith.addi %scan3A_83, %scan3A_84 : i32
        %scan3A_86 = arith.constant 1 : i32
        scf.for %scan3A_88 = %scan3A_83 to %scan3A_85 step %scan3A_86  : i32 {
          %mul3A_89 = arith.constant 4 : i32
          %mul3A_90 = arith.muli %scan3A_88, %mul3A_89 : i32
          %add3A_91 = arith.constant 0 : i32
          %add3A_92 = arith.addi %add3A_91, %mul3A_90 : i32
          %add3A_93 = arith.constant 0 : i32
          %add3A_94 = arith.addi %add3A_92, %add3A_93 : i32
          %get3A = arith.index_cast %add3A_94 : i32 to index
          %get3A_95 = arith.constant 0 : index
          %get3A_96 = tpu.vector_load %arg12[%get3A, %get3A_95] {strides = array<i32>} : memref<80x128xf32, #tpu.memory_space<vmem>>, vector<1x16xf32>,
          %get3A_97 = vector.shape_cast %get3A_96 : vector<1x16xf32> to vector<16xf32>
          %add3A_98 = arith.constant 0 : i32
          %add3A_99 = arith.addi %add3A_92, %add3A_98 : i32
          %get3A_100 = arith.index_cast %add3A_99 : i32 to index
          %get3A_101 = arith.constant 0 : index
          %get3A_102 = tpu.vector_load %arg10[%get3A_100, %get3A_101] {strides = array<i32>} : memref<80x128xf32, #tpu.memory_space<vmem>>, vector<1x16xf32>,
          %get3A_103 = vector.shape_cast %get3A_102 : vector<1x16xf32> to vector<16xf32>
          %mul3A_104 = arith.mulf %get3A_97, %get3A_103 : vector<16xf32>
          %add3A_105 = arith.constant 0 : i32
          %add3A_106 = arith.addi %add3A_92, %add3A_105 : i32
          %swap3A = arith.index_cast %add3A_106 : i32 to index
          %swap3A_107 = arith.constant 0 : index
          %swap3A_108 = tpu.vector_load %arg12[%swap3A, %swap3A_107] {strides = array<i32>} : memref<80x128xf32, #tpu.memory_space<vmem>>, vector<1x16xf32>,
          %swap3A_109 = vector.shape_cast %swap3A_108 : vector<1x16xf32> to vector<16xf32>
          %swap3A_110 = vector.shape_cast %mul3A_104 : vector<16xf32> to vector<1x16xf32>
          tpu.vector_store %arg12[%swap3A, %swap3A_107], %swap3A_110 {strides = array<i32>} : memref<80x128xf32, #tpu.memory_space<vmem>>, vector<1x16xf32>,
          %add3A_111 = arith.constant 0 : i32
          %add3A_112 = arith.addi %add3A_92, %add3A_111 : i32
          %get3A_113 = arith.index_cast %add3A_112 : i32 to index
          %get3A_114 = arith.constant 16 : index
          %get3A_115 = tpu.vector_load %arg12[%get3A_113, %get3A_114] {strides = array<i32>} : memref<80x128xf32, #tpu.memory_space<vmem>>, vector<1x16xf32>,
          %get3A_116 = vector.shape_cast %get3A_115 : vector<1x16xf32> to vector<16xf32>
          %add3A_117 = arith.constant 0 : i32
          %add3A_118 = arith.addi %add3A_92, %add3A_117 : i32
          %get3A_119 = arith.index_cast %add3A_118 : i32 to index
          %get3A_120 = arith.constant 16 : index
          %get3A_121 = tpu.vector_load %arg10[%get3A_119, %get3A_120] {strides = array<i32>} : memref<80x128xf32, #tpu.memory_space<vmem>>, vector<1x16xf32>,
          %get3A_122 = vector.shape_cast %get3A_121 : vector<1x16xf32> to vector<16xf32>
          %mul3A_123 = arith.mulf %get3A_116, %get3A_122 : vector<16xf32>
          %add3A_124 = arith.constant 0 : i32
          %add3A_125 = arith.addi %add3A_92, %add3A_124 : i32
          %swap3A_126 = arith.index_cast %add3A_125 : i32 to index
          %swap3A_127 = arith.constant 16 : index
          %swap3A_128 = tpu.vector_load %arg12[%swap3A_126, %swap3A_127] {strides = array<i32>} : memref<80x128xf32, #tpu.memory_space<vmem>>, vector<1x16xf32>,
          %swap3A_129 = vector.shape_cast %swap3A_128 : vector<1x16xf32> to vector<16xf32>
          %swap3A_130 = vector.shape_cast %mul3A_123 : vector<16xf32> to vector<1x16xf32>
          tpu.vector_store %arg12[%swap3A_126, %swap3A_127], %swap3A_130 {strides = array<i32>} : memref<80x128xf32, #tpu.memory_space<vmem>>, vector<1x16xf32>,
          %add3A_131 = arith.constant 0 : i32
          %add3A_132 = arith.addi %add3A_92, %add3A_131 : i32
          %get3A_133 = arith.index_cast %add3A_132 : i32 to index
          %get3A_134 = arith.constant 32 : index
          %get3A_135 = tpu.vector_load %arg12[%get3A_133, %get3A_134] {strides = array<i32>} : memref<80x128xf32, #tpu.memory_space<vmem>>, vector<1x16xf32>,
          %get3A_136 = vector.shape_cast %get3A_135 : vector<1x16xf32> to vector<16xf32>
          %add3A_137 = arith.constant 0 : i32
          %add3A_138 = arith.addi %add3A_92, %add3A_137 : i32
          %get3A_139 = arith.index_cast %add3A_138 : i32 to index
          %get3A_140 = arith.constant 32 : index
          %get3A_141 = tpu.vector_load %arg10[%get3A_139, %get3A_140] {strides = array<i32>} : memref<80x128xf32, #tpu.memory_space<vmem>>, vector<1x16xf32>,
          %get3A_142 = vector.shape_cast %get3A_141 : vector<1x16xf32> to vector<16xf32>
          %mul3A_143 = arith.mulf %get3A_136, %get3A_142 : vector<16xf32>
          %add3A_144 = arith.constant 0 : i32
          %add3A_145 = arith.addi %add3A_92, %add3A_144 : i32
          %swap3A_146 = arith.index_cast %add3A_145 : i32 to index
          %swap3A_147 = arith.constant 32 : index
          %swap3A_148 = tpu.vector_load %arg12[%swap3A_146, %swap3A_147] {strides = array<i32>} : memref<80x128xf32, #tpu.memory_space<vmem>>, vector<1x16xf32>,
          %swap3A_149 = vector.shape_cast %swap3A_148 : vector<1x16xf32> to vector<16xf32>
          %swap3A_150 = vector.shape_cast %mul3A_143 : vector<16xf32> to vector<1x16xf32>
          tpu.vector_store %arg12[%swap3A_146, %swap3A_147], %swap3A_150 {strides = array<i32>} : memref<80x128xf32, #tpu.memory_space<vmem>>, vector<1x16xf32>,
          %add3A_151 = arith.constant 0 : i32
          %add3A_152 = arith.addi %add3A_92, %add3A_151 : i32
          %get3A_153 = arith.index_cast %add3A_152 : i32 to index
          %get3A_154 = arith.constant 48 : index
          %get3A_155 = tpu.vector_load %arg12[%get3A_153, %get3A_154] {strides = array<i32>} : memref<80x128xf32, #tpu.memory_space<vmem>>, vector<1x16xf32>,
          %get3A_156 = vector.shape_cast %get3A_155 : vector<1x16xf32> to vector<16xf32>
          %add3A_157 = arith.constant 0 : i32
          %add3A_158 = arith.addi %add3A_92, %add3A_157 : i32
          %get3A_159 = arith.index_cast %add3A_158 : i32 to index
          %get3A_160 = arith.constant 48 : index
          %get3A_161 = tpu.vector_load %arg10[%get3A_159, %get3A_160] {strides = array<i32>} : memref<80x128xf32, #tpu.memory_space<vmem>>, vector<1x16xf32>,
          %get3A_162 = vector.shape_cast %get3A_161 : vector<1x16xf32> to vector<16xf32>
          %mul3A_163 = arith.mulf %get3A_156, %get3A_162 : vector<16xf32>
          %add3A_164 = arith.constant 0 : i32
          %add3A_165 = arith.addi %add3A_92, %add3A_164 : i32
          %swap3A_166 = arith.index_cast %add3A_165 : i32 to index
          %swap3A_167 = arith.constant 48 : index
          %swap3A_168 = tpu.vector_load %arg12[%swap3A_166, %swap3A_167] {strides = array<i32>} : memref<80x128xf32, #tpu.memory_space<vmem>>, vector<1x16xf32>,
          %swap3A_169 = vector.shape_cast %swap3A_168 : vector<1x16xf32> to vector<16xf32>
          %swap3A_170 = vector.shape_cast %mul3A_163 : vector<16xf32> to vector<1x16xf32>
          tpu.vector_store %arg12[%swap3A_166, %swap3A_167], %swap3A_170 {strides = array<i32>} : memref<80x128xf32, #tpu.memory_space<vmem>>, vector<1x16xf32>,
          %add3A_171 = arith.constant 0 : i32
          %add3A_172 = arith.addi %add3A_92, %add3A_171 : i32
          %get3A_173 = arith.index_cast %add3A_172 : i32 to index
          %get3A_174 = arith.constant 64 : index
          %get3A_175 = tpu.vector_load %arg12[%get3A_173, %get3A_174] {strides = array<i32>} : memref<80x128xf32, #tpu.memory_space<vmem>>, vector<1x16xf32>,
          %get3A_176 = vector.shape_cast %get3A_175 : vector<1x16xf32> to vector<16xf32>
          %add3A_177 = arith.constant 0 : i32
          %add3A_178 = arith.addi %add3A_92, %add3A_177 : i32
          %get3A_179 = arith.index_cast %add3A_178 : i32 to index
          %get3A_180 = arith.constant 64 : index
          %get3A_181 = tpu.vector_load %arg10[%get3A_179, %get3A_180] {strides = array<i32>} : memref<80x128xf32, #tpu.memory_space<vmem>>, vector<1x16xf32>,
          %get3A_182 = vector.shape_cast %get3A_181 : vector<1x16xf32> to vector<16xf32>
          %mul3A_183 = arith.mulf %get3A_176, %get3A_182 : vector<16xf32>
          %add3A_184 = arith.constant 0 : i32
          %add3A_185 = arith.addi %add3A_92, %add3A_184 : i32
          %swap3A_186 = arith.index_cast %add3A_185 : i32 to index
          %swap3A_187 = arith.constant 64 : index
          %swap3A_188 = tpu.vector_load %arg12[%swap3A_186, %swap3A_187] {strides = array<i32>} : memref<80x128xf32, #tpu.memory_space<vmem>>, vector<1x16xf32>,
          %swap3A_189 = vector.shape_cast %swap3A_188 : vector<1x16xf32> to vector<16xf32>
          %swap3A_190 = vector.shape_cast %mul3A_183 : vector<16xf32> to vector<1x16xf32>
          tpu.vector_store %arg12[%swap3A_186, %swap3A_187], %swap3A_190 {strides = array<i32>} : memref<80x128xf32, #tpu.memory_space<vmem>>, vector<1x16xf32>,
          %add3A_191 = arith.constant 0 : i32
          %add3A_192 = arith.addi %add3A_92, %add3A_191 : i32
          %get3A_193 = arith.index_cast %add3A_192 : i32 to index
          %get3A_194 = arith.constant 80 : index
          %get3A_195 = tpu.vector_load %arg12[%get3A_193, %get3A_194] {strides = array<i32>} : memref<80x128xf32, #tpu.memory_space<vmem>>, vector<1x16xf32>,
          %get3A_196 = vector.shape_cast %get3A_195 : vector<1x16xf32> to vector<16xf32>
          %add3A_197 = arith.constant 0 : i32
          %add3A_198 = arith.addi %add3A_92, %add3A_197 : i32
          %get3A_199 = arith.index_cast %add3A_198 : i32 to index
          %get3A_200 = arith.constant 80 : index
          %get3A_201 = tpu.vector_load %arg10[%get3A_199, %get3A_200] {strides = array<i32>} : memref<80x128xf32, #tpu.memory_space<vmem>>, vector<1x16xf32>,
          %get3A_202 = vector.shape_cast %get3A_201 : vector<1x16xf32> to vector<16xf32>
          %mul3A_203 = arith.mulf %get3A_196, %get3A_202 : vector<16xf32>
          %add3A_204 = arith.constant 0 : i32
          %add3A_205 = arith.addi %add3A_92, %add3A_204 : i32
          %swap3A_206 = arith.index_cast %add3A_205 : i32 to index
          %swap3A_207 = arith.constant 80 : index
          %swap3A_208 = tpu.vector_load %arg12[%swap3A_206, %swap3A_207] {strides = array<i32>} : memref<80x128xf32, #tpu.memory_space<vmem>>, vector<1x16xf32>,
          %swap3A_209 = vector.shape_cast %swap3A_208 : vector<1x16xf32> to vector<16xf32>
          %swap3A_210 = vector.shape_cast %mul3A_203 : vector<16xf32> to vector<1x16xf32>
          tpu.vector_store %arg12[%swap3A_206, %swap3A_207], %swap3A_210 {strides = array<i32>} : memref<80x128xf32, #tpu.memory_space<vmem>>, vector<1x16xf32>,
          %add3A_211 = arith.constant 0 : i32
          %add3A_212 = arith.addi %add3A_92, %add3A_211 : i32
          %get3A_213 = arith.index_cast %add3A_212 : i32 to index
          %get3A_214 = arith.constant 96 : index
          %get3A_215 = tpu.vector_load %arg12[%get3A_213, %get3A_214] {strides = array<i32>} : memref<80x128xf32, #tpu.memory_space<vmem>>, vector<1x16xf32>,
          %get3A_216 = vector.shape_cast %get3A_215 : vector<1x16xf32> to vector<16xf32>
          %add3A_217 = arith.constant 0 : i32
          %add3A_218 = arith.addi %add3A_92, %add3A_217 : i32
          %get3A_219 = arith.index_cast %add3A_218 : i32 to index
          %get3A_220 = arith.constant 96 : index
          %get3A_221 = tpu.vector_load %arg10[%get3A_219, %get3A_220] {strides = array<i32>} : memref<80x128xf32, #tpu.memory_space<vmem>>, vector<1x16xf32>,
          %get3A_222 = vector.shape_cast %get3A_221 : vector<1x16xf32> to vector<16xf32>
          %mul3A_223 = arith.mulf %get3A_216, %get3A_222 : vector<16xf32>
          %add3A_224 = arith.constant 0 : i32
          %add3A_225 = arith.addi %add3A_92, %add3A_224 : i32
          %swap3A_226 = arith.index_cast %add3A_225 : i32 to index
          %swap3A_227 = arith.constant 96 : index
          %swap3A_228 = tpu.vector_load %arg12[%swap3A_226, %swap3A_227] {strides = array<i32>} : memref<80x128xf32, #tpu.memory_space<vmem>>, vector<1x16xf32>,
          %swap3A_229 = vector.shape_cast %swap3A_228 : vector<1x16xf32> to vector<16xf32>
          %swap3A_230 = vector.shape_cast %mul3A_223 : vector<16xf32> to vector<1x16xf32>
          tpu.vector_store %arg12[%swap3A_226, %swap3A_227], %swap3A_230 {strides = array<i32>} : memref<80x128xf32, #tpu.memory_space<vmem>>, vector<1x16xf32>,
          %add3A_231 = arith.constant 0 : i32
          %add3A_232 = arith.addi %add3A_92, %add3A_231 : i32
          %get3A_233 = arith.index_cast %add3A_232 : i32 to index
          %get3A_234 = arith.constant 112 : index
          %get3A_235 = tpu.vector_load %arg12[%get3A_233, %get3A_234] {strides = array<i32>} : memref<80x128xf32, #tpu.memory_space<vmem>>, vector<1x16xf32>,
          %get3A_236 = vector.shape_cast %get3A_235 : vector<1x16xf32> to vector<16xf32>
          %add3A_237 = arith.constant 0 : i32
          %add3A_238 = arith.addi %add3A_92, %add3A_237 : i32
          %get3A_239 = arith.index_cast %add3A_238 : i32 to index
          %get3A_240 = arith.constant 112 : index
          %get3A_241 = tpu.vector_load %arg10[%get3A_239, %get3A_240] {strides = array<i32>} : memref<80x128xf32, #tpu.memory_space<vmem>>, vector<1x16xf32>,
          %get3A_242 = vector.shape_cast %get3A_241 : vector<1x16xf32> to vector<16xf32>
          %mul3A_243 = arith.mulf %get3A_236, %get3A_242 : vector<16xf32>
          %add3A_244 = arith.constant 0 : i32
          %add3A_245 = arith.addi %add3A_92, %add3A_244 : i32
          %swap3A_246 = arith.index_cast %add3A_245 : i32 to index
          %swap3A_247 = arith.constant 112 : index
          %swap3A_248 = tpu.vector_load %arg12[%swap3A_246, %swap3A_247] {strides = array<i32>} : memref<80x128xf32, #tpu.memory_space<vmem>>, vector<1x16xf32>,
          %swap3A_249 = vector.shape_cast %swap3A_248 : vector<1x16xf32> to vector<16xf32>
          %swap3A_250 = vector.shape_cast %mul3A_243 : vector<16xf32> to vector<1x16xf32>
          tpu.vector_store %arg12[%swap3A_246, %swap3A_247], %swap3A_250 {strides = array<i32>} : memref<80x128xf32, #tpu.memory_space<vmem>>, vector<1x16xf32>,
          %add3A_251 = arith.constant 1 : i32
          %add3A_252 = arith.addi %add3A_92, %add3A_251 : i32
          %get3A_253 = arith.index_cast %add3A_252 : i32 to index
          %get3A_254 = arith.constant 0 : index
          %get3A_255 = tpu.vector_load %arg12[%get3A_253, %get3A_254] {strides = array<i32>} : memref<80x128xf32, #tpu.memory_space<vmem>>, vector<1x16xf32>,
          %get3A_256 = vector.shape_cast %get3A_255 : vector<1x16xf32> to vector<16xf32>
          %add3A_257 = arith.constant 1 : i32
          %add3A_258 = arith.addi %add3A_92, %add3A_257 : i32
          %get3A_259 = arith.index_cast %add3A_258 : i32 to index
          %get3A_260 = arith.constant 0 : index
          %get3A_261 = tpu.vector_load %arg10[%get3A_259, %get3A_260] {strides = array<i32>} : memref<80x128xf32, #tpu.memory_space<vmem>>, vector<1x16xf32>,
          %get3A_262 = vector.shape_cast %get3A_261 : vector<1x16xf32> to vector<16xf32>
          %mul3A_263 = arith.mulf %get3A_256, %get3A_262 : vector<16xf32>
          %add3A_264 = arith.constant 1 : i32
          %add3A_265 = arith.addi %add3A_92, %add3A_264 : i32
          %swap3A_266 = arith.index_cast %add3A_265 : i32 to index
          %swap3A_267 = arith.constant 0 : index
          %swap3A_268 = tpu.vector_load %arg12[%swap3A_266, %swap3A_267] {strides = array<i32>} : memref<80x128xf32, #tpu.memory_space<vmem>>, vector<1x16xf32>,
          %swap3A_269 = vector.shape_cast %swap3A_268 : vector<1x16xf32> to vector<16xf32>
          %swap3A_270 = vector.shape_cast %mul3A_263 : vector<16xf32> to vector<1x16xf32>
          tpu.vector_store %arg12[%swap3A_266, %swap3A_267], %swap3A_270 {strides = array<i32>} : memref<80x128xf32, #tpu.memory_space<vmem>>, vector<1x16xf32>,
          %add3A_271 = arith.constant 1 : i32
          %add3A_272 = arith.addi %add3A_92, %add3A_271 : i32
          %get3A_273 = arith.index_cast %add3A_272 : i32 to index
          %get3A_274 = arith.constant 16 : index
          %get3A_275 = tpu.vector_load %arg12[%get3A_273, %get3A_274] {strides = array<i32>} : memref<80x128xf32, #tpu.memory_space<vmem>>, vector<1x16xf32>,
          %get3A_276 = vector.shape_cast %get3A_275 : vector<1x16xf32> to vector<16xf32>
          %add3A_277 = arith.constant 1 : i32
          %add3A_278 = arith.addi %add3A_92, %add3A_277 : i32
          %get3A_279 = arith.index_cast %add3A_278 : i32 to index
          %get3A_280 = arith.constant 16 : index
          %get3A_281 = tpu.vector_load %arg10[%get3A_279, %get3A_280] {strides = array<i32>} : memref<80x128xf32, #tpu.memory_space<vmem>>, vector<1x16xf32>,
          %get3A_282 = vector.shape_cast %get3A_281 : vector<1x16xf32> to vector<16xf32>
          %mul3A_283 = arith.mulf %get3A_276, %get3A_282 : vector<16xf32>
          %add3A_284 = arith.constant 1 : i32
          %add3A_285 = arith.addi %add3A_92, %add3A_284 : i32
          %swap3A_286 = arith.index_cast %add3A_285 : i32 to index
          %swap3A_287 = arith.constant 16 : index
          %swap3A_288 = tpu.vector_load %arg12[%swap3A_286, %swap3A_287] {strides = array<i32>} : memref<80x128xf32, #tpu.memory_space<vmem>>, vector<1x16xf32>,
          %swap3A_289 = vector.shape_cast %swap3A_288 : vector<1x16xf32> to vector<16xf32>
          %swap3A_290 = vector.shape_cast %mul3A_283 : vector<16xf32> to vector<1x16xf32>
          tpu.vector_store %arg12[%swap3A_286, %swap3A_287], %swap3A_290 {strides = array<i32>} : memref<80x128xf32, #tpu.memory_space<vmem>>, vector<1x16xf32>,
          %add3A_291 = arith.constant 1 : i32
          %add3A_292 = arith.addi %add3A_92, %add3A_291 : i32
          %get3A_293 = arith.index_cast %add3A_292 : i32 to index
          %get3A_294 = arith.constant 32 : index
          %get3A_295 = tpu.vector_load %arg12[%get3A_293, %get3A_294] {strides = array<i32>} : memref<80x128xf32, #tpu.memory_space<vmem>>, vector<1x16xf32>,
          %get3A_296 = vector.shape_cast %get3A_295 : vector<1x16xf32> to vector<16xf32>
          %add3A_297 = arith.constant 1 : i32
          %add3A_298 = arith.addi %add3A_92, %add3A_297 : i32
          %get3A_299 = arith.index_cast %add3A_298 : i32 to index
          %get3A_300 = arith.constant 32 : index
          %get3A_301 = tpu.vector_load %arg10[%get3A_299, %get3A_300] {strides = array<i32>} : memref<80x128xf32, #tpu.memory_space<vmem>>, vector<1x16xf32>,
          %get3A_302 = vector.shape_cast %get3A_301 : vector<1x16xf32> to vector<16xf32>
          %mul3A_303 = arith.mulf %get3A_296, %get3A_302 : vector<16xf32>
          %add3A_304 = arith.constant 1 : i32
          %add3A_305 = arith.addi %add3A_92, %add3A_304 : i32
          %swap3A_306 = arith.index_cast %add3A_305 : i32 to index
          %swap3A_307 = arith.constant 32 : index
          %swap3A_308 = tpu.vector_load %arg12[%swap3A_306, %swap3A_307] {strides = array<i32>} : memref<80x128xf32, #tpu.memory_space<vmem>>, vector<1x16xf32>,
          %swap3A_309 = vector.shape_cast %swap3A_308 : vector<1x16xf32> to vector<16xf32>
          %swap3A_310 = vector.shape_cast %mul3A_303 : vector<16xf32> to vector<1x16xf32>
          tpu.vector_store %arg12[%swap3A_306, %swap3A_307], %swap3A_310 {strides = array<i32>} : memref<80x128xf32, #tpu.memory_space<vmem>>, vector<1x16xf32>,
          %add3A_311 = arith.constant 1 : i32
          %add3A_312 = arith.addi %add3A_92, %add3A_311 : i32
          %get3A_313 = arith.index_cast %add3A_312 : i32 to index
          %get3A_314 = arith.constant 48 : index
          %get3A_315 = tpu.vector_load %arg12[%get3A_313, %get3A_314] {strides = array<i32>} : memref<80x128xf32, #tpu.memory_space<vmem>>, vector<1x16xf32>,
          %get3A_316 = vector.shape_cast %get3A_315 : vector<1x16xf32> to vector<16xf32>
          %add3A_317 = arith.constant 1 : i32
          %add3A_318 = arith.addi %add3A_92, %add3A_317 : i32
          %get3A_319 = arith.index_cast %add3A_318 : i32 to index
          %get3A_320 = arith.constant 48 : index
          %get3A_321 = tpu.vector_load %arg10[%get3A_319, %get3A_320] {strides = array<i32>} : memref<80x128xf32, #tpu.memory_space<vmem>>, vector<1x16xf32>,
          %get3A_322 = vector.shape_cast %get3A_321 : vector<1x16xf32> to vector<16xf32>
          %mul3A_323 = arith.mulf %get3A_316, %get3A_322 : vector<16xf32>
          %add3A_324 = arith.constant 1 : i32
          %add3A_325 = arith.addi %add3A_92, %add3A_324 : i32
          %swap3A_326 = arith.index_cast %add3A_325 : i32 to index
          %swap3A_327 = arith.constant 48 : index
          %swap3A_328 = tpu.vector_load %arg12[%swap3A_326, %swap3A_327] {strides = array<i32>} : memref<80x128xf32, #tpu.memory_space<vmem>>, vector<1x16xf32>,
          %swap3A_329 = vector.shape_cast %swap3A_328 : vector<1x16xf32> to vector<16xf32>
          %swap3A_330 = vector.shape_cast %mul3A_323 : vector<16xf32> to vector<1x16xf32>
          tpu.vector_store %arg12[%swap3A_326, %swap3A_327], %swap3A_330 {strides = array<i32>} : memref<80x128xf32, #tpu.memory_space<vmem>>, vector<1x16xf32>,
          %add3A_331 = arith.constant 1 : i32
          %add3A_332 = arith.addi %add3A_92, %add3A_331 : i32
          %get3A_333 = arith.index_cast %add3A_332 : i32 to index
          %get3A_334 = arith.constant 64 : index
          %get3A_335 = tpu.vector_load %arg12[%get3A_333, %get3A_334] {strides = array<i32>} : memref<80x128xf32, #tpu.memory_space<vmem>>, vector<1x16xf32>,
          %get3A_336 = vector.shape_cast %get3A_335 : vector<1x16xf32> to vector<16xf32>
          %add3A_337 = arith.constant 1 : i32
          %add3A_338 = arith.addi %add3A_92, %add3A_337 : i32
          %get3A_339 = arith.index_cast %add3A_338 : i32 to index
          %get3A_340 = arith.constant 64 : index
          %get3A_341 = tpu.vector_load %arg10[%get3A_339, %get3A_340] {strides = array<i32>} : memref<80x128xf32, #tpu.memory_space<vmem>>, vector<1x16xf32>,
          %get3A_342 = vector.shape_cast %get3A_341 : vector<1x16xf32> to vector<16xf32>
          %mul3A_343 = arith.mulf %get3A_336, %get3A_342 : vector<16xf32>
          %add3A_344 = arith.constant 1 : i32
          %add3A_345 = arith.addi %add3A_92, %add3A_344 : i32
          %swap3A_346 = arith.index_cast %add3A_345 : i32 to index
          %swap3A_347 = arith.constant 64 : index
          %swap3A_348 = tpu.vector_load %arg12[%swap3A_346, %swap3A_347] {strides = array<i32>} : memref<80x128xf32, #tpu.memory_space<vmem>>, vector<1x16xf32>,
          %swap3A_349 = vector.shape_cast %swap3A_348 : vector<1x16xf32> to vector<16xf32>
          %swap3A_350 = vector.shape_cast %mul3A_343 : vector<16xf32> to vector<1x16xf32>
          tpu.vector_store %arg12[%swap3A_346, %swap3A_347], %swap3A_350 {strides = array<i32>} : memref<80x128xf32, #tpu.memory_space<vmem>>, vector<1x16xf32>,
          %add3A_351 = arith.constant 1 : i32
          %add3A_352 = arith.addi %add3A_92, %add3A_351 : i32
          %get3A_353 = arith.index_cast %add3A_352 : i32 to index
          %get3A_354 = arith.constant 80 : index
          %get3A_355 = tpu.vector_load %arg12[%get3A_353, %get3A_354] {strides = array<i32>} : memref<80x128xf32, #tpu.memory_space<vmem>>, vector<1x16xf32>,
          %get3A_356 = vector.shape_cast %get3A_355 : vector<1x16xf32> to vector<16xf32>
          %add3A_357 = arith.constant 1 : i32
          %add3A_358 = arith.addi %add3A_92, %add3A_357 : i32
          %get3A_359 = arith.index_cast %add3A_358 : i32 to index
          %get3A_360 = arith.constant 80 : index
          %get3A_361 = tpu.vector_load %arg10[%get3A_359, %get3A_360] {strides = array<i32>} : memref<80x128xf32, #tpu.memory_space<vmem>>, vector<1x16xf32>,
          %get3A_362 = vector.shape_cast %get3A_361 : vector<1x16xf32> to vector<16xf32>
          %mul3A_363 = arith.mulf %get3A_356, %get3A_362 : vector<16xf32>
          %add3A_364 = arith.constant 1 : i32
          %add3A_365 = arith.addi %add3A_92, %add3A_364 : i32
          %swap3A_366 = arith.index_cast %add3A_365 : i32 to index
          %swap3A_367 = arith.constant 80 : index
          %swap3A_368 = tpu.vector_load %arg12[%swap3A_366, %swap3A_367] {strides = array<i32>} : memref<80x128xf32, #tpu.memory_space<vmem>>, vector<1x16xf32>,
          %swap3A_369 = vector.shape_cast %swap3A_368 : vector<1x16xf32> to vector<16xf32>
          %swap3A_370 = vector.shape_cast %mul3A_363 : vector<16xf32> to vector<1x16xf32>
          tpu.vector_store %arg12[%swap3A_366, %swap3A_367], %swap3A_370 {strides = array<i32>} : memref<80x128xf32, #tpu.memory_space<vmem>>, vector<1x16xf32>,
          %add3A_371 = arith.constant 1 : i32
          %add3A_372 = arith.addi %add3A_92, %add3A_371 : i32
          %get3A_373 = arith.index_cast %add3A_372 : i32 to index
          %get3A_374 = arith.constant 96 : index
          %get3A_375 = tpu.vector_load %arg12[%get3A_373, %get3A_374] {strides = array<i32>} : memref<80x128xf32, #tpu.memory_space<vmem>>, vector<1x16xf32>,
          %get3A_376 = vector.shape_cast %get3A_375 : vector<1x16xf32> to vector<16xf32>
          %add3A_377 = arith.constant 1 : i32
          %add3A_378 = arith.addi %add3A_92, %add3A_377 : i32
          %get3A_379 = arith.index_cast %add3A_378 : i32 to index
          %get3A_380 = arith.constant 96 : index
          %get3A_381 = tpu.vector_load %arg10[%get3A_379, %get3A_380] {strides = array<i32>} : memref<80x128xf32, #tpu.memory_space<vmem>>, vector<1x16xf32>,
          %get3A_382 = vector.shape_cast %get3A_381 : vector<1x16xf32> to vector<16xf32>
          %mul3A_383 = arith.mulf %get3A_376, %get3A_382 : vector<16xf32>
          %add3A_384 = arith.constant 1 : i32
          %add3A_385 = arith.addi %add3A_92, %add3A_384 : i32
          %swap3A_386 = arith.index_cast %add3A_385 : i32 to index
          %swap3A_387 = arith.constant 96 : index
          %swap3A_388 = tpu.vector_load %arg12[%swap3A_386, %swap3A_387] {strides = array<i32>} : memref<80x128xf32, #tpu.memory_space<vmem>>, vector<1x16xf32>,
          %swap3A_389 = vector.shape_cast %swap3A_388 : vector<1x16xf32> to vector<16xf32>
          %swap3A_390 = vector.shape_cast %mul3A_383 : vector<16xf32> to vector<1x16xf32>
          tpu.vector_store %arg12[%swap3A_386, %swap3A_387], %swap3A_390 {strides = array<i32>} : memref<80x128xf32, #tpu.memory_space<vmem>>, vector<1x16xf32>,
          %add3A_391 = arith.constant 1 : i32
          %add3A_392 = arith.addi %add3A_92, %add3A_391 : i32
          %get3A_393 = arith.index_cast %add3A_392 : i32 to index
          %get3A_394 = arith.constant 112 : index
          %get3A_395 = tpu.vector_load %arg12[%get3A_393, %get3A_394] {strides = array<i32>} : memref<80x128xf32, #tpu.memory_space<vmem>>, vector<1x16xf32>,
          %get3A_396 = vector.shape_cast %get3A_395 : vector<1x16xf32> to vector<16xf32>
          %add3A_397 = arith.constant 1 : i32
          %add3A_398 = arith.addi %add3A_92, %add3A_397 : i32
          %get3A_399 = arith.index_cast %add3A_398 : i32 to index
          %get3A_400 = arith.constant 112 : index
          %get3A_401 = tpu.vector_load %arg10[%get3A_399, %get3A_400] {strides = array<i32>} : memref<80x128xf32, #tpu.memory_space<vmem>>, vector<1x16xf32>,
          %get3A_402 = vector.shape_cast %get3A_401 : vector<1x16xf32> to vector<16xf32>
          %mul3A_403 = arith.mulf %get3A_396, %get3A_402 : vector<16xf32>
          %add3A_404 = arith.constant 1 : i32
          %add3A_405 = arith.addi %add3A_92, %add3A_404 : i32
          %swap3A_406 = arith.index_cast %add3A_405 : i32 to index
          %swap3A_407 = arith.constant 112 : index
          %swap3A_408 = tpu.vector_load %arg12[%swap3A_406, %swap3A_407] {strides = array<i32>} : memref<80x128xf32, #tpu.memory_space<vmem>>, vector<1x16xf32>,
          %swap3A_409 = vector.shape_cast %swap3A_408 : vector<1x16xf32> to vector<16xf32>
          %swap3A_410 = vector.shape_cast %mul3A_403 : vector<16xf32> to vector<1x16xf32>
          tpu.vector_store %arg12[%swap3A_406, %swap3A_407], %swap3A_410 {strides = array<i32>} : memref<80x128xf32, #tpu.memory_space<vmem>>, vector<1x16xf32>,
          %add3A_411 = arith.constant 2 : i32
          %add3A_412 = arith.addi %add3A_92, %add3A_411 : i32
          %get3A_413 = arith.index_cast %add3A_412 : i32 to index
          %get3A_414 = arith.constant 0 : index
          %get3A_415 = tpu.vector_load %arg12[%get3A_413, %get3A_414] {strides = array<i32>} : memref<80x128xf32, #tpu.memory_space<vmem>>, vector<1x16xf32>,
          %get3A_416 = vector.shape_cast %get3A_415 : vector<1x16xf32> to vector<16xf32>
          %add3A_417 = arith.constant 2 : i32
          %add3A_418 = arith.addi %add3A_92, %add3A_417 : i32
          %get3A_419 = arith.index_cast %add3A_418 : i32 to index
          %get3A_420 = arith.constant 0 : index
          %get3A_421 = tpu.vector_load %arg10[%get3A_419, %get3A_420] {strides = array<i32>} : memref<80x128xf32, #tpu.memory_space<vmem>>, vector<1x16xf32>,
          %get3A_422 = vector.shape_cast %get3A_421 : vector<1x16xf32> to vector<16xf32>
          %mul3A_423 = arith.mulf %get3A_416, %get3A_422 : vector<16xf32>
          %add3A_424 = arith.constant 2 : i32
          %add3A_425 = arith.addi %add3A_92, %add3A_424 : i32
          %swap3A_426 = arith.index_cast %add3A_425 : i32 to index
          %swap3A_427 = arith.constant 0 : index
          %swap3A_428 = tpu.vector_load %arg12[%swap3A_426, %swap3A_427] {strides = array<i32>} : memref<80x128xf32, #tpu.memory_space<vmem>>, vector<1x16xf32>,
          %swap3A_429 = vector.shape_cast %swap3A_428 : vector<1x16xf32> to vector<16xf32>
          %swap3A_430 = vector.shape_cast %mul3A_423 : vector<16xf32> to vector<1x16xf32>
          tpu.vector_store %arg12[%swap3A_426, %swap3A_427], %swap3A_430 {strides = array<i32>} : memref<80x128xf32, #tpu.memory_space<vmem>>, vector<1x16xf32>,
          %add3A_431 = arith.constant 2 : i32
          %add3A_432 = arith.addi %add3A_92, %add3A_431 : i32
          %get3A_433 = arith.index_cast %add3A_432 : i32 to index
          %get3A_434 = arith.constant 16 : index
          %get3A_435 = tpu.vector_load %arg12[%get3A_433, %get3A_434] {strides = array<i32>} : memref<80x128xf32, #tpu.memory_space<vmem>>, vector<1x16xf32>,
          %get3A_436 = vector.shape_cast %get3A_435 : vector<1x16xf32> to vector<16xf32>
          %add3A_437 = arith.constant 2 : i32
          %add3A_438 = arith.addi %add3A_92, %add3A_437 : i32
          %get3A_439 = arith.index_cast %add3A_438 : i32 to index
          %get3A_440 = arith.constant 16 : index
          %get3A_441 = tpu.vector_load %arg10[%get3A_439, %get3A_440] {strides = array<i32>} : memref<80x128xf32, #tpu.memory_space<vmem>>, vector<1x16xf32>,
          %get3A_442 = vector.shape_cast %get3A_441 : vector<1x16xf32> to vector<16xf32>
          %mul3A_443 = arith.mulf %get3A_436, %get3A_442 : vector<16xf32>
          %add3A_444 = arith.constant 2 : i32
          %add3A_445 = arith.addi %add3A_92, %add3A_444 : i32
          %swap3A_446 = arith.index_cast %add3A_445 : i32 to index
          %swap3A_447 = arith.constant 16 : index
          %swap3A_448 = tpu.vector_load %arg12[%swap3A_446, %swap3A_447] {strides = array<i32>} : memref<80x128xf32, #tpu.memory_space<vmem>>, vector<1x16xf32>,
          %swap3A_449 = vector.shape_cast %swap3A_448 : vector<1x16xf32> to vector<16xf32>
          %swap3A_450 = vector.shape_cast %mul3A_443 : vector<16xf32> to vector<1x16xf32>
          tpu.vector_store %arg12[%swap3A_446, %swap3A_447], %swap3A_450 {strides = array<i32>} : memref<80x128xf32, #tpu.memory_space<vmem>>, vector<1x16xf32>,
          %add3A_451 = arith.constant 2 : i32
          %add3A_452 = arith.addi %add3A_92, %add3A_451 : i32
          %get3A_453 = arith.index_cast %add3A_452 : i32 to index
          %get3A_454 = arith.constant 32 : index
          %get3A_455 = tpu.vector_load %arg12[%get3A_453, %get3A_454] {strides = array<i32>} : memref<80x128xf32, #tpu.memory_space<vmem>>, vector<1x16xf32>,
          %get3A_456 = vector.shape_cast %get3A_455 : vector<1x16xf32> to vector<16xf32>
          %add3A_457 = arith.constant 2 : i32
          %add3A_458 = arith.addi %add3A_92, %add3A_457 : i32
          %get3A_459 = arith.index_cast %add3A_458 : i32 to index
          %get3A_460 = arith.constant 32 : index
          %get3A_461 = tpu.vector_load %arg10[%get3A_459, %get3A_460] {strides = array<i32>} : memref<80x128xf32, #tpu.memory_space<vmem>>, vector<1x16xf32>,
          %get3A_462 = vector.shape_cast %get3A_461 : vector<1x16xf32> to vector<16xf32>
          %mul3A_463 = arith.mulf %get3A_456, %get3A_462 : vector<16xf32>
          %add3A_464 = arith.constant 2 : i32
          %add3A_465 = arith.addi %add3A_92, %add3A_464 : i32
          %swap3A_466 = arith.index_cast %add3A_465 : i32 to index
          %swap3A_467 = arith.constant 32 : index
          %swap3A_468 = tpu.vector_load %arg12[%swap3A_466, %swap3A_467] {strides = array<i32>} : memref<80x128xf32, #tpu.memory_space<vmem>>, vector<1x16xf32>,
          %swap3A_469 = vector.shape_cast %swap3A_468 : vector<1x16xf32> to vector<16xf32>
          %swap3A_470 = vector.shape_cast %mul3A_463 : vector<16xf32> to vector<1x16xf32>
          tpu.vector_store %arg12[%swap3A_466, %swap3A_467], %swap3A_470 {strides = array<i32>} : memref<80x128xf32, #tpu.memory_space<vmem>>, vector<1x16xf32>,
          %add3A_471 = arith.constant 2 : i32
          %add3A_472 = arith.addi %add3A_92, %add3A_471 : i32
          %get3A_473 = arith.index_cast %add3A_472 : i32 to index
          %get3A_474 = arith.constant 48 : index
          %get3A_475 = tpu.vector_load %arg12[%get3A_473, %get3A_474] {strides = array<i32>} : memref<80x128xf32, #tpu.memory_space<vmem>>, vector<1x16xf32>,
          %get3A_476 = vector.shape_cast %get3A_475 : vector<1x16xf32> to vector<16xf32>
          %add3A_477 = arith.constant 2 : i32
          %add3A_478 = arith.addi %add3A_92, %add3A_477 : i32
          %get3A_479 = arith.index_cast %add3A_478 : i32 to index
          %get3A_480 = arith.constant 48 : index
          %get3A_481 = tpu.vector_load %arg10[%get3A_479, %get3A_480] {strides = array<i32>} : memref<80x128xf32, #tpu.memory_space<vmem>>, vector<1x16xf32>,
          %get3A_482 = vector.shape_cast %get3A_481 : vector<1x16xf32> to vector<16xf32>
          %mul3A_483 = arith.mulf %get3A_476, %get3A_482 : vector<16xf32>
          %add3A_484 = arith.constant 2 : i32
          %add3A_485 = arith.addi %add3A_92, %add3A_484 : i32
          %swap3A_486 = arith.index_cast %add3A_485 : i32 to index
          %swap3A_487 = arith.constant 48 : index
          %swap3A_488 = tpu.vector_load %arg12[%swap3A_486, %swap3A_487] {strides = array<i32>} : memref<80x128xf32, #tpu.memory_space<vmem>>, vector<1x16xf32>,
          %swap3A_489 = vector.shape_cast %swap3A_488 : vector<1x16xf32> to vector<16xf32>
          %swap3A_490 = vector.shape_cast %mul3A_483 : vector<16xf32> to vector<1x16xf32>
          tpu.vector_store %arg12[%swap3A_486, %swap3A_487], %swap3A_490 {strides = array<i32>} : memref<80x128xf32, #tpu.memory_space<vmem>>, vector<1x16xf32>,
          %add3A_491 = arith.constant 2 : i32
          %add3A_492 = arith.addi %add3A_92, %add3A_491 : i32
          %get3A_493 = arith.index_cast %add3A_492 : i32 to index
          %get3A_494 = arith.constant 64 : index
          %get3A_495 = tpu.vector_load %arg12[%get3A_493, %get3A_494] {strides = array<i32>} : memref<80x128xf32, #tpu.memory_space<vmem>>, vector<1x16xf32>,
          %get3A_496 = vector.shape_cast %get3A_495 : vector<1x16xf32> to vector<16xf32>
          %add3A_497 = arith.constant 2 : i32
          %add3A_498 = arith.addi %add3A_92, %add3A_497 : i32
          %get3A_499 = arith.index_cast %add3A_498 : i32 to index
          %get3A_500 = arith.constant 64 : index
          %get3A_501 = tpu.vector_load %arg10[%get3A_499, %get3A_500] {strides = array<i32>} : memref<80x128xf32, #tpu.memory_space<vmem>>, vector<1x16xf32>,
          %get3A_502 = vector.shape_cast %get3A_501 : vector<1x16xf32> to vector<16xf32>
          %mul3A_503 = arith.mulf %get3A_496, %get3A_502 : vector<16xf32>
          %add3A_504 = arith.constant 2 : i32
          %add3A_505 = arith.addi %add3A_92, %add3A_504 : i32
          %swap3A_506 = arith.index_cast %add3A_505 : i32 to index
          %swap3A_507 = arith.constant 64 : index
          %swap3A_508 = tpu.vector_load %arg12[%swap3A_506, %swap3A_507] {strides = array<i32>} : memref<80x128xf32, #tpu.memory_space<vmem>>, vector<1x16xf32>,
          %swap3A_509 = vector.shape_cast %swap3A_508 : vector<1x16xf32> to vector<16xf32>
          %swap3A_510 = vector.shape_cast %mul3A_503 : vector<16xf32> to vector<1x16xf32>
          tpu.vector_store %arg12[%swap3A_506, %swap3A_507], %swap3A_510 {strides = array<i32>} : memref<80x128xf32, #tpu.memory_space<vmem>>, vector<1x16xf32>,
          %add3A_511 = arith.constant 2 : i32
          %add3A_512 = arith.addi %add3A_92, %add3A_511 : i32
          %get3A_513 = arith.index_cast %add3A_512 : i32 to index
          %get3A_514 = arith.constant 80 : index
          %get3A_515 = tpu.vector_load %arg12[%get3A_513, %get3A_514] {strides = array<i32>} : memref<80x128xf32, #tpu.memory_space<vmem>>, vector<1x16xf32>,
          %get3A_516 = vector.shape_cast %get3A_515 : vector<1x16xf32> to vector<16xf32>
          %add3A_517 = arith.constant 2 : i32
          %add3A_518 = arith.addi %add3A_92, %add3A_517 : i32
          %get3A_519 = arith.index_cast %add3A_518 : i32 to index
          %get3A_520 = arith.constant 80 : index
          %get3A_521 = tpu.vector_load %arg10[%get3A_519, %get3A_520] {strides = array<i32>} : memref<80x128xf32, #tpu.memory_space<vmem>>, vector<1x16xf32>,
          %get3A_522 = vector.shape_cast %get3A_521 : vector<1x16xf32> to vector<16xf32>
          %mul3A_523 = arith.mulf %get3A_516, %get3A_522 : vector<16xf32>
          %add3A_524 = arith.constant 2 : i32
          %add3A_525 = arith.addi %add3A_92, %add3A_524 : i32
          %swap3A_526 = arith.index_cast %add3A_525 : i32 to index
          %swap3A_527 = arith.constant 80 : index
          %swap3A_528 = tpu.vector_load %arg12[%swap3A_526, %swap3A_527] {strides = array<i32>} : memref<80x128xf32, #tpu.memory_space<vmem>>, vector<1x16xf32>,
          %swap3A_529 = vector.shape_cast %swap3A_528 : vector<1x16xf32> to vector<16xf32>
          %swap3A_530 = vector.shape_cast %mul3A_523 : vector<16xf32> to vector<1x16xf32>
          tpu.vector_store %arg12[%swap3A_526, %swap3A_527], %swap3A_530 {strides = array<i32>} : memref<80x128xf32, #tpu.memory_space<vmem>>, vector<1x16xf32>,
          %add3A_531 = arith.constant 2 : i32
          %add3A_532 = arith.addi %add3A_92, %add3A_531 : i32
          %get3A_533 = arith.index_cast %add3A_532 : i32 to index
          %get3A_534 = arith.constant 96 : index
          %get3A_535 = tpu.vector_load %arg12[%get3A_533, %get3A_534] {strides = array<i32>} : memref<80x128xf32, #tpu.memory_space<vmem>>, vector<1x16xf32>,
          %get3A_536 = vector.shape_cast %get3A_535 : vector<1x16xf32> to vector<16xf32>
          %add3A_537 = arith.constant 2 : i32
          %add3A_538 = arith.addi %add3A_92, %add3A_537 : i32
          %get3A_539 = arith.index_cast %add3A_538 : i32 to index
          %get3A_540 = arith.constant 96 : index
          %get3A_541 = tpu.vector_load %arg10[%get3A_539, %get3A_540] {strides = array<i32>} : memref<80x128xf32, #tpu.memory_space<vmem>>, vector<1x16xf32>,
          %get3A_542 = vector.shape_cast %get3A_541 : vector<1x16xf32> to vector<16xf32>
          %mul3A_543 = arith.mulf %get3A_536, %get3A_542 : vector<16xf32>
          %add3A_544 = arith.constant 2 : i32
          %add3A_545 = arith.addi %add3A_92, %add3A_544 : i32
          %swap3A_546 = arith.index_cast %add3A_545 : i32 to index
          %swap3A_547 = arith.constant 96 : index
          %swap3A_548 = tpu.vector_load %arg12[%swap3A_546, %swap3A_547] {strides = array<i32>} : memref<80x128xf32, #tpu.memory_space<vmem>>, vector<1x16xf32>,
          %swap3A_549 = vector.shape_cast %swap3A_548 : vector<1x16xf32> to vector<16xf32>
          %swap3A_550 = vector.shape_cast %mul3A_543 : vector<16xf32> to vector<1x16xf32>
          tpu.vector_store %arg12[%swap3A_546, %swap3A_547], %swap3A_550 {strides = array<i32>} : memref<80x128xf32, #tpu.memory_space<vmem>>, vector<1x16xf32>,
          %add3A_551 = arith.constant 2 : i32
          %add3A_552 = arith.addi %add3A_92, %add3A_551 : i32
          %get3A_553 = arith.index_cast %add3A_552 : i32 to index
          %get3A_554 = arith.constant 112 : index
          %get3A_555 = tpu.vector_load %arg12[%get3A_553, %get3A_554] {strides = array<i32>} : memref<80x128xf32, #tpu.memory_space<vmem>>, vector<1x16xf32>,
          %get3A_556 = vector.shape_cast %get3A_555 : vector<1x16xf32> to vector<16xf32>
          %add3A_557 = arith.constant 2 : i32
          %add3A_558 = arith.addi %add3A_92, %add3A_557 : i32
          %get3A_559 = arith.index_cast %add3A_558 : i32 to index
          %get3A_560 = arith.constant 112 : index
          %get3A_561 = tpu.vector_load %arg10[%get3A_559, %get3A_560] {strides = array<i32>} : memref<80x128xf32, #tpu.memory_space<vmem>>, vector<1x16xf32>,
          %get3A_562 = vector.shape_cast %get3A_561 : vector<1x16xf32> to vector<16xf32>
          %mul3A_563 = arith.mulf %get3A_556, %get3A_562 : vector<16xf32>
          %add3A_564 = arith.constant 2 : i32
          %add3A_565 = arith.addi %add3A_92, %add3A_564 : i32
          %swap3A_566 = arith.index_cast %add3A_565 : i32 to index
          %swap3A_567 = arith.constant 112 : index
          %swap3A_568 = tpu.vector_load %arg12[%swap3A_566, %swap3A_567] {strides = array<i32>} : memref<80x128xf32, #tpu.memory_space<vmem>>, vector<1x16xf32>,
          %swap3A_569 = vector.shape_cast %swap3A_568 : vector<1x16xf32> to vector<16xf32>
          %swap3A_570 = vector.shape_cast %mul3A_563 : vector<16xf32> to vector<1x16xf32>
          tpu.vector_store %arg12[%swap3A_566, %swap3A_567], %swap3A_570 {strides = array<i32>} : memref<80x128xf32, #tpu.memory_space<vmem>>, vector<1x16xf32>,
          %add3A_571 = arith.constant 3 : i32
          %add3A_572 = arith.addi %add3A_92, %add3A_571 : i32
          %get3A_573 = arith.index_cast %add3A_572 : i32 to index
          %get3A_574 = arith.constant 0 : index
          %get3A_575 = tpu.vector_load %arg12[%get3A_573, %get3A_574] {strides = array<i32>} : memref<80x128xf32, #tpu.memory_space<vmem>>, vector<1x16xf32>,
          %get3A_576 = vector.shape_cast %get3A_575 : vector<1x16xf32> to vector<16xf32>
          %add3A_577 = arith.constant 3 : i32
          %add3A_578 = arith.addi %add3A_92, %add3A_577 : i32
          %get3A_579 = arith.index_cast %add3A_578 : i32 to index
          %get3A_580 = arith.constant 0 : index
          %get3A_581 = tpu.vector_load %arg10[%get3A_579, %get3A_580] {strides = array<i32>} : memref<80x128xf32, #tpu.memory_space<vmem>>, vector<1x16xf32>,
          %get3A_582 = vector.shape_cast %get3A_581 : vector<1x16xf32> to vector<16xf32>
          %mul3A_583 = arith.mulf %get3A_576, %get3A_582 : vector<16xf32>
          %add3A_584 = arith.constant 3 : i32
          %add3A_585 = arith.addi %add3A_92, %add3A_584 : i32
          %swap3A_586 = arith.index_cast %add3A_585 : i32 to index
          %swap3A_587 = arith.constant 0 : index
          %swap3A_588 = tpu.vector_load %arg12[%swap3A_586, %swap3A_587] {strides = array<i32>} : memref<80x128xf32, #tpu.memory_space<vmem>>, vector<1x16xf32>,
          %swap3A_589 = vector.shape_cast %swap3A_588 : vector<1x16xf32> to vector<16xf32>
          %swap3A_590 = vector.shape_cast %mul3A_583 : vector<16xf32> to vector<1x16xf32>
          tpu.vector_store %arg12[%swap3A_586, %swap3A_587], %swap3A_590 {strides = array<i32>} : memref<80x128xf32, #tpu.memory_space<vmem>>, vector<1x16xf32>,
          %add3A_591 = arith.constant 3 : i32
          %add3A_592 = arith.addi %add3A_92, %add3A_591 : i32
          %get3A_593 = arith.index_cast %add3A_592 : i32 to index
          %get3A_594 = arith.constant 16 : index
          %get3A_595 = tpu.vector_load %arg12[%get3A_593, %get3A_594] {strides = array<i32>} : memref<80x128xf32, #tpu.memory_space<vmem>>, vector<1x16xf32>,
          %get3A_596 = vector.shape_cast %get3A_595 : vector<1x16xf32> to vector<16xf32>
          %add3A_597 = arith.constant 3 : i32
          %add3A_598 = arith.addi %add3A_92, %add3A_597 : i32
          %get3A_599 = arith.index_cast %add3A_598 : i32 to index
          %get3A_600 = arith.constant 16 : index
          %get3A_601 = tpu.vector_load %arg10[%get3A_599, %get3A_600] {strides = array<i32>} : memref<80x128xf32, #tpu.memory_space<vmem>>, vector<1x16xf32>,
          %get3A_602 = vector.shape_cast %get3A_601 : vector<1x16xf32> to vector<16xf32>
          %mul3A_603 = arith.mulf %get3A_596, %get3A_602 : vector<16xf32>
          %add3A_604 = arith.constant 3 : i32
          %add3A_605 = arith.addi %add3A_92, %add3A_604 : i32
          %swap3A_606 = arith.index_cast %add3A_605 : i32 to index
          %swap3A_607 = arith.constant 16 : index
          %swap3A_608 = tpu.vector_load %arg12[%swap3A_606, %swap3A_607] {strides = array<i32>} : memref<80x128xf32, #tpu.memory_space<vmem>>, vector<1x16xf32>,
          %swap3A_609 = vector.shape_cast %swap3A_608 : vector<1x16xf32> to vector<16xf32>
          %swap3A_610 = vector.shape_cast %mul3A_603 : vector<16xf32> to vector<1x16xf32>
          tpu.vector_store %arg12[%swap3A_606, %swap3A_607], %swap3A_610 {strides = array<i32>} : memref<80x128xf32, #tpu.memory_space<vmem>>, vector<1x16xf32>,
          %add3A_611 = arith.constant 3 : i32
          %add3A_612 = arith.addi %add3A_92, %add3A_611 : i32
          %get3A_613 = arith.index_cast %add3A_612 : i32 to index
          %get3A_614 = arith.constant 32 : index
          %get3A_615 = tpu.vector_load %arg12[%get3A_613, %get3A_614] {strides = array<i32>} : memref<80x128xf32, #tpu.memory_space<vmem>>, vector<1x16xf32>,
          %get3A_616 = vector.shape_cast %get3A_615 : vector<1x16xf32> to vector<16xf32>
          %add3A_617 = arith.constant 3 : i32
          %add3A_618 = arith.addi %add3A_92, %add3A_617 : i32
          %get3A_619 = arith.index_cast %add3A_618 : i32 to index
          %get3A_620 = arith.constant 32 : index
          %get3A_621 = tpu.vector_load %arg10[%get3A_619, %get3A_620] {strides = array<i32>} : memref<80x128xf32, #tpu.memory_space<vmem>>, vector<1x16xf32>,
          %get3A_622 = vector.shape_cast %get3A_621 : vector<1x16xf32> to vector<16xf32>
          %mul3A_623 = arith.mulf %get3A_616, %get3A_622 : vector<16xf32>
          %add3A_624 = arith.constant 3 : i32
          %add3A_625 = arith.addi %add3A_92, %add3A_624 : i32
          %swap3A_626 = arith.index_cast %add3A_625 : i32 to index
          %swap3A_627 = arith.constant 32 : index
          %swap3A_628 = tpu.vector_load %arg12[%swap3A_626, %swap3A_627] {strides = array<i32>} : memref<80x128xf32, #tpu.memory_space<vmem>>, vector<1x16xf32>,
          %swap3A_629 = vector.shape_cast %swap3A_628 : vector<1x16xf32> to vector<16xf32>
          %swap3A_630 = vector.shape_cast %mul3A_623 : vector<16xf32> to vector<1x16xf32>
          tpu.vector_store %arg12[%swap3A_626, %swap3A_627], %swap3A_630 {strides = array<i32>} : memref<80x128xf32, #tpu.memory_space<vmem>>, vector<1x16xf32>,
          %add3A_631 = arith.constant 3 : i32
          %add3A_632 = arith.addi %add3A_92, %add3A_631 : i32
          %get3A_633 = arith.index_cast %add3A_632 : i32 to index
          %get3A_634 = arith.constant 48 : index
          %get3A_635 = tpu.vector_load %arg12[%get3A_633, %get3A_634] {strides = array<i32>} : memref<80x128xf32, #tpu.memory_space<vmem>>, vector<1x16xf32>,
          %get3A_636 = vector.shape_cast %get3A_635 : vector<1x16xf32> to vector<16xf32>
          %add3A_637 = arith.constant 3 : i32
          %add3A_638 = arith.addi %add3A_92, %add3A_637 : i32
          %get3A_639 = arith.index_cast %add3A_638 : i32 to index
          %get3A_640 = arith.constant 48 : index
          %get3A_641 = tpu.vector_load %arg10[%get3A_639, %get3A_640] {strides = array<i32>} : memref<80x128xf32, #tpu.memory_space<vmem>>, vector<1x16xf32>,
          %get3A_642 = vector.shape_cast %get3A_641 : vector<1x16xf32> to vector<16xf32>
          %mul3A_643 = arith.mulf %get3A_636, %get3A_642 : vector<16xf32>
          %add3A_644 = arith.constant 3 : i32
          %add3A_645 = arith.addi %add3A_92, %add3A_644 : i32
          %swap3A_646 = arith.index_cast %add3A_645 : i32 to index
          %swap3A_647 = arith.constant 48 : index
          %swap3A_648 = tpu.vector_load %arg12[%swap3A_646, %swap3A_647] {strides = array<i32>} : memref<80x128xf32, #tpu.memory_space<vmem>>, vector<1x16xf32>,
          %swap3A_649 = vector.shape_cast %swap3A_648 : vector<1x16xf32> to vector<16xf32>
          %swap3A_650 = vector.shape_cast %mul3A_643 : vector<16xf32> to vector<1x16xf32>
          tpu.vector_store %arg12[%swap3A_646, %swap3A_647], %swap3A_650 {strides = array<i32>} : memref<80x128xf32, #tpu.memory_space<vmem>>, vector<1x16xf32>,
          %add3A_651 = arith.constant 3 : i32
          %add3A_652 = arith.addi %add3A_92, %add3A_651 : i32
          %get3A_653 = arith.index_cast %add3A_652 : i32 to index
          %get3A_654 = arith.constant 64 : index
          %get3A_655 = tpu.vector_load %arg12[%get3A_653, %get3A_654] {strides = array<i32>} : memref<80x128xf32, #tpu.memory_space<vmem>>, vector<1x16xf32>,
          %get3A_656 = vector.shape_cast %get3A_655 : vector<1x16xf32> to vector<16xf32>
          %add3A_657 = arith.constant 3 : i32
          %add3A_658 = arith.addi %add3A_92, %add3A_657 : i32
          %get3A_659 = arith.index_cast %add3A_658 : i32 to index
          %get3A_660 = arith.constant 64 : index
          %get3A_661 = tpu.vector_load %arg10[%get3A_659, %get3A_660] {strides = array<i32>} : memref<80x128xf32, #tpu.memory_space<vmem>>, vector<1x16xf32>,
          %get3A_662 = vector.shape_cast %get3A_661 : vector<1x16xf32> to vector<16xf32>
          %mul3A_663 = arith.mulf %get3A_656, %get3A_662 : vector<16xf32>
          %add3A_664 = arith.constant 3 : i32
          %add3A_665 = arith.addi %add3A_92, %add3A_664 : i32
          %swap3A_666 = arith.index_cast %add3A_665 : i32 to index
          %swap3A_667 = arith.constant 64 : index
          %swap3A_668 = tpu.vector_load %arg12[%swap3A_666, %swap3A_667] {strides = array<i32>} : memref<80x128xf32, #tpu.memory_space<vmem>>, vector<1x16xf32>,
          %swap3A_669 = vector.shape_cast %swap3A_668 : vector<1x16xf32> to vector<16xf32>
          %swap3A_670 = vector.shape_cast %mul3A_663 : vector<16xf32> to vector<1x16xf32>
          tpu.vector_store %arg12[%swap3A_666, %swap3A_667], %swap3A_670 {strides = array<i32>} : memref<80x128xf32, #tpu.memory_space<vmem>>, vector<1x16xf32>,
          %add3A_671 = arith.constant 3 : i32
          %add3A_672 = arith.addi %add3A_92, %add3A_671 : i32
          %get3A_673 = arith.index_cast %add3A_672 : i32 to index
          %get3A_674 = arith.constant 80 : index
          %get3A_675 = tpu.vector_load %arg12[%get3A_673, %get3A_674] {strides = array<i32>} : memref<80x128xf32, #tpu.memory_space<vmem>>, vector<1x16xf32>,
          %get3A_676 = vector.shape_cast %get3A_675 : vector<1x16xf32> to vector<16xf32>
          %add3A_677 = arith.constant 3 : i32
          %add3A_678 = arith.addi %add3A_92, %add3A_677 : i32
          %get3A_679 = arith.index_cast %add3A_678 : i32 to index
          %get3A_680 = arith.constant 80 : index
          %get3A_681 = tpu.vector_load %arg10[%get3A_679, %get3A_680] {strides = array<i32>} : memref<80x128xf32, #tpu.memory_space<vmem>>, vector<1x16xf32>,
          %get3A_682 = vector.shape_cast %get3A_681 : vector<1x16xf32> to vector<16xf32>
          %mul3A_683 = arith.mulf %get3A_676, %get3A_682 : vector<16xf32>
          %add3A_684 = arith.constant 3 : i32
          %add3A_685 = arith.addi %add3A_92, %add3A_684 : i32
          %swap3A_686 = arith.index_cast %add3A_685 : i32 to index
          %swap3A_687 = arith.constant 80 : index
          %swap3A_688 = tpu.vector_load %arg12[%swap3A_686, %swap3A_687] {strides = array<i32>} : memref<80x128xf32, #tpu.memory_space<vmem>>, vector<1x16xf32>,
          %swap3A_689 = vector.shape_cast %swap3A_688 : vector<1x16xf32> to vector<16xf32>
          %swap3A_690 = vector.shape_cast %mul3A_683 : vector<16xf32> to vector<1x16xf32>
          tpu.vector_store %arg12[%swap3A_686, %swap3A_687], %swap3A_690 {strides = array<i32>} : memref<80x128xf32, #tpu.memory_space<vmem>>, vector<1x16xf32>,
          %add3A_691 = arith.constant 3 : i32
          %add3A_692 = arith.addi %add3A_92, %add3A_691 : i32
          %get3A_693 = arith.index_cast %add3A_692 : i32 to index
          %get3A_694 = arith.constant 96 : index
          %get3A_695 = tpu.vector_load %arg12[%get3A_693, %get3A_694] {strides = array<i32>} : memref<80x128xf32, #tpu.memory_space<vmem>>, vector<1x16xf32>,
          %get3A_696 = vector.shape_cast %get3A_695 : vector<1x16xf32> to vector<16xf32>
          %add3A_697 = arith.constant 3 : i32
          %add3A_698 = arith.addi %add3A_92, %add3A_697 : i32
          %get3A_699 = arith.index_cast %add3A_698 : i32 to index
          %get3A_700 = arith.constant 96 : index
          %get3A_701 = tpu.vector_load %arg10[%get3A_699, %get3A_700] {strides = array<i32>} : memref<80x128xf32, #tpu.memory_space<vmem>>, vector<1x16xf32>,
          %get3A_702 = vector.shape_cast %get3A_701 : vector<1x16xf32> to vector<16xf32>
          %mul3A_703 = arith.mulf %get3A_696, %get3A_702 : vector<16xf32>
          %add3A_704 = arith.constant 3 : i32
          %add3A_705 = arith.addi %add3A_92, %add3A_704 : i32
          %swap3A_706 = arith.index_cast %add3A_705 : i32 to index
          %swap3A_707 = arith.constant 96 : index
          %swap3A_708 = tpu.vector_load %arg12[%swap3A_706, %swap3A_707] {strides = array<i32>} : memref<80x128xf32, #tpu.memory_space<vmem>>, vector<1x16xf32>,
          %swap3A_709 = vector.shape_cast %swap3A_708 : vector<1x16xf32> to vector<16xf32>
          %swap3A_710 = vector.shape_cast %mul3A_703 : vector<16xf32> to vector<1x16xf32>
          tpu.vector_store %arg12[%swap3A_706, %swap3A_707], %swap3A_710 {strides = array<i32>} : memref<80x128xf32, #tpu.memory_space<vmem>>, vector<1x16xf32>,
          %add3A_711 = arith.constant 3 : i32
          %add3A_712 = arith.addi %add3A_92, %add3A_711 : i32
          %get3A_713 = arith.index_cast %add3A_712 : i32 to index
          %get3A_714 = arith.constant 112 : index
          %get3A_715 = tpu.vector_load %arg12[%get3A_713, %get3A_714] {strides = array<i32>} : memref<80x128xf32, #tpu.memory_space<vmem>>, vector<1x16xf32>,
          %get3A_716 = vector.shape_cast %get3A_715 : vector<1x16xf32> to vector<16xf32>
          %add3A_717 = arith.constant 3 : i32
          %add3A_718 = arith.addi %add3A_92, %add3A_717 : i32
          %get3A_719 = arith.index_cast %add3A_718 : i32 to index
          %get3A_720 = arith.constant 112 : index
          %get3A_721 = tpu.vector_load %arg10[%get3A_719, %get3A_720] {strides = array<i32>} : memref<80x128xf32, #tpu.memory_space<vmem>>, vector<1x16xf32>,
          %get3A_722 = vector.shape_cast %get3A_721 : vector<1x16xf32> to vector<16xf32>
          %mul3A_723 = arith.mulf %get3A_716, %get3A_722 : vector<16xf32>
          %add3A_724 = arith.constant 3 : i32
          %add3A_725 = arith.addi %add3A_92, %add3A_724 : i32
          %swap3A_726 = arith.index_cast %add3A_725 : i32 to index
          %swap3A_727 = arith.constant 112 : index
          %swap3A_728 = tpu.vector_load %arg12[%swap3A_726, %swap3A_727] {strides = array<i32>} : memref<80x128xf32, #tpu.memory_space<vmem>>, vector<1x16xf32>,
          %swap3A_729 = vector.shape_cast %swap3A_728 : vector<1x16xf32> to vector<16xf32>
          %swap3A_730 = vector.shape_cast %mul3A_723 : vector<16xf32> to vector<1x16xf32>
          tpu.vector_store %arg12[%swap3A_726, %swap3A_727], %swap3A_730 {strides = array<i32>} : memref<80x128xf32, #tpu.memory_space<vmem>>, vector<1x16xf32>,
        }
        %scan3A_87 = arith.constant 20 : i32
        %run_scoped3A = arith.constant 1 : i32
        "tpu.region"() ({
          %run_scoped3A_88 = tpu.sem_alloc : memref<!tpu.dma_semaphore, #tpu.memory_space<semaphore_mem>>
          %dma_start3A = arith.constant 0 : i32
          %dma_start3A_89 = tpu.memref_slice %arg8[%run_scoped3A, %dma_start3A] : memref<2x80xi32, #tpu.memory_space<vmem>> -> memref<1x80xi32, #tpu.memory_space<vmem>>
          %dma_start3A_90 = tpu.memref_squeeze %dma_start3A_89 : memref<1x80xi32, #tpu.memory_space<vmem>> -> memref<80xi32, #tpu.memory_space<vmem>>
          %dma_start3A_91 = arith.constant 0 : i32
          %dma_start3A_92 = arith.constant 0 : i32
          %dma_start3A_93 = tpu.memref_slice %arg13[%dma_start3A_91, %dma_start3A_92] : memref<10000x128xf32, #tpu.memory_space<vmem_shared>> -> memref<10000x128xf32, #tpu.memory_space<vmem_shared>>
          tpu.enqueue_indirect_dma source(%arg12 : memref<80x128xf32, #tpu.memory_space<vmem>>) target(%dma_start3A_93 : memref<10000x128xf32, #tpu.memory_space<vmem_shared>>) offsets(%dma_start3A_90 : memref<80xi32, #tpu.memory_space<vmem>>) semaphore(%run_scoped3A_88 : memref<!tpu.dma_semaphore, #tpu.memory_space<semaphore_mem>>) {add = true}
          %dma_wait3A_94 = arith.constant 0 : i32
          %dma_wait3A_95 = tpu.memref_slice %arg8[%run_scoped3A, %dma_wait3A_94] : memref<2x80xi32, #tpu.memory_space<vmem>> -> memref<1x80xi32, #tpu.memory_space<vmem>>
          %dma_wait3A_96 = tpu.memref_squeeze %dma_wait3A_95 : memref<1x80xi32, #tpu.memory_space<vmem>> -> memref<80xi32, #tpu.memory_space<vmem>>
          %dma_wait3A_97 = arith.constant 0 : i32
          %dma_wait3A_98 = arith.constant 0 : i32
          %dma_wait3A_99 = tpu.memref_slice %arg13[%dma_wait3A_97, %dma_wait3A_98] : memref<10000x128xf32, #tpu.memory_space<vmem_shared>> -> memref<10000x128xf32, #tpu.memory_space<vmem_shared>>
          tpu.wait_indirect_dma semaphore(%run_scoped3A_88 : memref<!tpu.dma_semaphore, #tpu.memory_space<semaphore_mem>>) src(%arg12 : memref<80x128xf32, #tpu.memory_space<vmem>>) dst(%dma_wait3A_99 : memref<10000x128xf32, #tpu.memory_space<vmem_shared>>)
          tpu.yield
        }) : () -> ()
      } else {
      }
    }
    %scan3A_31 = arith.constant 32 : i32
    %barrier3A_32 = arith.constant 0 : index
    tpu.barrier barrier_id(%barrier3A_32)
    %eq3A_33 = arith.constant 0 : i32
    %eq3A_34 = arith.cmpi eq, %arg0, %eq3A_33 : i32
    %convert_element_type3A_35 = arith.extui %eq3A_34 : i1 to i32
    %cond3A_36 = arith.constant 0 : i32
    %cond3A_37 = arith.cmpi ne, %convert_element_type3A_35, %cond3A_36 : i32
    scf.if %cond3A_37 {
      %lt3A_43 = arith.constant 15 : i32
      %lt3A_44 = arith.cmpi slt, %arg1, %lt3A_43 : i32
      %convert_element_type3A_45 = arith.extui %lt3A_44 : i1 to i32
      %cond3A_46 = arith.constant 0 : i32
      %cond3A_47 = arith.cmpi ne, %convert_element_type3A_45, %cond3A_46 : i32
      scf.if %cond3A_47 {
        "tpu.region"() ({
          %run_scoped3A = tpu.sem_alloc : memref<!tpu.dma_semaphore, #tpu.memory_space<semaphore_mem>>
          %dma_start3A = arith.constant 0 : i32
          %dma_start3A_53 = tpu.memref_slice %arg5[%mul3A_2, %dma_start3A] : memref<10000x128xf32, #tpu.memory_space<hbm>> -> memref<624x128xf32, #tpu.memory_space<hbm>>
          %dma_start3A_54 = arith.constant 0 : i32
          %dma_start3A_55 = tpu.memref_slice %arg13[%mul3A_2, %dma_start3A_54] : memref<10000x128xf32, #tpu.memory_space<vmem_shared>> -> memref<624x128xf32, #tpu.memory_space<vmem_shared>>
          tpu.enqueue_dma source(%dma_start3A_55 : memref<624x128xf32, #tpu.memory_space<vmem_shared>>) target(%dma_start3A_53 : memref<624x128xf32, #tpu.memory_space<hbm>>) target_semaphore(%run_scoped3A : memref<!tpu.dma_semaphore, #tpu.memory_space<semaphore_mem>>)
          %dma_wait3A = arith.constant 0 : i32
          %dma_wait3A_56 = tpu.memref_slice %arg5[%mul3A_2, %dma_wait3A] : memref<10000x128xf32, #tpu.memory_space<hbm>> -> memref<624x128xf32, #tpu.memory_space<hbm>>
          %dma_wait3A_57 = arith.constant 0 : i32
          %dma_wait3A_58 = tpu.memref_slice %arg13[%mul3A_2, %dma_wait3A_57] : memref<10000x128xf32, #tpu.memory_space<vmem_shared>> -> memref<624x128xf32, #tpu.memory_space<vmem_shared>>
          tpu.wait_dma2 semaphore(%run_scoped3A : memref<!tpu.dma_semaphore, #tpu.memory_space<semaphore_mem>>) src(%dma_wait3A_58 : memref<624x128xf32, #tpu.memory_space<vmem_shared>>) dst(%dma_wait3A_56 : memref<624x128xf32, #tpu.memory_space<hbm>>)
          tpu.yield
        }) : () -> ()
      } else {
      }
      %eq3A_48 = arith.constant 15 : i32
      %eq3A_49 = arith.cmpi eq, %arg1, %eq3A_48 : i32
      %convert_element_type3A_50 = arith.extui %eq3A_49 : i1 to i32
      %cond3A_51 = arith.constant 0 : i32
      %cond3A_52 = arith.cmpi ne, %convert_element_type3A_50, %cond3A_51 : i32
      scf.if %cond3A_52 {
        "tpu.region"() ({
          %run_scoped3A = tpu.sem_alloc : memref<!tpu.dma_semaphore, #tpu.memory_space<semaphore_mem>>
          %dma_start3A = arith.constant 0 : i32
          %dma_start3A_53 = tpu.memref_slice %arg5[%mul3A_2, %dma_start3A] : memref<10000x128xf32, #tpu.memory_space<hbm>> -> memref<640x128xf32, #tpu.memory_space<hbm>>
          %dma_start3A_54 = arith.constant 0 : i32
          %dma_start3A_55 = tpu.memref_slice %arg13[%mul3A_2, %dma_start3A_54] : memref<10000x128xf32, #tpu.memory_space<vmem_shared>> -> memref<640x128xf32, #tpu.memory_space<vmem_shared>>
          tpu.enqueue_dma source(%dma_start3A_55 : memref<640x128xf32, #tpu.memory_space<vmem_shared>>) target(%dma_start3A_53 : memref<640x128xf32, #tpu.memory_space<hbm>>) target_semaphore(%run_scoped3A : memref<!tpu.dma_semaphore, #tpu.memory_space<semaphore_mem>>)
          %dma_wait3A = arith.constant 0 : i32
          %dma_wait3A_56 = tpu.memref_slice %arg5[%mul3A_2, %dma_wait3A] : memref<10000x128xf32, #tpu.memory_space<hbm>> -> memref<640x128xf32, #tpu.memory_space<hbm>>
          %dma_wait3A_57 = arith.constant 0 : i32
          %dma_wait3A_58 = tpu.memref_slice %arg13[%mul3A_2, %dma_wait3A_57] : memref<10000x128xf32, #tpu.memory_space<vmem_shared>> -> memref<640x128xf32, #tpu.memory_space<vmem_shared>>
          tpu.wait_dma2 semaphore(%run_scoped3A : memref<!tpu.dma_semaphore, #tpu.memory_space<semaphore_mem>>) src(%dma_wait3A_58 : memref<640x128xf32, #tpu.memory_space<vmem_shared>>) dst(%dma_wait3A_56 : memref<640x128xf32, #tpu.memory_space<hbm>>)
          tpu.yield
        }) : () -> ()
      } else {
      }
    } else {
    }
    %eq3A_38 = arith.constant 1 : i32
    %eq3A_39 = arith.cmpi eq, %arg0, %eq3A_38 : i32
    %convert_element_type3A_40 = arith.extui %eq3A_39 : i1 to i32
    %cond3A_41 = arith.constant 0 : i32
    %cond3A_42 = arith.cmpi ne, %convert_element_type3A_40, %cond3A_41 : i32
    scf.if %cond3A_42 {
      %lt3A_43 = arith.constant 15 : i32
      %lt3A_44 = arith.cmpi slt, %arg1, %lt3A_43 : i32
      %convert_element_type3A_45 = arith.extui %lt3A_44 : i1 to i32
      %cond3A_46 = arith.constant 0 : i32
      %cond3A_47 = arith.cmpi ne, %convert_element_type3A_45, %cond3A_46 : i32
      scf.if %cond3A_47 {
        "tpu.region"() ({
          %run_scoped3A = tpu.sem_alloc : memref<!tpu.dma_semaphore, #tpu.memory_space<semaphore_mem>>
          %dma_start3A = arith.constant 0 : i32
          %dma_start3A_53 = tpu.memref_slice %arg6[%mul3A_2, %dma_start3A] : memref<10000x128xf32, #tpu.memory_space<hbm>> -> memref<624x128xf32, #tpu.memory_space<hbm>>
          %dma_start3A_54 = arith.constant 0 : i32
          %dma_start3A_55 = tpu.memref_slice %arg13[%mul3A_2, %dma_start3A_54] : memref<10000x128xf32, #tpu.memory_space<vmem_shared>> -> memref<624x128xf32, #tpu.memory_space<vmem_shared>>
          tpu.enqueue_dma source(%dma_start3A_55 : memref<624x128xf32, #tpu.memory_space<vmem_shared>>) target(%dma_start3A_53 : memref<624x128xf32, #tpu.memory_space<hbm>>) target_semaphore(%run_scoped3A : memref<!tpu.dma_semaphore, #tpu.memory_space<semaphore_mem>>)
          %dma_wait3A = arith.constant 0 : i32
          %dma_wait3A_56 = tpu.memref_slice %arg6[%mul3A_2, %dma_wait3A] : memref<10000x128xf32, #tpu.memory_space<hbm>> -> memref<624x128xf32, #tpu.memory_space<hbm>>
          %dma_wait3A_57 = arith.constant 0 : i32
          %dma_wait3A_58 = tpu.memref_slice %arg13[%mul3A_2, %dma_wait3A_57] : memref<10000x128xf32, #tpu.memory_space<vmem_shared>> -> memref<624x128xf32, #tpu.memory_space<vmem_shared>>
          tpu.wait_dma2 semaphore(%run_scoped3A : memref<!tpu.dma_semaphore, #tpu.memory_space<semaphore_mem>>) src(%dma_wait3A_58 : memref<624x128xf32, #tpu.memory_space<vmem_shared>>) dst(%dma_wait3A_56 : memref<624x128xf32, #tpu.memory_space<hbm>>)
          tpu.yield
        }) : () -> ()
      } else {
      }
      %eq3A_48 = arith.constant 15 : i32
      %eq3A_49 = arith.cmpi eq, %arg1, %eq3A_48 : i32
      %convert_element_type3A_50 = arith.extui %eq3A_49 : i1 to i32
      %cond3A_51 = arith.constant 0 : i32
      %cond3A_52 = arith.cmpi ne, %convert_element_type3A_50, %cond3A_51 : i32
      scf.if %cond3A_52 {
        "tpu.region"() ({
          %run_scoped3A = tpu.sem_alloc : memref<!tpu.dma_semaphore, #tpu.memory_space<semaphore_mem>>
          %dma_start3A = arith.constant 0 : i32
          %dma_start3A_53 = tpu.memref_slice %arg6[%mul3A_2, %dma_start3A] : memref<10000x128xf32, #tpu.memory_space<hbm>> -> memref<640x128xf32, #tpu.memory_space<hbm>>
          %dma_start3A_54 = arith.constant 0 : i32
          %dma_start3A_55 = tpu.memref_slice %arg13[%mul3A_2, %dma_start3A_54] : memref<10000x128xf32, #tpu.memory_space<vmem_shared>> -> memref<640x128xf32, #tpu.memory_space<vmem_shared>>
          tpu.enqueue_dma source(%dma_start3A_55 : memref<640x128xf32, #tpu.memory_space<vmem_shared>>) target(%dma_start3A_53 : memref<640x128xf32, #tpu.memory_space<hbm>>) target_semaphore(%run_scoped3A : memref<!tpu.dma_semaphore, #tpu.memory_space<semaphore_mem>>)
          %dma_wait3A = arith.constant 0 : i32
          %dma_wait3A_56 = tpu.memref_slice %arg6[%mul3A_2, %dma_wait3A] : memref<10000x128xf32, #tpu.memory_space<hbm>> -> memref<640x128xf32, #tpu.memory_space<hbm>>
          %dma_wait3A_57 = arith.constant 0 : i32
          %dma_wait3A_58 = tpu.memref_slice %arg13[%mul3A_2, %dma_wait3A_57] : memref<10000x128xf32, #tpu.memory_space<vmem_shared>> -> memref<640x128xf32, #tpu.memory_space<vmem_shared>>
          tpu.wait_dma2 semaphore(%run_scoped3A : memref<!tpu.dma_semaphore, #tpu.memory_space<semaphore_mem>>) src(%dma_wait3A_58 : memref<640x128xf32, #tpu.memory_space<vmem_shared>>) dst(%dma_wait3A_56 : memref<640x128xf32, #tpu.memory_space<hbm>>)
          tpu.yield
        }) : () -> ()
      } else {
      }
    } else {
    }
    return
  }
}

module attributes {stable_mosaic.version = 14 : i64} {
  func.func @_edge_mlp_body(%arg0: i32, %arg1: memref<3x6400xf32, #tpu.memory_space<vmem>>, %arg2: memref<8x128xf32, #tpu.memory_space<vmem>>, %arg3: memref<128x128xbf16, #tpu.memory_space<vmem>>, %arg4: memref<128x128xbf16, #tpu.memory_space<vmem>>, %arg5: memref<64x128xbf16, #tpu.memory_space<vmem>>, %arg6: memref<6400x128xf32, #tpu.memory_space<vmem>>, %arg7: memref<6400x64xbf16, #tpu.memory_space<vmem>>) attributes {dimension_semantics = [#tpu.dimension_semantics<arbitrary>], iteration_bounds = array<i64: 25>, scalar_prefetch = 0 : i64, scratch_operands = 0 : i64, tpu.core_type = #tpu.core_type<tc>, window_params = [{transform_indices = @transform_0, window_bounds = array<i64: 3, 6400>}, {pipeline_mode = #tpu.pipeline_mode<synchronous>, transform_indices = @transform_1, window_bounds = array<i64: 8, 128>}, {pipeline_mode = #tpu.pipeline_mode<synchronous>, transform_indices = @transform_2, window_bounds = array<i64: 128, 128>}, {pipeline_mode = #tpu.pipeline_mode<synchronous>, transform_indices = @transform_3, window_bounds = array<i64: 128, 128>}, {pipeline_mode = #tpu.pipeline_mode<synchronous>, transform_indices = @transform_4, window_bounds = array<i64: 64, 128>}, {transform_indices = @transform_5, window_bounds = array<i64: 6400, 128>}, {transform_indices = @transform_6, window_bounds = array<i64: 6400, 64>}]} {
    %get3A = arith.constant 0 : index
    %get3A_0 = arith.constant 0 : index
    %get3A_1 = vector.load %arg1[%get3A, %get3A_0] : memref<3x6400xf32, #tpu.memory_space<vmem>>, vector<3x6400xf32>
    %mul3A = arith.mulf %get3A_1, %get3A_1 : vector<3x6400xf32>
    %reduce_sum3A = arith.constant dense<0.000000e+00> : vector<6400xf32>
    %reduce_sum3A_2 = vector.multi_reduction <add>, %mul3A, %reduce_sum3A [0] : vector<3x6400xf32> to vector<6400xf32>
    %broadcast_in_dim3A = vector.shape_cast %reduce_sum3A_2 : vector<6400xf32> to vector<1x6400xf32>
    %sqrt3A = math.sqrt %broadcast_in_dim3A : vector<1x6400xf32>
    %iota3A = tpu.iota {dimensions = array<i32: 0>} : vector<8x1xi32>
    %convert_element_type3A = arith.sitofp %iota3A : vector<8x1xi32> to vector<8x1xf32>
    %add3A = arith.constant 1.000000e+00 : f32
    %add3A_3 = vector.broadcast %add3A : f32 to vector<8x1xf32>
    %add3A_4 = arith.addf %convert_element_type3A, %add3A_3 : vector<8x1xf32>
    %sqrt3A_5 = arith.constant 4.000000e-01 : f32
    %sqrt3A_6 = math.sqrt %sqrt3A_5 : f32
    %mul3A_7 = arith.constant 0.628318548 : f32
    %mul3A_8 = vector.broadcast %mul3A_7 : f32 to vector<8x1xf32>
    %mul3A_9 = arith.mulf %add3A_4, %mul3A_8 : vector<8x1xf32>
    %mul3A_10 = vector.broadcast %mul3A_9 : vector<8x1xf32> to vector<8x6400xf32>
    %mul3A_11 = vector.broadcast %sqrt3A : vector<1x6400xf32> to vector<8x6400xf32>
    %mul3A_12 = arith.mulf %mul3A_10, %mul3A_11 : vector<8x6400xf32>
    %sin3A = math.sin %mul3A_12 : vector<8x6400xf32>
    %mul3A_13 = vector.broadcast %sqrt3A_6 : f32 to vector<8x6400xf32>
    %mul3A_14 = arith.mulf %mul3A_13, %sin3A : vector<8x6400xf32>
    %max3A = arith.constant 9.99999997E-7 : f32
    %max3A_15 = vector.broadcast %max3A : f32 to vector<1x6400xf32>
    %max3A_16 = arith.maximumf %sqrt3A, %max3A_15 : vector<1x6400xf32>
    %div3A = vector.broadcast %max3A_16 : vector<1x6400xf32> to vector<8x6400xf32>
    %div3A_17 = arith.divf %mul3A_14, %div3A : vector<8x6400xf32>
    %mul3A_18 = arith.constant 2.000000e-01 : f32
    %mul3A_19 = vector.broadcast %mul3A_18 : f32 to vector<1x6400xf32>
    %mul3A_20 = arith.mulf %sqrt3A, %mul3A_19 : vector<1x6400xf32>
    %mul3A_21 = arith.mulf %mul3A_20, %mul3A_20 : vector<1x6400xf32>
    %mul3A_22 = arith.mulf %mul3A_21, %mul3A_21 : vector<1x6400xf32>
    %mul3A_23 = arith.mulf %mul3A_22, %mul3A_20 : vector<1x6400xf32>
    %mul3A_24 = arith.constant 2.100000e+01 : f32
    %mul3A_25 = vector.broadcast %mul3A_24 : f32 to vector<1x6400xf32>
    %mul3A_26 = arith.mulf %mul3A_25, %mul3A_23 : vector<1x6400xf32>
    %sub3A = arith.constant 1.000000e+00 : f32
    %sub3A_27 = vector.broadcast %sub3A : f32 to vector<1x6400xf32>
    %sub3A_28 = arith.subf %sub3A_27, %mul3A_26 : vector<1x6400xf32>
    %mul3A_29 = arith.constant 3.500000e+01 : f32
    %mul3A_30 = vector.broadcast %mul3A_29 : f32 to vector<1x6400xf32>
    %mul3A_31 = arith.mulf %mul3A_30, %mul3A_23 : vector<1x6400xf32>
    %mul3A_32 = arith.mulf %mul3A_31, %mul3A_20 : vector<1x6400xf32>
    %add3A_33 = arith.addf %sub3A_28, %mul3A_32 : vector<1x6400xf32>
    %mul3A_34 = arith.constant 1.500000e+01 : f32
    %mul3A_35 = vector.broadcast %mul3A_34 : f32 to vector<1x6400xf32>
    %mul3A_36 = arith.mulf %mul3A_35, %mul3A_23 : vector<1x6400xf32>
    %mul3A_37 = arith.mulf %mul3A_36, %mul3A_21 : vector<1x6400xf32>
    %sub3A_38 = arith.subf %add3A_33, %mul3A_37 : vector<1x6400xf32>
    %lt3A = arith.constant 1.000000e+00 : f32
    %lt3A_39 = vector.broadcast %lt3A : f32 to vector<1x6400xf32>
    %lt3A_40 = arith.cmpf olt, %mul3A_20, %lt3A_39 : vector<1x6400xf32>
    %jit3A = arith.constant 0.000000e+00 : f32
    %broadcast_in_dim3A_41 = vector.broadcast %jit3A : f32 to vector<1x6400xf32>
    %select_n3A = arith.select %lt3A_40, %sub3A_38, %broadcast_in_dim3A_41 : vector<1x6400xi1>, vector<1x6400xf32>
    %mul3A_42 = vector.broadcast %select_n3A : vector<1x6400xf32> to vector<8x6400xf32>
    %mul3A_43 = arith.mulf %div3A_17, %mul3A_42 : vector<8x6400xf32>
    %get3A_44 = arith.constant 0 : index
    %get3A_45 = arith.constant 0 : index
    %get3A_46 = vector.load %arg2[%get3A_44, %get3A_45] : memref<8x128xf32, #tpu.memory_space<vmem>>, vector<8x128xf32>
    %dot_general3A = arith.constant dense<0.000000e+00> : vector<6400x128xf32>
    %dot_general3A_47 = tpu.matmul %mul3A_43, %get3A_46, %dot_general3A {dimension_numbers = #tpu.dot_dimension_numbers<[0], [0], [1], [1], [0, 1, 1, 1], [], []>, transpose_lhs_hint = false} : vector<8x6400xf32>, vector<8x128xf32>, vector<6400x128xf32> -> vector<6400x128xf32>
    %neg3A = arith.constant 0.000000e+00 : f32
    %neg3A_48 = vector.broadcast %neg3A : f32 to vector<6400x128xf32>
    %neg3A_49 = arith.subf %neg3A_48, %dot_general3A_47 : vector<6400x128xf32>
    %exp3A = math.exp %neg3A_49 : vector<6400x128xf32>
    %add3A_50 = arith.constant 1.000000e+00 : f32
    %add3A_51 = vector.broadcast %add3A_50 : f32 to vector<6400x128xf32>
    %add3A_52 = arith.addf %add3A_51, %exp3A : vector<6400x128xf32>
    %div3A_53 = arith.constant 1.000000e+00 : f32
    %div3A_54 = vector.broadcast %div3A_53 : f32 to vector<6400x128xf32>
    %div3A_55 = arith.divf %div3A_54, %add3A_52 : vector<6400x128xf32>
    %mul3A_56 = arith.mulf %dot_general3A_47, %div3A_55 : vector<6400x128xf32>
    %convert_element_type3A_57 = arith.truncf %mul3A_56 : vector<6400x128xf32> to vector<6400x128xbf16>
    %get3A_58 = arith.constant 0 : index
    %get3A_59 = arith.constant 0 : index
    %get3A_60 = vector.load %arg3[%get3A_58, %get3A_59] : memref<128x128xbf16, #tpu.memory_space<vmem>>, vector<128x128xbf16>
    %dot_general3A_61 = arith.constant dense<0.000000e+00> : vector<6400x128xf32>
    %dot_general3A_62 = tpu.matmul %convert_element_type3A_57, %get3A_60, %dot_general3A_61 {dimension_numbers = #tpu.dot_dimension_numbers<[1], [0], [0], [1], [0, 0, 1, 1], [], []>, transpose_lhs_hint = false} : vector<6400x128xbf16>, vector<128x128xbf16>, vector<6400x128xf32> -> vector<6400x128xf32>
    %neg3A_63 = arith.constant 0.000000e+00 : f32
    %neg3A_64 = vector.broadcast %neg3A_63 : f32 to vector<6400x128xf32>
    %neg3A_65 = arith.subf %neg3A_64, %dot_general3A_62 : vector<6400x128xf32>
    %exp3A_66 = math.exp %neg3A_65 : vector<6400x128xf32>
    %add3A_67 = arith.constant 1.000000e+00 : f32
    %add3A_68 = vector.broadcast %add3A_67 : f32 to vector<6400x128xf32>
    %add3A_69 = arith.addf %add3A_68, %exp3A_66 : vector<6400x128xf32>
    %div3A_70 = arith.constant 1.000000e+00 : f32
    %div3A_71 = vector.broadcast %div3A_70 : f32 to vector<6400x128xf32>
    %div3A_72 = arith.divf %div3A_71, %add3A_69 : vector<6400x128xf32>
    %mul3A_73 = arith.mulf %dot_general3A_62, %div3A_72 : vector<6400x128xf32>
    %convert_element_type3A_74 = arith.truncf %mul3A_73 : vector<6400x128xf32> to vector<6400x128xbf16>
    %get3A_75 = arith.constant 0 : index
    %get3A_76 = arith.constant 0 : index
    %get3A_77 = vector.load %arg4[%get3A_75, %get3A_76] : memref<128x128xbf16, #tpu.memory_space<vmem>>, vector<128x128xbf16>
    %dot_general3A_78 = arith.constant dense<0.000000e+00> : vector<6400x128xf32>
    %dot_general3A_79 = tpu.matmul %convert_element_type3A_74, %get3A_77, %dot_general3A_78 {dimension_numbers = #tpu.dot_dimension_numbers<[1], [0], [0], [1], [0, 0, 1, 1], [], []>, transpose_lhs_hint = false} : vector<6400x128xbf16>, vector<128x128xbf16>, vector<6400x128xf32> -> vector<6400x128xf32>
    %neg3A_80 = arith.constant 0.000000e+00 : f32
    %neg3A_81 = vector.broadcast %neg3A_80 : f32 to vector<6400x128xf32>
    %neg3A_82 = arith.subf %neg3A_81, %dot_general3A_79 : vector<6400x128xf32>
    %exp3A_83 = math.exp %neg3A_82 : vector<6400x128xf32>
    %add3A_84 = arith.constant 1.000000e+00 : f32
    %add3A_85 = vector.broadcast %add3A_84 : f32 to vector<6400x128xf32>
    %add3A_86 = arith.addf %add3A_85, %exp3A_83 : vector<6400x128xf32>
    %div3A_87 = arith.constant 1.000000e+00 : f32
    %div3A_88 = vector.broadcast %div3A_87 : f32 to vector<6400x128xf32>
    %div3A_89 = arith.divf %div3A_88, %add3A_86 : vector<6400x128xf32>
    %mul3A_90 = arith.mulf %dot_general3A_79, %div3A_89 : vector<6400x128xf32>
    %convert_element_type3A_91 = arith.truncf %mul3A_90 : vector<6400x128xf32> to vector<6400x128xbf16>
    %slice3A = vector.extract_strided_slice %convert_element_type3A_91 {offsets = [0, 0], sizes = [6400, 64], strides = [1, 1]} : vector<6400x128xbf16> to vector<6400x64xbf16>
    %get3A_92 = arith.constant 0 : index
    %get3A_93 = arith.constant 0 : index
    %get3A_94 = vector.load %arg5[%get3A_92, %get3A_93] : memref<64x128xbf16, #tpu.memory_space<vmem>>, vector<64x128xbf16>
    %dot_general3A_95 = arith.constant dense<0.000000e+00> : vector<6400x128xf32>
    %dot_general3A_96 = tpu.matmul %slice3A, %get3A_94, %dot_general3A_95 {dimension_numbers = #tpu.dot_dimension_numbers<[1], [0], [0], [1], [0, 0, 1, 1], [], []>, transpose_lhs_hint = false} : vector<6400x64xbf16>, vector<64x128xbf16>, vector<6400x128xf32> -> vector<6400x128xf32>
    %swap3A = arith.constant 0 : index
    %swap3A_97 = arith.constant 0 : index
    %swap3A_98 = vector.load %arg6[%swap3A, %swap3A_97] : memref<6400x128xf32, #tpu.memory_space<vmem>>, vector<6400x128xf32>
    tpu.vector_store %arg6[%swap3A, %swap3A_97], %dot_general3A_96 {strides = array<i32>} : memref<6400x128xf32, #tpu.memory_space<vmem>>, vector<6400x128xf32>,
    %slice3A_99 = vector.extract_strided_slice %convert_element_type3A_91 {offsets = [0, 64], sizes = [6400, 64], strides = [1, 1]} : vector<6400x128xbf16> to vector<6400x64xbf16>
    %swap3A_100 = arith.constant 0 : index
    %swap3A_101 = arith.constant 0 : index
    %swap3A_102 = vector.load %arg7[%swap3A_100, %swap3A_101] : memref<6400x64xbf16, #tpu.memory_space<vmem>>, vector<6400x64xbf16>
    tpu.vector_store %arg7[%swap3A_100, %swap3A_101], %slice3A_99 {strides = array<i32>} : memref<6400x64xbf16, #tpu.memory_space<vmem>>, vector<6400x64xbf16>,
    return
  }
  func.func @transform_0(%arg0: i32) -> (i32, i32) {
    %c0_i32 = arith.constant 0 : i32
    %c0_i32_0 = arith.constant 0 : i32
    return %c0_i32, %arg0 : i32, i32
  }
  func.func @transform_1(%arg0: i32) -> (i32, i32) {
    %c0_i32 = arith.constant 0 : i32
    %c0_i32_0 = arith.constant 0 : i32
    %c0_i32_1 = arith.constant 0 : i32
    return %c0_i32, %c0_i32_0 : i32, i32
  }
  func.func @transform_2(%arg0: i32) -> (i32, i32) {
    %c0_i32 = arith.constant 0 : i32
    %c0_i32_0 = arith.constant 0 : i32
    %c0_i32_1 = arith.constant 0 : i32
    return %c0_i32, %c0_i32_0 : i32, i32
  }
  func.func @transform_3(%arg0: i32) -> (i32, i32) {
    %c0_i32 = arith.constant 0 : i32
    %c0_i32_0 = arith.constant 0 : i32
    %c0_i32_1 = arith.constant 0 : i32
    return %c0_i32, %c0_i32_0 : i32, i32
  }
  func.func @transform_4(%arg0: i32) -> (i32, i32) {
    %c0_i32 = arith.constant 0 : i32
    %c0_i32_0 = arith.constant 0 : i32
    %c0_i32_1 = arith.constant 0 : i32
    return %c0_i32, %c0_i32_0 : i32, i32
  }
  func.func @transform_5(%arg0: i32) -> (i32, i32) {
    %c0_i32 = arith.constant 0 : i32
    %c0_i32_0 = arith.constant 0 : i32
    return %arg0, %c0_i32 : i32, i32
  }
  func.func @transform_6(%arg0: i32) -> (i32, i32) {
    %c0_i32 = arith.constant 0 : i32
    %c0_i32_0 = arith.constant 0 : i32
    return %arg0, %c0_i32 : i32, i32
  }
}

module attributes {stable_mosaic.version = 14 : i64} {
  func.func @_node_prep_body(%arg0: i32, %arg1: memref<1x1x2000xi32, #tpu.memory_space<vmem>>, %arg2: memref<100x128xf32, #tpu.memory_space<vmem>>, %arg3: memref<128x128xf32, #tpu.memory_space<vmem>>, %arg4: memref<100x128xf32, #tpu.memory_space<vmem>>, %arg5: memref<100x128xf32, #tpu.memory_space<vmem>>, %arg6: memref<2000x128xf32, #tpu.memory_space<vmem>>, %arg7: memref<2000x128xf32, #tpu.memory_space<vmem>>, %arg8: memref<2000x128xf32, #tpu.memory_space<vmem>>) attributes {dimension_semantics = [#tpu.dimension_semantics<arbitrary>], iteration_bounds = array<i64: 5>, scalar_prefetch = 0 : i64, scratch_operands = 0 : i64, tpu.core_type = #tpu.core_type<tc>, window_params = [{transform_indices = @transform_0, window_bounds = array<i64: 1, 1, 2000>}, {pipeline_mode = #tpu.pipeline_mode<synchronous>, transform_indices = @transform_1, window_bounds = array<i64: 100, 128>}, {pipeline_mode = #tpu.pipeline_mode<synchronous>, transform_indices = @transform_2, window_bounds = array<i64: 128, 128>}, {pipeline_mode = #tpu.pipeline_mode<synchronous>, transform_indices = @transform_3, window_bounds = array<i64: 100, 128>}, {pipeline_mode = #tpu.pipeline_mode<synchronous>, transform_indices = @transform_4, window_bounds = array<i64: 100, 128>}, {transform_indices = @transform_5, window_bounds = array<i64: 2000, 128>}, {transform_indices = @transform_6, window_bounds = array<i64: 2000, 128>}, {transform_indices = @transform_7, window_bounds = array<i64: 2000, 128>}]} {
    %get3A = arith.constant 0 : index
    %get3A_0 = arith.constant 0 : index
    %get3A_1 = arith.constant 0 : index
    %get3A_2 = vector.load %arg1[%get3A, %get3A_0, %get3A_1] : memref<1x1x2000xi32, #tpu.memory_space<vmem>>, vector<1x1x2000xi32>
    %get3A_3 = vector.shape_cast %get3A_2 : vector<1x1x2000xi32> to vector<1x2000xi32>
    %iota3A = tpu.iota {dimensions = array<i32: 0>} : vector<100x1xi32>
    %eq3A = vector.broadcast %iota3A : vector<100x1xi32> to vector<100x2000xi32>
    %eq3A_4 = vector.broadcast %get3A_3 : vector<1x2000xi32> to vector<100x2000xi32>
    %eq3A_5 = arith.cmpi eq, %eq3A, %eq3A_4 : vector<100x2000xi32>
    %convert_element_type3A = arith.extui %eq3A_5 : vector<100x2000xi1> to vector<100x2000xi32>
    %convert_element_type3A_6 = arith.sitofp %convert_element_type3A : vector<100x2000xi32> to vector<100x2000xf32>
    %get3A_7 = arith.constant 0 : index
    %get3A_8 = arith.constant 0 : index
    %get3A_9 = vector.load %arg2[%get3A_7, %get3A_8] : memref<100x128xf32, #tpu.memory_space<vmem>>, vector<100x128xf32>
    %dot_general3A = arith.constant dense<0.000000e+00> : vector<2000x128xf32>
    %dot_general3A_10 = tpu.matmul %convert_element_type3A_6, %get3A_9, %dot_general3A {dimension_numbers = #tpu.dot_dimension_numbers<[0], [0], [1], [1], [0, 1, 1, 1], [], []>, transpose_lhs_hint = false} : vector<100x2000xf32>, vector<100x128xf32>, vector<2000x128xf32> -> vector<2000x128xf32>
    %get3A_11 = arith.constant 0 : index
    %get3A_12 = arith.constant 0 : index
    %get3A_13 = vector.load %arg3[%get3A_11, %get3A_12] : memref<128x128xf32, #tpu.memory_space<vmem>>, vector<128x128xf32>
    %dot_general3A_14 = arith.constant dense<0.000000e+00> : vector<2000x128xf32>
    %dot_general3A_15 = tpu.matmul %dot_general3A_10, %get3A_13, %dot_general3A_14 {dimension_numbers = #tpu.dot_dimension_numbers<[1], [0], [0], [1], [0, 0, 1, 1], [], []>, transpose_lhs_hint = false} : vector<2000x128xf32>, vector<128x128xf32>, vector<2000x128xf32> -> vector<2000x128xf32>
    %swap3A = arith.constant 0 : index
    %swap3A_16 = arith.constant 0 : index
    %swap3A_17 = vector.load %arg6[%swap3A, %swap3A_16] : memref<2000x128xf32, #tpu.memory_space<vmem>>, vector<2000x128xf32>
    tpu.vector_store %arg6[%swap3A, %swap3A_16], %dot_general3A_15 {strides = array<i32>} : memref<2000x128xf32, #tpu.memory_space<vmem>>, vector<2000x128xf32>,
    %get3A_18 = arith.constant 0 : index
    %get3A_19 = arith.constant 0 : index
    %get3A_20 = vector.load %arg4[%get3A_18, %get3A_19] : memref<100x128xf32, #tpu.memory_space<vmem>>, vector<100x128xf32>
    %dot_general3A_21 = arith.constant dense<0.000000e+00> : vector<2000x128xf32>
    %dot_general3A_22 = tpu.matmul %convert_element_type3A_6, %get3A_20, %dot_general3A_21 {dimension_numbers = #tpu.dot_dimension_numbers<[0], [0], [1], [1], [0, 1, 1, 1], [], []>, transpose_lhs_hint = false} : vector<100x2000xf32>, vector<100x128xf32>, vector<2000x128xf32> -> vector<2000x128xf32>
    %swap3A_23 = arith.constant 0 : index
    %swap3A_24 = arith.constant 0 : index
    %swap3A_25 = vector.load %arg7[%swap3A_23, %swap3A_24] : memref<2000x128xf32, #tpu.memory_space<vmem>>, vector<2000x128xf32>
    tpu.vector_store %arg7[%swap3A_23, %swap3A_24], %dot_general3A_22 {strides = array<i32>} : memref<2000x128xf32, #tpu.memory_space<vmem>>, vector<2000x128xf32>,
    %get3A_26 = arith.constant 0 : index
    %get3A_27 = arith.constant 0 : index
    %get3A_28 = vector.load %arg5[%get3A_26, %get3A_27] : memref<100x128xf32, #tpu.memory_space<vmem>>, vector<100x128xf32>
    %dot_general3A_29 = arith.constant dense<0.000000e+00> : vector<2000x128xf32>
    %dot_general3A_30 = tpu.matmul %convert_element_type3A_6, %get3A_28, %dot_general3A_29 {dimension_numbers = #tpu.dot_dimension_numbers<[0], [0], [1], [1], [0, 1, 1, 1], [], []>, transpose_lhs_hint = false} : vector<100x2000xf32>, vector<100x128xf32>, vector<2000x128xf32> -> vector<2000x128xf32>
    %swap3A_31 = arith.constant 0 : index
    %swap3A_32 = arith.constant 0 : index
    %swap3A_33 = vector.load %arg8[%swap3A_31, %swap3A_32] : memref<2000x128xf32, #tpu.memory_space<vmem>>, vector<2000x128xf32>
    tpu.vector_store %arg8[%swap3A_31, %swap3A_32], %dot_general3A_30 {strides = array<i32>} : memref<2000x128xf32, #tpu.memory_space<vmem>>, vector<2000x128xf32>,
    return
  }
  func.func @transform_0(%arg0: i32) -> (i32, i32, i32) {
    %c0_i32 = arith.constant 0 : i32
    %c0_i32_0 = arith.constant 0 : i32
    %c0_i32_1 = arith.constant 0 : i32
    return %arg0, %c0_i32, %c0_i32_0 : i32, i32, i32
  }
  func.func @transform_1(%arg0: i32) -> (i32, i32) {
    %c0_i32 = arith.constant 0 : i32
    %c0_i32_0 = arith.constant 0 : i32
    %c0_i32_1 = arith.constant 0 : i32
    return %c0_i32, %c0_i32_0 : i32, i32
  }
  func.func @transform_2(%arg0: i32) -> (i32, i32) {
    %c0_i32 = arith.constant 0 : i32
    %c0_i32_0 = arith.constant 0 : i32
    %c0_i32_1 = arith.constant 0 : i32
    return %c0_i32, %c0_i32_0 : i32, i32
  }
  func.func @transform_3(%arg0: i32) -> (i32, i32) {
    %c0_i32 = arith.constant 0 : i32
    %c0_i32_0 = arith.constant 0 : i32
    %c0_i32_1 = arith.constant 0 : i32
    return %c0_i32, %c0_i32_0 : i32, i32
  }
  func.func @transform_4(%arg0: i32) -> (i32, i32) {
    %c0_i32 = arith.constant 0 : i32
    %c0_i32_0 = arith.constant 0 : i32
    %c0_i32_1 = arith.constant 0 : i32
    return %c0_i32, %c0_i32_0 : i32, i32
  }
  func.func @transform_5(%arg0: i32) -> (i32, i32) {
    %c0_i32 = arith.constant 0 : i32
    %c0_i32_0 = arith.constant 0 : i32
    return %arg0, %c0_i32 : i32, i32
  }
  func.func @transform_6(%arg0: i32) -> (i32, i32) {
    %c0_i32 = arith.constant 0 : i32
    %c0_i32_0 = arith.constant 0 : i32
    return %arg0, %c0_i32 : i32, i32
  }
  func.func @transform_7(%arg0: i32) -> (i32, i32) {
    %c0_i32 = arith.constant 0 : i32
    %c0_i32_0 = arith.constant 0 : i32
    return %arg0, %c0_i32 : i32, i32
  }
}

module attributes {stable_mosaic.version = 14 : i64} {
  func.func @_w1_body(%arg0: i32, %arg1: memref<6400x64xbf16, #tpu.memory_space<vmem>>, %arg2: memref<64x128xbf16, #tpu.memory_space<vmem>>, %arg3: memref<6400x128xf32, #tpu.memory_space<vmem>>) attributes {dimension_semantics = [#tpu.dimension_semantics<arbitrary>], iteration_bounds = array<i64: 25>, scalar_prefetch = 0 : i64, scratch_operands = 0 : i64, tpu.core_type = #tpu.core_type<tc>, window_params = [{transform_indices = @transform_0, window_bounds = array<i64: 6400, 64>}, {pipeline_mode = #tpu.pipeline_mode<synchronous>, transform_indices = @transform_1, window_bounds = array<i64: 64, 128>}, {transform_indices = @transform_2, window_bounds = array<i64: 6400, 128>}]} {
    %get3A = arith.constant 0 : index
    %get3A_0 = arith.constant 0 : index
    %get3A_1 = vector.load %arg1[%get3A, %get3A_0] : memref<6400x64xbf16, #tpu.memory_space<vmem>>, vector<6400x64xbf16>
    %get3A_2 = arith.constant 0 : index
    %get3A_3 = arith.constant 0 : index
    %get3A_4 = vector.load %arg2[%get3A_2, %get3A_3] : memref<64x128xbf16, #tpu.memory_space<vmem>>, vector<64x128xbf16>
    %dot_general3A = arith.constant dense<0.000000e+00> : vector<6400x128xf32>
    %dot_general3A_5 = tpu.matmul %get3A_1, %get3A_4, %dot_general3A {dimension_numbers = #tpu.dot_dimension_numbers<[1], [0], [0], [1], [0, 0, 1, 1], [], []>, transpose_lhs_hint = false} : vector<6400x64xbf16>, vector<64x128xbf16>, vector<6400x128xf32> -> vector<6400x128xf32>
    %swap3A = arith.constant 0 : index
    %swap3A_6 = arith.constant 0 : index
    %swap3A_7 = vector.load %arg3[%swap3A, %swap3A_6] : memref<6400x128xf32, #tpu.memory_space<vmem>>, vector<6400x128xf32>
    tpu.vector_store %arg3[%swap3A, %swap3A_6], %dot_general3A_5 {strides = array<i32>} : memref<6400x128xf32, #tpu.memory_space<vmem>>, vector<6400x128xf32>,
    return
  }
  func.func @transform_0(%arg0: i32) -> (i32, i32) {
    %c0_i32 = arith.constant 0 : i32
    %c0_i32_0 = arith.constant 0 : i32
    return %arg0, %c0_i32 : i32, i32
  }
  func.func @transform_1(%arg0: i32) -> (i32, i32) {
    %c0_i32 = arith.constant 0 : i32
    %c0_i32_0 = arith.constant 0 : i32
    %c0_i32_1 = arith.constant 0 : i32
    return %c0_i32, %c0_i32_0 : i32, i32
  }
  func.func @transform_2(%arg0: i32) -> (i32, i32) {
    %c0_i32 = arith.constant 0 : i32
    %c0_i32_0 = arith.constant 0 : i32
    return %arg0, %c0_i32 : i32, i32
  }
}

module attributes {stable_mosaic.version = 14 : i64} {
  func.func @_l0_body(%arg0: i32, %arg1: memref<2000x128xf32, #tpu.memory_space<vmem>>, %arg2: memref<2000x128xf32, #tpu.memory_space<vmem>>, %arg3: memref<2000x128xf32, #tpu.memory_space<vmem>>, %arg4: memref<128x128xf32, #tpu.memory_space<vmem>>, %arg5: memref<128x128xf32, #tpu.memory_space<vmem>>, %arg6: memref<128x128xf32, #tpu.memory_space<vmem>>, %arg7: memref<128x128xf32, #tpu.memory_space<vmem>>, %arg8: memref<2000x128xf32, #tpu.memory_space<vmem>>, %arg9: memref<2000x128xf32, #tpu.memory_space<vmem>>) attributes {dimension_semantics = [#tpu.dimension_semantics<arbitrary>], iteration_bounds = array<i64: 5>, scalar_prefetch = 0 : i64, scratch_operands = 0 : i64, tpu.core_type = #tpu.core_type<tc>, window_params = [{transform_indices = @transform_0, window_bounds = array<i64: 2000, 128>}, {transform_indices = @transform_1, window_bounds = array<i64: 2000, 128>}, {transform_indices = @transform_2, window_bounds = array<i64: 2000, 128>}, {pipeline_mode = #tpu.pipeline_mode<synchronous>, transform_indices = @transform_3, window_bounds = array<i64: 128, 128>}, {pipeline_mode = #tpu.pipeline_mode<synchronous>, transform_indices = @transform_4, window_bounds = array<i64: 128, 128>}, {pipeline_mode = #tpu.pipeline_mode<synchronous>, transform_indices = @transform_5, window_bounds = array<i64: 128, 128>}, {pipeline_mode = #tpu.pipeline_mode<synchronous>, transform_indices = @transform_6, window_bounds = array<i64: 128, 128>}, {transform_indices = @transform_7, window_bounds = array<i64: 2000, 128>}, {transform_indices = @transform_8, window_bounds = array<i64: 2000, 128>}]} {
    %get3A = arith.constant 0 : index
    %get3A_0 = arith.constant 0 : index
    %get3A_1 = vector.load %arg1[%get3A, %get3A_0] : memref<2000x128xf32, #tpu.memory_space<vmem>>, vector<2000x128xf32>
    %get3A_2 = arith.constant 0 : index
    %get3A_3 = arith.constant 0 : index
    %get3A_4 = vector.load %arg2[%get3A_2, %get3A_3] : memref<2000x128xf32, #tpu.memory_space<vmem>>, vector<2000x128xf32>
    %add3A = arith.addf %get3A_1, %get3A_4 : vector<2000x128xf32>
    %mul3A = arith.constant 0.0285714287 : f32
    %mul3A_5 = vector.broadcast %mul3A : f32 to vector<2000x128xf32>
    %mul3A_6 = arith.mulf %add3A, %mul3A_5 : vector<2000x128xf32>
    %mul3A_7 = arith.mulf %mul3A_6, %mul3A_6 : vector<2000x128xf32>
    %get3A_8 = arith.constant 0 : index
    %get3A_9 = arith.constant 0 : index
    %get3A_10 = vector.load %arg4[%get3A_8, %get3A_9] : memref<128x128xf32, #tpu.memory_space<vmem>>, vector<128x128xf32>
    %dot_general3A = arith.constant dense<0.000000e+00> : vector<2000x128xf32>
    %dot_general3A_11 = tpu.matmul %mul3A_6, %get3A_10, %dot_general3A {dimension_numbers = #tpu.dot_dimension_numbers<[1], [0], [0], [1], [0, 0, 1, 1], [], []>, transpose_lhs_hint = false} : vector<2000x128xf32>, vector<128x128xf32>, vector<2000x128xf32> -> vector<2000x128xf32>
    %get3A_12 = arith.constant 0 : index
    %get3A_13 = arith.constant 0 : index
    %get3A_14 = vector.load %arg5[%get3A_12, %get3A_13] : memref<128x128xf32, #tpu.memory_space<vmem>>, vector<128x128xf32>
    %dot_general3A_15 = arith.constant dense<0.000000e+00> : vector<2000x128xf32>
    %dot_general3A_16 = tpu.matmul %mul3A_7, %get3A_14, %dot_general3A_15 {dimension_numbers = #tpu.dot_dimension_numbers<[1], [0], [0], [1], [0, 0, 1, 1], [], []>, transpose_lhs_hint = false} : vector<2000x128xf32>, vector<128x128xf32>, vector<2000x128xf32> -> vector<2000x128xf32>
    %add3A_17 = arith.addf %dot_general3A_11, %dot_general3A_16 : vector<2000x128xf32>
    %mul3A_18 = arith.mulf %mul3A_7, %mul3A_6 : vector<2000x128xf32>
    %get3A_19 = arith.constant 0 : index
    %get3A_20 = arith.constant 0 : index
    %get3A_21 = vector.load %arg6[%get3A_19, %get3A_20] : memref<128x128xf32, #tpu.memory_space<vmem>>, vector<128x128xf32>
    %dot_general3A_22 = arith.constant dense<0.000000e+00> : vector<2000x128xf32>
    %dot_general3A_23 = tpu.matmul %mul3A_18, %get3A_21, %dot_general3A_22 {dimension_numbers = #tpu.dot_dimension_numbers<[1], [0], [0], [1], [0, 0, 1, 1], [], []>, transpose_lhs_hint = false} : vector<2000x128xf32>, vector<128x128xf32>, vector<2000x128xf32> -> vector<2000x128xf32>
    %add3A_24 = arith.addf %add3A_17, %dot_general3A_23 : vector<2000x128xf32>
    %get3A_25 = arith.constant 0 : index
    %get3A_26 = arith.constant 0 : index
    %get3A_27 = vector.load %arg3[%get3A_25, %get3A_26] : memref<2000x128xf32, #tpu.memory_space<vmem>>, vector<2000x128xf32>
    %mul3A_28 = arith.mulf %add3A_24, %get3A_27 : vector<2000x128xf32>
    %swap3A = arith.constant 0 : index
    %swap3A_29 = arith.constant 0 : index
    %swap3A_30 = vector.load %arg8[%swap3A, %swap3A_29] : memref<2000x128xf32, #tpu.memory_space<vmem>>, vector<2000x128xf32>
    tpu.vector_store %arg8[%swap3A, %swap3A_29], %mul3A_28 {strides = array<i32>} : memref<2000x128xf32, #tpu.memory_space<vmem>>, vector<2000x128xf32>,
    %get3A_31 = arith.constant 0 : index
    %get3A_32 = arith.constant 0 : index
    %get3A_33 = vector.load %arg7[%get3A_31, %get3A_32] : memref<128x128xf32, #tpu.memory_space<vmem>>, vector<128x128xf32>
    %dot_general3A_34 = arith.constant dense<0.000000e+00> : vector<2000x128xf32>
    %dot_general3A_35 = tpu.matmul %mul3A_28, %get3A_33, %dot_general3A_34 {dimension_numbers = #tpu.dot_dimension_numbers<[1], [0], [0], [1], [0, 0, 1, 1], [], []>, transpose_lhs_hint = false} : vector<2000x128xf32>, vector<128x128xf32>, vector<2000x128xf32> -> vector<2000x128xf32>
    %swap3A_36 = arith.constant 0 : index
    %swap3A_37 = arith.constant 0 : index
    %swap3A_38 = vector.load %arg9[%swap3A_36, %swap3A_37] : memref<2000x128xf32, #tpu.memory_space<vmem>>, vector<2000x128xf32>
    tpu.vector_store %arg9[%swap3A_36, %swap3A_37], %dot_general3A_35 {strides = array<i32>} : memref<2000x128xf32, #tpu.memory_space<vmem>>, vector<2000x128xf32>,
    return
  }
  func.func @transform_0(%arg0: i32) -> (i32, i32) {
    %c0_i32 = arith.constant 0 : i32
    %c0_i32_0 = arith.constant 0 : i32
    return %arg0, %c0_i32 : i32, i32
  }
  func.func @transform_1(%arg0: i32) -> (i32, i32) {
    %c0_i32 = arith.constant 0 : i32
    %c0_i32_0 = arith.constant 0 : i32
    return %arg0, %c0_i32 : i32, i32
  }
  func.func @transform_2(%arg0: i32) -> (i32, i32) {
    %c0_i32 = arith.constant 0 : i32
    %c0_i32_0 = arith.constant 0 : i32
    return %arg0, %c0_i32 : i32, i32
  }
  func.func @transform_3(%arg0: i32) -> (i32, i32) {
    %c0_i32 = arith.constant 0 : i32
    %c0_i32_0 = arith.constant 0 : i32
    %c0_i32_1 = arith.constant 0 : i32
    return %c0_i32, %c0_i32_0 : i32, i32
  }
  func.func @transform_4(%arg0: i32) -> (i32, i32) {
    %c0_i32 = arith.constant 0 : i32
    %c0_i32_0 = arith.constant 0 : i32
    %c0_i32_1 = arith.constant 0 : i32
    return %c0_i32, %c0_i32_0 : i32, i32
  }
  func.func @transform_5(%arg0: i32) -> (i32, i32) {
    %c0_i32 = arith.constant 0 : i32
    %c0_i32_0 = arith.constant 0 : i32
    %c0_i32_1 = arith.constant 0 : i32
    return %c0_i32, %c0_i32_0 : i32, i32
  }
  func.func @transform_6(%arg0: i32) -> (i32, i32) {
    %c0_i32 = arith.constant 0 : i32
    %c0_i32_0 = arith.constant 0 : i32
    %c0_i32_1 = arith.constant 0 : i32
    return %c0_i32, %c0_i32_0 : i32, i32
  }
  func.func @transform_7(%arg0: i32) -> (i32, i32) {
    %c0_i32 = arith.constant 0 : i32
    %c0_i32_0 = arith.constant 0 : i32
    return %arg0, %c0_i32 : i32, i32
  }
  func.func @transform_8(%arg0: i32) -> (i32, i32) {
    %c0_i32 = arith.constant 0 : i32
    %c0_i32_0 = arith.constant 0 : i32
    return %arg0, %c0_i32 : i32, i32
  }
}

module attributes {stable_mosaic.version = 14 : i64} {
  func.func @_final_body(%arg0: i32, %arg1: memref<2000x128xf32, #tpu.memory_space<vmem>>, %arg2: memref<2000x128xf32, #tpu.memory_space<vmem>>, %arg3: memref<2000x128xf32, #tpu.memory_space<vmem>>, %arg4: memref<2000x128xf32, #tpu.memory_space<vmem>>, %arg5: memref<1x1x2000xi32, #tpu.memory_space<vmem>>, %arg6: memref<128x128xf32, #tpu.memory_space<vmem>>, %arg7: memref<128x128xf32, #tpu.memory_space<vmem>>, %arg8: memref<128x128xf32, #tpu.memory_space<vmem>>, %arg9: memref<128x128xf32, #tpu.memory_space<vmem>>, %arg10: memref<128x9xf32, #tpu.memory_space<vmem>>, %arg11: memref<1x9xf32, #tpu.memory_space<vmem>>, %arg12: memref<64x9xf32, #tpu.memory_space<vmem>>, %arg13: memref<64x1xf32, #tpu.memory_space<vmem>>) attributes {dimension_semantics = [#tpu.dimension_semantics<arbitrary>], iteration_bounds = array<i64: 5>, scalar_prefetch = 0 : i64, scratch_operands = 0 : i64, tpu.core_type = #tpu.core_type<tc>, window_params = [{transform_indices = @transform_0, window_bounds = array<i64: 2000, 128>}, {transform_indices = @transform_1, window_bounds = array<i64: 2000, 128>}, {transform_indices = @transform_2, window_bounds = array<i64: 2000, 128>}, {transform_indices = @transform_3, window_bounds = array<i64: 2000, 128>}, {transform_indices = @transform_4, window_bounds = array<i64: 1, 1, 2000>}, {pipeline_mode = #tpu.pipeline_mode<synchronous>, transform_indices = @transform_5, window_bounds = array<i64: 128, 128>}, {pipeline_mode = #tpu.pipeline_mode<synchronous>, transform_indices = @transform_6, window_bounds = array<i64: 128, 128>}, {pipeline_mode = #tpu.pipeline_mode<synchronous>, transform_indices = @transform_7, window_bounds = array<i64: 128, 128>}, {pipeline_mode = #tpu.pipeline_mode<synchronous>, transform_indices = @transform_8, window_bounds = array<i64: 128, 128>}, {pipeline_mode = #tpu.pipeline_mode<synchronous>, transform_indices = @transform_9, window_bounds = array<i64: 128, 9>}, {pipeline_mode = #tpu.pipeline_mode<synchronous>, transform_indices = @transform_10, window_bounds = array<i64: 1, 9>}, {pipeline_mode = #tpu.pipeline_mode<synchronous>, transform_indices = @transform_11, window_bounds = array<i64: 64, 9>}, {pipeline_mode = #tpu.pipeline_mode<synchronous>, transform_indices = @transform_12, window_bounds = array<i64: 64, 1>}]} {
    %get3A = arith.constant 0 : index
    %get3A_0 = arith.constant 0 : index
    %get3A_1 = vector.load %arg1[%get3A, %get3A_0] : memref<2000x128xf32, #tpu.memory_space<vmem>>, vector<2000x128xf32>
    %get3A_2 = arith.constant 0 : index
    %get3A_3 = arith.constant 0 : index
    %get3A_4 = vector.load %arg2[%get3A_2, %get3A_3] : memref<2000x128xf32, #tpu.memory_space<vmem>>, vector<2000x128xf32>
    %add3A = arith.addf %get3A_1, %get3A_4 : vector<2000x128xf32>
    %mul3A = arith.constant 0.0285714287 : f32
    %mul3A_5 = vector.broadcast %mul3A : f32 to vector<2000x128xf32>
    %mul3A_6 = arith.mulf %add3A, %mul3A_5 : vector<2000x128xf32>
    %mul3A_7 = arith.mulf %mul3A_6, %mul3A_6 : vector<2000x128xf32>
    %get3A_8 = arith.constant 0 : index
    %get3A_9 = arith.constant 0 : index
    %get3A_10 = vector.load %arg6[%get3A_8, %get3A_9] : memref<128x128xf32, #tpu.memory_space<vmem>>, vector<128x128xf32>
    %dot_general3A = arith.constant dense<0.000000e+00> : vector<2000x128xf32>
    %dot_general3A_11 = tpu.matmul %mul3A_6, %get3A_10, %dot_general3A {dimension_numbers = #tpu.dot_dimension_numbers<[1], [0], [0], [1], [0, 0, 1, 1], [], []>, transpose_lhs_hint = false} : vector<2000x128xf32>, vector<128x128xf32>, vector<2000x128xf32> -> vector<2000x128xf32>
    %get3A_12 = arith.constant 0 : index
    %get3A_13 = arith.constant 0 : index
    %get3A_14 = vector.load %arg7[%get3A_12, %get3A_13] : memref<128x128xf32, #tpu.memory_space<vmem>>, vector<128x128xf32>
    %dot_general3A_15 = arith.constant dense<0.000000e+00> : vector<2000x128xf32>
    %dot_general3A_16 = tpu.matmul %mul3A_7, %get3A_14, %dot_general3A_15 {dimension_numbers = #tpu.dot_dimension_numbers<[1], [0], [0], [1], [0, 0, 1, 1], [], []>, transpose_lhs_hint = false} : vector<2000x128xf32>, vector<128x128xf32>, vector<2000x128xf32> -> vector<2000x128xf32>
    %add3A_17 = arith.addf %dot_general3A_11, %dot_general3A_16 : vector<2000x128xf32>
    %mul3A_18 = arith.mulf %mul3A_7, %mul3A_6 : vector<2000x128xf32>
    %get3A_19 = arith.constant 0 : index
    %get3A_20 = arith.constant 0 : index
    %get3A_21 = vector.load %arg8[%get3A_19, %get3A_20] : memref<128x128xf32, #tpu.memory_space<vmem>>, vector<128x128xf32>
    %dot_general3A_22 = arith.constant dense<0.000000e+00> : vector<2000x128xf32>
    %dot_general3A_23 = tpu.matmul %mul3A_18, %get3A_21, %dot_general3A_22 {dimension_numbers = #tpu.dot_dimension_numbers<[1], [0], [0], [1], [0, 0, 1, 1], [], []>, transpose_lhs_hint = false} : vector<2000x128xf32>, vector<128x128xf32>, vector<2000x128xf32> -> vector<2000x128xf32>
    %add3A_24 = arith.addf %add3A_17, %dot_general3A_23 : vector<2000x128xf32>
    %get3A_25 = arith.constant 0 : index
    %get3A_26 = arith.constant 0 : index
    %get3A_27 = vector.load %arg3[%get3A_25, %get3A_26] : memref<2000x128xf32, #tpu.memory_space<vmem>>, vector<2000x128xf32>
    %mul3A_28 = arith.mulf %add3A_24, %get3A_27 : vector<2000x128xf32>
    %get3A_29 = arith.constant 0 : index
    %get3A_30 = arith.constant 0 : index
    %get3A_31 = vector.load %arg4[%get3A_29, %get3A_30] : memref<2000x128xf32, #tpu.memory_space<vmem>>, vector<2000x128xf32>
    %get3A_32 = arith.constant 0 : index
    %get3A_33 = arith.constant 0 : index
    %get3A_34 = vector.load %arg9[%get3A_32, %get3A_33] : memref<128x128xf32, #tpu.memory_space<vmem>>, vector<128x128xf32>
    %dot_general3A_35 = arith.constant dense<0.000000e+00> : vector<2000x128xf32>
    %dot_general3A_36 = tpu.matmul %get3A_31, %get3A_34, %dot_general3A_35 {dimension_numbers = #tpu.dot_dimension_numbers<[1], [0], [0], [1], [0, 0, 1, 1], [], []>, transpose_lhs_hint = false} : vector<2000x128xf32>, vector<128x128xf32>, vector<2000x128xf32> -> vector<2000x128xf32>
    %add3A_37 = arith.addf %mul3A_28, %dot_general3A_36 : vector<2000x128xf32>
    %get3A_38 = arith.constant 0 : index
    %get3A_39 = arith.constant 0 : index
    %get3A_40 = vector.load %arg10[%get3A_38, %get3A_39] : memref<128x9xf32, #tpu.memory_space<vmem>>, vector<128x9xf32>
    %dot_general3A_41 = arith.constant dense<0.000000e+00> : vector<2000x9xf32>
    %dot_general3A_42 = tpu.matmul %add3A_37, %get3A_40, %dot_general3A_41 {dimension_numbers = #tpu.dot_dimension_numbers<[1], [0], [0], [1], [0, 0, 1, 1], [], []>, transpose_lhs_hint = false} : vector<2000x128xf32>, vector<128x9xf32>, vector<2000x9xf32> -> vector<2000x9xf32>
    %get3A_43 = arith.constant 0 : index
    %get3A_44 = arith.constant 0 : index
    %get3A_45 = vector.load %arg11[%get3A_43, %get3A_44] : memref<1x9xf32, #tpu.memory_space<vmem>>, vector<1x9xf32>
    %add3A_46 = vector.broadcast %get3A_45 : vector<1x9xf32> to vector<2000x9xf32>
    %add3A_47 = arith.addf %dot_general3A_42, %add3A_46 : vector<2000x9xf32>
    %get3A_48 = arith.constant 0 : index
    %get3A_49 = arith.constant 0 : index
    %get3A_50 = arith.constant 0 : index
    %get3A_51 = vector.load %arg5[%get3A_48, %get3A_49, %get3A_50] : memref<1x1x2000xi32, #tpu.memory_space<vmem>>, vector<1x1x2000xi32>
    %get3A_52 = vector.shape_cast %get3A_51 : vector<1x1x2000xi32> to vector<1x2000xi32>
    %iota3A = tpu.iota {dimensions = array<i32: 0>} : vector<64x1xi32>
    %eq3A = vector.broadcast %iota3A : vector<64x1xi32> to vector<64x2000xi32>
    %eq3A_53 = vector.broadcast %get3A_52 : vector<1x2000xi32> to vector<64x2000xi32>
    %eq3A_54 = arith.cmpi eq, %eq3A, %eq3A_53 : vector<64x2000xi32>
    %convert_element_type3A = arith.extui %eq3A_54 : vector<64x2000xi1> to vector<64x2000xi32>
    %convert_element_type3A_55 = arith.sitofp %convert_element_type3A : vector<64x2000xi32> to vector<64x2000xf32>
    %dot_general3A_56 = arith.constant dense<0.000000e+00> : vector<64x9xf32>
    %dot_general3A_57 = tpu.matmul %convert_element_type3A_55, %add3A_47, %dot_general3A_56 {dimension_numbers = #tpu.dot_dimension_numbers<[1], [0], [0], [1], [0, 0, 1, 1], [], []>, transpose_lhs_hint = false} : vector<64x2000xf32>, vector<2000x9xf32>, vector<64x9xf32> -> vector<64x9xf32>
    %reduce_sum3A = arith.constant dense<0.000000e+00> : vector<64xf32>
    %reduce_sum3A_58 = vector.multi_reduction <add>, %convert_element_type3A_55, %reduce_sum3A [1] : vector<64x2000xf32> to vector<64xf32>
    %broadcast_in_dim3A = vector.shape_cast %reduce_sum3A_58 : vector<64xf32> to vector<64x1xf32>
    %eq3A_59 = arith.constant 0 : i32
    %eq3A_60 = arith.cmpi eq, %arg0, %eq3A_59 : i32
    %convert_element_type3A_61 = arith.extui %eq3A_60 : i1 to i32
    %cond3A = arith.constant 0 : i32
    %cond3A_62 = arith.cmpi ne, %convert_element_type3A_61, %cond3A : i32
    scf.if %cond3A_62 {
      %broadcast_in_dim3A_76 = arith.constant 0.000000e+00 : f32
      %broadcast_in_dim3A_77 = vector.broadcast %broadcast_in_dim3A_76 : f32 to vector<64x9xf32>
      %swap3A_78 = arith.constant 0 : index
      %swap3A_79 = arith.constant 0 : index
      %swap3A_80 = vector.load %arg12[%swap3A_78, %swap3A_79] : memref<64x9xf32, #tpu.memory_space<vmem>>, vector<64x9xf32>
      tpu.vector_store %arg12[%swap3A_78, %swap3A_79], %broadcast_in_dim3A_77 {strides = array<i32>} : memref<64x9xf32, #tpu.memory_space<vmem>>, vector<64x9xf32>,
      %broadcast_in_dim3A_81 = arith.constant 0.000000e+00 : f32
      %broadcast_in_dim3A_82 = vector.broadcast %broadcast_in_dim3A_81 : f32 to vector<64x1xf32>
      %swap3A_83 = arith.constant 0 : index
      %swap3A_84 = arith.constant 0 : index
      %swap3A_85 = vector.load %arg13[%swap3A_83, %swap3A_84] : memref<64x1xf32, #tpu.memory_space<vmem>>, vector<64x1xf32>
      tpu.vector_store %arg13[%swap3A_83, %swap3A_84], %broadcast_in_dim3A_82 {strides = array<i32>} : memref<64x1xf32, #tpu.memory_space<vmem>>, vector<64x1xf32>,
    } else {
    }
    %get3A_63 = arith.constant 0 : index
    %get3A_64 = arith.constant 0 : index
    %get3A_65 = vector.load %arg12[%get3A_63, %get3A_64] : memref<64x9xf32, #tpu.memory_space<vmem>>, vector<64x9xf32>
    %add3A_66 = arith.addf %get3A_65, %dot_general3A_57 : vector<64x9xf32>
    %swap3A = arith.constant 0 : index
    %swap3A_67 = arith.constant 0 : index
    %swap3A_68 = vector.load %arg12[%swap3A, %swap3A_67] : memref<64x9xf32, #tpu.memory_space<vmem>>, vector<64x9xf32>
    tpu.vector_store %arg12[%swap3A, %swap3A_67], %add3A_66 {strides = array<i32>} : memref<64x9xf32, #tpu.memory_space<vmem>>, vector<64x9xf32>,
    %get3A_69 = arith.constant 0 : index
    %get3A_70 = arith.constant 0 : index
    %get3A_71 = vector.load %arg13[%get3A_69, %get3A_70] : memref<64x1xf32, #tpu.memory_space<vmem>>, vector<64x1xf32>
    %add3A_72 = arith.addf %get3A_71, %broadcast_in_dim3A : vector<64x1xf32>
    %swap3A_73 = arith.constant 0 : index
    %swap3A_74 = arith.constant 0 : index
    %swap3A_75 = vector.load %arg13[%swap3A_73, %swap3A_74] : memref<64x1xf32, #tpu.memory_space<vmem>>, vector<64x1xf32>
    tpu.vector_store %arg13[%swap3A_73, %swap3A_74], %add3A_72 {strides = array<i32>} : memref<64x1xf32, #tpu.memory_space<vmem>>, vector<64x1xf32>,
    return
  }
  func.func @transform_0(%arg0: i32) -> (i32, i32) {
    %c0_i32 = arith.constant 0 : i32
    %c0_i32_0 = arith.constant 0 : i32
    return %arg0, %c0_i32 : i32, i32
  }
  func.func @transform_1(%arg0: i32) -> (i32, i32) {
    %c0_i32 = arith.constant 0 : i32
    %c0_i32_0 = arith.constant 0 : i32
    return %arg0, %c0_i32 : i32, i32
  }
  func.func @transform_2(%arg0: i32) -> (i32, i32) {
    %c0_i32 = arith.constant 0 : i32
    %c0_i32_0 = arith.constant 0 : i32
    return %arg0, %c0_i32 : i32, i32
  }
  func.func @transform_3(%arg0: i32) -> (i32, i32) {
    %c0_i32 = arith.constant 0 : i32
    %c0_i32_0 = arith.constant 0 : i32
    return %arg0, %c0_i32 : i32, i32
  }
  func.func @transform_4(%arg0: i32) -> (i32, i32, i32) {
    %c0_i32 = arith.constant 0 : i32
    %c0_i32_0 = arith.constant 0 : i32
    %c0_i32_1 = arith.constant 0 : i32
    return %arg0, %c0_i32, %c0_i32_0 : i32, i32, i32
  }
  func.func @transform_5(%arg0: i32) -> (i32, i32) {
    %c0_i32 = arith.constant 0 : i32
    %c0_i32_0 = arith.constant 0 : i32
    %c0_i32_1 = arith.constant 0 : i32
    return %c0_i32, %c0_i32_0 : i32, i32
  }
  func.func @transform_6(%arg0: i32) -> (i32, i32) {
    %c0_i32 = arith.constant 0 : i32
    %c0_i32_0 = arith.constant 0 : i32
    %c0_i32_1 = arith.constant 0 : i32
    return %c0_i32, %c0_i32_0 : i32, i32
  }
  func.func @transform_7(%arg0: i32) -> (i32, i32) {
    %c0_i32 = arith.constant 0 : i32
    %c0_i32_0 = arith.constant 0 : i32
    %c0_i32_1 = arith.constant 0 : i32
    return %c0_i32, %c0_i32_0 : i32, i32
  }
  func.func @transform_8(%arg0: i32) -> (i32, i32) {
    %c0_i32 = arith.constant 0 : i32
    %c0_i32_0 = arith.constant 0 : i32
    %c0_i32_1 = arith.constant 0 : i32
    return %c0_i32, %c0_i32_0 : i32, i32
  }
  func.func @transform_9(%arg0: i32) -> (i32, i32) {
    %c0_i32 = arith.constant 0 : i32
    %c0_i32_0 = arith.constant 0 : i32
    %c0_i32_1 = arith.constant 0 : i32
    return %c0_i32, %c0_i32_0 : i32, i32
  }
  func.func @transform_10(%arg0: i32) -> (i32, i32) {
    %c0_i32 = arith.constant 0 : i32
    %c0_i32_0 = arith.constant 0 : i32
    %c0_i32_1 = arith.constant 0 : i32
    return %c0_i32, %c0_i32_0 : i32, i32
  }
  func.func @transform_11(%arg0: i32) -> (i32, i32) {
    %c0_i32 = arith.constant 0 : i32
    %c0_i32_0 = arith.constant 0 : i32
    %c0_i32_1 = arith.constant 0 : i32
    return %c0_i32, %c0_i32_0 : i32, i32
  }
  func.func @transform_12(%arg0: i32) -> (i32, i32) {
    %c0_i32 = arith.constant 0 : i32
    %c0_i32_0 = arith.constant 0 : i32
    %c0_i32_1 = arith.constant 0 : i32
    return %c0_i32, %c0_i32_0 : i32, i32
  }
}

</mosaic_0001>

<sc_bundles>
// kernel: kernel.12.cloned.1.call-start
scs
__scs_entry_jumppad:
0x0: {  	(pc) =	sbr.rel $0x88, $3  }
0x1: {  	(tag) =	ssettag $0x0;
	lr =	simm.s32 $0x1  }
0x2: {  	[smem:$0x3F90] =	sst lr;
	_ =	strace $0xD0000000  }
0x3: {  	_ = 	snop  }
0x4: {  	_ = 	snop  }
0x5: {  	_ = 	snop  }
0x6: {  	_ = 	snop  }
0x7: {  	_ = 	snop  }
__scs_overlays_trampoline_lowered:
0x8: {  	[smem:$0x3F9F] =	sst s0  }
0x9: {  	[smem:$0x3FA0] =	sst s1  }
0xa: {  	[smem:$0x3FA1] =	sst s2  }
0xb: {  	[smem:$0x3FA2] =	sst s3  }
0xc: {  	[smem:$0x3FA3] =	sst s4  }
0xd: {  	[smem:$0x3FA4] =	sst s5  }
0xe: {  	[smem:$0x3FA5] =	sst s6  }
0xf: {  	[smem:$0x3FA6] =	sst s7  }
0x10: {  	[smem:$0x3FA7] =	sst s8  }
0x11: {  	[smem:$0x3FA8] =	sst s9;
	s0 =	simm.s32 @!p0 $0x0  }
0x12: {  	s1 =	sld [smem:$0x3F8E];
	s0 =	simm.s32 @p0 $0x1  }
0x13: {  	[smem:$0x3FA9] =	sst s0;
	s0 =	simm.s32 @!p1 $0x0  }
0x14: {  	s2 =	sld [smem:$0x3F8D];
	s0 =	simm.s32 @p1 $0x1  }
0x15: {  	[smem:$0x3FAA] =	sst s0;
	s0 =	simm.s32 @!p2 $0x0  }
0x16: {  	s3 =	sld [smem:$0x3FDB];
	s0 =	simm.s32 @p2 $0x1  }
0x17: {  	s4 =	simm.s32 $0x1BF5;
	[smem:$0x3FAC] =	sst s0  }
0x18: {  	s0 =	sld [smem:$0x3F8F];
	_ =	swait.ge [sflag:s4], $0x0  }
0x19: {  	s7 =	sld [smem:$0x3F90]  }
0x1a: {  	s8 =	sadd.s32 $0xFFFFE003, lr  }
0x1b: {  	s9 =	sadd.s32 $0xFFFFFEF7, lr;
	s5 =	simm.s32 $0xFFFFFFFF;
	p2 =	slt.u32 s8, $0xFFFFF086  }
0x1c: {  	p1 =	slt.u32 s9, $0xF7A;
	s5 =	simm.s32 @!p2 $0x0  }
0x1d: {  	s5 =	simm.s32 @p1 $0x1;
	p0 =	seq.s32 s7, s2  }
0x1e: {  	s7 =	smul.u32 @!p0 $0xF7A, s2;
	p2 =	seq.s32 @!p0 s5, $0x0  }
0x1f: {  	s9 =	smul.u32 $0xF7A, s1;
	s8 =	simm.s32 @!p0 $0x1BF5;
	p2 =	por !p2, p0  }
0x20: {  	[sflag:s8] =	ssyncset.s32 @!p0 $0xFFFFF086;
	s6 =	sadd.s32 @!p0 s3, s7;
	s7 =	simm.s32 @!p0 $0x108  }
0x21: {  	s3 =	sadd.s32 s3, s9;
	s6 =	sadd.s32 @!p0 $0x88, s6;
	s7 =	simm.s32 @p2 $0x1082  }
0x22: {  	[simem:s7], [sflag:s8] =	dma.local @!p0 [hbm:s6], $0xF7A  }
0x23: {  	s9 =	sor.u32 $0xD0000000, s2;
	s6 =	simm.s32 $0x108;
	_ =	swait.ge @!p0 [sflag:s8], $0x0  }
0x24: {  	s3 =	sadd.s32 $0x88, s3;
	s6 =	simm.s32 @!p1 $0x1082;
	[sflag:s4] =	ssyncset.s32 $0xFFFFF086  }
0x25: {  	[simem:s6], [sflag:s4] =	dma.local [hbm:s3], $0xF7A  }
0x26: {  	[smem:$0x3F90] =	sst s1;
	(tag) =	ssettag s2;
	_ =	strace s9  }
0x27: {  	s1 =	sld [smem:$0x3FA0]  }
0x28: {  	s2 =	sld [smem:$0x3FA1]  }
0x29: {  	s4 =	sld [smem:$0x3FA3]  }
0x2a: {  	p0 =	seq.s32 s5, $0x0;
	s5 =	sld [smem:$0x3FA4]  }
0x2b: {  	s6 =	sld [smem:$0x3FA5]  }
0x2c: {  	s7 =	sld [smem:$0x3FA6]  }
0x2d: {  	s3 =	simm.s32 $0x108;
	s8 =	sld [smem:$0x3FA7]  }
0x2e: {  	s3 =	simm.s32 @!p0 $0x1082;
	s9 =	sld [smem:$0x3FA8]  }
0x2f: {  	lr =	sadd.s32 s0, s3;
	s0 =	sld [smem:$0x3F9F]  }
0x30: {  	s3 =	sld [smem:$0x3FA2]  }
0x31: {  	[smem:$0x3FAB] =	sst s10  }
0x32: {  	s10 =	sld [smem:$0x3FA9];
	_ =	sdelay $0x3  }
0x33: {  	p0 =	seq.s32 s10, $0x1;
	s10 =	sld [smem:$0x3FAB];
	_ =	sdelay $0x3  }
0x34: {  	[smem:$0x3FAB] =	sst s10  }
0x35: {  	s10 =	sld [smem:$0x3FAA];
	_ =	sdelay $0x3  }
0x36: {  	p1 =	seq.s32 s10, $0x1;
	s10 =	sld [smem:$0x3FAB];
	_ =	sdelay $0x3  }
0x37: {  	[smem:$0x3FAB] =	sst s10  }
0x38: {  	s10 =	sld [smem:$0x3FAC]  }
0x39: {  	_ = 	snop;
	(pc) =	sbr.ind lr, $3  }
0x3a: {  	_ = 	snop  }
0x3b: {  	_ = 	snop  }
0x3c: {  	p2 =	seq.s32 s10, $0x1;
	s10 =	sld [smem:$0x3FAB]  }
0x3d: {  	_ =	shalt  }
0x3e: {  	_ =	shalt  }
0x3f: {  	_ =	shalt  }
0x40: {  	_ =	shalt  }
0x41: {  	_ =	shalt  }
0x42: {  	_ =	shalt  }
0x43: {  	_ =	shalt  }
0x44: {  	_ =	shalt  }
0x45: {  	_ =	shalt  }
0x46: {  	_ =	shalt  }
0x47: {  	_ =	shalt  }
0x48: {  	_ =	shalt  }
0x49: {  	_ =	shalt  }
0x4a: {  	_ =	shalt  }
0x4b: {  	_ =	shalt  }
0x4c: {  	_ =	shalt  }
0x4d: {  	_ =	shalt  }
0x4e: {  	_ =	shalt  }
0x4f: {  	_ =	shalt  }
0x50: {  	_ =	shalt  }
0x51: {  	_ =	shalt  }
0x52: {  	_ =	shalt  }
0x53: {  	_ =	shalt  }
0x54: {  	_ =	shalt  }
0x55: {  	_ =	shalt  }
0x56: {  	_ =	shalt  }
0x57: {  	_ =	shalt  }
0x58: {  	_ =	shalt  }
0x59: {  	_ =	shalt  }
0x5a: {  	_ =	shalt  }
0x5b: {  	_ =	shalt  }
0x5c: {  	_ =	shalt  }
0x5d: {  	_ =	shalt  }
0x5e: {  	_ =	shalt  }
0x5f: {  	_ =	shalt  }
0x60: {  	_ =	shalt  }
0x61: {  	_ =	shalt  }
0x62: {  	_ =	shalt  }
0x63: {  	_ =	shalt  }
0x64: {  	_ =	shalt  }
0x65: {  	_ =	shalt  }
0x66: {  	_ =	shalt  }
0x67: {  	_ =	shalt  }
0x68: {  	_ =	shalt  }
0x69: {  	_ =	shalt  }
0x6a: {  	_ =	shalt  }
0x6b: {  	_ =	shalt  }
0x6c: {  	_ =	shalt  }
0x6d: {  	_ =	shalt  }
0x6e: {  	_ =	shalt  }
0x6f: {  	_ =	shalt  }
0x70: {  	_ =	shalt  }
0x71: {  	_ =	shalt  }
0x72: {  	_ =	shalt  }
0x73: {  	_ =	shalt  }
0x74: {  	_ =	shalt  }
0x75: {  	_ =	shalt  }
0x76: {  	_ =	shalt  }
0x77: {  	_ =	shalt  }
0x78: {  	_ =	shalt  }
0x79: {  	_ =	shalt  }
0x7a: {  	_ =	shalt  }
0x7b: {  	_ =	shalt  }
0x7c: {  	_ =	shalt  }
0x7d: {  	_ =	shalt  }
0x7e: {  	_ =	shalt  }
0x7f: {  	_ =	shalt  }
0x80: {  	_ =	shalt  }
0x81: {  	_ =	shalt  }
0x82: {  	_ =	shalt  }
0x83: {  	_ =	shalt  }
0x84: {  	_ =	shalt  }
0x85: {  	_ =	shalt  }
0x86: {  	_ =	shalt  }
0x87: {  	_ =	shalt  }
.Lfunc_end0:
.L_simem_size_0:
called_computation.1_lowered:
.L_overlay_start_0:
0x88: {  	s2 =	sld [smem:$0x3FD9]  }
0x89: {  	s3 =	sld [smem:$0x3FFE];
	_ =	sdelay $0x1  }
0x8a: {  	s1 =	srdreg.scid  }
0x8b: {  	s0 =	sand.u32 $0x1, s1  }
0x8c: {  	s16 =	sshll.u32 s0, $0xA;
	s2 =	sadd.s32 s3, s2  }
0x8d: {  	s2 =	sadd.s32 s2, s16  }
0x8e: {  	[smem:$0x3FB7] =	sst s2  }
0x8f: {  	_ = 	snop  }
0x90: {  	(tm) =	ssettm $0x1  }
0x91: {  	s17 =	sld [smem:$0x3FFB];
	_ =	sdelay $0x3  }
0x92: {  	_ =	strace s17  }
0x93: {  	s2 =	sld [smem:$0x3FFC];
	_ =	sdelay $0x3  }
0x94: {  	_ =	strace s2  }
0x95: {  	s2 =	sld [smem:$0x3FFD];
	_ =	sdelay $0x3  }
0x96: {  	_ =	strace s2  }
0x97: {  	_ =	strace $0x8FFFFFFF  }
0x98: {  	s18 =	sld [smem:$0x3FDB];
	_ =	sdelay $0x1  }
0x99: {  	s19 =	simm.s32 $_scs_section_size  }
0x9a: {  	s4 =	simm.s32 $_size__tile_overlayer_lowered;
	s5 =	simm.s32 $_tile_overlayer_lowered  }
0x9b: {  	s22 =	simm.s32 $0x1BFF;
	s21 =	sshll.u32 s5, $0x1;
	s2 =	sadd.s32 s19, s18  }
0x9c: {  	s6 =	simm.s32 $0x0;
	s20 =	sshll.u32 s4, $0x1;
	s4 =	sadd.s32 s21, s2  }
0x9d: {  	[timem:s6], [sflag:s22] =	dma.local [hbm:s4], s20  }
0x9e: {  	_ =	swait.ge [sflag:s22], s20  }
0x9f: {  	s3 =	ssub.s32 $0x0, s20;
	[sflag:s22] =	ssyncset.done $0x0  }
0xa0: {  	[sflag:s22] =	ssyncadd.s32 s3;
	_ =	sdelay $0x1  }
0xa1: {  	s23 =	simm.s32 $0x1B8B  }
0xa2: {  	_ =	swait.ge [sflag:s23], $0x1  }
0xa3: {  	[sflag:s23] =	ssyncset.done $0x0  }
0xa4: {  	s25 =	simm.s32 $0x1B8E;
	s24 =	sld [smem:$0x3FFE];
	[sflag:s23] =	ssyncadd.s32 $0xFFFFFFFF  }
0xa5: {  	s26 =	simm.s32 $execute0_lowered;
	[smem:$0x3FD2] =	sst s25  }
0xa6: {  	s4 =	sshll.u32 s26, $0x1;
	_ =	strace $0x80000049;
	[dreg:$0x1] =	wrdreg $0xFFFFFFFF  }
0xa7: {  	s28 =	simm.s32 $_size_execute0_lowered;
	s2 =	sadd.s32 s2, s4;
	[dreg:$0x0] =	wrdreg $0x0  }
0xa8: {  	s4 =	sshll.u32 s28, $0x1;
	[dreg:$0x2] =	wrdreg s2  }
0xa9: {  	[dreg:$0x3] =	wrdreg s4  }
0xaa: {  	[dreg:$0x4] =	wrdreg $0xC0  }
0xab: {  	_ =	task [dreg:s6], $0x5FFFF  }
0xac: {  	[dreg:$0x1] =	wrdreg $0xFFFFFFFF  }
0xad: {  	[dreg:$0x0] =	wrdreg $0x60  }
0xae: {  	[dreg:$0x2] =	wrdreg s24  }
0xaf: {  	[dreg:$0x3] =	wrdreg $0xA2000  }
0xb0: {  	[dreg:$0x4] =	wrdreg $0x9  }
0xb1: {  	_ =	task.clear_ibuf [dreg:s6], $0x5FFFF;
	_ =	strace $0x90000049  }
0xb2: {  	s29 =	simm.s32 $0x9;
	_ =	strace $0x8000004B  }
0xb3: {  	_ =	swait.ge [sflag:s29], $0x1  }
0xb4: {  	[sflag:s29] =	ssyncadd.s32 $0xFFFFFFFF  }
0xb5: {  	_ =	strace $0x9000004B  }
0xb6: {  	_ =	sfence  }
0xb7: {  	s30 =	sld [smem:$0x0];
	_ =	sdelay $0x2  }
0xb8: {  	s31 =	sshll.u32 s1, $0xD;
	s1 =	sshrl.u32 s1, $0x2  }
0xb9: {  	s3 =	sand.u32 $0x4000, s31;
	s1 =	sadd.s32 s1, s30  }
0xba: {  	s0 =	sor.u32 s3, s0;
	s1 =	sshll.u32 s1, $0x11  }
0xbb: {  	s0 =	sor.u32 s1, s0  }
0xbc: {  	s0 =	sadd.s32 $0x8F2B, s0  }
0xbd: {  	[sflag:s0] =	ssyncadd.remote.s32 $0x1  }
0xbe: {  	_ =	sfence.sel $0xFFFF  }
0xbf: {  	[dreg:$0x0] =	wrdreg $0xFFFFFFFF;
	(pc) =	sbr.abs _section_cstart, $3  }
0xc0: {  	[dreg:$0x1] =	wrdreg $0xFFFFFFFF  }
0xc1: {  	_ =	task.clear_ibuf [dreg:s6], $0x2FFFF;
	_ =	strace $0x9FFFFFFF  }
0xc2: {  	(tm) =	ssettm $0x7FFFFFFF  }
0xc3: {  	_ =	shalt  }
tec
execute0_lowered:
.L_overlay_start_1:
0x0: {  	(tag) =	ssettag $0x1  }
0x1: {  	s0 =	rddreg [dreg:$0x0]  }
0x2: {  	s1 =	rddreg [dreg:$0x1]  }
0x3: {  	s3 =	simm.s32 $0x0;
	s2 =	stileid.u32;
	s6 =	srdreg.scid  }
0x4: {  	s28 =	simm.s32 $0x5;
	s29 =	simm.s32 $0x50;
	s30 =	simm.s32 $0x5200  }
0x5: {  	s31 =	simm.s32 $0x1;
	[smem:$0x7FF] =	sst s3;
	s4 =	sadd.s32 $0x40D200, s0  }
0x6: {  	s7 =	smul.u32 $0x2700, s2;
	s5 =	sadd.s32 $0x482800, s0;
	s9 =	sand.u32 $0x1, s6  }
0x7: {  	s8 =	smul.u32 $0x4E000, s2;
	s6 =	sadd.s32 $0x5400, s0;
	s20 =	sadd.s32 $0x458D00, s0  }
0x8: {  	s17 =	sadd.s32 $0x136000, s1;
	p0 =	seq.s32 s2, $0xF;
	_ =	strace $0x8000004A  }
0x9: {  	s15 =	ssub.s32 $0x2, s9;
	s12 =	sshll.u32 s9, $0x4;
	[dreg:$0x4] =	wrdreg s17  }
0xa: {  	p4 =	seq.s32 s9, $0x1;
	[dreg:$0x8] =	wrdreg s20;
	s10 =	sadd.s32 s7, s0  }
0xb: {  	s11 =	sshrl.u32 s15, $0x1;
	s8 =	sshrl.u32 s8, $0x2;
	s7 =	sor.u32 s2, s12  }
0xc: {  	s0 =	sadd.s32 $0x47FF00, s0;
	p2 =	seq.s32 @p4 s2, $0xF;
	p5 =	seq.s32 @!p4 s2, $0xF  }
0xd: {  	s13 =	ssub.s32 s15, s11;
	s8 =	sadd.s32 s8, s1;
	s12 =	sshll.u32 s7, $0x5  }
0xe: {  	s14 =	smul.u32 $0x500, s7;
	s11 =	sxor.u32 $0x3F, s9;
	s19 =	sadd.s32 $0x434400, s10  }
0xf: {  	s15 =	sadd.s32 $0x124800, s1;
	s21 =	sadd.s32 $0x45B600, s10;
	[dreg:$0xa] =	wrdreg s0  }
0x10: {  	p1 =	por !p2, !p4;
	p2 =	por p2, !p4;
	[dreg:$0x7] =	wrdreg s19  }
0x11: {  	p3 =	por !p5, p4;
	s16 =	sadd.s32 $0x11800, s8;
	[dreg:$0x9] =	wrdreg s21  }
0x12: {  	p4 =	por p5, p4;
	s12 =	sadd.s32 s6, s12;
	[dreg:$0x3] =	wrdreg s16  }
0x13: {  	s0 =	simm.s32 $0x3;
	s22 =	smax.u32 s13, $0x1;
	[dreg:$0x5] =	wrdreg s12  }
0x14: {  	s9 =	simm.s32 $0x80;
	s23 =	sadd.s32 $0x2800, s8;
	[dreg:$0xb] =	wrdreg s22  }
0x15: {  	s10 =	simm.s32 $0x6;
	s24 =	sadd.s32 $0x5000, s8;
	[dreg:$0xc] =	wrdreg s23  }
.Ltmp0:
0x16: {  	s25 =	sadd.s32 $0x7800, s8;
	[dreg:$0xd] =	wrdreg s24;
	(pc) =	sbr.rel .LBB2_1-.Ltmp0, $4  }
0x17: {  	s26 =	sadd.s32 $0xA000, s8;
	s13 =	simm.s32 $0x4;
	[dreg:$0xe] =	wrdreg s25  }
0x18: {  	s18 =	sadd.s32 s5, s14;
	[dreg:$0xf] =	wrdreg s26;
	s24 =	sadd.s32 $0xC800, s8  }
0x19: {  	s25 =	sadd.s32 $0xF000, s8;
	s26 =	simm.s32 $0x200;
	s12 =	simm.s32 $0x2  }
0x1a: {  	v0 =	vimm.f32 $0.0e+00;
	s14 =	simm.s32 $0x180;
	s16 =	simm.s32 $0x7A00;
	[dreg:$0x6] =	wrdreg s18  }
.LBB2_13:
0x1b: {  	[bflag:$0x0] =	sbarrier.arrive $0xFFFF  }
0x1c: {  	s17 =	sshrl.u32 @!p1 s15, $0x3;
	s18 =	simm.s32 @!p1 $0x1FC5;
	s19 =	rddreg [dreg:$0xa]  }
0x1d: {  	[hbm:s19], [sflag:s18] =	dma.local @!p1 [spmem:s17], $0x2800  }
0x1e: {  	s17 =	simm.s32 @!p1 $0x5  }
0x1f: {  	_ =	swait.ge @!p1 [sflag:s17], $0x2800  }
0x20: {  	s18 =	sshll.u32 @!p2 s2, $0x6;
	[sflag:s17] =	ssyncset.done @!p1 $0x0;
	s19 =	rddreg [dreg:$0x9]  }
0x21: {  	[sflag:s17] =	ssyncadd.s32 @!p1 $0xFFFFD800;
	s17 =	sor.u32 @!p2 $0x1C05, s18;
	s18 =	sshrl.u32 @!p2 s8, $0x3  }
0x22: {  	[hbm:s19], [sflag:s17] =	dma.local @!p2 [spmem:s18], $0x2700  }
0x23: {  	s17 =	simm.s32 @!p2 $0x5  }
0x24: {  	_ =	swait.ge @!p2 [sflag:s17], $0x2700  }
0x25: {  	s18 =	simm.s32 @!p3 $0x1FC5;
	[sflag:s17] =	ssyncset.done @!p2 $0x0  }
0x26: {  	s19 =	rddreg [dreg:$0x8];
	[sflag:s17] =	ssyncadd.s32 @!p2 $0xFFFFD900;
	s17 =	sshrl.u32 @!p3 s15, $0x3  }
0x27: {  	[hbm:s19], [sflag:s18] =	dma.local @!p3 [spmem:s17], $0x2800  }
0x28: {  	s17 =	simm.s32 @!p3 $0x5  }
0x29: {  	_ =	swait.ge @!p3 [sflag:s17], $0x2800  }
0x2a: {  	s18 =	sshll.u32 @!p4 s2, $0x6;
	[sflag:s17] =	ssyncset.done @!p3 $0x0;
	s19 =	rddreg [dreg:$0x7]  }
0x2b: {  	[sflag:s17] =	ssyncadd.s32 @!p3 $0xFFFFD800;
	s17 =	sor.u32 @!p4 $0x1C05, s18;
	s18 =	sshrl.u32 @!p4 s8, $0x3  }
0x2c: {  	[hbm:s19], [sflag:s17] =	dma.local @!p4 [spmem:s18], $0x2700  }
0x2d: {  	s17 =	simm.s32 @!p4 $0x5  }
0x2e: {  	_ =	swait.ge @!p4 [sflag:s17], $0x2700  }
0x2f: {  	s3 =	sadd.s32 $0x1, s3;
	s23 =	rddreg [dreg:$0xb]  }
0x30: {  	p5 =	sne.s32 s3, s23  }
.Ltmp1:
0x31: {  	_ = 	snop;
	(pc) =	sbr.rel @!p5 .LBB2_14-.Ltmp1, $3  }
0x32: {  	_ =	sdelay $0x1  }
0x33: {  	[sflag:s17] =	ssyncset.done @!p4 $0x0  }
0x34: {  	[sflag:s17] =	ssyncadd.s32 @!p4 $0xFFFFD900  }
.LBB2_1:
0x35: {  	s17 =	simm.s32 $0x0;
	s18 =	simm.s32 $0x200  }
.LBB2_2:
0x36: {  	p5 =	sne.s32 s18, $0x9E00;
	[tilespmem:s17+$0x270] =	vst v0  }
0x37: {  	[tilespmem:s17+$0x200] =	vst v0  }
0x38: {  	[tilespmem:s17+$0x210] =	vst v0  }
.Ltmp2:
0x39: {  	[tilespmem:s17+$0x220] =	vst v0;
	(pc) =	sbr.rel @p5 .LBB2_2-.Ltmp2, $4  }
0x3a: {  	[tilespmem:s17+$0x230] =	vst v0  }
0x3b: {  	[tilespmem:s17+$0x240] =	vst v0  }
0x3c: {  	[tilespmem:s17+$0x250] =	vst v0  }
0x3d: {  	[tilespmem:s17+$0x260] =	vst v0;
	s17 =	sshra.s32 s18, $0x2;
	s18 =	sadd.s32 $0x200, s18  }
0x3e: {  	[tilespmem:s17+$0x270] =	vst v0  }
0x3f: {  	[tilespmem:s17+$0x200] =	vst v0  }
0x40: {  	[tilespmem:s17+$0x210] =	vst v0  }
0x41: {  	[tilespmem:s17+$0x220] =	vst v0  }
0x42: {  	[tilespmem:s17+$0x230] =	vst v0  }
0x43: {  	[tilespmem:s17+$0x240] =	vst v0  }
0x44: {  	[tilespmem:s17+$0x250] =	vst v0  }
0x45: {  	[tilespmem:s17+$0x260] =	vst v0  }
0x46: {  	[spmem:s8] =	stream.linear.scatter [tilespmem:s26], [sflag:$0x5], $0x2800, $0x38;
	[tilespmem:$0x1DA80] =	vst v63  }
0x47: {  	_ =	swait.ge [sflag:s28], $0x2800  }
0x48: {  	[sflag:s28] =	ssyncset.done $0x0  }
0x49: {  	s18 =	rddreg [dreg:$0xc];
	[sflag:s28] =	ssyncadd.s32 $0xFFFFD800  }
0x4a: {  	[spmem:s18] =	stream.linear.scatter [tilespmem:s26], [sflag:$0x5], $0x2800, $0x38;
	[tilespmem:$0x1DA80] =	vst v63  }
0x4b: {  	_ =	swait.ge [sflag:s28], $0x2800  }
0x4c: {  	[sflag:s28] =	ssyncset.done $0x0  }
0x4d: {  	s19 =	rddreg [dreg:$0xd];
	[sflag:s28] =	ssyncadd.s32 $0xFFFFD800  }
0x4e: {  	[spmem:s19] =	stream.linear.scatter [tilespmem:s26], [sflag:$0x5], $0x2800, $0x38;
	[tilespmem:$0x1DA80] =	vst v63  }
0x4f: {  	_ =	swait.ge [sflag:s28], $0x2800  }
0x50: {  	[sflag:s28] =	ssyncset.done $0x0  }
0x51: {  	s20 =	rddreg [dreg:$0xe];
	[sflag:s28] =	ssyncadd.s32 $0xFFFFD800  }
0x52: {  	[spmem:s20] =	stream.linear.scatter [tilespmem:s26], [sflag:$0x5], $0x2800, $0x38;
	[tilespmem:$0x1DA80] =	vst v63  }
0x53: {  	_ =	swait.ge [sflag:s28], $0x2800  }
0x54: {  	[sflag:s28] =	ssyncset.done $0x0  }
0x55: {  	s21 =	rddreg [dreg:$0xf];
	[sflag:s28] =	ssyncadd.s32 $0xFFFFD800  }
0x56: {  	[spmem:s21] =	stream.linear.scatter [tilespmem:s26], [sflag:$0x5], $0x2800, $0x38;
	[tilespmem:$0x1DA80] =	vst v63  }
0x57: {  	_ =	swait.ge [sflag:s28], $0x2800  }
0x58: {  	[sflag:s28] =	ssyncset.done $0x0  }
0x59: {  	[sflag:s28] =	ssyncadd.s32 $0xFFFFD800  }
0x5a: {  	[spmem:s24] =	stream.linear.scatter [tilespmem:s26], [sflag:$0x5], $0x2800, $0x38;
	[tilespmem:$0x1DA80] =	vst v63  }
0x5b: {  	_ =	swait.ge [sflag:s28], $0x2800  }
0x5c: {  	[sflag:s28] =	ssyncset.done $0x0  }
0x5d: {  	[sflag:s28] =	ssyncadd.s32 $0xFFFFD800  }
0x5e: {  	[spmem:s25] =	stream.linear.scatter [tilespmem:s26], [sflag:$0x5], $0x2800, $0x38;
	[tilespmem:$0x1DA80] =	vst v63  }
0x5f: {  	_ =	swait.ge [sflag:s28], $0x2800  }
0x60: {  	[sflag:s28] =	ssyncset.done $0x0  }
0x61: {  	s17 =	simm.s32 @p0 $0x200;
	s18 =	rddreg [dreg:$0x4];
	[sflag:s28] =	ssyncadd.s32 $0xFFFFD800  }
0x62: {  	[spmem:s18] =	stream.linear.scatter @p0 [tilespmem:s17], [sflag:$0x5], $0x2800, $0x38;
	[tilespmem:$0x1DA80] =	vst v63  }
0x63: {  	s17 =	simm.s32 @p0 $0x5  }
0x64: {  	_ =	swait.ge @p0 [sflag:s17], $0x2800  }
0x65: {  	[sflag:s17] =	ssyncset.done @p0 $0x0  }
0x66: {  	s18 =	rddreg [dreg:$0x3];
	[sflag:s17] =	ssyncadd.s32 @p0 $0xFFFFD800;
	s17 =	simm.s32 @!p0 $0x200  }
0x67: {  	[spmem:s18] =	stream.linear.scatter @!p0 [tilespmem:s17], [sflag:$0x5], $0x2000, $0x38;
	[tilespmem:$0x1DA80] =	vst v63  }
0x68: {  	s17 =	simm.s32 @!p0 $0x5  }
0x69: {  	_ =	swait.ge @!p0 [sflag:s17], $0x2000  }
0x6a: {  	[sflag:s17] =	ssyncset.done @!p0 $0x0  }
0x6b: {  	[sflag:s17] =	ssyncadd.s32 @!p0 $0xFFFFE000  }
0x6c: {  	[bflag:$0x0] =	sbarrier.arrive $0xFFFF  }
0x6d: {  	s17 =	simm.s32 $0x0;
	s22 =	rddreg [dreg:$0x5]  }
0x6e: {  	[tilespmem:s17], [sflag:$0x5] =	stream.linear.gather [hbm4b:s22+s17], $0x100, $0x38;
	[tilespmem:$0x1DA80] =	vst v63  }
0x6f: {  	_ =	swait.ge [sflag:s28], $0x100  }
.Ltmp3:
0x70: {  	[sflag:s28] =	ssyncset.done $0x0;
	(pc) =	sbr.rel .LBB2_4-.Ltmp3, $4  }
0x71: {  	[sflag:s28] =	ssyncadd.s32 $0xFFFFFF00  }
0x72: {  	[tilespmem:s26], [sflag:$0x1] =	stream.indirect.gather [hbm4b:s4+s29], $0x80, s17, s29, $0xb8;
	[tilespmem:$0x1DA80] =	vst v63  }
0x73: {  	s23 =	rddreg [dreg:$0x6]  }
0x74: {  	[tilespmem:s30], [sflag:$0x3] =	stream.linear.gather [hbm4b:s23+s17], $0x2800, $0x38;
	[tilespmem:$0x1DA80] =	vst v63  }
.LBB2_12:
0x75: {  	s17 =	sadd.s32 $0x1, s17  }
0x76: {  	p5 =	sne.s32 s17, $0x20  }
.Ltmp4:
0x77: {  	_ = 	snop;
	(pc) =	sbr.rel @!p5 .LBB2_13-.Ltmp4, $1  }
0x78: {  	_ =	sdelay $0x3  }
.LBB2_4:
0x79: {  	s18 =	sshllo.u32 s17, $0x1  }
0x7a: {  	p5 =	sge.u32 s18, s11  }
0x7b: {  	s18 =	sshll.u32 @!p5 s18, $0x5  }
0x7c: {  	s18 =	sor.u32 @!p5 s7, s18  }
0x7d: {  	s19 =	sshll.u32 @!p5 s18, $0x5  }
0x7e: {  	s19 =	sand.u32 @!p5 $0x1FFFFFE0, s19  }
0x7f: {  	s20 =	simm.s32 @!p5 $0x0;
	s21 =	simm.s32 @!p5 $0x100;
	s19 =	sadd.s32 @!p5 s6, s19  }
0x80: {  	[tilespmem:s21], [sflag:$0x6] =	stream.linear.gather @!p5 [hbm4b:s19+s20], $0x100, $0x38;
	[tilespmem:$0x1DA80] =	vst v63  }
0x81: {  	s23 =	smul.u32 @!p5 $0x500, s18;
	s18 =	sshll.u32 s17, $0x1;
	s19 =	simm.s32 @!p5 $0x6  }
0x82: {  	p6 =	sge.u32 s18, s11;
	_ =	swait.ge @!p5 [sflag:s19], $0x100  }
.Ltmp5:
0x83: {  	[sflag:s19] =	ssyncset.done @!p5 $0x0;
	(pc) =	sbr.rel @p6 .LBB2_8-.Ltmp5, $4  }
0x84: {  	s22 =	simm.s32 @!p5 $0x2A00;
	[sflag:s19] =	ssyncadd.s32 @!p5 $0xFFFFFF00;
	s19 =	simm.s32 @!p5 $0x50  }
0x85: {  	[tilespmem:s22], [sflag:$0x2] =	stream.indirect.gather @!p5 [hbm4b:s4+s19], $0x80, s21, s19, $0xb8;
	[tilespmem:$0x1DA80] =	vst v63  }
0x86: {  	s19 =	sadd.s32 @!p5 s5, s23;
	s21 =	simm.s32 @!p5 $0x7A00  }
0x87: {  	[tilespmem:s21], [sflag:$0x4] =	stream.linear.gather @!p5 [hbm4b:s19+s20], $0x2800, $0x38;
	[tilespmem:$0x1DA80] =	vst v63  }
0x88: {  	_ =	swait.ge [sflag:s31], $0x2800  }
0x89: {  	[sflag:s31] =	ssyncset.done $0x0  }
0x8a: {  	[sflag:s31] =	ssyncadd.s32 $0xFFFFD800  }
0x8b: {  	_ =	swait.ge [sflag:s0], $0x2800  }
0x8c: {  	[sflag:s0] =	ssyncset.done $0x0  }
0x8d: {  	s19 =	simm.s32 $0x0;
	[sflag:s0] =	ssyncadd.s32 $0xFFFFD800  }
0x8e: {  	v7 =	vld [tilespmem:s19+$0x200]  }
0x8f: {  	v8 =	vld [tilespmem:s19+$0x210]  }
0x90: {  	v9 =	vld [tilespmem:s19+$0x220]  }
0x91: {  	v10 =	vld [tilespmem:s19+$0x230]  }
0x92: {  	v11 =	vld [tilespmem:s19+$0x240]  }
0x93: {  	v12 =	vld [tilespmem:s19+$0x250]  }
0x94: {  	v13 =	vld [tilespmem:s19+$0x260]  }
0x95: {  	v14 =	vld [tilespmem:s19+$0x270]  }
0x96: {  	v15 =	vld [tilespmem:s19+$0x280]  }
0x97: {  	v16 =	vld [tilespmem:s19+$0x290]  }
0x98: {  	v17 =	vld [tilespmem:s19+$0x2A0]  }
0x99: {  	v18 =	vld [tilespmem:s19+$0x2B0]  }
0x9a: {  	v19 =	vld [tilespmem:s19+$0x2C0]  }
0x9b: {  	v20 =	vld [tilespmem:s19+$0x2D0]  }
0x9c: {  	v21 =	vld [tilespmem:s19+$0x2E0]  }
0x9d: {  	v22 =	vld [tilespmem:s19+$0x2F0]  }
0x9e: {  	v23 =	vld [tilespmem:s19+$0x300]  }
0x9f: {  	v24 =	vld [tilespmem:s19+$0x310]  }
0xa0: {  	v25 =	vld [tilespmem:s19+$0x320]  }
0xa1: {  	v26 =	vld [tilespmem:s19+$0x330]  }
0xa2: {  	v27 =	vld [tilespmem:s19+$0x340]  }
0xa3: {  	v28 =	vld [tilespmem:s19+$0x350]  }
0xa4: {  	v29 =	vld [tilespmem:s19+$0x360]  }
0xa5: {  	v30 =	vld [tilespmem:s19+$0x370]  }
0xa6: {  	v31 =	vld [tilespmem:s19+$0x380]  }
0xa7: {  	v32 =	vld [tilespmem:s19+$0x390]  }
0xa8: {  	v6 =	vld [tilespmem:s19+$0x3A0]  }
0xa9: {  	v5 =	vld [tilespmem:s19+$0x3B0]  }
0xaa: {  	v4 =	vld [tilespmem:s19+$0x3C0]  }
0xab: {  	v3 =	vld [tilespmem:s19+$0x3D0]  }
0xac: {  	v2 =	vld [tilespmem:s19+$0x3E0]  }
0xad: {  	v33 =	vld [tilespmem:s19+$0x5200]  }
0xae: {  	v34 =	vld [tilespmem:s19+$0x5210]  }
0xaf: {  	v35 =	vld [tilespmem:s19+$0x5220]  }
0xb0: {  	v36 =	vld [tilespmem:s19+$0x5230]  }
0xb1: {  	v37 =	vld [tilespmem:s19+$0x5240]  }
0xb2: {  	v63 =	vld [tilespmem:s19+$0x5250];
	v7 =	vmul.f32 v7, v33  }
0xb3: {  	v38 =	vld [tilespmem:s19+$0x5260];
	v8 =	vmul.f32 v8, v34  }
0xb4: {  	v9 =	vmul.f32 v9, v35;
	[tilespmem:s19+$0x5200] =	vst v7;
	v7 =	vld [tilespmem:s19+$0x5270]  }
0xb5: {  	v10 =	vmul.f32 v10, v36;
	[tilespmem:s19+$0x5210] =	vst v8;
	v8 =	vld [tilespmem:s19+$0x5280]  }
0xb6: {  	v11 =	vmul.f32 v11, v37;
	[tilespmem:s19+$0x5220] =	vst v9;
	v9 =	vld [tilespmem:s19+$0x5290]  }
0xb7: {  	v12 =	vmul.f32 v12, v63;
	[tilespmem:s19+$0x5230] =	vst v10;
	v10 =	vld [tilespmem:s19+$0x52A0]  }
0xb8: {  	v13 =	vmul.f32 v13, v38;
	[tilespmem:s19+$0x5240] =	vst v11;
	v11 =	vld [tilespmem:s19+$0x52B0]  }
0xb9: {  	[tilespmem:s19+$0x5250] =	vst v12;
	v12 =	vld [tilespmem:s19+$0x52C0];
	v7 =	vmul.f32 v14, v7  }
0xba: {  	[tilespmem:s19+$0x5260] =	vst v13;
	v13 =	vld [tilespmem:s19+$0x52D0];
	v8 =	vmul.f32 v15, v8  }
0xbb: {  	v9 =	vmul.f32 v16, v9;
	[tilespmem:s19+$0x5270] =	vst v7;
	v7 =	vld [tilespmem:s19+$0x52E0]  }
0xbc: {  	v10 =	vmul.f32 v17, v10;
	[tilespmem:s19+$0x5280] =	vst v8;
	v8 =	vld [tilespmem:s19+$0x52F0]  }
0xbd: {  	v11 =	vmul.f32 v18, v11;
	[tilespmem:s19+$0x5290] =	vst v9;
	v9 =	vld [tilespmem:s19+$0x5300]  }
0xbe: {  	v12 =	vmul.f32 v19, v12;
	[tilespmem:s19+$0x52A0] =	vst v10;
	v10 =	vld [tilespmem:s19+$0x5310]  }
0xbf: {  	v13 =	vmul.f32 v20, v13;
	[tilespmem:s19+$0x52B0] =	vst v11;
	v11 =	vld [tilespmem:s19+$0x5320]  }
0xc0: {  	[tilespmem:s19+$0x52C0] =	vst v12;
	v12 =	vld [tilespmem:s19+$0x5330];
	v7 =	vmul.f32 v21, v7  }
0xc1: {  	[tilespmem:s19+$0x52D0] =	vst v13;
	v13 =	vld [tilespmem:s19+$0x5340]  }
0xc2: {  	v8 =	vmul.f32 v22, v8;
	[tilespmem:s19+$0x52E0] =	vst v7;
	v7 =	vld [tilespmem:s19+$0x5350]  }
0xc3: {  	v1 =	vld [tilespmem:s19+$0x3F0];
	v9 =	vmul.f32 v23, v9  }
0xc4: {  	[tilespmem:s19+$0x52F0] =	vst v8;
	v8 =	vmul.f32 v24, v10;
	v10 =	vld [tilespmem:s19+$0x5370]  }
0xc5: {  	v14 =	vld [tilespmem:s19+$0x5360];
	[tilespmem:s19+$0x5300] =	vst v9;
	v9 =	vmul.f32 v25, v11  }
0xc6: {  	v11 =	vld [tilespmem:s19+$0x5380];
	[tilespmem:s19+$0x5310] =	vst v8;
	v8 =	vmul.f32 v26, v12  }
0xc7: {  	[tilespmem:s19+$0x5320] =	vst v9;
	v12 =	vld [tilespmem:s19+$0x5390];
	v9 =	vmul.f32 v27, v13;
	v13 =	vmul.f32 v28, v7  }
0xc8: {  	[tilespmem:s19+$0x5330] =	vst v8;
	v8 =	vld [tilespmem:s19+$0x53A0]  }
0xc9: {  	v7 =	vld [tilespmem:s19+$0x53B0];
	[tilespmem:s19+$0x5350] =	vst v13;
	v13 =	vmul.f32 v30, v10  }
0xca: {  	v14 =	vmul.f32 v29, v14;
	[tilespmem:s19+$0x5340] =	vst v9;
	v9 =	vld [tilespmem:s19+$0x53C0]  }
0xcb: {  	v10 =	vld [tilespmem:s19+$0x53D0];
	[tilespmem:s19+$0x5370] =	vst v13;
	v13 =	vmul.f32 v31, v11  }
0xcc: {  	s20 =	simm.s32 $0x800;
	[tilespmem:s19+$0x5360] =	vst v14;
	v12 =	vmul.f32 v32, v12;
	v11 =	vld [tilespmem:s19+$0x53E0]  }
.LBB2_6:
0xcd: {  	s21 =	sshra.s32 s20, $0x2;
	p6 =	sne.s32 s20, $0x9800;
	[tilespmem:s19+$0x5380] =	vst v13;
	v6 =	vmul.f32 v6, v8;
	v8 =	vld [tilespmem:s19+$0x53F0]  }
0xce: {  	v13 =	vld [tilespmem:s21+$0x200];
	[tilespmem:s19+$0x5390] =	vst v12;
	v5 =	vmul.f32 v5, v7  }
0xcf: {  	v7 =	vld [tilespmem:s21+$0x210];
	[tilespmem:s19+$0x53A0] =	vst v6;
	v4 =	vmul.f32 v4, v9  }
0xd0: {  	v9 =	vld [tilespmem:s21+$0x220];
	[tilespmem:s19+$0x53B0] =	vst v5;
	v3 =	vmul.f32 v3, v10  }
0xd1: {  	v10 =	vld [tilespmem:s21+$0x230];
	[tilespmem:s19+$0x53C0] =	vst v4;
	v2 =	vmul.f32 v2, v11  }
0xd2: {  	v11 =	vld [tilespmem:s21+$0x240];
	[tilespmem:s19+$0x53D0] =	vst v3;
	v1 =	vmul.f32 v1, v8  }
0xd3: {  	v8 =	vld [tilespmem:s21+$0x250];
	[tilespmem:s19+$0x53E0] =	vst v2  }
0xd4: {  	v12 =	vld [tilespmem:s21+$0x260];
	[tilespmem:s19+$0x53F0] =	vst v1;
	s19 =	smov.u32 s21  }
0xd5: {  	v14 =	vld [tilespmem:s19+$0x270]  }
0xd6: {  	v15 =	vld [tilespmem:s19+$0x280]  }
0xd7: {  	v16 =	vld [tilespmem:s19+$0x290]  }
0xd8: {  	v17 =	vld [tilespmem:s19+$0x2A0]  }
0xd9: {  	v18 =	vld [tilespmem:s19+$0x2B0]  }
0xda: {  	v19 =	vld [tilespmem:s19+$0x2C0]  }
0xdb: {  	v20 =	vld [tilespmem:s19+$0x2D0]  }
0xdc: {  	v21 =	vld [tilespmem:s19+$0x2E0]  }
0xdd: {  	v22 =	vld [tilespmem:s19+$0x2F0]  }
0xde: {  	v23 =	vld [tilespmem:s19+$0x300]  }
0xdf: {  	v24 =	vld [tilespmem:s19+$0x310]  }
0xe0: {  	v25 =	vld [tilespmem:s19+$0x320]  }
0xe1: {  	v26 =	vld [tilespmem:s19+$0x330]  }
0xe2: {  	v27 =	vld [tilespmem:s19+$0x340]  }
0xe3: {  	v28 =	vld [tilespmem:s19+$0x350]  }
0xe4: {  	v29 =	vld [tilespmem:s19+$0x360]  }
0xe5: {  	v30 =	vld [tilespmem:s19+$0x370]  }
0xe6: {  	v31 =	vld [tilespmem:s19+$0x380]  }
0xe7: {  	v32 =	vld [tilespmem:s19+$0x390]  }
0xe8: {  	v6 =	vld [tilespmem:s19+$0x3A0]  }
0xe9: {  	v5 =	vld [tilespmem:s19+$0x3B0]  }
0xea: {  	v4 =	vld [tilespmem:s19+$0x3C0]  }
0xeb: {  	v3 =	vld [tilespmem:s19+$0x3D0]  }
0xec: {  	v2 =	vld [tilespmem:s19+$0x3E0]  }
0xed: {  	v1 =	vld [tilespmem:s19+$0x3F0]  }
0xee: {  	v33 =	vld [tilespmem:s19+$0x5200]  }
0xef: {  	v34 =	vld [tilespmem:s19+$0x5210]  }
0xf0: {  	v35 =	vld [tilespmem:s19+$0x5220]  }
0xf1: {  	v36 =	vld [tilespmem:s19+$0x5230]  }
0xf2: {  	v37 =	vld [tilespmem:s19+$0x5240]  }
0xf3: {  	v13 =	vmul.f32 v13, v33;
	v33 =	vld [tilespmem:s19+$0x5250]  }
0xf4: {  	v7 =	vmul.f32 v7, v34;
	v34 =	vld [tilespmem:s19+$0x5260]  }
0xf5: {  	[tilespmem:s19+$0x5200] =	vst v13;
	v9 =	vmul.f32 v9, v35;
	v13 =	vld [tilespmem:s19+$0x5270]  }
0xf6: {  	[tilespmem:s19+$0x5210] =	vst v7;
	v7 =	vmul.f32 v10, v36;
	v10 =	vld [tilespmem:s19+$0x5280]  }
0xf7: {  	[tilespmem:s19+$0x5220] =	vst v9;
	v9 =	vmul.f32 v11, v37;
	v11 =	vld [tilespmem:s19+$0x5290]  }
0xf8: {  	[tilespmem:s19+$0x5230] =	vst v7;
	v7 =	vmul.f32 v8, v33;
	v8 =	vld [tilespmem:s19+$0x52A0]  }
0xf9: {  	[tilespmem:s19+$0x5240] =	vst v9;
	v9 =	vmul.f32 v12, v34;
	v12 =	vld [tilespmem:s19+$0x52B0]  }
0xfa: {  	[tilespmem:s19+$0x5250] =	vst v7;
	v7 =	vmul.f32 v14, v13;
	v13 =	vld [tilespmem:s19+$0x52C0]  }
0xfb: {  	[tilespmem:s19+$0x5260] =	vst v9;
	v9 =	vmul.f32 v15, v10;
	v10 =	vld [tilespmem:s19+$0x52D0]  }
0xfc: {  	[tilespmem:s19+$0x5270] =	vst v7;
	v7 =	vmul.f32 v16, v11;
	v11 =	vld [tilespmem:s19+$0x52E0]  }
0xfd: {  	[tilespmem:s19+$0x5280] =	vst v9;
	v8 =	vmul.f32 v17, v8;
	v9 =	vld [tilespmem:s19+$0x52F0]  }
0xfe: {  	[tilespmem:s19+$0x5290] =	vst v7;
	v7 =	vmul.f32 v18, v12;
	v12 =	vld [tilespmem:s19+$0x5300]  }
0xff: {  	[tilespmem:s19+$0x52A0] =	vst v8;
	v8 =	vmul.f32 v19, v13;
	v13 =	vld [tilespmem:s19+$0x5310]  }
0x100: {  	[tilespmem:s19+$0x52B0] =	vst v7;
	v7 =	vmul.f32 v20, v10;
	v10 =	vld [tilespmem:s19+$0x5320]  }
0x101: {  	[tilespmem:s19+$0x52C0] =	vst v8;
	v8 =	vmul.f32 v21, v11;
	v11 =	vld [tilespmem:s19+$0x5330]  }
0x102: {  	[tilespmem:s19+$0x52D0] =	vst v7;
	v7 =	vmul.f32 v22, v9;
	v9 =	vld [tilespmem:s19+$0x5340]  }
0x103: {  	[tilespmem:s19+$0x52E0] =	vst v8;
	v8 =	vmul.f32 v23, v12;
	v12 =	vld [tilespmem:s19+$0x5350]  }
0x104: {  	[tilespmem:s19+$0x52F0] =	vst v7;
	v7 =	vmul.f32 v24, v13;
	v13 =	vld [tilespmem:s19+$0x5360]  }
0x105: {  	[tilespmem:s19+$0x5300] =	vst v8;
	v8 =	vmul.f32 v25, v10;
	v10 =	vld [tilespmem:s19+$0x5370]  }
0x106: {  	[tilespmem:s19+$0x5310] =	vst v7;
	v7 =	vmul.f32 v26, v11;
	v11 =	vld [tilespmem:s19+$0x5380]  }
0x107: {  	[tilespmem:s19+$0x5320] =	vst v8;
	v9 =	vmul.f32 v27, v9;
	v14 =	vld [tilespmem:s19+$0x5390]  }
.Ltmp6:
0x108: {  	[tilespmem:s19+$0x5330] =	vst v7;
	v12 =	vmul.f32 v28, v12;
	v8 =	vld [tilespmem:s19+$0x53A0];
	(pc) =	sbr.rel @p6 .LBB2_6-.Ltmp6, $4  }
0x109: {  	[tilespmem:s19+$0x5340] =	vst v9;
	v13 =	vmul.f32 v29, v13;
	v7 =	vld [tilespmem:s19+$0x53B0]  }
0x10a: {  	[tilespmem:s19+$0x5350] =	vst v12;
	v12 =	vmul.f32 v30, v10;
	v9 =	vld [tilespmem:s19+$0x53C0]  }
0x10b: {  	[tilespmem:s19+$0x5360] =	vst v13;
	v13 =	vmul.f32 v31, v11;
	v10 =	vld [tilespmem:s19+$0x53D0]  }
0x10c: {  	s20 =	sadd.s32 $0x800, s20;
	[tilespmem:s19+$0x5370] =	vst v12;
	v12 =	vmul.f32 v32, v14;
	v11 =	vld [tilespmem:s19+$0x53E0]  }
0x10d: {  	[tilespmem:s19+$0x5380] =	vst v13;
	v6 =	vmul.f32 v6, v8;
	v63 =	vld [tilespmem:s19+$0x53F0]  }
0x10e: {  	[tilespmem:s19+$0x5390] =	vst v12;
	v5 =	vmul.f32 v5, v7  }
0x10f: {  	[tilespmem:s19+$0x53A0] =	vst v6;
	v4 =	vmul.f32 v4, v9  }
0x110: {  	[tilespmem:s19+$0x53B0] =	vst v5;
	v3 =	vmul.f32 v3, v10  }
0x111: {  	[tilespmem:s19+$0x53C0] =	vst v4;
	v2 =	vmul.f32 v2, v11  }
0x112: {  	[tilespmem:s19+$0x53D0] =	vst v3;
	v1 =	vmul.f32 v1, v63  }
0x113: {  	[tilespmem:s19+$0x53E0] =	vst v2  }
0x114: {  	[tilespmem:s19+$0x53F0] =	vst v1  }
0x115: {  	[spmem:s1] =	stream.indirect.scatter.add.f32 [tilespmem:s30], [sflag:$0x6], $0x80, s9, s29, $0xb8;
	[tilespmem:$0x1DA80] =	vst v63  }
0x116: {  	_ =	swait.ge [sflag:s10], $0x2800  }
0x117: {  	[sflag:s10] =	ssyncset.done $0x0  }
0x118: {  	[sflag:s10] =	ssyncadd.s32 $0xFFFFD800  }
.LBB2_8:
0x119: {  	s18 =	sadd.s32 $0x2, s18  }
0x11a: {  	p6 =	sge.u32 s18, s11  }
0x11b: {  	s18 =	sshll.u32 @!p6 s18, $0x5  }
0x11c: {  	s18 =	sor.u32 @!p6 s7, s18  }
0x11d: {  	s19 =	sshll.u32 @!p6 s18, $0x5  }
0x11e: {  	s19 =	sand.u32 @!p6 $0x1FFFFBE0, s19  }
0x11f: {  	s20 =	simm.s32 @!p6 $0x0;
	s19 =	sadd.s32 @!p6 s6, s19  }
0x120: {  	[tilespmem:s20], [sflag:$0x6] =	stream.linear.gather @!p6 [hbm4b:s19+s20], $0x100, $0x38;
	[tilespmem:$0x1DA80] =	vst v63  }
0x121: {  	s19 =	simm.s32 @!p6 $0x6  }
0x122: {  	_ =	swait.ge @!p6 [sflag:s19], $0x100  }
.Ltmp7:
0x123: {  	s21 =	simm.s32 @!p6 $0x200;
	[sflag:s19] =	ssyncset.done @!p6 $0x0;
	(pc) =	sbr.rel @p5 .LBB2_12-.Ltmp7, $4  }
0x124: {  	s18 =	smul.u32 @!p6 $0x500, s18;
	[sflag:s19] =	ssyncadd.s32 @!p6 $0xFFFFFF00;
	s19 =	simm.s32 @!p6 $0x50  }
0x125: {  	[tilespmem:s21], [sflag:$0x1] =	stream.indirect.gather @!p6 [hbm4b:s4+s19], $0x80, s20, s19, $0xb8;
	[tilespmem:$0x1DA80] =	vst v63  }
0x126: {  	s18 =	sadd.s32 @!p6 s5, s18;
	s19 =	simm.s32 @!p6 $0x5200  }
0x127: {  	[tilespmem:s19], [sflag:$0x3] =	stream.linear.gather @!p6 [hbm4b:s18+s20], $0x2800, $0x38;
	[tilespmem:$0x1DA80] =	vst v63  }
0x128: {  	_ =	swait.ge [sflag:s12], $0x2800  }
0x129: {  	[sflag:s12] =	ssyncset.done $0x0  }
0x12a: {  	[sflag:s12] =	ssyncadd.s32 $0xFFFFD800  }
0x12b: {  	_ =	swait.ge [sflag:s13], $0x2800  }
0x12c: {  	[sflag:s13] =	ssyncset.done $0x0  }
0x12d: {  	s18 =	simm.s32 $0x0;
	[sflag:s13] =	ssyncadd.s32 $0xFFFFD800  }
0x12e: {  	v7 =	vld [tilespmem:s18+$0x2A00]  }
0x12f: {  	v8 =	vld [tilespmem:s18+$0x2A10]  }
0x130: {  	v9 =	vld [tilespmem:s18+$0x2A20]  }
0x131: {  	v10 =	vld [tilespmem:s18+$0x2A30]  }
0x132: {  	v11 =	vld [tilespmem:s18+$0x2A40]  }
0x133: {  	v12 =	vld [tilespmem:s18+$0x2A50]  }
0x134: {  	v13 =	vld [tilespmem:s18+$0x2A60]  }
0x135: {  	v14 =	vld [tilespmem:s18+$0x2A70]  }
0x136: {  	v15 =	vld [tilespmem:s18+$0x2A80]  }
0x137: {  	v16 =	vld [tilespmem:s18+$0x2A90]  }
0x138: {  	v17 =	vld [tilespmem:s18+$0x2AA0]  }
0x139: {  	v18 =	vld [tilespmem:s18+$0x2AB0]  }
0x13a: {  	v19 =	vld [tilespmem:s18+$0x2AC0]  }
0x13b: {  	v20 =	vld [tilespmem:s18+$0x2AD0]  }
0x13c: {  	v21 =	vld [tilespmem:s18+$0x2AE0]  }
0x13d: {  	v22 =	vld [tilespmem:s18+$0x2AF0]  }
0x13e: {  	v23 =	vld [tilespmem:s18+$0x2B00]  }
0x13f: {  	v24 =	vld [tilespmem:s18+$0x2B10]  }
0x140: {  	v25 =	vld [tilespmem:s18+$0x2B20]  }
0x141: {  	v26 =	vld [tilespmem:s18+$0x2B30]  }
0x142: {  	v27 =	vld [tilespmem:s18+$0x2B40]  }
0x143: {  	v28 =	vld [tilespmem:s18+$0x2B50]  }
0x144: {  	v29 =	vld [tilespmem:s18+$0x2B60]  }
0x145: {  	v30 =	vld [tilespmem:s18+$0x2B70]  }
0x146: {  	v31 =	vld [tilespmem:s18+$0x2B80]  }
0x147: {  	v32 =	vld [tilespmem:s18+$0x2B90]  }
0x148: {  	v6 =	vld [tilespmem:s18+$0x2BA0]  }
0x149: {  	v5 =	vld [tilespmem:s18+$0x2BB0]  }
0x14a: {  	v4 =	vld [tilespmem:s18+$0x2BC0]  }
0x14b: {  	v3 =	vld [tilespmem:s18+$0x2BD0]  }
0x14c: {  	v2 =	vld [tilespmem:s18+$0x2BE0]  }
0x14d: {  	v33 =	vld [tilespmem:s18+$0x7A00]  }
0x14e: {  	v34 =	vld [tilespmem:s18+$0x7A10]  }
0x14f: {  	v35 =	vld [tilespmem:s18+$0x7A20]  }
0x150: {  	v36 =	vld [tilespmem:s18+$0x7A30]  }
0x151: {  	v37 =	vld [tilespmem:s18+$0x7A40]  }
0x152: {  	v63 =	vld [tilespmem:s18+$0x7A50];
	v7 =	vmul.f32 v7, v33  }
0x153: {  	v38 =	vld [tilespmem:s18+$0x7A60];
	v8 =	vmul.f32 v8, v34  }
0x154: {  	v9 =	vmul.f32 v9, v35;
	[tilespmem:s18+$0x7A00] =	vst v7;
	v7 =	vld [tilespmem:s18+$0x7A70]  }
0x155: {  	v10 =	vmul.f32 v10, v36;
	[tilespmem:s18+$0x7A10] =	vst v8;
	v8 =	vld [tilespmem:s18+$0x7A80]  }
0x156: {  	v11 =	vmul.f32 v11, v37;
	[tilespmem:s18+$0x7A20] =	vst v9;
	v9 =	vld [tilespmem:s18+$0x7A90]  }
0x157: {  	v12 =	vmul.f32 v12, v63;
	[tilespmem:s18+$0x7A30] =	vst v10;
	v10 =	vld [tilespmem:s18+$0x7AA0]  }
0x158: {  	v13 =	vmul.f32 v13, v38;
	[tilespmem:s18+$0x7A40] =	vst v11;
	v11 =	vld [tilespmem:s18+$0x7AB0]  }
0x159: {  	[tilespmem:s18+$0x7A50] =	vst v12;
	v12 =	vld [tilespmem:s18+$0x7AC0];
	v7 =	vmul.f32 v14, v7  }
0x15a: {  	[tilespmem:s18+$0x7A60] =	vst v13;
	v13 =	vld [tilespmem:s18+$0x7AD0];
	v8 =	vmul.f32 v15, v8  }
0x15b: {  	v9 =	vmul.f32 v16, v9;
	[tilespmem:s18+$0x7A70] =	vst v7;
	v7 =	vld [tilespmem:s18+$0x7AE0]  }
0x15c: {  	v10 =	vmul.f32 v17, v10;
	[tilespmem:s18+$0x7A80] =	vst v8;
	v8 =	vld [tilespmem:s18+$0x7AF0]  }
0x15d: {  	v11 =	vmul.f32 v18, v11;
	[tilespmem:s18+$0x7A90] =	vst v9;
	v9 =	vld [tilespmem:s18+$0x7B00]  }
0x15e: {  	v12 =	vmul.f32 v19, v12;
	[tilespmem:s18+$0x7AA0] =	vst v10;
	v10 =	vld [tilespmem:s18+$0x7B10]  }
0x15f: {  	v13 =	vmul.f32 v20, v13;
	[tilespmem:s18+$0x7AB0] =	vst v11;
	v11 =	vld [tilespmem:s18+$0x7B20]  }
0x160: {  	[tilespmem:s18+$0x7AC0] =	vst v12;
	v12 =	vld [tilespmem:s18+$0x7B30];
	v7 =	vmul.f32 v21, v7  }
0x161: {  	[tilespmem:s18+$0x7AD0] =	vst v13;
	v13 =	vld [tilespmem:s18+$0x7B40]  }
0x162: {  	v8 =	vmul.f32 v22, v8;
	[tilespmem:s18+$0x7AE0] =	vst v7;
	v7 =	vld [tilespmem:s18+$0x7B50]  }
0x163: {  	v1 =	vld [tilespmem:s18+$0x2BF0];
	v9 =	vmul.f32 v23, v9  }
0x164: {  	[tilespmem:s18+$0x7AF0] =	vst v8;
	v8 =	vmul.f32 v24, v10;
	v10 =	vld [tilespmem:s18+$0x7B70]  }
0x165: {  	v14 =	vld [tilespmem:s18+$0x7B60];
	[tilespmem:s18+$0x7B00] =	vst v9;
	v9 =	vmul.f32 v25, v11  }
0x166: {  	v11 =	vld [tilespmem:s18+$0x7B80];
	[tilespmem:s18+$0x7B10] =	vst v8;
	v8 =	vmul.f32 v26, v12  }
0x167: {  	[tilespmem:s18+$0x7B20] =	vst v9;
	v12 =	vld [tilespmem:s18+$0x7B90];
	v9 =	vmul.f32 v27, v13;
	v13 =	vmul.f32 v28, v7  }
0x168: {  	[tilespmem:s18+$0x7B30] =	vst v8;
	v8 =	vld [tilespmem:s18+$0x7BA0]  }
0x169: {  	v7 =	vld [tilespmem:s18+$0x7BB0];
	[tilespmem:s18+$0x7B50] =	vst v13;
	v13 =	vmul.f32 v30, v10  }
0x16a: {  	v14 =	vmul.f32 v29, v14;
	[tilespmem:s18+$0x7B40] =	vst v9;
	v9 =	vld [tilespmem:s18+$0x7BC0]  }
0x16b: {  	v10 =	vld [tilespmem:s18+$0x7BD0];
	[tilespmem:s18+$0x7B70] =	vst v13;
	v13 =	vmul.f32 v31, v11  }
0x16c: {  	s19 =	simm.s32 $0x800;
	[tilespmem:s18+$0x7B60] =	vst v14;
	v12 =	vmul.f32 v32, v12;
	v11 =	vld [tilespmem:s18+$0x7BE0]  }
.LBB2_10:
0x16d: {  	s20 =	sshra.s32 s19, $0x2;
	p5 =	sne.s32 s19, $0x9800;
	[tilespmem:s18+$0x7B80] =	vst v13;
	v6 =	vmul.f32 v6, v8;
	v8 =	vld [tilespmem:s18+$0x7BF0]  }
0x16e: {  	v13 =	vld [tilespmem:s20+$0x2A00];
	[tilespmem:s18+$0x7B90] =	vst v12;
	v5 =	vmul.f32 v5, v7  }
0x16f: {  	v7 =	vld [tilespmem:s20+$0x2A10];
	[tilespmem:s18+$0x7BA0] =	vst v6;
	v4 =	vmul.f32 v4, v9  }
0x170: {  	v9 =	vld [tilespmem:s20+$0x2A20];
	[tilespmem:s18+$0x7BB0] =	vst v5;
	v3 =	vmul.f32 v3, v10  }
0x171: {  	v10 =	vld [tilespmem:s20+$0x2A30];
	[tilespmem:s18+$0x7BC0] =	vst v4;
	v2 =	vmul.f32 v2, v11  }
0x172: {  	v11 =	vld [tilespmem:s20+$0x2A40];
	[tilespmem:s18+$0x7BD0] =	vst v3;
	v1 =	vmul.f32 v1, v8  }
0x173: {  	v8 =	vld [tilespmem:s20+$0x2A50];
	[tilespmem:s18+$0x7BE0] =	vst v2  }
0x174: {  	v12 =	vld [tilespmem:s20+$0x2A60];
	[tilespmem:s18+$0x7BF0] =	vst v1;
	s18 =	smov.u32 s20  }
0x175: {  	v14 =	vld [tilespmem:s18+$0x2A70]  }
0x176: {  	v15 =	vld [tilespmem:s18+$0x2A80]  }
0x177: {  	v16 =	vld [tilespmem:s18+$0x2A90]  }
0x178: {  	v17 =	vld [tilespmem:s18+$0x2AA0]  }
0x179: {  	v18 =	vld [tilespmem:s18+$0x2AB0]  }
0x17a: {  	v19 =	vld [tilespmem:s18+$0x2AC0]  }
0x17b: {  	v20 =	vld [tilespmem:s18+$0x2AD0]  }
0x17c: {  	v21 =	vld [tilespmem:s18+$0x2AE0]  }
0x17d: {  	v22 =	vld [tilespmem:s18+$0x2AF0]  }
0x17e: {  	v23 =	vld [tilespmem:s18+$0x2B00]  }
0x17f: {  	v24 =	vld [tilespmem:s18+$0x2B10]  }
0x180: {  	v25 =	vld [tilespmem:s18+$0x2B20]  }
0x181: {  	v26 =	vld [tilespmem:s18+$0x2B30]  }
0x182: {  	v27 =	vld [tilespmem:s18+$0x2B40]  }
0x183: {  	v28 =	vld [tilespmem:s18+$0x2B50]  }
0x184: {  	v29 =	vld [tilespmem:s18+$0x2B60]  }
0x185: {  	v30 =	vld [tilespmem:s18+$0x2B70]  }
0x186: {  	v31 =	vld [tilespmem:s18+$0x2B80]  }
0x187: {  	v32 =	vld [tilespmem:s18+$0x2B90]  }
0x188: {  	v6 =	vld [tilespmem:s18+$0x2BA0]  }
0x189: {  	v5 =	vld [tilespmem:s18+$0x2BB0]  }
0x18a: {  	v4 =	vld [tilespmem:s18+$0x2BC0]  }
0x18b: {  	v3 =	vld [tilespmem:s18+$0x2BD0]  }
0x18c: {  	v2 =	vld [tilespmem:s18+$0x2BE0]  }
0x18d: {  	v1 =	vld [tilespmem:s18+$0x2BF0]  }
0x18e: {  	v33 =	vld [tilespmem:s18+$0x7A00]  }
0x18f: {  	v34 =	vld [tilespmem:s18+$0x7A10]  }
0x190: {  	v35 =	vld [tilespmem:s18+$0x7A20]  }
0x191: {  	v36 =	vld [tilespmem:s18+$0x7A30]  }
0x192: {  	v37 =	vld [tilespmem:s18+$0x7A40]  }
0x193: {  	v13 =	vmul.f32 v13, v33;
	v33 =	vld [tilespmem:s18+$0x7A50]  }
0x194: {  	v7 =	vmul.f32 v7, v34;
	v34 =	vld [tilespmem:s18+$0x7A60]  }
0x195: {  	[tilespmem:s18+$0x7A00] =	vst v13;
	v9 =	vmul.f32 v9, v35;
	v13 =	vld [tilespmem:s18+$0x7A70]  }
0x196: {  	[tilespmem:s18+$0x7A10] =	vst v7;
	v7 =	vmul.f32 v10, v36;
	v10 =	vld [tilespmem:s18+$0x7A80]  }
0x197: {  	[tilespmem:s18+$0x7A20] =	vst v9;
	v9 =	vmul.f32 v11, v37;
	v11 =	vld [tilespmem:s18+$0x7A90]  }
0x198: {  	[tilespmem:s18+$0x7A30] =	vst v7;
	v7 =	vmul.f32 v8, v33;
	v8 =	vld [tilespmem:s18+$0x7AA0]  }
0x199: {  	[tilespmem:s18+$0x7A40] =	vst v9;
	v9 =	vmul.f32 v12, v34;
	v12 =	vld [tilespmem:s18+$0x7AB0]  }
0x19a: {  	[tilespmem:s18+$0x7A50] =	vst v7;
	v7 =	vmul.f32 v14, v13;
	v13 =	vld [tilespmem:s18+$0x7AC0]  }
0x19b: {  	[tilespmem:s18+$0x7A60] =	vst v9;
	v9 =	vmul.f32 v15, v10;
	v10 =	vld [tilespmem:s18+$0x7AD0]  }
0x19c: {  	[tilespmem:s18+$0x7A70] =	vst v7;
	v7 =	vmul.f32 v16, v11;
	v11 =	vld [tilespmem:s18+$0x7AE0]  }
0x19d: {  	[tilespmem:s18+$0x7A80] =	vst v9;
	v8 =	vmul.f32 v17, v8;
	v9 =	vld [tilespmem:s18+$0x7AF0]  }
0x19e: {  	[tilespmem:s18+$0x7A90] =	vst v7;
	v7 =	vmul.f32 v18, v12;
	v12 =	vld [tilespmem:s18+$0x7B00]  }
0x19f: {  	[tilespmem:s18+$0x7AA0] =	vst v8;
	v8 =	vmul.f32 v19, v13;
	v13 =	vld [tilespmem:s18+$0x7B10]  }
0x1a0: {  	[tilespmem:s18+$0x7AB0] =	vst v7;
	v7 =	vmul.f32 v20, v10;
	v10 =	vld [tilespmem:s18+$0x7B20]  }
0x1a1: {  	[tilespmem:s18+$0x7AC0] =	vst v8;
	v8 =	vmul.f32 v21, v11;
	v11 =	vld [tilespmem:s18+$0x7B30]  }
0x1a2: {  	[tilespmem:s18+$0x7AD0] =	vst v7;
	v7 =	vmul.f32 v22, v9;
	v9 =	vld [tilespmem:s18+$0x7B40]  }
0x1a3: {  	[tilespmem:s18+$0x7AE0] =	vst v8;
	v8 =	vmul.f32 v23, v12;
	v12 =	vld [tilespmem:s18+$0x7B50]  }
0x1a4: {  	[tilespmem:s18+$0x7AF0] =	vst v7;
	v7 =	vmul.f32 v24, v13;
	v13 =	vld [tilespmem:s18+$0x7B60]  }
0x1a5: {  	[tilespmem:s18+$0x7B00] =	vst v8;
	v8 =	vmul.f32 v25, v10;
	v10 =	vld [tilespmem:s18+$0x7B70]  }
0x1a6: {  	[tilespmem:s18+$0x7B10] =	vst v7;
	v7 =	vmul.f32 v26, v11;
	v11 =	vld [tilespmem:s18+$0x7B80]  }
0x1a7: {  	[tilespmem:s18+$0x7B20] =	vst v8;
	v9 =	vmul.f32 v27, v9;
	v14 =	vld [tilespmem:s18+$0x7B90]  }
.Ltmp8:
0x1a8: {  	[tilespmem:s18+$0x7B30] =	vst v7;
	v12 =	vmul.f32 v28, v12;
	v8 =	vld [tilespmem:s18+$0x7BA0];
	(pc) =	sbr.rel @p5 .LBB2_10-.Ltmp8, $4  }
0x1a9: {  	[tilespmem:s18+$0x7B40] =	vst v9;
	v13 =	vmul.f32 v29, v13;
	v7 =	vld [tilespmem:s18+$0x7BB0]  }
0x1aa: {  	[tilespmem:s18+$0x7B50] =	vst v12;
	v12 =	vmul.f32 v30, v10;
	v9 =	vld [tilespmem:s18+$0x7BC0]  }
0x1ab: {  	[tilespmem:s18+$0x7B60] =	vst v13;
	v13 =	vmul.f32 v31, v11;
	v10 =	vld [tilespmem:s18+$0x7BD0]  }
0x1ac: {  	s19 =	sadd.s32 $0x800, s19;
	[tilespmem:s18+$0x7B70] =	vst v12;
	v12 =	vmul.f32 v32, v14;
	v11 =	vld [tilespmem:s18+$0x7BE0]  }
0x1ad: {  	[tilespmem:s18+$0x7B80] =	vst v13;
	v6 =	vmul.f32 v6, v8;
	v63 =	vld [tilespmem:s18+$0x7BF0]  }
0x1ae: {  	[tilespmem:s18+$0x7B90] =	vst v12;
	v5 =	vmul.f32 v5, v7  }
0x1af: {  	[tilespmem:s18+$0x7BA0] =	vst v6;
	v4 =	vmul.f32 v4, v9  }
0x1b0: {  	[tilespmem:s18+$0x7BB0] =	vst v5;
	v3 =	vmul.f32 v3, v10  }
0x1b1: {  	[tilespmem:s18+$0x7BC0] =	vst v4;
	v2 =	vmul.f32 v2, v11  }
0x1b2: {  	[tilespmem:s18+$0x7BD0] =	vst v3;
	v1 =	vmul.f32 v1, v63  }
0x1b3: {  	[tilespmem:s18+$0x7BE0] =	vst v2  }
.Ltmp9:
0x1b4: {  	[tilespmem:s18+$0x7BF0] =	vst v1;
	(pc) =	sbr.rel .LBB2_12-.Ltmp9, $4  }
0x1b5: {  	[spmem:s1] =	stream.indirect.scatter.add.f32 [tilespmem:s16], [sflag:$0x5], $0x80, s14, s29, $0xb8;
	[tilespmem:$0x1DA80] =	vst v63  }
0x1b6: {  	_ =	swait.ge [sflag:s28], $0x2800  }
0x1b7: {  	[sflag:s28] =	ssyncset.done $0x0  }
0x1b8: {  	[sflag:s28] =	ssyncadd.s32 $0xFFFFD800  }
.LBB2_14:
0x1b9: {  	_ =	sfence.sel $0x180000  }
0x1ba: {  	[bflag:$0x0] =	sbarrier.arrive $0xFFFF  }
0x1bb: {  	_ =	strace $0x9000004A  }
0x1bc: {  	[bflag:$0x2] =	sbarrier.arrive $0xFFFF  }
0x1bd: {  	p0 =	sne.s32 s2, $0x0;
	s0 =	rddreg [dreg:$0x2]  }
0x1be: {  	s0 =	sadd.s32 @!p0 $0x100000, s0  }
0x1bf: {  	[sflag:s0] =	ssyncadd.tile.s32 @!p0 $0x1;
	_ =	shalt  }
.Lfunc_end2:
_tile_overlayer_lowered:
.L_overlay_start_2:
0x1c0: {  	(tag) =	ssettag $0x2  }
0x1c1: {  	s0 =	rddreg [dreg:$0x0];
	s2 =	stileid.u32  }
0x1c2: {  	s1 =	rddreg [dreg:$0x1];
	p0 =	sne.s32 s2, $0x0  }
0x1c3: {  	s3 =	rddreg [dreg:$0x2];
	[bflag:$0x3] =	sbarrier.arrive $0xFFFF;
	s2 =	simm.s32 @!p0 $0x1C05  }
0x1c4: {  	[timem:s3], [sflag:s2] =	dma.local @!p0 [hbm:s0], s1  }
0x1c5: {  	s0 =	simm.s32 @!p0 $0x5  }
0x1c6: {  	_ =	swait.ge @!p0 [sflag:s0], s1  }
0x1c7: {  	s1 =	ssub.s32 @!p0 $0x0, s1;
	[sflag:s0] =	ssyncset.done @!p0 $0x0  }
0x1c8: {  	[sflag:s0] =	ssyncadd.s32 @!p0 s1  }
0x1c9: {  	[bflag:$0x3] =	sbarrier.arrive $0xFFFF  }
0x1ca: {  	_ =	shalt  }

// kernel: kernel.9.cloned.1.call-start
scs
__scs_entry_jumppad:
0x0: {  	(pc) =	sbr.rel $0x88, $3  }
0x1: {  	(tag) =	ssettag $0x0;
	lr =	simm.s32 $0x1  }
0x2: {  	[smem:$0x3F90] =	sst lr;
	_ =	strace $0xD0000000  }
0x3: {  	_ = 	snop  }
0x4: {  	_ = 	snop  }
0x5: {  	_ = 	snop  }
0x6: {  	_ = 	snop  }
0x7: {  	_ = 	snop  }
__scs_overlays_trampoline_lowered:
0x8: {  	[smem:$0x3F9F] =	sst s0  }
0x9: {  	[smem:$0x3FA0] =	sst s1  }
0xa: {  	[smem:$0x3FA1] =	sst s2  }
0xb: {  	[smem:$0x3FA2] =	sst s3  }
0xc: {  	[smem:$0x3FA3] =	sst s4  }
0xd: {  	[smem:$0x3FA4] =	sst s5  }
0xe: {  	[smem:$0x3FA5] =	sst s6  }
0xf: {  	[smem:$0x3FA6] =	sst s7  }
0x10: {  	[smem:$0x3FA7] =	sst s8  }
0x11: {  	[smem:$0x3FA8] =	sst s9;
	s0 =	simm.s32 @!p0 $0x0  }
0x12: {  	s1 =	sld [smem:$0x3F8E];
	s0 =	simm.s32 @p0 $0x1  }
0x13: {  	[smem:$0x3FA9] =	sst s0;
	s0 =	simm.s32 @!p1 $0x0  }
0x14: {  	s2 =	sld [smem:$0x3F8D];
	s0 =	simm.s32 @p1 $0x1  }
0x15: {  	[smem:$0x3FAA] =	sst s0;
	s0 =	simm.s32 @!p2 $0x0  }
0x16: {  	s3 =	sld [smem:$0x3FDB];
	s0 =	simm.s32 @p2 $0x1  }
0x17: {  	s4 =	simm.s32 $0x1BF5;
	[smem:$0x3FAC] =	sst s0  }
0x18: {  	s0 =	sld [smem:$0x3F8F];
	_ =	swait.ge [sflag:s4], $0x0  }
0x19: {  	s7 =	sld [smem:$0x3F90]  }
0x1a: {  	s8 =	sadd.s32 $0xFFFFE003, lr  }
0x1b: {  	s9 =	sadd.s32 $0xFFFFFEF7, lr;
	s5 =	simm.s32 $0xFFFFFFFF;
	p2 =	slt.u32 s8, $0xFFFFF086  }
0x1c: {  	p1 =	slt.u32 s9, $0xF7A;
	s5 =	simm.s32 @!p2 $0x0  }
0x1d: {  	s5 =	simm.s32 @p1 $0x1;
	p0 =	seq.s32 s7, s2  }
0x1e: {  	s7 =	smul.u32 @!p0 $0xF7A, s2;
	p2 =	seq.s32 @!p0 s5, $0x0  }
0x1f: {  	s9 =	smul.u32 $0xF7A, s1;
	s8 =	simm.s32 @!p0 $0x1BF5;
	p2 =	por !p2, p0  }
0x20: {  	[sflag:s8] =	ssyncset.s32 @!p0 $0xFFFFF086;
	s6 =	sadd.s32 @!p0 s3, s7;
	s7 =	simm.s32 @!p0 $0x108  }
0x21: {  	s3 =	sadd.s32 s3, s9;
	s6 =	sadd.s32 @!p0 $0x88, s6;
	s7 =	simm.s32 @p2 $0x1082  }
0x22: {  	[simem:s7], [sflag:s8] =	dma.local @!p0 [hbm:s6], $0xF7A  }
0x23: {  	s9 =	sor.u32 $0xD0000000, s2;
	s6 =	simm.s32 $0x108;
	_ =	swait.ge @!p0 [sflag:s8], $0x0  }
0x24: {  	s3 =	sadd.s32 $0x88, s3;
	s6 =	simm.s32 @!p1 $0x1082;
	[sflag:s4] =	ssyncset.s32 $0xFFFFF086  }
0x25: {  	[simem:s6], [sflag:s4] =	dma.local [hbm:s3], $0xF7A  }
0x26: {  	[smem:$0x3F90] =	sst s1;
	(tag) =	ssettag s2;
	_ =	strace s9  }
0x27: {  	s1 =	sld [smem:$0x3FA0]  }
0x28: {  	s2 =	sld [smem:$0x3FA1]  }
0x29: {  	s4 =	sld [smem:$0x3FA3]  }
0x2a: {  	p0 =	seq.s32 s5, $0x0;
	s5 =	sld [smem:$0x3FA4]  }
0x2b: {  	s6 =	sld [smem:$0x3FA5]  }
0x2c: {  	s7 =	sld [smem:$0x3FA6]  }
0x2d: {  	s3 =	simm.s32 $0x108;
	s8 =	sld [smem:$0x3FA7]  }
0x2e: {  	s3 =	simm.s32 @!p0 $0x1082;
	s9 =	sld [smem:$0x3FA8]  }
0x2f: {  	lr =	sadd.s32 s0, s3;
	s0 =	sld [smem:$0x3F9F]  }
0x30: {  	s3 =	sld [smem:$0x3FA2]  }
0x31: {  	[smem:$0x3FAB] =	sst s10  }
0x32: {  	s10 =	sld [smem:$0x3FA9];
	_ =	sdelay $0x3  }
0x33: {  	p0 =	seq.s32 s10, $0x1;
	s10 =	sld [smem:$0x3FAB];
	_ =	sdelay $0x3  }
0x34: {  	[smem:$0x3FAB] =	sst s10  }
0x35: {  	s10 =	sld [smem:$0x3FAA];
	_ =	sdelay $0x3  }
0x36: {  	p1 =	seq.s32 s10, $0x1;
	s10 =	sld [smem:$0x3FAB];
	_ =	sdelay $0x3  }
0x37: {  	[smem:$0x3FAB] =	sst s10  }
0x38: {  	s10 =	sld [smem:$0x3FAC]  }
0x39: {  	_ = 	snop;
	(pc) =	sbr.ind lr, $3  }
0x3a: {  	_ = 	snop  }
0x3b: {  	_ = 	snop  }
0x3c: {  	p2 =	seq.s32 s10, $0x1;
	s10 =	sld [smem:$0x3FAB]  }
0x3d: {  	_ =	shalt  }
0x3e: {  	_ =	shalt  }
0x3f: {  	_ =	shalt  }
0x40: {  	_ =	shalt  }
0x41: {  	_ =	shalt  }
0x42: {  	_ =	shalt  }
0x43: {  	_ =	shalt  }
0x44: {  	_ =	shalt  }
0x45: {  	_ =	shalt  }
0x46: {  	_ =	shalt  }
0x47: {  	_ =	shalt  }
0x48: {  	_ =	shalt  }
0x49: {  	_ =	shalt  }
0x4a: {  	_ =	shalt  }
0x4b: {  	_ =	shalt  }
0x4c: {  	_ =	shalt  }
0x4d: {  	_ =	shalt  }
0x4e: {  	_ =	shalt  }
0x4f: {  	_ =	shalt  }
0x50: {  	_ =	shalt  }
0x51: {  	_ =	shalt  }
0x52: {  	_ =	shalt  }
0x53: {  	_ =	shalt  }
0x54: {  	_ =	shalt  }
0x55: {  	_ =	shalt  }
0x56: {  	_ =	shalt  }
0x57: {  	_ =	shalt  }
0x58: {  	_ =	shalt  }
0x59: {  	_ =	shalt  }
0x5a: {  	_ =	shalt  }
0x5b: {  	_ =	shalt  }
0x5c: {  	_ =	shalt  }
0x5d: {  	_ =	shalt  }
0x5e: {  	_ =	shalt  }
0x5f: {  	_ =	shalt  }
0x60: {  	_ =	shalt  }
0x61: {  	_ =	shalt  }
0x62: {  	_ =	shalt  }
0x63: {  	_ =	shalt  }
0x64: {  	_ =	shalt  }
0x65: {  	_ =	shalt  }
0x66: {  	_ =	shalt  }
0x67: {  	_ =	shalt  }
0x68: {  	_ =	shalt  }
0x69: {  	_ =	shalt  }
0x6a: {  	_ =	shalt  }
0x6b: {  	_ =	shalt  }
0x6c: {  	_ =	shalt  }
0x6d: {  	_ =	shalt  }
0x6e: {  	_ =	shalt  }
0x6f: {  	_ =	shalt  }
0x70: {  	_ =	shalt  }
0x71: {  	_ =	shalt  }
0x72: {  	_ =	shalt  }
0x73: {  	_ =	shalt  }
0x74: {  	_ =	shalt  }
0x75: {  	_ =	shalt  }
0x76: {  	_ =	shalt  }
0x77: {  	_ =	shalt  }
0x78: {  	_ =	shalt  }
0x79: {  	_ =	shalt  }
0x7a: {  	_ =	shalt  }
0x7b: {  	_ =	shalt  }
0x7c: {  	_ =	shalt  }
0x7d: {  	_ =	shalt  }
0x7e: {  	_ =	shalt  }
0x7f: {  	_ =	shalt  }
0x80: {  	_ =	shalt  }
0x81: {  	_ =	shalt  }
0x82: {  	_ =	shalt  }
0x83: {  	_ =	shalt  }
0x84: {  	_ =	shalt  }
0x85: {  	_ =	shalt  }
0x86: {  	_ =	shalt  }
0x87: {  	_ =	shalt  }
.Lfunc_end0:
.L_simem_size_0:
called_computation_lowered:
.L_overlay_start_0:
0x88: {  	s2 =	sld [smem:$0x3FD9]  }
0x89: {  	s3 =	sld [smem:$0x3FFE];
	_ =	sdelay $0x1  }
0x8a: {  	s1 =	srdreg.scid  }
0x8b: {  	s0 =	sand.u32 $0x1, s1  }
0x8c: {  	s16 =	sshll.u32 s0, $0xA;
	s2 =	sadd.s32 s3, s2  }
0x8d: {  	s2 =	sadd.s32 s2, s16  }
0x8e: {  	[smem:$0x3FB7] =	sst s2  }
0x8f: {  	_ = 	snop  }
0x90: {  	(tm) =	ssettm $0x1  }
0x91: {  	s17 =	sld [smem:$0x3FFB];
	_ =	sdelay $0x3  }
0x92: {  	_ =	strace s17  }
0x93: {  	s2 =	sld [smem:$0x3FFC];
	_ =	sdelay $0x3  }
0x94: {  	_ =	strace s2  }
0x95: {  	s2 =	sld [smem:$0x3FFD];
	_ =	sdelay $0x3  }
0x96: {  	_ =	strace s2  }
0x97: {  	_ =	strace $0x8FFFFFFF  }
0x98: {  	s18 =	sld [smem:$0x3FDB];
	_ =	sdelay $0x1  }
0x99: {  	s19 =	simm.s32 $_scs_section_size  }
0x9a: {  	s4 =	simm.s32 $_size__tile_overlayer_lowered;
	s5 =	simm.s32 $_tile_overlayer_lowered  }
0x9b: {  	s22 =	simm.s32 $0x1BFF;
	s21 =	sshll.u32 s5, $0x1;
	s2 =	sadd.s32 s19, s18  }
0x9c: {  	s6 =	simm.s32 $0x0;
	s20 =	sshll.u32 s4, $0x1;
	s4 =	sadd.s32 s21, s2  }
0x9d: {  	[timem:s6], [sflag:s22] =	dma.local [hbm:s4], s20  }
0x9e: {  	_ =	swait.ge [sflag:s22], s20  }
0x9f: {  	s3 =	ssub.s32 $0x0, s20;
	[sflag:s22] =	ssyncset.done $0x0  }
0xa0: {  	[sflag:s22] =	ssyncadd.s32 s3;
	_ =	sdelay $0x1  }
0xa1: {  	s23 =	simm.s32 $0x1B8B  }
0xa2: {  	_ =	swait.ge [sflag:s23], $0x1  }
0xa3: {  	[sflag:s23] =	ssyncset.done $0x0  }
0xa4: {  	s25 =	simm.s32 $0x1B8E;
	s24 =	sld [smem:$0x3FFE];
	[sflag:s23] =	ssyncadd.s32 $0xFFFFFFFF  }
0xa5: {  	s26 =	simm.s32 $execute0_lowered;
	[smem:$0x3FD2] =	sst s25  }
0xa6: {  	s4 =	sshll.u32 s26, $0x1;
	_ =	strace $0x80000046;
	[dreg:$0x1] =	wrdreg $0xFFFFFFFF  }
0xa7: {  	s28 =	simm.s32 $_size_execute0_lowered;
	s2 =	sadd.s32 s2, s4;
	[dreg:$0x0] =	wrdreg $0x0  }
0xa8: {  	s4 =	sshll.u32 s28, $0x1;
	[dreg:$0x2] =	wrdreg s2  }
0xa9: {  	[dreg:$0x3] =	wrdreg s4  }
0xaa: {  	[dreg:$0x4] =	wrdreg $0xC0  }
0xab: {  	_ =	task [dreg:s6], $0x5FFFF  }
0xac: {  	[dreg:$0x1] =	wrdreg $0xFFFFFFFF  }
0xad: {  	[dreg:$0x0] =	wrdreg $0x60  }
0xae: {  	[dreg:$0x2] =	wrdreg s24  }
0xaf: {  	[dreg:$0x3] =	wrdreg $0xA2000  }
0xb0: {  	[dreg:$0x4] =	wrdreg $0x9  }
0xb1: {  	_ =	task.clear_ibuf [dreg:s6], $0x5FFFF;
	_ =	strace $0x90000046  }
0xb2: {  	s29 =	simm.s32 $0x9;
	_ =	strace $0x80000048  }
0xb3: {  	_ =	swait.ge [sflag:s29], $0x1  }
0xb4: {  	[sflag:s29] =	ssyncadd.s32 $0xFFFFFFFF  }
0xb5: {  	_ =	strace $0x90000048  }
0xb6: {  	_ =	sfence  }
0xb7: {  	s30 =	sld [smem:$0x0];
	_ =	sdelay $0x2  }
0xb8: {  	s31 =	sshll.u32 s1, $0xD;
	s1 =	sshrl.u32 s1, $0x2  }
0xb9: {  	s3 =	sand.u32 $0x4000, s31;
	s1 =	sadd.s32 s1, s30  }
0xba: {  	s0 =	sor.u32 s3, s0;
	s1 =	sshll.u32 s1, $0x11  }
0xbb: {  	s0 =	sor.u32 s1, s0  }
0xbc: {  	s0 =	sadd.s32 $0x8F2B, s0  }
0xbd: {  	[sflag:s0] =	ssyncadd.remote.s32 $0x1  }
0xbe: {  	_ =	sfence.sel $0xFFFF  }
0xbf: {  	[dreg:$0x0] =	wrdreg $0xFFFFFFFF;
	(pc) =	sbr.abs _section_cstart, $3  }
0xc0: {  	[dreg:$0x1] =	wrdreg $0xFFFFFFFF  }
0xc1: {  	_ =	task.clear_ibuf [dreg:s6], $0x2FFFF;
	_ =	strace $0x9FFFFFFF  }
0xc2: {  	(tm) =	ssettm $0x7FFFFFFF  }
0xc3: {  	_ =	shalt  }
tec
execute0_lowered:
.L_overlay_start_1:
0x0: {  	(tag) =	ssettag $0x1  }
0x1: {  	s0 =	rddreg [dreg:$0x0]  }
0x2: {  	s1 =	rddreg [dreg:$0x1]  }
0x3: {  	s3 =	simm.s32 $0x0;
	s2 =	stileid.u32;
	s6 =	srdreg.scid  }
0x4: {  	s28 =	simm.s32 $0x5;
	s29 =	simm.s32 $0x50;
	s30 =	simm.s32 $0x5200  }
0x5: {  	s31 =	simm.s32 $0x1;
	[smem:$0x7FF] =	sst s3;
	s4 =	sadd.s32 $0x3BEE00, s0  }
0x6: {  	s7 =	smul.u32 $0x2700, s2;
	s5 =	sadd.s32 $0x14DE00, s0;
	s9 =	sand.u32 $0x1, s6  }
0x7: {  	s8 =	smul.u32 $0x4E000, s2;
	s6 =	sadd.s32 $0x5400, s0;
	s20 =	sadd.s32 $0x458D00, s0  }
0x8: {  	s17 =	sadd.s32 $0x136000, s1;
	p0 =	seq.s32 s2, $0xF;
	_ =	strace $0x80000047  }
0x9: {  	s15 =	ssub.s32 $0x2, s9;
	s12 =	sshll.u32 s9, $0x4;
	[dreg:$0x4] =	wrdreg s17  }
0xa: {  	p4 =	seq.s32 s9, $0x1;
	[dreg:$0x8] =	wrdreg s20;
	s10 =	sadd.s32 s7, s0  }
0xb: {  	s11 =	sshrl.u32 s15, $0x1;
	s8 =	sshrl.u32 s8, $0x2;
	s7 =	sor.u32 s2, s12  }
0xc: {  	s0 =	sadd.s32 $0x47FF00, s0;
	p2 =	seq.s32 @p4 s2, $0xF;
	p5 =	seq.s32 @!p4 s2, $0xF  }
0xd: {  	s13 =	ssub.s32 s15, s11;
	s8 =	sadd.s32 s8, s1;
	s12 =	sshll.u32 s7, $0x5  }
0xe: {  	s14 =	smul.u32 $0x500, s7;
	s11 =	sxor.u32 $0x3F, s9;
	s19 =	sadd.s32 $0x434400, s10  }
0xf: {  	s15 =	sadd.s32 $0x124800, s1;
	s21 =	sadd.s32 $0x45B600, s10;
	[dreg:$0xa] =	wrdreg s0  }
0x10: {  	p1 =	por !p2, !p4;
	p2 =	por p2, !p4;
	[dreg:$0x7] =	wrdreg s19  }
0x11: {  	p3 =	por !p5, p4;
	s16 =	sadd.s32 $0x11800, s8;
	[dreg:$0x9] =	wrdreg s21  }
0x12: {  	p4 =	por p5, p4;
	s12 =	sadd.s32 s6, s12;
	[dreg:$0x3] =	wrdreg s16  }
0x13: {  	s0 =	simm.s32 $0x3;
	s22 =	smax.u32 s13, $0x1;
	[dreg:$0x5] =	wrdreg s12  }
0x14: {  	s9 =	simm.s32 $0x80;
	s23 =	sadd.s32 $0x2800, s8;
	[dreg:$0xb] =	wrdreg s22  }
0x15: {  	s10 =	simm.s32 $0x6;
	s24 =	sadd.s32 $0x5000, s8;
	[dreg:$0xc] =	wrdreg s23  }
.Ltmp0:
0x16: {  	s25 =	sadd.s32 $0x7800, s8;
	[dreg:$0xd] =	wrdreg s24;
	(pc) =	sbr.rel .LBB2_1-.Ltmp0, $4  }
0x17: {  	s26 =	sadd.s32 $0xA000, s8;
	s13 =	simm.s32 $0x4;
	[dreg:$0xe] =	wrdreg s25  }
0x18: {  	s18 =	sadd.s32 s5, s14;
	[dreg:$0xf] =	wrdreg s26;
	s24 =	sadd.s32 $0xC800, s8  }
0x19: {  	s25 =	sadd.s32 $0xF000, s8;
	s26 =	simm.s32 $0x200;
	s12 =	simm.s32 $0x2  }
0x1a: {  	v0 =	vimm.f32 $0.0e+00;
	s14 =	simm.s32 $0x180;
	s16 =	simm.s32 $0x7A00;
	[dreg:$0x6] =	wrdreg s18  }
.LBB2_13:
0x1b: {  	[bflag:$0x0] =	sbarrier.arrive $0xFFFF  }
0x1c: {  	s17 =	sshrl.u32 @!p1 s15, $0x3;
	s18 =	simm.s32 @!p1 $0x1FC5;
	s19 =	rddreg [dreg:$0xa]  }
0x1d: {  	[hbm:s19], [sflag:s18] =	dma.local @!p1 [spmem:s17], $0x2800  }
0x1e: {  	s17 =	simm.s32 @!p1 $0x5  }
0x1f: {  	_ =	swait.ge @!p1 [sflag:s17], $0x2800  }
0x20: {  	s18 =	sshll.u32 @!p2 s2, $0x6;
	[sflag:s17] =	ssyncset.done @!p1 $0x0;
	s19 =	rddreg [dreg:$0x9]  }
0x21: {  	[sflag:s17] =	ssyncadd.s32 @!p1 $0xFFFFD800;
	s17 =	sor.u32 @!p2 $0x1C05, s18;
	s18 =	sshrl.u32 @!p2 s8, $0x3  }
0x22: {  	[hbm:s19], [sflag:s17] =	dma.local @!p2 [spmem:s18], $0x2700  }
0x23: {  	s17 =	simm.s32 @!p2 $0x5  }
0x24: {  	_ =	swait.ge @!p2 [sflag:s17], $0x2700  }
0x25: {  	s18 =	simm.s32 @!p3 $0x1FC5;
	[sflag:s17] =	ssyncset.done @!p2 $0x0  }
0x26: {  	s19 =	rddreg [dreg:$0x8];
	[sflag:s17] =	ssyncadd.s32 @!p2 $0xFFFFD900;
	s17 =	sshrl.u32 @!p3 s15, $0x3  }
0x27: {  	[hbm:s19], [sflag:s18] =	dma.local @!p3 [spmem:s17], $0x2800  }
0x28: {  	s17 =	simm.s32 @!p3 $0x5  }
0x29: {  	_ =	swait.ge @!p3 [sflag:s17], $0x2800  }
0x2a: {  	s18 =	sshll.u32 @!p4 s2, $0x6;
	[sflag:s17] =	ssyncset.done @!p3 $0x0;
	s19 =	rddreg [dreg:$0x7]  }
0x2b: {  	[sflag:s17] =	ssyncadd.s32 @!p3 $0xFFFFD800;
	s17 =	sor.u32 @!p4 $0x1C05, s18;
	s18 =	sshrl.u32 @!p4 s8, $0x3  }
0x2c: {  	[hbm:s19], [sflag:s17] =	dma.local @!p4 [spmem:s18], $0x2700  }
0x2d: {  	s17 =	simm.s32 @!p4 $0x5  }
0x2e: {  	_ =	swait.ge @!p4 [sflag:s17], $0x2700  }
0x2f: {  	s3 =	sadd.s32 $0x1, s3;
	s23 =	rddreg [dreg:$0xb]  }
0x30: {  	p5 =	sne.s32 s3, s23  }
.Ltmp1:
0x31: {  	_ = 	snop;
	(pc) =	sbr.rel @!p5 .LBB2_14-.Ltmp1, $3  }
0x32: {  	_ =	sdelay $0x1  }
0x33: {  	[sflag:s17] =	ssyncset.done @!p4 $0x0  }
0x34: {  	[sflag:s17] =	ssyncadd.s32 @!p4 $0xFFFFD900  }
.LBB2_1:
0x35: {  	s17 =	simm.s32 $0x0;
	s18 =	simm.s32 $0x200  }
.LBB2_2:
0x36: {  	p5 =	sne.s32 s18, $0x9E00;
	[tilespmem:s17+$0x270] =	vst v0  }
0x37: {  	[tilespmem:s17+$0x200] =	vst v0  }
0x38: {  	[tilespmem:s17+$0x210] =	vst v0  }
.Ltmp2:
0x39: {  	[tilespmem:s17+$0x220] =	vst v0;
	(pc) =	sbr.rel @p5 .LBB2_2-.Ltmp2, $4  }
0x3a: {  	[tilespmem:s17+$0x230] =	vst v0  }
0x3b: {  	[tilespmem:s17+$0x240] =	vst v0  }
0x3c: {  	[tilespmem:s17+$0x250] =	vst v0  }
0x3d: {  	[tilespmem:s17+$0x260] =	vst v0;
	s17 =	sshra.s32 s18, $0x2;
	s18 =	sadd.s32 $0x200, s18  }
0x3e: {  	[tilespmem:s17+$0x270] =	vst v0  }
0x3f: {  	[tilespmem:s17+$0x200] =	vst v0  }
0x40: {  	[tilespmem:s17+$0x210] =	vst v0  }
0x41: {  	[tilespmem:s17+$0x220] =	vst v0  }
0x42: {  	[tilespmem:s17+$0x230] =	vst v0  }
0x43: {  	[tilespmem:s17+$0x240] =	vst v0  }
0x44: {  	[tilespmem:s17+$0x250] =	vst v0  }
0x45: {  	[tilespmem:s17+$0x260] =	vst v0  }
0x46: {  	[spmem:s8] =	stream.linear.scatter [tilespmem:s26], [sflag:$0x5], $0x2800, $0x38;
	[tilespmem:$0x1DA80] =	vst v63  }
0x47: {  	_ =	swait.ge [sflag:s28], $0x2800  }
0x48: {  	[sflag:s28] =	ssyncset.done $0x0  }
0x49: {  	s18 =	rddreg [dreg:$0xc];
	[sflag:s28] =	ssyncadd.s32 $0xFFFFD800  }
0x4a: {  	[spmem:s18] =	stream.linear.scatter [tilespmem:s26], [sflag:$0x5], $0x2800, $0x38;
	[tilespmem:$0x1DA80] =	vst v63  }
0x4b: {  	_ =	swait.ge [sflag:s28], $0x2800  }
0x4c: {  	[sflag:s28] =	ssyncset.done $0x0  }
0x4d: {  	s19 =	rddreg [dreg:$0xd];
	[sflag:s28] =	ssyncadd.s32 $0xFFFFD800  }
0x4e: {  	[spmem:s19] =	stream.linear.scatter [tilespmem:s26], [sflag:$0x5], $0x2800, $0x38;
	[tilespmem:$0x1DA80] =	vst v63  }
0x4f: {  	_ =	swait.ge [sflag:s28], $0x2800  }
0x50: {  	[sflag:s28] =	ssyncset.done $0x0  }
0x51: {  	s20 =	rddreg [dreg:$0xe];
	[sflag:s28] =	ssyncadd.s32 $0xFFFFD800  }
0x52: {  	[spmem:s20] =	stream.linear.scatter [tilespmem:s26], [sflag:$0x5], $0x2800, $0x38;
	[tilespmem:$0x1DA80] =	vst v63  }
0x53: {  	_ =	swait.ge [sflag:s28], $0x2800  }
0x54: {  	[sflag:s28] =	ssyncset.done $0x0  }
0x55: {  	s21 =	rddreg [dreg:$0xf];
	[sflag:s28] =	ssyncadd.s32 $0xFFFFD800  }
0x56: {  	[spmem:s21] =	stream.linear.scatter [tilespmem:s26], [sflag:$0x5], $0x2800, $0x38;
	[tilespmem:$0x1DA80] =	vst v63  }
0x57: {  	_ =	swait.ge [sflag:s28], $0x2800  }
0x58: {  	[sflag:s28] =	ssyncset.done $0x0  }
0x59: {  	[sflag:s28] =	ssyncadd.s32 $0xFFFFD800  }
0x5a: {  	[spmem:s24] =	stream.linear.scatter [tilespmem:s26], [sflag:$0x5], $0x2800, $0x38;
	[tilespmem:$0x1DA80] =	vst v63  }
0x5b: {  	_ =	swait.ge [sflag:s28], $0x2800  }
0x5c: {  	[sflag:s28] =	ssyncset.done $0x0  }
0x5d: {  	[sflag:s28] =	ssyncadd.s32 $0xFFFFD800  }
0x5e: {  	[spmem:s25] =	stream.linear.scatter [tilespmem:s26], [sflag:$0x5], $0x2800, $0x38;
	[tilespmem:$0x1DA80] =	vst v63  }
0x5f: {  	_ =	swait.ge [sflag:s28], $0x2800  }
0x60: {  	[sflag:s28] =	ssyncset.done $0x0  }
0x61: {  	s17 =	simm.s32 @p0 $0x200;
	s18 =	rddreg [dreg:$0x4];
	[sflag:s28] =	ssyncadd.s32 $0xFFFFD800  }
0x62: {  	[spmem:s18] =	stream.linear.scatter @p0 [tilespmem:s17], [sflag:$0x5], $0x2800, $0x38;
	[tilespmem:$0x1DA80] =	vst v63  }
0x63: {  	s17 =	simm.s32 @p0 $0x5  }
0x64: {  	_ =	swait.ge @p0 [sflag:s17], $0x2800  }
0x65: {  	[sflag:s17] =	ssyncset.done @p0 $0x0  }
0x66: {  	s18 =	rddreg [dreg:$0x3];
	[sflag:s17] =	ssyncadd.s32 @p0 $0xFFFFD800;
	s17 =	simm.s32 @!p0 $0x200  }
0x67: {  	[spmem:s18] =	stream.linear.scatter @!p0 [tilespmem:s17], [sflag:$0x5], $0x2000, $0x38;
	[tilespmem:$0x1DA80] =	vst v63  }
0x68: {  	s17 =	simm.s32 @!p0 $0x5  }
0x69: {  	_ =	swait.ge @!p0 [sflag:s17], $0x2000  }
0x6a: {  	[sflag:s17] =	ssyncset.done @!p0 $0x0  }
0x6b: {  	[sflag:s17] =	ssyncadd.s32 @!p0 $0xFFFFE000  }
0x6c: {  	[bflag:$0x0] =	sbarrier.arrive $0xFFFF  }
0x6d: {  	s17 =	simm.s32 $0x0;
	s22 =	rddreg [dreg:$0x5]  }
0x6e: {  	[tilespmem:s17], [sflag:$0x5] =	stream.linear.gather [hbm4b:s22+s17], $0x100, $0x38;
	[tilespmem:$0x1DA80] =	vst v63  }
0x6f: {  	_ =	swait.ge [sflag:s28], $0x100  }
.Ltmp3:
0x70: {  	[sflag:s28] =	ssyncset.done $0x0;
	(pc) =	sbr.rel .LBB2_4-.Ltmp3, $4  }
0x71: {  	[sflag:s28] =	ssyncadd.s32 $0xFFFFFF00  }
0x72: {  	[tilespmem:s26], [sflag:$0x1] =	stream.indirect.gather [hbm4b:s4+s29], $0x80, s17, s29, $0xb8;
	[tilespmem:$0x1DA80] =	vst v63  }
0x73: {  	s23 =	rddreg [dreg:$0x6]  }
0x74: {  	[tilespmem:s30], [sflag:$0x3] =	stream.linear.gather [hbm4b:s23+s17], $0x2800, $0x38;
	[tilespmem:$0x1DA80] =	vst v63  }
.LBB2_12:
0x75: {  	s17 =	sadd.s32 $0x1, s17  }
0x76: {  	p5 =	sne.s32 s17, $0x20  }
.Ltmp4:
0x77: {  	_ = 	snop;
	(pc) =	sbr.rel @!p5 .LBB2_13-.Ltmp4, $1  }
0x78: {  	_ =	sdelay $0x3  }
.LBB2_4:
0x79: {  	s18 =	sshllo.u32 s17, $0x1  }
0x7a: {  	p5 =	sge.u32 s18, s11  }
0x7b: {  	s18 =	sshll.u32 @!p5 s18, $0x5  }
0x7c: {  	s18 =	sor.u32 @!p5 s7, s18  }
0x7d: {  	s19 =	sshll.u32 @!p5 s18, $0x5  }
0x7e: {  	s19 =	sand.u32 @!p5 $0x1FFFFFE0, s19  }
0x7f: {  	s20 =	simm.s32 @!p5 $0x0;
	s21 =	simm.s32 @!p5 $0x100;
	s19 =	sadd.s32 @!p5 s6, s19  }
0x80: {  	[tilespmem:s21], [sflag:$0x6] =	stream.linear.gather @!p5 [hbm4b:s19+s20], $0x100, $0x38;
	[tilespmem:$0x1DA80] =	vst v63  }
0x81: {  	s23 =	smul.u32 @!p5 $0x500, s18;
	s18 =	sshll.u32 s17, $0x1;
	s19 =	simm.s32 @!p5 $0x6  }
0x82: {  	p6 =	sge.u32 s18, s11;
	_ =	swait.ge @!p5 [sflag:s19], $0x100  }
.Ltmp5:
0x83: {  	[sflag:s19] =	ssyncset.done @!p5 $0x0;
	(pc) =	sbr.rel @p6 .LBB2_8-.Ltmp5, $4  }
0x84: {  	s22 =	simm.s32 @!p5 $0x2A00;
	[sflag:s19] =	ssyncadd.s32 @!p5 $0xFFFFFF00;
	s19 =	simm.s32 @!p5 $0x50  }
0x85: {  	[tilespmem:s22], [sflag:$0x2] =	stream.indirect.gather @!p5 [hbm4b:s4+s19], $0x80, s21, s19, $0xb8;
	[tilespmem:$0x1DA80] =	vst v63  }
0x86: {  	s19 =	sadd.s32 @!p5 s5, s23;
	s21 =	simm.s32 @!p5 $0x7A00  }
0x87: {  	[tilespmem:s21], [sflag:$0x4] =	stream.linear.gather @!p5 [hbm4b:s19+s20], $0x2800, $0x38;
	[tilespmem:$0x1DA80] =	vst v63  }
0x88: {  	_ =	swait.ge [sflag:s31], $0x2800  }
0x89: {  	[sflag:s31] =	ssyncset.done $0x0  }
0x8a: {  	[sflag:s31] =	ssyncadd.s32 $0xFFFFD800  }
0x8b: {  	_ =	swait.ge [sflag:s0], $0x2800  }
0x8c: {  	[sflag:s0] =	ssyncset.done $0x0  }
0x8d: {  	s19 =	simm.s32 $0x0;
	[sflag:s0] =	ssyncadd.s32 $0xFFFFD800  }
0x8e: {  	v7 =	vld [tilespmem:s19+$0x200]  }
0x8f: {  	v8 =	vld [tilespmem:s19+$0x210]  }
0x90: {  	v9 =	vld [tilespmem:s19+$0x220]  }
0x91: {  	v10 =	vld [tilespmem:s19+$0x230]  }
0x92: {  	v11 =	vld [tilespmem:s19+$0x240]  }
0x93: {  	v12 =	vld [tilespmem:s19+$0x250]  }
0x94: {  	v13 =	vld [tilespmem:s19+$0x260]  }
0x95: {  	v14 =	vld [tilespmem:s19+$0x270]  }
0x96: {  	v15 =	vld [tilespmem:s19+$0x280]  }
0x97: {  	v16 =	vld [tilespmem:s19+$0x290]  }
0x98: {  	v17 =	vld [tilespmem:s19+$0x2A0]  }
0x99: {  	v18 =	vld [tilespmem:s19+$0x2B0]  }
0x9a: {  	v19 =	vld [tilespmem:s19+$0x2C0]  }
0x9b: {  	v20 =	vld [tilespmem:s19+$0x2D0]  }
0x9c: {  	v21 =	vld [tilespmem:s19+$0x2E0]  }
0x9d: {  	v22 =	vld [tilespmem:s19+$0x2F0]  }
0x9e: {  	v23 =	vld [tilespmem:s19+$0x300]  }
0x9f: {  	v24 =	vld [tilespmem:s19+$0x310]  }
0xa0: {  	v25 =	vld [tilespmem:s19+$0x320]  }
0xa1: {  	v26 =	vld [tilespmem:s19+$0x330]  }
0xa2: {  	v27 =	vld [tilespmem:s19+$0x340]  }
0xa3: {  	v28 =	vld [tilespmem:s19+$0x350]  }
0xa4: {  	v29 =	vld [tilespmem:s19+$0x360]  }
0xa5: {  	v30 =	vld [tilespmem:s19+$0x370]  }
0xa6: {  	v31 =	vld [tilespmem:s19+$0x380]  }
0xa7: {  	v32 =	vld [tilespmem:s19+$0x390]  }
0xa8: {  	v6 =	vld [tilespmem:s19+$0x3A0]  }
0xa9: {  	v5 =	vld [tilespmem:s19+$0x3B0]  }
0xaa: {  	v4 =	vld [tilespmem:s19+$0x3C0]  }
0xab: {  	v3 =	vld [tilespmem:s19+$0x3D0]  }
0xac: {  	v2 =	vld [tilespmem:s19+$0x3E0]  }
0xad: {  	v33 =	vld [tilespmem:s19+$0x5200]  }
0xae: {  	v34 =	vld [tilespmem:s19+$0x5210]  }
0xaf: {  	v35 =	vld [tilespmem:s19+$0x5220]  }
0xb0: {  	v36 =	vld [tilespmem:s19+$0x5230]  }
0xb1: {  	v37 =	vld [tilespmem:s19+$0x5240]  }
0xb2: {  	v63 =	vld [tilespmem:s19+$0x5250];
	v7 =	vmul.f32 v7, v33  }
0xb3: {  	v38 =	vld [tilespmem:s19+$0x5260];
	v8 =	vmul.f32 v8, v34  }
0xb4: {  	v9 =	vmul.f32 v9, v35;
	[tilespmem:s19+$0x5200] =	vst v7;
	v7 =	vld [tilespmem:s19+$0x5270]  }
0xb5: {  	v10 =	vmul.f32 v10, v36;
	[tilespmem:s19+$0x5210] =	vst v8;
	v8 =	vld [tilespmem:s19+$0x5280]  }
0xb6: {  	v11 =	vmul.f32 v11, v37;
	[tilespmem:s19+$0x5220] =	vst v9;
	v9 =	vld [tilespmem:s19+$0x5290]  }
0xb7: {  	v12 =	vmul.f32 v12, v63;
	[tilespmem:s19+$0x5230] =	vst v10;
	v10 =	vld [tilespmem:s19+$0x52A0]  }
0xb8: {  	v13 =	vmul.f32 v13, v38;
	[tilespmem:s19+$0x5240] =	vst v11;
	v11 =	vld [tilespmem:s19+$0x52B0]  }
0xb9: {  	[tilespmem:s19+$0x5250] =	vst v12;
	v12 =	vld [tilespmem:s19+$0x52C0];
	v7 =	vmul.f32 v14, v7  }
0xba: {  	[tilespmem:s19+$0x5260] =	vst v13;
	v13 =	vld [tilespmem:s19+$0x52D0];
	v8 =	vmul.f32 v15, v8  }
0xbb: {  	v9 =	vmul.f32 v16, v9;
	[tilespmem:s19+$0x5270] =	vst v7;
	v7 =	vld [tilespmem:s19+$0x52E0]  }
0xbc: {  	v10 =	vmul.f32 v17, v10;
	[tilespmem:s19+$0x5280] =	vst v8;
	v8 =	vld [tilespmem:s19+$0x52F0]  }
0xbd: {  	v11 =	vmul.f32 v18, v11;
	[tilespmem:s19+$0x5290] =	vst v9;
	v9 =	vld [tilespmem:s19+$0x5300]  }
0xbe: {  	v12 =	vmul.f32 v19, v12;
	[tilespmem:s19+$0x52A0] =	vst v10;
	v10 =	vld [tilespmem:s19+$0x5310]  }
0xbf: {  	v13 =	vmul.f32 v20, v13;
	[tilespmem:s19+$0x52B0] =	vst v11;
	v11 =	vld [tilespmem:s19+$0x5320]  }
0xc0: {  	[tilespmem:s19+$0x52C0] =	vst v12;
	v12 =	vld [tilespmem:s19+$0x5330];
	v7 =	vmul.f32 v21, v7  }
0xc1: {  	[tilespmem:s19+$0x52D0] =	vst v13;
	v13 =	vld [tilespmem:s19+$0x5340]  }
0xc2: {  	v8 =	vmul.f32 v22, v8;
	[tilespmem:s19+$0x52E0] =	vst v7;
	v7 =	vld [tilespmem:s19+$0x5350]  }
0xc3: {  	v1 =	vld [tilespmem:s19+$0x3F0];
	v9 =	vmul.f32 v23, v9  }
0xc4: {  	[tilespmem:s19+$0x52F0] =	vst v8;
	v8 =	vmul.f32 v24, v10;
	v10 =	vld [tilespmem:s19+$0x5370]  }
0xc5: {  	v14 =	vld [tilespmem:s19+$0x5360];
	[tilespmem:s19+$0x5300] =	vst v9;
	v9 =	vmul.f32 v25, v11  }
0xc6: {  	v11 =	vld [tilespmem:s19+$0x5380];
	[tilespmem:s19+$0x5310] =	vst v8;
	v8 =	vmul.f32 v26, v12  }
0xc7: {  	[tilespmem:s19+$0x5320] =	vst v9;
	v12 =	vld [tilespmem:s19+$0x5390];
	v9 =	vmul.f32 v27, v13;
	v13 =	vmul.f32 v28, v7  }
0xc8: {  	[tilespmem:s19+$0x5330] =	vst v8;
	v8 =	vld [tilespmem:s19+$0x53A0]  }
0xc9: {  	v7 =	vld [tilespmem:s19+$0x53B0];
	[tilespmem:s19+$0x5350] =	vst v13;
	v13 =	vmul.f32 v30, v10  }
0xca: {  	v14 =	vmul.f32 v29, v14;
	[tilespmem:s19+$0x5340] =	vst v9;
	v9 =	vld [tilespmem:s19+$0x53C0]  }
0xcb: {  	v10 =	vld [tilespmem:s19+$0x53D0];
	[tilespmem:s19+$0x5370] =	vst v13;
	v13 =	vmul.f32 v31, v11  }
0xcc: {  	s20 =	simm.s32 $0x800;
	[tilespmem:s19+$0x5360] =	vst v14;
	v12 =	vmul.f32 v32, v12;
	v11 =	vld [tilespmem:s19+$0x53E0]  }
.LBB2_6:
0xcd: {  	s21 =	sshra.s32 s20, $0x2;
	p6 =	sne.s32 s20, $0x9800;
	[tilespmem:s19+$0x5380] =	vst v13;
	v6 =	vmul.f32 v6, v8;
	v8 =	vld [tilespmem:s19+$0x53F0]  }
0xce: {  	v13 =	vld [tilespmem:s21+$0x200];
	[tilespmem:s19+$0x5390] =	vst v12;
	v5 =	vmul.f32 v5, v7  }
0xcf: {  	v7 =	vld [tilespmem:s21+$0x210];
	[tilespmem:s19+$0x53A0] =	vst v6;
	v4 =	vmul.f32 v4, v9  }
0xd0: {  	v9 =	vld [tilespmem:s21+$0x220];
	[tilespmem:s19+$0x53B0] =	vst v5;
	v3 =	vmul.f32 v3, v10  }
0xd1: {  	v10 =	vld [tilespmem:s21+$0x230];
	[tilespmem:s19+$0x53C0] =	vst v4;
	v2 =	vmul.f32 v2, v11  }
0xd2: {  	v11 =	vld [tilespmem:s21+$0x240];
	[tilespmem:s19+$0x53D0] =	vst v3;
	v1 =	vmul.f32 v1, v8  }
0xd3: {  	v8 =	vld [tilespmem:s21+$0x250];
	[tilespmem:s19+$0x53E0] =	vst v2  }
0xd4: {  	v12 =	vld [tilespmem:s21+$0x260];
	[tilespmem:s19+$0x53F0] =	vst v1;
	s19 =	smov.u32 s21  }
0xd5: {  	v14 =	vld [tilespmem:s19+$0x270]  }
0xd6: {  	v15 =	vld [tilespmem:s19+$0x280]  }
0xd7: {  	v16 =	vld [tilespmem:s19+$0x290]  }
0xd8: {  	v17 =	vld [tilespmem:s19+$0x2A0]  }
0xd9: {  	v18 =	vld [tilespmem:s19+$0x2B0]  }
0xda: {  	v19 =	vld [tilespmem:s19+$0x2C0]  }
0xdb: {  	v20 =	vld [tilespmem:s19+$0x2D0]  }
0xdc: {  	v21 =	vld [tilespmem:s19+$0x2E0]  }
0xdd: {  	v22 =	vld [tilespmem:s19+$0x2F0]  }
0xde: {  	v23 =	vld [tilespmem:s19+$0x300]  }
0xdf: {  	v24 =	vld [tilespmem:s19+$0x310]  }
0xe0: {  	v25 =	vld [tilespmem:s19+$0x320]  }
0xe1: {  	v26 =	vld [tilespmem:s19+$0x330]  }
0xe2: {  	v27 =	vld [tilespmem:s19+$0x340]  }
0xe3: {  	v28 =	vld [tilespmem:s19+$0x350]  }
0xe4: {  	v29 =	vld [tilespmem:s19+$0x360]  }
0xe5: {  	v30 =	vld [tilespmem:s19+$0x370]  }
0xe6: {  	v31 =	vld [tilespmem:s19+$0x380]  }
0xe7: {  	v32 =	vld [tilespmem:s19+$0x390]  }
0xe8: {  	v6 =	vld [tilespmem:s19+$0x3A0]  }
0xe9: {  	v5 =	vld [tilespmem:s19+$0x3B0]  }
0xea: {  	v4 =	vld [tilespmem:s19+$0x3C0]  }
0xeb: {  	v3 =	vld [tilespmem:s19+$0x3D0]  }
0xec: {  	v2 =	vld [tilespmem:s19+$0x3E0]  }
0xed: {  	v1 =	vld [tilespmem:s19+$0x3F0]  }
0xee: {  	v33 =	vld [tilespmem:s19+$0x5200]  }
0xef: {  	v34 =	vld [tilespmem:s19+$0x5210]  }
0xf0: {  	v35 =	vld [tilespmem:s19+$0x5220]  }
0xf1: {  	v36 =	vld [tilespmem:s19+$0x5230]  }
0xf2: {  	v37 =	vld [tilespmem:s19+$0x5240]  }
0xf3: {  	v13 =	vmul.f32 v13, v33;
	v33 =	vld [tilespmem:s19+$0x5250]  }
0xf4: {  	v7 =	vmul.f32 v7, v34;
	v34 =	vld [tilespmem:s19+$0x5260]  }
0xf5: {  	[tilespmem:s19+$0x5200] =	vst v13;
	v9 =	vmul.f32 v9, v35;
	v13 =	vld [tilespmem:s19+$0x5270]  }
0xf6: {  	[tilespmem:s19+$0x5210] =	vst v7;
	v7 =	vmul.f32 v10, v36;
	v10 =	vld [tilespmem:s19+$0x5280]  }
0xf7: {  	[tilespmem:s19+$0x5220] =	vst v9;
	v9 =	vmul.f32 v11, v37;
	v11 =	vld [tilespmem:s19+$0x5290]  }
0xf8: {  	[tilespmem:s19+$0x5230] =	vst v7;
	v7 =	vmul.f32 v8, v33;
	v8 =	vld [tilespmem:s19+$0x52A0]  }
0xf9: {  	[tilespmem:s19+$0x5240] =	vst v9;
	v9 =	vmul.f32 v12, v34;
	v12 =	vld [tilespmem:s19+$0x52B0]  }
0xfa: {  	[tilespmem:s19+$0x5250] =	vst v7;
	v7 =	vmul.f32 v14, v13;
	v13 =	vld [tilespmem:s19+$0x52C0]  }
0xfb: {  	[tilespmem:s19+$0x5260] =	vst v9;
	v9 =	vmul.f32 v15, v10;
	v10 =	vld [tilespmem:s19+$0x52D0]  }
0xfc: {  	[tilespmem:s19+$0x5270] =	vst v7;
	v7 =	vmul.f32 v16, v11;
	v11 =	vld [tilespmem:s19+$0x52E0]  }
0xfd: {  	[tilespmem:s19+$0x5280] =	vst v9;
	v8 =	vmul.f32 v17, v8;
	v9 =	vld [tilespmem:s19+$0x52F0]  }
0xfe: {  	[tilespmem:s19+$0x5290] =	vst v7;
	v7 =	vmul.f32 v18, v12;
	v12 =	vld [tilespmem:s19+$0x5300]  }
0xff: {  	[tilespmem:s19+$0x52A0] =	vst v8;
	v8 =	vmul.f32 v19, v13;
	v13 =	vld [tilespmem:s19+$0x5310]  }
0x100: {  	[tilespmem:s19+$0x52B0] =	vst v7;
	v7 =	vmul.f32 v20, v10;
	v10 =	vld [tilespmem:s19+$0x5320]  }
0x101: {  	[tilespmem:s19+$0x52C0] =	vst v8;
	v8 =	vmul.f32 v21, v11;
	v11 =	vld [tilespmem:s19+$0x5330]  }
0x102: {  	[tilespmem:s19+$0x52D0] =	vst v7;
	v7 =	vmul.f32 v22, v9;
	v9 =	vld [tilespmem:s19+$0x5340]  }
0x103: {  	[tilespmem:s19+$0x52E0] =	vst v8;
	v8 =	vmul.f32 v23, v12;
	v12 =	vld [tilespmem:s19+$0x5350]  }
0x104: {  	[tilespmem:s19+$0x52F0] =	vst v7;
	v7 =	vmul.f32 v24, v13;
	v13 =	vld [tilespmem:s19+$0x5360]  }
0x105: {  	[tilespmem:s19+$0x5300] =	vst v8;
	v8 =	vmul.f32 v25, v10;
	v10 =	vld [tilespmem:s19+$0x5370]  }
0x106: {  	[tilespmem:s19+$0x5310] =	vst v7;
	v7 =	vmul.f32 v26, v11;
	v11 =	vld [tilespmem:s19+$0x5380]  }
0x107: {  	[tilespmem:s19+$0x5320] =	vst v8;
	v9 =	vmul.f32 v27, v9;
	v14 =	vld [tilespmem:s19+$0x5390]  }
.Ltmp6:
0x108: {  	[tilespmem:s19+$0x5330] =	vst v7;
	v12 =	vmul.f32 v28, v12;
	v8 =	vld [tilespmem:s19+$0x53A0];
	(pc) =	sbr.rel @p6 .LBB2_6-.Ltmp6, $4  }
0x109: {  	[tilespmem:s19+$0x5340] =	vst v9;
	v13 =	vmul.f32 v29, v13;
	v7 =	vld [tilespmem:s19+$0x53B0]  }
0x10a: {  	[tilespmem:s19+$0x5350] =	vst v12;
	v12 =	vmul.f32 v30, v10;
	v9 =	vld [tilespmem:s19+$0x53C0]  }
0x10b: {  	[tilespmem:s19+$0x5360] =	vst v13;
	v13 =	vmul.f32 v31, v11;
	v10 =	vld [tilespmem:s19+$0x53D0]  }
0x10c: {  	s20 =	sadd.s32 $0x800, s20;
	[tilespmem:s19+$0x5370] =	vst v12;
	v12 =	vmul.f32 v32, v14;
	v11 =	vld [tilespmem:s19+$0x53E0]  }
0x10d: {  	[tilespmem:s19+$0x5380] =	vst v13;
	v6 =	vmul.f32 v6, v8;
	v63 =	vld [tilespmem:s19+$0x53F0]  }
0x10e: {  	[tilespmem:s19+$0x5390] =	vst v12;
	v5 =	vmul.f32 v5, v7  }
0x10f: {  	[tilespmem:s19+$0x53A0] =	vst v6;
	v4 =	vmul.f32 v4, v9  }
0x110: {  	[tilespmem:s19+$0x53B0] =	vst v5;
	v3 =	vmul.f32 v3, v10  }
0x111: {  	[tilespmem:s19+$0x53C0] =	vst v4;
	v2 =	vmul.f32 v2, v11  }
0x112: {  	[tilespmem:s19+$0x53D0] =	vst v3;
	v1 =	vmul.f32 v1, v63  }
0x113: {  	[tilespmem:s19+$0x53E0] =	vst v2  }
0x114: {  	[tilespmem:s19+$0x53F0] =	vst v1  }
0x115: {  	[spmem:s1] =	stream.indirect.scatter.add.f32 [tilespmem:s30], [sflag:$0x6], $0x80, s9, s29, $0xb8;
	[tilespmem:$0x1DA80] =	vst v63  }
0x116: {  	_ =	swait.ge [sflag:s10], $0x2800  }
0x117: {  	[sflag:s10] =	ssyncset.done $0x0  }
0x118: {  	[sflag:s10] =	ssyncadd.s32 $0xFFFFD800  }
.LBB2_8:
0x119: {  	s18 =	sadd.s32 $0x2, s18  }
0x11a: {  	p6 =	sge.u32 s18, s11  }
0x11b: {  	s18 =	sshll.u32 @!p6 s18, $0x5  }
0x11c: {  	s18 =	sor.u32 @!p6 s7, s18  }
0x11d: {  	s19 =	sshll.u32 @!p6 s18, $0x5  }
0x11e: {  	s19 =	sand.u32 @!p6 $0x1FFFFBE0, s19  }
0x11f: {  	s20 =	simm.s32 @!p6 $0x0;
	s19 =	sadd.s32 @!p6 s6, s19  }
0x120: {  	[tilespmem:s20], [sflag:$0x6] =	stream.linear.gather @!p6 [hbm4b:s19+s20], $0x100, $0x38;
	[tilespmem:$0x1DA80] =	vst v63  }
0x121: {  	s19 =	simm.s32 @!p6 $0x6  }
0x122: {  	_ =	swait.ge @!p6 [sflag:s19], $0x100  }
.Ltmp7:
0x123: {  	s21 =	simm.s32 @!p6 $0x200;
	[sflag:s19] =	ssyncset.done @!p6 $0x0;
	(pc) =	sbr.rel @p5 .LBB2_12-.Ltmp7, $4  }
0x124: {  	s18 =	smul.u32 @!p6 $0x500, s18;
	[sflag:s19] =	ssyncadd.s32 @!p6 $0xFFFFFF00;
	s19 =	simm.s32 @!p6 $0x50  }
0x125: {  	[tilespmem:s21], [sflag:$0x1] =	stream.indirect.gather @!p6 [hbm4b:s4+s19], $0x80, s20, s19, $0xb8;
	[tilespmem:$0x1DA80] =	vst v63  }
0x126: {  	s18 =	sadd.s32 @!p6 s5, s18;
	s19 =	simm.s32 @!p6 $0x5200  }
0x127: {  	[tilespmem:s19], [sflag:$0x3] =	stream.linear.gather @!p6 [hbm4b:s18+s20], $0x2800, $0x38;
	[tilespmem:$0x1DA80] =	vst v63  }
0x128: {  	_ =	swait.ge [sflag:s12], $0x2800  }
0x129: {  	[sflag:s12] =	ssyncset.done $0x0  }
0x12a: {  	[sflag:s12] =	ssyncadd.s32 $0xFFFFD800  }
0x12b: {  	_ =	swait.ge [sflag:s13], $0x2800  }
0x12c: {  	[sflag:s13] =	ssyncset.done $0x0  }
0x12d: {  	s18 =	simm.s32 $0x0;
	[sflag:s13] =	ssyncadd.s32 $0xFFFFD800  }
0x12e: {  	v7 =	vld [tilespmem:s18+$0x2A00]  }
0x12f: {  	v8 =	vld [tilespmem:s18+$0x2A10]  }
0x130: {  	v9 =	vld [tilespmem:s18+$0x2A20]  }
0x131: {  	v10 =	vld [tilespmem:s18+$0x2A30]  }
0x132: {  	v11 =	vld [tilespmem:s18+$0x2A40]  }
0x133: {  	v12 =	vld [tilespmem:s18+$0x2A50]  }
0x134: {  	v13 =	vld [tilespmem:s18+$0x2A60]  }
0x135: {  	v14 =	vld [tilespmem:s18+$0x2A70]  }
0x136: {  	v15 =	vld [tilespmem:s18+$0x2A80]  }
0x137: {  	v16 =	vld [tilespmem:s18+$0x2A90]  }
0x138: {  	v17 =	vld [tilespmem:s18+$0x2AA0]  }
0x139: {  	v18 =	vld [tilespmem:s18+$0x2AB0]  }
0x13a: {  	v19 =	vld [tilespmem:s18+$0x2AC0]  }
0x13b: {  	v20 =	vld [tilespmem:s18+$0x2AD0]  }
0x13c: {  	v21 =	vld [tilespmem:s18+$0x2AE0]  }
0x13d: {  	v22 =	vld [tilespmem:s18+$0x2AF0]  }
0x13e: {  	v23 =	vld [tilespmem:s18+$0x2B00]  }
0x13f: {  	v24 =	vld [tilespmem:s18+$0x2B10]  }
0x140: {  	v25 =	vld [tilespmem:s18+$0x2B20]  }
0x141: {  	v26 =	vld [tilespmem:s18+$0x2B30]  }
0x142: {  	v27 =	vld [tilespmem:s18+$0x2B40]  }
0x143: {  	v28 =	vld [tilespmem:s18+$0x2B50]  }
0x144: {  	v29 =	vld [tilespmem:s18+$0x2B60]  }
0x145: {  	v30 =	vld [tilespmem:s18+$0x2B70]  }
0x146: {  	v31 =	vld [tilespmem:s18+$0x2B80]  }
0x147: {  	v32 =	vld [tilespmem:s18+$0x2B90]  }
0x148: {  	v6 =	vld [tilespmem:s18+$0x2BA0]  }
0x149: {  	v5 =	vld [tilespmem:s18+$0x2BB0]  }
0x14a: {  	v4 =	vld [tilespmem:s18+$0x2BC0]  }
0x14b: {  	v3 =	vld [tilespmem:s18+$0x2BD0]  }
0x14c: {  	v2 =	vld [tilespmem:s18+$0x2BE0]  }
0x14d: {  	v33 =	vld [tilespmem:s18+$0x7A00]  }
0x14e: {  	v34 =	vld [tilespmem:s18+$0x7A10]  }
0x14f: {  	v35 =	vld [tilespmem:s18+$0x7A20]  }
0x150: {  	v36 =	vld [tilespmem:s18+$0x7A30]  }
0x151: {  	v37 =	vld [tilespmem:s18+$0x7A40]  }
0x152: {  	v63 =	vld [tilespmem:s18+$0x7A50];
	v7 =	vmul.f32 v7, v33  }
0x153: {  	v38 =	vld [tilespmem:s18+$0x7A60];
	v8 =	vmul.f32 v8, v34  }
0x154: {  	v9 =	vmul.f32 v9, v35;
	[tilespmem:s18+$0x7A00] =	vst v7;
	v7 =	vld [tilespmem:s18+$0x7A70]  }
0x155: {  	v10 =	vmul.f32 v10, v36;
	[tilespmem:s18+$0x7A10] =	vst v8;
	v8 =	vld [tilespmem:s18+$0x7A80]  }
0x156: {  	v11 =	vmul.f32 v11, v37;
	[tilespmem:s18+$0x7A20] =	vst v9;
	v9 =	vld [tilespmem:s18+$0x7A90]  }
0x157: {  	v12 =	vmul.f32 v12, v63;
	[tilespmem:s18+$0x7A30] =	vst v10;
	v10 =	vld [tilespmem:s18+$0x7AA0]  }
0x158: {  	v13 =	vmul.f32 v13, v38;
	[tilespmem:s18+$0x7A40] =	vst v11;
	v11 =	vld [tilespmem:s18+$0x7AB0]  }
0x159: {  	[tilespmem:s18+$0x7A50] =	vst v12;
	v12 =	vld [tilespmem:s18+$0x7AC0];
	v7 =	vmul.f32 v14, v7  }
0x15a: {  	[tilespmem:s18+$0x7A60] =	vst v13;
	v13 =	vld [tilespmem:s18+$0x7AD0];
	v8 =	vmul.f32 v15, v8  }
0x15b: {  	v9 =	vmul.f32 v16, v9;
	[tilespmem:s18+$0x7A70] =	vst v7;
	v7 =	vld [tilespmem:s18+$0x7AE0]  }
0x15c: {  	v10 =	vmul.f32 v17, v10;
	[tilespmem:s18+$0x7A80] =	vst v8;
	v8 =	vld [tilespmem:s18+$0x7AF0]  }
0x15d: {  	v11 =	vmul.f32 v18, v11;
	[tilespmem:s18+$0x7A90] =	vst v9;
	v9 =	vld [tilespmem:s18+$0x7B00]  }
0x15e: {  	v12 =	vmul.f32 v19, v12;
	[tilespmem:s18+$0x7AA0] =	vst v10;
	v10 =	vld [tilespmem:s18+$0x7B10]  }
0x15f: {  	v13 =	vmul.f32 v20, v13;
	[tilespmem:s18+$0x7AB0] =	vst v11;
	v11 =	vld [tilespmem:s18+$0x7B20]  }
0x160: {  	[tilespmem:s18+$0x7AC0] =	vst v12;
	v12 =	vld [tilespmem:s18+$0x7B30];
	v7 =	vmul.f32 v21, v7  }
0x161: {  	[tilespmem:s18+$0x7AD0] =	vst v13;
	v13 =	vld [tilespmem:s18+$0x7B40]  }
0x162: {  	v8 =	vmul.f32 v22, v8;
	[tilespmem:s18+$0x7AE0] =	vst v7;
	v7 =	vld [tilespmem:s18+$0x7B50]  }
0x163: {  	v1 =	vld [tilespmem:s18+$0x2BF0];
	v9 =	vmul.f32 v23, v9  }
0x164: {  	[tilespmem:s18+$0x7AF0] =	vst v8;
	v8 =	vmul.f32 v24, v10;
	v10 =	vld [tilespmem:s18+$0x7B70]  }
0x165: {  	v14 =	vld [tilespmem:s18+$0x7B60];
	[tilespmem:s18+$0x7B00] =	vst v9;
	v9 =	vmul.f32 v25, v11  }
0x166: {  	v11 =	vld [tilespmem:s18+$0x7B80];
	[tilespmem:s18+$0x7B10] =	vst v8;
	v8 =	vmul.f32 v26, v12  }
0x167: {  	[tilespmem:s18+$0x7B20] =	vst v9;
	v12 =	vld [tilespmem:s18+$0x7B90];
	v9 =	vmul.f32 v27, v13;
	v13 =	vmul.f32 v28, v7  }
0x168: {  	[tilespmem:s18+$0x7B30] =	vst v8;
	v8 =	vld [tilespmem:s18+$0x7BA0]  }
0x169: {  	v7 =	vld [tilespmem:s18+$0x7BB0];
	[tilespmem:s18+$0x7B50] =	vst v13;
	v13 =	vmul.f32 v30, v10  }
0x16a: {  	v14 =	vmul.f32 v29, v14;
	[tilespmem:s18+$0x7B40] =	vst v9;
	v9 =	vld [tilespmem:s18+$0x7BC0]  }
0x16b: {  	v10 =	vld [tilespmem:s18+$0x7BD0];
	[tilespmem:s18+$0x7B70] =	vst v13;
	v13 =	vmul.f32 v31, v11  }
0x16c: {  	s19 =	simm.s32 $0x800;
	[tilespmem:s18+$0x7B60] =	vst v14;
	v12 =	vmul.f32 v32, v12;
	v11 =	vld [tilespmem:s18+$0x7BE0]  }
.LBB2_10:
0x16d: {  	s20 =	sshra.s32 s19, $0x2;
	p5 =	sne.s32 s19, $0x9800;
	[tilespmem:s18+$0x7B80] =	vst v13;
	v6 =	vmul.f32 v6, v8;
	v8 =	vld [tilespmem:s18+$0x7BF0]  }
0x16e: {  	v13 =	vld [tilespmem:s20+$0x2A00];
	[tilespmem:s18+$0x7B90] =	vst v12;
	v5 =	vmul.f32 v5, v7  }
0x16f: {  	v7 =	vld [tilespmem:s20+$0x2A10];
	[tilespmem:s18+$0x7BA0] =	vst v6;
	v4 =	vmul.f32 v4, v9  }
0x170: {  	v9 =	vld [tilespmem:s20+$0x2A20];
	[tilespmem:s18+$0x7BB0] =	vst v5;
	v3 =	vmul.f32 v3, v10  }
0x171: {  	v10 =	vld [tilespmem:s20+$0x2A30];
	[tilespmem:s18+$0x7BC0] =	vst v4;
	v2 =	vmul.f32 v2, v11  }
0x172: {  	v11 =	vld [tilespmem:s20+$0x2A40];
	[tilespmem:s18+$0x7BD0] =	vst v3;
	v1 =	vmul.f32 v1, v8  }
0x173: {  	v8 =	vld [tilespmem:s20+$0x2A50];
	[tilespmem:s18+$0x7BE0] =	vst v2  }
0x174: {  	v12 =	vld [tilespmem:s20+$0x2A60];
	[tilespmem:s18+$0x7BF0] =	vst v1;
	s18 =	smov.u32 s20  }
0x175: {  	v14 =	vld [tilespmem:s18+$0x2A70]  }
0x176: {  	v15 =	vld [tilespmem:s18+$0x2A80]  }
0x177: {  	v16 =	vld [tilespmem:s18+$0x2A90]  }
0x178: {  	v17 =	vld [tilespmem:s18+$0x2AA0]  }
0x179: {  	v18 =	vld [tilespmem:s18+$0x2AB0]  }
0x17a: {  	v19 =	vld [tilespmem:s18+$0x2AC0]  }
0x17b: {  	v20 =	vld [tilespmem:s18+$0x2AD0]  }
0x17c: {  	v21 =	vld [tilespmem:s18+$0x2AE0]  }
0x17d: {  	v22 =	vld [tilespmem:s18+$0x2AF0]  }
0x17e: {  	v23 =	vld [tilespmem:s18+$0x2B00]  }
0x17f: {  	v24 =	vld [tilespmem:s18+$0x2B10]  }
0x180: {  	v25 =	vld [tilespmem:s18+$0x2B20]  }
0x181: {  	v26 =	vld [tilespmem:s18+$0x2B30]  }
0x182: {  	v27 =	vld [tilespmem:s18+$0x2B40]  }
0x183: {  	v28 =	vld [tilespmem:s18+$0x2B50]  }
0x184: {  	v29 =	vld [tilespmem:s18+$0x2B60]  }
0x185: {  	v30 =	vld [tilespmem:s18+$0x2B70]  }
0x186: {  	v31 =	vld [tilespmem:s18+$0x2B80]  }
0x187: {  	v32 =	vld [tilespmem:s18+$0x2B90]  }
0x188: {  	v6 =	vld [tilespmem:s18+$0x2BA0]  }
0x189: {  	v5 =	vld [tilespmem:s18+$0x2BB0]  }
0x18a: {  	v4 =	vld [tilespmem:s18+$0x2BC0]  }
0x18b: {  	v3 =	vld [tilespmem:s18+$0x2BD0]  }
0x18c: {  	v2 =	vld [tilespmem:s18+$0x2BE0]  }
0x18d: {  	v1 =	vld [tilespmem:s18+$0x2BF0]  }
0x18e: {  	v33 =	vld [tilespmem:s18+$0x7A00]  }
0x18f: {  	v34 =	vld [tilespmem:s18+$0x7A10]  }
0x190: {  	v35 =	vld [tilespmem:s18+$0x7A20]  }
0x191: {  	v36 =	vld [tilespmem:s18+$0x7A30]  }
0x192: {  	v37 =	vld [tilespmem:s18+$0x7A40]  }
0x193: {  	v13 =	vmul.f32 v13, v33;
	v33 =	vld [tilespmem:s18+$0x7A50]  }
0x194: {  	v7 =	vmul.f32 v7, v34;
	v34 =	vld [tilespmem:s18+$0x7A60]  }
0x195: {  	[tilespmem:s18+$0x7A00] =	vst v13;
	v9 =	vmul.f32 v9, v35;
	v13 =	vld [tilespmem:s18+$0x7A70]  }
0x196: {  	[tilespmem:s18+$0x7A10] =	vst v7;
	v7 =	vmul.f32 v10, v36;
	v10 =	vld [tilespmem:s18+$0x7A80]  }
0x197: {  	[tilespmem:s18+$0x7A20] =	vst v9;
	v9 =	vmul.f32 v11, v37;
	v11 =	vld [tilespmem:s18+$0x7A90]  }
0x198: {  	[tilespmem:s18+$0x7A30] =	vst v7;
	v7 =	vmul.f32 v8, v33;
	v8 =	vld [tilespmem:s18+$0x7AA0]  }
0x199: {  	[tilespmem:s18+$0x7A40] =	vst v9;
	v9 =	vmul.f32 v12, v34;
	v12 =	vld [tilespmem:s18+$0x7AB0]  }
0x19a: {  	[tilespmem:s18+$0x7A50] =	vst v7;
	v7 =	vmul.f32 v14, v13;
	v13 =	vld [tilespmem:s18+$0x7AC0]  }
0x19b: {  	[tilespmem:s18+$0x7A60] =	vst v9;
	v9 =	vmul.f32 v15, v10;
	v10 =	vld [tilespmem:s18+$0x7AD0]  }
0x19c: {  	[tilespmem:s18+$0x7A70] =	vst v7;
	v7 =	vmul.f32 v16, v11;
	v11 =	vld [tilespmem:s18+$0x7AE0]  }
0x19d: {  	[tilespmem:s18+$0x7A80] =	vst v9;
	v8 =	vmul.f32 v17, v8;
	v9 =	vld [tilespmem:s18+$0x7AF0]  }
0x19e: {  	[tilespmem:s18+$0x7A90] =	vst v7;
	v7 =	vmul.f32 v18, v12;
	v12 =	vld [tilespmem:s18+$0x7B00]  }
0x19f: {  	[tilespmem:s18+$0x7AA0] =	vst v8;
	v8 =	vmul.f32 v19, v13;
	v13 =	vld [tilespmem:s18+$0x7B10]  }
0x1a0: {  	[tilespmem:s18+$0x7AB0] =	vst v7;
	v7 =	vmul.f32 v20, v10;
	v10 =	vld [tilespmem:s18+$0x7B20]  }
0x1a1: {  	[tilespmem:s18+$0x7AC0] =	vst v8;
	v8 =	vmul.f32 v21, v11;
	v11 =	vld [tilespmem:s18+$0x7B30]  }
0x1a2: {  	[tilespmem:s18+$0x7AD0] =	vst v7;
	v7 =	vmul.f32 v22, v9;
	v9 =	vld [tilespmem:s18+$0x7B40]  }
0x1a3: {  	[tilespmem:s18+$0x7AE0] =	vst v8;
	v8 =	vmul.f32 v23, v12;
	v12 =	vld [tilespmem:s18+$0x7B50]  }
0x1a4: {  	[tilespmem:s18+$0x7AF0] =	vst v7;
	v7 =	vmul.f32 v24, v13;
	v13 =	vld [tilespmem:s18+$0x7B60]  }
0x1a5: {  	[tilespmem:s18+$0x7B00] =	vst v8;
	v8 =	vmul.f32 v25, v10;
	v10 =	vld [tilespmem:s18+$0x7B70]  }
0x1a6: {  	[tilespmem:s18+$0x7B10] =	vst v7;
	v7 =	vmul.f32 v26, v11;
	v11 =	vld [tilespmem:s18+$0x7B80]  }
0x1a7: {  	[tilespmem:s18+$0x7B20] =	vst v8;
	v9 =	vmul.f32 v27, v9;
	v14 =	vld [tilespmem:s18+$0x7B90]  }
.Ltmp8:
0x1a8: {  	[tilespmem:s18+$0x7B30] =	vst v7;
	v12 =	vmul.f32 v28, v12;
	v8 =	vld [tilespmem:s18+$0x7BA0];
	(pc) =	sbr.rel @p5 .LBB2_10-.Ltmp8, $4  }
0x1a9: {  	[tilespmem:s18+$0x7B40] =	vst v9;
	v13 =	vmul.f32 v29, v13;
	v7 =	vld [tilespmem:s18+$0x7BB0]  }
0x1aa: {  	[tilespmem:s18+$0x7B50] =	vst v12;
	v12 =	vmul.f32 v30, v10;
	v9 =	vld [tilespmem:s18+$0x7BC0]  }
0x1ab: {  	[tilespmem:s18+$0x7B60] =	vst v13;
	v13 =	vmul.f32 v31, v11;
	v10 =	vld [tilespmem:s18+$0x7BD0]  }
0x1ac: {  	s19 =	sadd.s32 $0x800, s19;
	[tilespmem:s18+$0x7B70] =	vst v12;
	v12 =	vmul.f32 v32, v14;
	v11 =	vld [tilespmem:s18+$0x7BE0]  }
0x1ad: {  	[tilespmem:s18+$0x7B80] =	vst v13;
	v6 =	vmul.f32 v6, v8;
	v63 =	vld [tilespmem:s18+$0x7BF0]  }
0x1ae: {  	[tilespmem:s18+$0x7B90] =	vst v12;
	v5 =	vmul.f32 v5, v7  }
0x1af: {  	[tilespmem:s18+$0x7BA0] =	vst v6;
	v4 =	vmul.f32 v4, v9  }
0x1b0: {  	[tilespmem:s18+$0x7BB0] =	vst v5;
	v3 =	vmul.f32 v3, v10  }
0x1b1: {  	[tilespmem:s18+$0x7BC0] =	vst v4;
	v2 =	vmul.f32 v2, v11  }
0x1b2: {  	[tilespmem:s18+$0x7BD0] =	vst v3;
	v1 =	vmul.f32 v1, v63  }
0x1b3: {  	[tilespmem:s18+$0x7BE0] =	vst v2  }
.Ltmp9:
0x1b4: {  	[tilespmem:s18+$0x7BF0] =	vst v1;
	(pc) =	sbr.rel .LBB2_12-.Ltmp9, $4  }
0x1b5: {  	[spmem:s1] =	stream.indirect.scatter.add.f32 [tilespmem:s16], [sflag:$0x5], $0x80, s14, s29, $0xb8;
	[tilespmem:$0x1DA80] =	vst v63  }
0x1b6: {  	_ =	swait.ge [sflag:s28], $0x2800  }
0x1b7: {  	[sflag:s28] =	ssyncset.done $0x0  }
0x1b8: {  	[sflag:s28] =	ssyncadd.s32 $0xFFFFD800  }
.LBB2_14:
0x1b9: {  	_ =	sfence.sel $0x180000  }
0x1ba: {  	[bflag:$0x0] =	sbarrier.arrive $0xFFFF  }
0x1bb: {  	_ =	strace $0x90000047  }
0x1bc: {  	[bflag:$0x2] =	sbarrier.arrive $0xFFFF  }
0x1bd: {  	p0 =	sne.s32 s2, $0x0;
	s0 =	rddreg [dreg:$0x2]  }
0x1be: {  	s0 =	sadd.s32 @!p0 $0x100000, s0  }
0x1bf: {  	[sflag:s0] =	ssyncadd.tile.s32 @!p0 $0x1;
	_ =	shalt  }
.Lfunc_end2:
_tile_overlayer_lowered:
.L_overlay_start_2:
0x1c0: {  	(tag) =	ssettag $0x2  }
0x1c1: {  	s0 =	rddreg [dreg:$0x0];
	s2 =	stileid.u32  }
0x1c2: {  	s1 =	rddreg [dreg:$0x1];
	p0 =	sne.s32 s2, $0x0  }
0x1c3: {  	s3 =	rddreg [dreg:$0x2];
	[bflag:$0x3] =	sbarrier.arrive $0xFFFF;
	s2 =	simm.s32 @!p0 $0x1C05  }
0x1c4: {  	[timem:s3], [sflag:s2] =	dma.local @!p0 [hbm:s0], s1  }
0x1c5: {  	s0 =	simm.s32 @!p0 $0x5  }
0x1c6: {  	_ =	swait.ge @!p0 [sflag:s0], s1  }
0x1c7: {  	s1 =	ssub.s32 @!p0 $0x0, s1;
	[sflag:s0] =	ssyncset.done @!p0 $0x0  }
0x1c8: {  	[sflag:s0] =	ssyncadd.s32 @!p0 s1  }
0x1c9: {  	[bflag:$0x3] =	sbarrier.arrive $0xFFFF  }
0x1ca: {  	_ =	shalt  }

</sc_bundles>
